<compile_context>
chip_gen: v7x
topology: tpu7x:2x2x1
jax: 0.10.2.dev20260603
libtpu: 0.0.44.dev20260713+nightly
codegen_flags: <defaults>
</compile_context>

<pallas_src>
import functools

import jax
import jax.numpy as jnp
from jax import lax
from jax.experimental import pallas as pl
from jax.experimental.pallas import tpu as pltpu
from jax.experimental.pallas import tpu_sc as plsc

NUM_USER = 2000
NUM_ITEM = 8000
DIM = 128
N = NUM_USER + NUM_ITEM
E = 320000
NC, NS = 2, 16
NW = NC * NS
EPT = E // NW
CH = 80
NCH = EPT // CH
NB = 3
K = 1
NR = 4
NI = 8
N_PAD = 10112
RPT = N_PAD // NS

_MESH = plsc.VectorSubcoreMesh(
    core_axis_name="c", subcore_axis_name="s", num_cores=NC, num_subcores=NS
)



@functools.partial(
    pl.kernel,
    out_type=jax.ShapeDtypeStruct((NC * N,), jnp.float32),
    mesh=_MESH,
    scratch_types=[
        pltpu.VMEM((CH,), jnp.float32),
        pltpu.VMEM((N,), jnp.float32),
        pltpu.VMEM_SHARED((N,), jnp.float32),
    ]
    + [pltpu.VMEM((CH,), jnp.int32) for _ in range(NB)]
    + [pltpu.SemaphoreType.DMA for _ in range(2 * NB)],
)
def _deg_kernel(dst_hbm, out_hbm, ones_v, stage_v, acc, *ring):
    idxv = ring[:NB]
    semd = ring[NB:2 * NB]
    sems = ring[2 * NB:]
    c = lax.axis_index("c")
    s = lax.axis_index("s")
    w = c * NS + s
    one16 = jnp.full((16,), 1.0, jnp.float32)
    for i in range(CH // 16):
        ones_v[pl.ds(i * 16, 16)] = one16

    @pl.when(s == 0)
    def _():
        def fill(i, carry):
            stage_v[pl.ds(i * 16, 16)] = one16
            return carry
        lax.fori_loop(0, N // 16, fill, 0)
        pltpu.sync_copy(stage_v, acc)

    plsc.subcore_barrier()

    def d_start(b, j):
        off = pl.multiple_of(w * EPT + j * CH, 8)
        pltpu.async_copy(dst_hbm.at[pl.ds(off, CH)], idxv[b], semd[b])

    def d_wait(b):
        pltpu.make_async_copy(dst_hbm.at[pl.ds(0, CH)], idxv[b], semd[b]).wait()

    def s_start(b):
        pltpu.async_copy(ones_v, acc.at[idxv[b]], sems[b], add=True)

    def s_wait(b):
        pltpu.make_async_copy(ones_v, acc.at[idxv[b]], sems[b]).wait()

    def chunk_body(j, b, prefetch_wait):
        jn = jnp.minimum(j + K, NCH - 1)
        bn = (b + K) % NB
        if prefetch_wait:
            s_wait(bn)
        d_start(bn, jn)
        d_wait(b)
        s_start(b)

    d_start(0, 0)
    for j in range(NB):
        chunk_body(j, j % NB, prefetch_wait=(j + K >= NB))

    def outer(i, carry):
        for b in range(NB):
            chunk_body(i * NB + b, b, prefetch_wait=True)
        return carry

    lax.fori_loop(1, (NCH - 2) // NB, outer, 0)
    chunk_body(NCH - 2, (NCH - 2) % NB, prefetch_wait=True)
    chunk_body(NCH - 1, (NCH - 1) % NB, prefetch_wait=True)
    s_wait((NCH - 2) % NB)
    s_wait((NCH - 1) % NB)
    d_wait(NCH % NB)
    plsc.subcore_barrier()

    @pl.when(s == 0)
    def _():
        pltpu.sync_copy(acc, stage_v)
        pltpu.sync_copy(stage_v, out_hbm.at[pl.ds(pl.multiple_of(c * N, 8), N)])


@functools.partial(
    pl.kernel,
    out_type=jax.ShapeDtypeStruct((NC, N_PAD, DIM), jnp.float32),
    mesh=_MESH,
    scratch_types=[
        pltpu.VMEM_SHARED((N_PAD, DIM), jnp.float32),
    ]
    + [pltpu.VMEM((CH, DIM), jnp.float32) for _ in range(NR)]
    + [pltpu.VMEM((CH,), jnp.int32) for _ in range(NI)]
    + [pltpu.VMEM((CH,), jnp.int32) for _ in range(NI)]
    + [pltpu.SemaphoreType.DMA for _ in range(2 * NR + 2 * NI)],
)
def _scatter_kernel(src_hbm, dst_hbm, y_hbm, out_hbm, acc, *ring):
    rows = ring[:NR]
    o = NR
    srcv = ring[o:o + NI]; o += NI
    dstv = ring[o:o + NI]; o += NI
    semg = ring[o:o + NR]; o += NR
    sems = ring[o:o + NR]; o += NR
    semi = ring[o:o + NI]; o += NI
    semd = ring[o:o + NI]
    c = lax.axis_index("c")
    s = lax.axis_index("s")
    w = c * NS + s
    r0 = pl.multiple_of(s * RPT, 8)
    pltpu.sync_copy(y_hbm.at[pl.ds(r0, RPT)], acc.at[pl.ds(r0, RPT)])
    plsc.subcore_barrier()

    def eoff(j):
        return pl.multiple_of(w * EPT + j * CH, 8)

    def i_start(j, m):
        b = m % NI
        pltpu.async_copy(src_hbm.at[pl.ds(eoff(j), CH)], srcv[b], semi[b])

    def i_wait(m):
        b = m % NI
        pltpu.make_async_copy(src_hbm.at[pl.ds(0, CH)], srcv[b], semi[b]).wait()

    def d_start(j, m):
        b = m % NI
        pltpu.async_copy(dst_hbm.at[pl.ds(eoff(j), CH)], dstv[b], semd[b])

    def d_wait(m):
        b = m % NI
        pltpu.make_async_copy(dst_hbm.at[pl.ds(0, CH)], dstv[b], semd[b]).wait()

    def g_start(m):
        pltpu.async_copy(y_hbm.at[srcv[m % NI]], rows[m % NR], semg[m % NR])

    def g_wait(m):
        b = m % NR
        pltpu.make_async_copy(y_hbm.at[srcv[0]], rows[b], semg[b]).wait()

    def s_start(m):
        pltpu.async_copy(rows[m % NR], acc.at[dstv[m % NI]], sems[m % NR], add=True)

    def s_wait(m):
        b = m % NR
        pltpu.make_async_copy(rows[b], acc.at[dstv[0]], sems[b]).wait()

    def chunk_body(j, m, prev3=True, next2=True, next1=True):
        if prev3:
            s_wait(m - 3)
        if next2:
            i_start(j + 2, m + 2)
            d_start(j + 2, m + 2)
        if next1:
            i_wait(m + 1)
            g_start(m + 1)
        g_wait(m)
        d_wait(m)
        s_start(m)

    i_start(0, 0); d_start(0, 0); i_start(1, 1); d_start(1, 1)
    i_wait(0); g_start(0)
    for j in range(3):
        chunk_body(j, j, prev3=False)

    def outer(i, carry):
        j0 = 3 + i * 8
        for t in range(8):
            chunk_body(j0 + t, 3 + t)
        return carry

    lax.fori_loop(0, (NCH - 5) // 8, outer, 0)
    chunk_body(NCH - 2, NCH - 2, next2=False)
    chunk_body(NCH - 1, NCH - 1, next2=False, next1=False)
    for m in (NCH - 3, NCH - 2, NCH - 1):
        s_wait(m)
    plsc.subcore_barrier()
    pltpu.sync_copy(acc.at[pl.ds(r0, RPT)], out_hbm.at[c, pl.ds(r0, RPT)])



def _mlp_body(f_ref, p_ref, w1_ref, b1_ref, w2_ref, b2_ref, out_ref):
    h0 = jnp.dot(f_ref[...], w1_ref[...], preferred_element_type=jnp.float32)
    h0 = h0 + b1_ref[...]
    h0 = jnp.where(h0 >= 0, h0, 0.01 * h0)
    out_ref[0:NUM_USER, :] = p_ref[...]
    out_ref[NUM_USER:N, :] = (
        jnp.dot(h0, w2_ref[...], preferred_element_type=jnp.float32) + b2_ref[...]
    )


def _dinv_col(deg_ref):
    dsum = deg_ref[:, 0:1] + deg_ref[:, 1:2] - 1.0
    return lax.rsqrt(dsum)


def _prep_body(x_ref, deg_ref, w_ref, xn_ref, y_ref):
    x = x_ref[...]
    n2 = jnp.sum(x * x, axis=1, keepdims=True)
    nrm = jnp.maximum(jnp.sqrt(n2), 1e-12)
    xn = x / nrm
    xn_ref[...] = xn
    y_ref[0:N, :] = (
        jnp.dot(xn, w_ref[...], preferred_element_type=jnp.float32) * _dinv_col(deg_ref)
    )
    y_ref[N:N_PAD, :] = jnp.zeros((N_PAD - N, DIM), jnp.float32)


def _mid_body(s_ref, y_ref, deg_ref, w_ref, b_ref, h_ref, y2_ref):
    dinv = _dinv_col(deg_ref)
    y = y_ref[0:N, :]
    ssum = s_ref[0, 0:N, :] + s_ref[1, 0:N, :] - y
    h = dinv * ssum + b_ref[...]
    h_ref[...] = h
    y2_ref[0:N, :] = (
        jnp.dot(h, w_ref[...], preferred_element_type=jnp.float32) * dinv
    )
    y2_ref[N:N_PAD, :] = jnp.zeros((N_PAD - N, DIM), jnp.float32)


def _fin_body(s_ref, y2_ref, h_ref, xn_ref, deg_ref, b_ref, out_ref):
    dinv = _dinv_col(deg_ref)
    y2 = y2_ref[0:N, :]
    h1 = dinv * (s_ref[0, 0:N, :] + s_ref[1, 0:N, :] - y2) + b_ref[...]
    out_ref[...] = xn_ref[...] + h_ref[...] + h1


def _f32(*shape):
    return jax.ShapeDtypeStruct(shape, jnp.float32)


def kernel(edge_index, features, preference, W_mlp, b_mlp, W_mlp1, b_mlp1, W_conv, b_conv):
    src_f = edge_index[0].astype(jnp.int32)
    dst_f = edge_index[1].astype(jnp.int32)

    deg2 = _deg_kernel(dst_f).reshape(NC, N)
    degT = deg2.T

    xcat = pl.pallas_call(_mlp_body, out_shape=_f32(N, DIM))(
        features, preference, W_mlp.T, b_mlp.reshape(1, -1), W_mlp1.T,
        b_mlp1.reshape(1, -1)
    )

    xn, y1 = pl.pallas_call(_prep_body, out_shape=(_f32(N, DIM), _f32(N_PAD, DIM)))(
        xcat, degT, W_conv
    )

    s1 = _scatter_kernel(src_f, dst_f, y1)
    h, y2 = pl.pallas_call(_mid_body, out_shape=(_f32(N, DIM), _f32(N_PAD, DIM)))(
        s1, y1, degT, W_conv, b_conv.reshape(1, -1)
    )

    s2 = _scatter_kernel(src_f, dst_f, y2)
    x_hat = pl.pallas_call(_fin_body, out_shape=_f32(N, DIM))(
        s2, y2, h, xn, degT, b_conv.reshape(1, -1)
    )
    return (x_hat, preference)

# --- scband reference (transcript-rebuilt; emitter-appended) ---
"""Pipeline reference for scband-dragon-33457795236330 (READ-ONLY COPY).

The authoritative reference and input builder live on the scoring server;
editing this copy changes nothing except your own understanding.
"""

import jax, jax.numpy as jnp
import numpy as np

NUM_USER = 2000
NUM_ITEM = 8000
DIM = 128
FEAT_SIZE = 128
N_EDGES = 320000


def _gcn_conv(x, src, dst, W, b):
    # PyG GCNConv with add-aggregation, self-loops, symmetric normalization
    N = x.shape[0]
    xw = x @ W  # [N, DIM]
    deg = jnp.zeros((N,), x.dtype).at[dst].add(1.0)
    dinv = jnp.where(deg > 0, 1.0 / jnp.sqrt(deg), 0.0)
    norm = dinv[src] * dinv[dst]
    msg = xw[src] * norm[:, None]
    out = jnp.zeros_like(xw).at[dst].add(msg)
    return out + b


def setup_inputs(seed: int = 0) -> dict:
    key = jax.random.key(seed)
    ks = jax.random.split(key, 9)
    N = NUM_USER + NUM_ITEM
    s = 0.05
    return {
        "edge_index": jax.random.randint(ks[0], (2, N_EDGES), 0, N),
        "features": jax.random.normal(ks[1], (NUM_ITEM, FEAT_SIZE), dtype=jnp.float32),
        "preference": s * jax.random.normal(ks[2], (NUM_USER, DIM), dtype=jnp.float32),
        "W_mlp": s * jax.random.normal(ks[3], (4 * DIM, FEAT_SIZE), dtype=jnp.float32),
        "b_mlp": jnp.zeros((4 * DIM,), dtype=jnp.float32),
        "W_mlp1": s * jax.random.normal(ks[4], (DIM, 4 * DIM), dtype=jnp.float32),
        "b_mlp1": jnp.zeros((DIM,), dtype=jnp.float32),
        "W_conv": s * jax.random.normal(ks[5], (DIM, DIM), dtype=jnp.float32),
        "b_conv": jnp.zeros((DIM,), dtype=jnp.float32),
    }


def reference(edge_index, features, preference, W_mlp, b_mlp, W_mlp1, b_mlp1, W_conv, b_conv):
    N = preference.shape[0] + features.shape[0]
    loop = jnp.arange(N, dtype=edge_index.dtype)
    src = jnp.concatenate([edge_index[0], loop])
    dst = jnp.concatenate([edge_index[1], loop])
    # temp_features = MLP_1(leaky_relu(MLP(features)))
    h0 = jax.nn.leaky_relu(features @ W_mlp.T + b_mlp, negative_slope=0.01)
    temp = h0 @ W_mlp1.T + b_mlp1
    # x = normalize(cat(preference, temp))
    x = jnp.concatenate([preference, temp], axis=0)
    nrm = jnp.maximum(jnp.linalg.norm(x, axis=1, keepdims=True), 1e-12)
    x = x / nrm
    h = _gcn_conv(x, src, dst, W_conv, b_conv)
    h1 = _gcn_conv(h, src, dst, W_conv, b_conv)
    x_hat = x + h + h1
    return (x_hat, preference)

if __name__ == "__main__":
    import jax
    _d = setup_inputs()
    print(jax.jit(kernel)(*tuple(_d.values())))

</pallas_src>

<mosaic_0001>
#map = affine_map<(d0, d1) -> (0)>
module attributes {stable_mosaic.version = 14 : i64} {
  func.func @_deg_kernel(%arg0: i32, %arg1: i32, %arg2: memref<320000xi32, #tpu.memory_space<hbm>>, %arg3: memref<20000xf32, #tpu.memory_space<hbm>>, %arg4: memref<80xf32, #tpu.memory_space<vmem>>, %arg5: memref<10000xf32, #tpu.memory_space<vmem>>, %arg6: memref<10000xf32, #tpu.memory_space<vmem_shared>>, %arg7: memref<80xi32, #tpu.memory_space<vmem>>, %arg8: memref<80xi32, #tpu.memory_space<vmem>>, %arg9: memref<80xi32, #tpu.memory_space<vmem>>, %arg10: memref<!tpu.dma_semaphore, #tpu.memory_space<semaphore_mem>>, %arg11: memref<!tpu.dma_semaphore, #tpu.memory_space<semaphore_mem>>, %arg12: memref<!tpu.dma_semaphore, #tpu.memory_space<semaphore_mem>>, %arg13: memref<!tpu.dma_semaphore, #tpu.memory_space<semaphore_mem>>, %arg14: memref<!tpu.dma_semaphore, #tpu.memory_space<semaphore_mem>>, %arg15: memref<!tpu.dma_semaphore, #tpu.memory_space<semaphore_mem>>) attributes {dimension_semantics = [#tpu.dimension_semantics<core_parallel>, #tpu.dimension_semantics<subcore_parallel>], iteration_bounds = array<i64: 2, 16>, scalar_prefetch = 0 : i64, scratch_operands = 12 : i64, tpu.core_type = #tpu.core_type<sc_vector_subcore>, window_params = [{transform_indices = #map}, {transform_indices = #map}]} {
    %mul3A = arith.constant 16 : i32
    %mul3A_0 = arith.muli %arg0, %mul3A : i32
    %add3A = arith.addi %mul3A_0, %arg1 : i32
    %broadcast_in_dim3A = arith.constant 1.000000e+00 : f32
    %broadcast_in_dim3A_1 = vector.broadcast %broadcast_in_dim3A : f32 to vector<16xf32>
    %swap3A = arith.constant 0 : index
    %swap3A_2 = tpu.vector_load %arg4[%swap3A] {strides = array<i32>} : memref<80xf32, #tpu.memory_space<vmem>>, vector<16xf32>,
    %swap3A_3 = vector.shape_cast %swap3A_2 : vector<16xf32> to vector<16xf32>
    %swap3A_4 = vector.shape_cast %broadcast_in_dim3A_1 : vector<16xf32> to vector<16xf32>
    tpu.vector_store %arg4[%swap3A], %swap3A_4 {strides = array<i32>} : memref<80xf32, #tpu.memory_space<vmem>>, vector<16xf32>,
    %swap3A_5 = arith.constant 16 : index
    %swap3A_6 = tpu.vector_load %arg4[%swap3A_5] {strides = array<i32>} : memref<80xf32, #tpu.memory_space<vmem>>, vector<16xf32>,
    %swap3A_7 = vector.shape_cast %swap3A_6 : vector<16xf32> to vector<16xf32>
    %swap3A_8 = vector.shape_cast %broadcast_in_dim3A_1 : vector<16xf32> to vector<16xf32>
    tpu.vector_store %arg4[%swap3A_5], %swap3A_8 {strides = array<i32>} : memref<80xf32, #tpu.memory_space<vmem>>, vector<16xf32>,
    %swap3A_9 = arith.constant 32 : index
    %swap3A_10 = tpu.vector_load %arg4[%swap3A_9] {strides = array<i32>} : memref<80xf32, #tpu.memory_space<vmem>>, vector<16xf32>,
    %swap3A_11 = vector.shape_cast %swap3A_10 : vector<16xf32> to vector<16xf32>
    %swap3A_12 = vector.shape_cast %broadcast_in_dim3A_1 : vector<16xf32> to vector<16xf32>
    tpu.vector_store %arg4[%swap3A_9], %swap3A_12 {strides = array<i32>} : memref<80xf32, #tpu.memory_space<vmem>>, vector<16xf32>,
    %swap3A_13 = arith.constant 48 : index
    %swap3A_14 = tpu.vector_load %arg4[%swap3A_13] {strides = array<i32>} : memref<80xf32, #tpu.memory_space<vmem>>, vector<16xf32>,
    %swap3A_15 = vector.shape_cast %swap3A_14 : vector<16xf32> to vector<16xf32>
    %swap3A_16 = vector.shape_cast %broadcast_in_dim3A_1 : vector<16xf32> to vector<16xf32>
    tpu.vector_store %arg4[%swap3A_13], %swap3A_16 {strides = array<i32>} : memref<80xf32, #tpu.memory_space<vmem>>, vector<16xf32>,
    %swap3A_17 = arith.constant 64 : index
    %swap3A_18 = tpu.vector_load %arg4[%swap3A_17] {strides = array<i32>} : memref<80xf32, #tpu.memory_space<vmem>>, vector<16xf32>,
    %swap3A_19 = vector.shape_cast %swap3A_18 : vector<16xf32> to vector<16xf32>
    %swap3A_20 = vector.shape_cast %broadcast_in_dim3A_1 : vector<16xf32> to vector<16xf32>
    tpu.vector_store %arg4[%swap3A_17], %swap3A_20 {strides = array<i32>} : memref<80xf32, #tpu.memory_space<vmem>>, vector<16xf32>,
    %eq3A = arith.constant 0 : i32
    %eq3A_21 = arith.cmpi eq, %arg1, %eq3A : i32
    %convert_element_type3A = arith.extui %eq3A_21 : i1 to i32
    %cond3A = arith.constant 0 : i32
    %cond3A_22 = arith.cmpi ne, %convert_element_type3A, %cond3A : i32
    scf.if %cond3A_22 {
      %scan3A_136 = arith.constant 0 : i32
      %scan3A_137 = arith.constant 0 : i32
      %scan3A_138 = arith.constant 625 : i32
      %scan3A_139 = arith.addi %scan3A_137, %scan3A_138 : i32
      %scan3A_140 = arith.constant 1 : i32
      scf.for %scan3A_142 = %scan3A_137 to %scan3A_139 step %scan3A_140  : i32 {
        %mul3A_143 = arith.constant 16 : i32
        %mul3A_144 = arith.muli %scan3A_142, %mul3A_143 : i32
        %swap3A_145 = arith.index_cast %mul3A_144 : i32 to index
        %swap3A_146 = tpu.vector_load %arg5[%swap3A_145] {strides = array<i32>} : memref<10000xf32, #tpu.memory_space<vmem>>, vector<16xf32>,
        %swap3A_147 = vector.shape_cast %swap3A_146 : vector<16xf32> to vector<16xf32>
        %swap3A_148 = vector.shape_cast %broadcast_in_dim3A_1 : vector<16xf32> to vector<16xf32>
        tpu.vector_store %arg5[%swap3A_145], %swap3A_148 {strides = array<i32>} : memref<10000xf32, #tpu.memory_space<vmem>>, vector<16xf32>,
      }
      %scan3A_141 = arith.constant 625 : i32
      "tpu.region"() ({
        %run_scoped3A = tpu.sem_alloc : memref<!tpu.dma_semaphore, #tpu.memory_space<semaphore_mem>>
        tpu.enqueue_dma source(%arg5 : memref<10000xf32, #tpu.memory_space<vmem>>) target(%arg6 : memref<10000xf32, #tpu.memory_space<vmem_shared>>) target_semaphore(%run_scoped3A : memref<!tpu.dma_semaphore, #tpu.memory_space<semaphore_mem>>)
        tpu.wait_dma2 semaphore(%run_scoped3A : memref<!tpu.dma_semaphore, #tpu.memory_space<semaphore_mem>>) src(%arg5 : memref<10000xf32, #tpu.memory_space<vmem>>) dst(%arg6 : memref<10000xf32, #tpu.memory_space<vmem_shared>>)
        tpu.yield
      }) : () -> ()
    } else {
    }
    %barrier3A = arith.constant 0 : index
    tpu.barrier barrier_id(%barrier3A)
    %mul3A_23 = arith.constant 10000 : i32
    %mul3A_24 = arith.muli %add3A, %mul3A_23 : i32
    %add3A_25 = arith.constant 0 : i32
    %add3A_26 = arith.addi %mul3A_24, %add3A_25 : i32
    %multiple_of3A = tpu.assume_multiple %add3A_26, 8 : i32
    %dma_start3A = tpu.memref_slice %arg2[%multiple_of3A] : memref<320000xi32, #tpu.memory_space<hbm>> -> memref<80xi32, #tpu.memory_space<hbm>>
    %dma_start3A_27 = tpu.memref_slice %arg2[%multiple_of3A] : memref<320000xi32, #tpu.memory_space<hbm>> -> memref<80xi32, #tpu.memory_space<hbm>>
    tpu.enqueue_dma source(%dma_start3A_27 : memref<80xi32, #tpu.memory_space<hbm>>) target(%arg7 : memref<80xi32, #tpu.memory_space<vmem>>) target_semaphore(%arg10 : memref<!tpu.dma_semaphore, #tpu.memory_space<semaphore_mem>>)
    %min3A = arith.constant 1 : i32
    %min3A_28 = arith.constant 124 : i32
    %min3A_29 = arith.minsi %min3A, %min3A_28 : i32
    %mul3A_30 = arith.constant 10000 : i32
    %mul3A_31 = arith.muli %add3A, %mul3A_30 : i32
    %mul3A_32 = arith.constant 80 : i32
    %mul3A_33 = arith.muli %min3A_29, %mul3A_32 : i32
    %add3A_34 = arith.addi %mul3A_31, %mul3A_33 : i32
    %multiple_of3A_35 = tpu.assume_multiple %add3A_34, 8 : i32
    %dma_start3A_36 = tpu.memref_slice %arg2[%multiple_of3A_35] : memref<320000xi32, #tpu.memory_space<hbm>> -> memref<80xi32, #tpu.memory_space<hbm>>
    %dma_start3A_37 = tpu.memref_slice %arg2[%multiple_of3A_35] : memref<320000xi32, #tpu.memory_space<hbm>> -> memref<80xi32, #tpu.memory_space<hbm>>
    tpu.enqueue_dma source(%dma_start3A_37 : memref<80xi32, #tpu.memory_space<hbm>>) target(%arg8 : memref<80xi32, #tpu.memory_space<vmem>>) target_semaphore(%arg11 : memref<!tpu.dma_semaphore, #tpu.memory_space<semaphore_mem>>)
    %dma_wait3A = arith.constant 0 : i32
    %dma_wait3A_38 = tpu.memref_slice %arg2[%dma_wait3A] : memref<320000xi32, #tpu.memory_space<hbm>> -> memref<80xi32, #tpu.memory_space<hbm>>
    %dma_wait3A_39 = arith.constant 0 : i32
    %dma_wait3A_40 = tpu.memref_slice %arg2[%dma_wait3A_39] : memref<320000xi32, #tpu.memory_space<hbm>> -> memref<80xi32, #tpu.memory_space<hbm>>
    tpu.wait_dma2 semaphore(%arg10 : memref<!tpu.dma_semaphore, #tpu.memory_space<semaphore_mem>>) src(%dma_wait3A_40 : memref<80xi32, #tpu.memory_space<hbm>>) dst(%arg7 : memref<80xi32, #tpu.memory_space<vmem>>)
    %dma_start3A_41 = arith.constant 0 : i32
    %dma_start3A_42 = tpu.memref_slice %arg6[%dma_start3A_41] : memref<10000xf32, #tpu.memory_space<vmem_shared>> -> memref<10000xf32, #tpu.memory_space<vmem_shared>>
    tpu.enqueue_indirect_dma source(%arg4 : memref<80xf32, #tpu.memory_space<vmem>>) target(%dma_start3A_42 : memref<10000xf32, #tpu.memory_space<vmem_shared>>) offsets(%arg7 : memref<80xi32, #tpu.memory_space<vmem>>) semaphore(%arg13 : memref<!tpu.dma_semaphore, #tpu.memory_space<semaphore_mem>>) {add = true}
    %min3A_43 = arith.constant 2 : i32
    %min3A_44 = arith.constant 124 : i32
    %min3A_45 = arith.minsi %min3A_43, %min3A_44 : i32
    %mul3A_46 = arith.constant 10000 : i32
    %mul3A_47 = arith.muli %add3A, %mul3A_46 : i32
    %mul3A_48 = arith.constant 80 : i32
    %mul3A_49 = arith.muli %min3A_45, %mul3A_48 : i32
    %add3A_50 = arith.addi %mul3A_47, %mul3A_49 : i32
    %multiple_of3A_51 = tpu.assume_multiple %add3A_50, 8 : i32
    %dma_start3A_52 = tpu.memref_slice %arg2[%multiple_of3A_51] : memref<320000xi32, #tpu.memory_space<hbm>> -> memref<80xi32, #tpu.memory_space<hbm>>
    %dma_start3A_53 = tpu.memref_slice %arg2[%multiple_of3A_51] : memref<320000xi32, #tpu.memory_space<hbm>> -> memref<80xi32, #tpu.memory_space<hbm>>
    tpu.enqueue_dma source(%dma_start3A_53 : memref<80xi32, #tpu.memory_space<hbm>>) target(%arg9 : memref<80xi32, #tpu.memory_space<vmem>>) target_semaphore(%arg12 : memref<!tpu.dma_semaphore, #tpu.memory_space<semaphore_mem>>)
    %dma_wait3A_54 = arith.constant 0 : i32
    %dma_wait3A_55 = tpu.memref_slice %arg2[%dma_wait3A_54] : memref<320000xi32, #tpu.memory_space<hbm>> -> memref<80xi32, #tpu.memory_space<hbm>>
    %dma_wait3A_56 = arith.constant 0 : i32
    %dma_wait3A_57 = tpu.memref_slice %arg2[%dma_wait3A_56] : memref<320000xi32, #tpu.memory_space<hbm>> -> memref<80xi32, #tpu.memory_space<hbm>>
    tpu.wait_dma2 semaphore(%arg11 : memref<!tpu.dma_semaphore, #tpu.memory_space<semaphore_mem>>) src(%dma_wait3A_57 : memref<80xi32, #tpu.memory_space<hbm>>) dst(%arg8 : memref<80xi32, #tpu.memory_space<vmem>>)
    %dma_start3A_58 = arith.constant 0 : i32
    %dma_start3A_59 = tpu.memref_slice %arg6[%dma_start3A_58] : memref<10000xf32, #tpu.memory_space<vmem_shared>> -> memref<10000xf32, #tpu.memory_space<vmem_shared>>
    tpu.enqueue_indirect_dma source(%arg4 : memref<80xf32, #tpu.memory_space<vmem>>) target(%dma_start3A_59 : memref<10000xf32, #tpu.memory_space<vmem_shared>>) offsets(%arg8 : memref<80xi32, #tpu.memory_space<vmem>>) semaphore(%arg14 : memref<!tpu.dma_semaphore, #tpu.memory_space<semaphore_mem>>) {add = true}
    %min3A_60 = arith.constant 3 : i32
    %min3A_61 = arith.constant 124 : i32
    %min3A_62 = arith.minsi %min3A_60, %min3A_61 : i32
    %dma_wait3A_63 = arith.constant 0 : i32
    %dma_wait3A_64 = tpu.memref_slice %arg6[%dma_wait3A_63] : memref<10000xf32, #tpu.memory_space<vmem_shared>> -> memref<10000xf32, #tpu.memory_space<vmem_shared>>
    tpu.wait_indirect_dma semaphore(%arg13 : memref<!tpu.dma_semaphore, #tpu.memory_space<semaphore_mem>>) src(%arg4 : memref<80xf32, #tpu.memory_space<vmem>>) dst(%dma_wait3A_64 : memref<10000xf32, #tpu.memory_space<vmem_shared>>)
    %mul3A_65 = arith.constant 10000 : i32
    %mul3A_66 = arith.muli %add3A, %mul3A_65 : i32
    %mul3A_67 = arith.constant 80 : i32
    %mul3A_68 = arith.muli %min3A_62, %mul3A_67 : i32
    %add3A_69 = arith.addi %mul3A_66, %mul3A_68 : i32
    %multiple_of3A_70 = tpu.assume_multiple %add3A_69, 8 : i32
    %dma_start3A_71 = tpu.memref_slice %arg2[%multiple_of3A_70] : memref<320000xi32, #tpu.memory_space<hbm>> -> memref<80xi32, #tpu.memory_space<hbm>>
    %dma_start3A_72 = tpu.memref_slice %arg2[%multiple_of3A_70] : memref<320000xi32, #tpu.memory_space<hbm>> -> memref<80xi32, #tpu.memory_space<hbm>>
    tpu.enqueue_dma source(%dma_start3A_72 : memref<80xi32, #tpu.memory_space<hbm>>) target(%arg7 : memref<80xi32, #tpu.memory_space<vmem>>) target_semaphore(%arg10 : memref<!tpu.dma_semaphore, #tpu.memory_space<semaphore_mem>>)
    %dma_wait3A_73 = arith.constant 0 : i32
    %dma_wait3A_74 = tpu.memref_slice %arg2[%dma_wait3A_73] : memref<320000xi32, #tpu.memory_space<hbm>> -> memref<80xi32, #tpu.memory_space<hbm>>
    %dma_wait3A_75 = arith.constant 0 : i32
    %dma_wait3A_76 = tpu.memref_slice %arg2[%dma_wait3A_75] : memref<320000xi32, #tpu.memory_space<hbm>> -> memref<80xi32, #tpu.memory_space<hbm>>
    tpu.wait_dma2 semaphore(%arg12 : memref<!tpu.dma_semaphore, #tpu.memory_space<semaphore_mem>>) src(%dma_wait3A_76 : memref<80xi32, #tpu.memory_space<hbm>>) dst(%arg9 : memref<80xi32, #tpu.memory_space<vmem>>)
    %dma_start3A_77 = arith.constant 0 : i32
    %dma_start3A_78 = tpu.memref_slice %arg6[%dma_start3A_77] : memref<10000xf32, #tpu.memory_space<vmem_shared>> -> memref<10000xf32, #tpu.memory_space<vmem_shared>>
    tpu.enqueue_indirect_dma source(%arg4 : memref<80xf32, #tpu.memory_space<vmem>>) target(%dma_start3A_78 : memref<10000xf32, #tpu.memory_space<vmem_shared>>) offsets(%arg9 : memref<80xi32, #tpu.memory_space<vmem>>) semaphore(%arg15 : memref<!tpu.dma_semaphore, #tpu.memory_space<semaphore_mem>>) {add = true}
    %scan3A = arith.constant 0 : i32
    %scan3A_79 = arith.constant 1 : i32
    %scan3A_80 = arith.constant 40 : i32
    %scan3A_81 = arith.addi %scan3A_79, %scan3A_80 : i32
    %scan3A_82 = arith.constant 1 : i32
    scf.for %scan3A_136 = %scan3A_79 to %scan3A_81 step %scan3A_82  : i32 {
      %mul3A_137 = arith.constant 3 : i32
      %mul3A_138 = arith.muli %scan3A_136, %mul3A_137 : i32
      %add3A_139 = arith.constant 0 : i32
      %add3A_140 = arith.addi %mul3A_138, %add3A_139 : i32
      %add3A_141 = arith.constant 1 : i32
      %add3A_142 = arith.addi %add3A_140, %add3A_141 : i32
      %min3A_143 = arith.constant 124 : i32
      %min3A_144 = arith.minsi %add3A_142, %min3A_143 : i32
      %dma_wait3A_145 = arith.constant 0 : i32
      %dma_wait3A_146 = tpu.memref_slice %arg6[%dma_wait3A_145] : memref<10000xf32, #tpu.memory_space<vmem_shared>> -> memref<10000xf32, #tpu.memory_space<vmem_shared>>
      tpu.wait_indirect_dma semaphore(%arg14 : memref<!tpu.dma_semaphore, #tpu.memory_space<semaphore_mem>>) src(%arg4 : memref<80xf32, #tpu.memory_space<vmem>>) dst(%dma_wait3A_146 : memref<10000xf32, #tpu.memory_space<vmem_shared>>)
      %mul3A_147 = arith.constant 10000 : i32
      %mul3A_148 = arith.muli %add3A, %mul3A_147 : i32
      %mul3A_149 = arith.constant 80 : i32
      %mul3A_150 = arith.muli %min3A_144, %mul3A_149 : i32
      %add3A_151 = arith.addi %mul3A_148, %mul3A_150 : i32
      %multiple_of3A_152 = tpu.assume_multiple %add3A_151, 8 : i32
      %dma_start3A_153 = tpu.memref_slice %arg2[%multiple_of3A_152] : memref<320000xi32, #tpu.memory_space<hbm>> -> memref<80xi32, #tpu.memory_space<hbm>>
      %dma_start3A_154 = tpu.memref_slice %arg2[%multiple_of3A_152] : memref<320000xi32, #tpu.memory_space<hbm>> -> memref<80xi32, #tpu.memory_space<hbm>>
      tpu.enqueue_dma source(%dma_start3A_154 : memref<80xi32, #tpu.memory_space<hbm>>) target(%arg8 : memref<80xi32, #tpu.memory_space<vmem>>) target_semaphore(%arg11 : memref<!tpu.dma_semaphore, #tpu.memory_space<semaphore_mem>>)
      %dma_wait3A_155 = arith.constant 0 : i32
      %dma_wait3A_156 = tpu.memref_slice %arg2[%dma_wait3A_155] : memref<320000xi32, #tpu.memory_space<hbm>> -> memref<80xi32, #tpu.memory_space<hbm>>
      %dma_wait3A_157 = arith.constant 0 : i32
      %dma_wait3A_158 = tpu.memref_slice %arg2[%dma_wait3A_157] : memref<320000xi32, #tpu.memory_space<hbm>> -> memref<80xi32, #tpu.memory_space<hbm>>
      tpu.wait_dma2 semaphore(%arg10 : memref<!tpu.dma_semaphore, #tpu.memory_space<semaphore_mem>>) src(%dma_wait3A_158 : memref<80xi32, #tpu.memory_space<hbm>>) dst(%arg7 : memref<80xi32, #tpu.memory_space<vmem>>)
      %dma_start3A_159 = arith.constant 0 : i32
      %dma_start3A_160 = tpu.memref_slice %arg6[%dma_start3A_159] : memref<10000xf32, #tpu.memory_space<vmem_shared>> -> memref<10000xf32, #tpu.memory_space<vmem_shared>>
      tpu.enqueue_indirect_dma source(%arg4 : memref<80xf32, #tpu.memory_space<vmem>>) target(%dma_start3A_160 : memref<10000xf32, #tpu.memory_space<vmem_shared>>) offsets(%arg7 : memref<80xi32, #tpu.memory_space<vmem>>) semaphore(%arg13 : memref<!tpu.dma_semaphore, #tpu.memory_space<semaphore_mem>>) {add = true}
      %mul3A_161 = arith.constant 3 : i32
      %mul3A_162 = arith.muli %scan3A_136, %mul3A_161 : i32
      %add3A_163 = arith.constant 1 : i32
      %add3A_164 = arith.addi %mul3A_162, %add3A_163 : i32
      %add3A_165 = arith.constant 1 : i32
      %add3A_166 = arith.addi %add3A_164, %add3A_165 : i32
      %min3A_167 = arith.constant 124 : i32
      %min3A_168 = arith.minsi %add3A_166, %min3A_167 : i32
      %dma_wait3A_169 = arith.constant 0 : i32
      %dma_wait3A_170 = tpu.memref_slice %arg6[%dma_wait3A_169] : memref<10000xf32, #tpu.memory_space<vmem_shared>> -> memref<10000xf32, #tpu.memory_space<vmem_shared>>
      tpu.wait_indirect_dma semaphore(%arg15 : memref<!tpu.dma_semaphore, #tpu.memory_space<semaphore_mem>>) src(%arg4 : memref<80xf32, #tpu.memory_space<vmem>>) dst(%dma_wait3A_170 : memref<10000xf32, #tpu.memory_space<vmem_shared>>)
      %mul3A_171 = arith.constant 10000 : i32
      %mul3A_172 = arith.muli %add3A, %mul3A_171 : i32
      %mul3A_173 = arith.constant 80 : i32
      %mul3A_174 = arith.muli %min3A_168, %mul3A_173 : i32
      %add3A_175 = arith.addi %mul3A_172, %mul3A_174 : i32
      %multiple_of3A_176 = tpu.assume_multiple %add3A_175, 8 : i32
      %dma_start3A_177 = tpu.memref_slice %arg2[%multiple_of3A_176] : memref<320000xi32, #tpu.memory_space<hbm>> -> memref<80xi32, #tpu.memory_space<hbm>>
      %dma_start3A_178 = tpu.memref_slice %arg2[%multiple_of3A_176] : memref<320000xi32, #tpu.memory_space<hbm>> -> memref<80xi32, #tpu.memory_space<hbm>>
      tpu.enqueue_dma source(%dma_start3A_178 : memref<80xi32, #tpu.memory_space<hbm>>) target(%arg9 : memref<80xi32, #tpu.memory_space<vmem>>) target_semaphore(%arg12 : memref<!tpu.dma_semaphore, #tpu.memory_space<semaphore_mem>>)
      %dma_wait3A_179 = arith.constant 0 : i32
      %dma_wait3A_180 = tpu.memref_slice %arg2[%dma_wait3A_179] : memref<320000xi32, #tpu.memory_space<hbm>> -> memref<80xi32, #tpu.memory_space<hbm>>
      %dma_wait3A_181 = arith.constant 0 : i32
      %dma_wait3A_182 = tpu.memref_slice %arg2[%dma_wait3A_181] : memref<320000xi32, #tpu.memory_space<hbm>> -> memref<80xi32, #tpu.memory_space<hbm>>
      tpu.wait_dma2 semaphore(%arg11 : memref<!tpu.dma_semaphore, #tpu.memory_space<semaphore_mem>>) src(%dma_wait3A_182 : memref<80xi32, #tpu.memory_space<hbm>>) dst(%arg8 : memref<80xi32, #tpu.memory_space<vmem>>)
      %dma_start3A_183 = arith.constant 0 : i32
      %dma_start3A_184 = tpu.memref_slice %arg6[%dma_start3A_183] : memref<10000xf32, #tpu.memory_space<vmem_shared>> -> memref<10000xf32, #tpu.memory_space<vmem_shared>>
      tpu.enqueue_indirect_dma source(%arg4 : memref<80xf32, #tpu.memory_space<vmem>>) target(%dma_start3A_184 : memref<10000xf32, #tpu.memory_space<vmem_shared>>) offsets(%arg8 : memref<80xi32, #tpu.memory_space<vmem>>) semaphore(%arg14 : memref<!tpu.dma_semaphore, #tpu.memory_space<semaphore_mem>>) {add = true}
      %mul3A_185 = arith.constant 3 : i32
      %mul3A_186 = arith.muli %scan3A_136, %mul3A_185 : i32
      %add3A_187 = arith.constant 2 : i32
      %add3A_188 = arith.addi %mul3A_186, %add3A_187 : i32
      %add3A_189 = arith.constant 1 : i32
      %add3A_190 = arith.addi %add3A_188, %add3A_189 : i32
      %min3A_191 = arith.constant 124 : i32
      %min3A_192 = arith.minsi %add3A_190, %min3A_191 : i32
      %dma_wait3A_193 = arith.constant 0 : i32
      %dma_wait3A_194 = tpu.memref_slice %arg6[%dma_wait3A_193] : memref<10000xf32, #tpu.memory_space<vmem_shared>> -> memref<10000xf32, #tpu.memory_space<vmem_shared>>
      tpu.wait_indirect_dma semaphore(%arg13 : memref<!tpu.dma_semaphore, #tpu.memory_space<semaphore_mem>>) src(%arg4 : memref<80xf32, #tpu.memory_space<vmem>>) dst(%dma_wait3A_194 : memref<10000xf32, #tpu.memory_space<vmem_shared>>)
      %mul3A_195 = arith.constant 10000 : i32
      %mul3A_196 = arith.muli %add3A, %mul3A_195 : i32
      %mul3A_197 = arith.constant 80 : i32
      %mul3A_198 = arith.muli %min3A_192, %mul3A_197 : i32
      %add3A_199 = arith.addi %mul3A_196, %mul3A_198 : i32
      %multiple_of3A_200 = tpu.assume_multiple %add3A_199, 8 : i32
      %dma_start3A_201 = tpu.memref_slice %arg2[%multiple_of3A_200] : memref<320000xi32, #tpu.memory_space<hbm>> -> memref<80xi32, #tpu.memory_space<hbm>>
      %dma_start3A_202 = tpu.memref_slice %arg2[%multiple_of3A_200] : memref<320000xi32, #tpu.memory_space<hbm>> -> memref<80xi32, #tpu.memory_space<hbm>>
      tpu.enqueue_dma source(%dma_start3A_202 : memref<80xi32, #tpu.memory_space<hbm>>) target(%arg7 : memref<80xi32, #tpu.memory_space<vmem>>) target_semaphore(%arg10 : memref<!tpu.dma_semaphore, #tpu.memory_space<semaphore_mem>>)
      %dma_wait3A_203 = arith.constant 0 : i32
      %dma_wait3A_204 = tpu.memref_slice %arg2[%dma_wait3A_203] : memref<320000xi32, #tpu.memory_space<hbm>> -> memref<80xi32, #tpu.memory_space<hbm>>
      %dma_wait3A_205 = arith.constant 0 : i32
      %dma_wait3A_206 = tpu.memref_slice %arg2[%dma_wait3A_205] : memref<320000xi32, #tpu.memory_space<hbm>> -> memref<80xi32, #tpu.memory_space<hbm>>
      tpu.wait_dma2 semaphore(%arg12 : memref<!tpu.dma_semaphore, #tpu.memory_space<semaphore_mem>>) src(%dma_wait3A_206 : memref<80xi32, #tpu.memory_space<hbm>>) dst(%arg9 : memref<80xi32, #tpu.memory_space<vmem>>)
      %dma_start3A_207 = arith.constant 0 : i32
      %dma_start3A_208 = tpu.memref_slice %arg6[%dma_start3A_207] : memref<10000xf32, #tpu.memory_space<vmem_shared>> -> memref<10000xf32, #tpu.memory_space<vmem_shared>>
      tpu.enqueue_indirect_dma source(%arg4 : memref<80xf32, #tpu.memory_space<vmem>>) target(%dma_start3A_208 : memref<10000xf32, #tpu.memory_space<vmem_shared>>) offsets(%arg9 : memref<80xi32, #tpu.memory_space<vmem>>) semaphore(%arg15 : memref<!tpu.dma_semaphore, #tpu.memory_space<semaphore_mem>>) {add = true}
    }
    %scan3A_83 = arith.constant 40 : i32
    %min3A_84 = arith.constant 124 : i32
    %min3A_85 = arith.constant 124 : i32
    %min3A_86 = arith.minsi %min3A_84, %min3A_85 : i32
    %dma_wait3A_87 = arith.constant 0 : i32
    %dma_wait3A_88 = tpu.memref_slice %arg6[%dma_wait3A_87] : memref<10000xf32, #tpu.memory_space<vmem_shared>> -> memref<10000xf32, #tpu.memory_space<vmem_shared>>
    tpu.wait_indirect_dma semaphore(%arg14 : memref<!tpu.dma_semaphore, #tpu.memory_space<semaphore_mem>>) src(%arg4 : memref<80xf32, #tpu.memory_space<vmem>>) dst(%dma_wait3A_88 : memref<10000xf32, #tpu.memory_space<vmem_shared>>)
    %mul3A_89 = arith.constant 10000 : i32
    %mul3A_90 = arith.muli %add3A, %mul3A_89 : i32
    %mul3A_91 = arith.constant 80 : i32
    %mul3A_92 = arith.muli %min3A_86, %mul3A_91 : i32
    %add3A_93 = arith.addi %mul3A_90, %mul3A_92 : i32
    %multiple_of3A_94 = tpu.assume_multiple %add3A_93, 8 : i32
    %dma_start3A_95 = tpu.memref_slice %arg2[%multiple_of3A_94] : memref<320000xi32, #tpu.memory_space<hbm>> -> memref<80xi32, #tpu.memory_space<hbm>>
    %dma_start3A_96 = tpu.memref_slice %arg2[%multiple_of3A_94] : memref<320000xi32, #tpu.memory_space<hbm>> -> memref<80xi32, #tpu.memory_space<hbm>>
    tpu.enqueue_dma source(%dma_start3A_96 : memref<80xi32, #tpu.memory_space<hbm>>) target(%arg8 : memref<80xi32, #tpu.memory_space<vmem>>) target_semaphore(%arg11 : memref<!tpu.dma_semaphore, #tpu.memory_space<semaphore_mem>>)
    %dma_wait3A_97 = arith.constant 0 : i32
    %dma_wait3A_98 = tpu.memref_slice %arg2[%dma_wait3A_97] : memref<320000xi32, #tpu.memory_space<hbm>> -> memref<80xi32, #tpu.memory_space<hbm>>
    %dma_wait3A_99 = arith.constant 0 : i32
    %dma_wait3A_100 = tpu.memref_slice %arg2[%dma_wait3A_99] : memref<320000xi32, #tpu.memory_space<hbm>> -> memref<80xi32, #tpu.memory_space<hbm>>
    tpu.wait_dma2 semaphore(%arg10 : memref<!tpu.dma_semaphore, #tpu.memory_space<semaphore_mem>>) src(%dma_wait3A_100 : memref<80xi32, #tpu.memory_space<hbm>>) dst(%arg7 : memref<80xi32, #tpu.memory_space<vmem>>)
    %dma_start3A_101 = arith.constant 0 : i32
    %dma_start3A_102 = tpu.memref_slice %arg6[%dma_start3A_101] : memref<10000xf32, #tpu.memory_space<vmem_shared>> -> memref<10000xf32, #tpu.memory_space<vmem_shared>>
    tpu.enqueue_indirect_dma source(%arg4 : memref<80xf32, #tpu.memory_space<vmem>>) target(%dma_start3A_102 : memref<10000xf32, #tpu.memory_space<vmem_shared>>) offsets(%arg7 : memref<80xi32, #tpu.memory_space<vmem>>) semaphore(%arg13 : memref<!tpu.dma_semaphore, #tpu.memory_space<semaphore_mem>>) {add = true}
    %min3A_103 = arith.constant 125 : i32
    %min3A_104 = arith.constant 124 : i32
    %min3A_105 = arith.minsi %min3A_103, %min3A_104 : i32
    %dma_wait3A_106 = arith.constant 0 : i32
    %dma_wait3A_107 = tpu.memref_slice %arg6[%dma_wait3A_106] : memref<10000xf32, #tpu.memory_space<vmem_shared>> -> memref<10000xf32, #tpu.memory_space<vmem_shared>>
    tpu.wait_indirect_dma semaphore(%arg15 : memref<!tpu.dma_semaphore, #tpu.memory_space<semaphore_mem>>) src(%arg4 : memref<80xf32, #tpu.memory_space<vmem>>) dst(%dma_wait3A_107 : memref<10000xf32, #tpu.memory_space<vmem_shared>>)
    %mul3A_108 = arith.constant 10000 : i32
    %mul3A_109 = arith.muli %add3A, %mul3A_108 : i32
    %mul3A_110 = arith.constant 80 : i32
    %mul3A_111 = arith.muli %min3A_105, %mul3A_110 : i32
    %add3A_112 = arith.addi %mul3A_109, %mul3A_111 : i32
    %multiple_of3A_113 = tpu.assume_multiple %add3A_112, 8 : i32
    %dma_start3A_114 = tpu.memref_slice %arg2[%multiple_of3A_113] : memref<320000xi32, #tpu.memory_space<hbm>> -> memref<80xi32, #tpu.memory_space<hbm>>
    %dma_start3A_115 = tpu.memref_slice %arg2[%multiple_of3A_113] : memref<320000xi32, #tpu.memory_space<hbm>> -> memref<80xi32, #tpu.memory_space<hbm>>
    tpu.enqueue_dma source(%dma_start3A_115 : memref<80xi32, #tpu.memory_space<hbm>>) target(%arg9 : memref<80xi32, #tpu.memory_space<vmem>>) target_semaphore(%arg12 : memref<!tpu.dma_semaphore, #tpu.memory_space<semaphore_mem>>)
    %dma_wait3A_116 = arith.constant 0 : i32
    %dma_wait3A_117 = tpu.memref_slice %arg2[%dma_wait3A_116] : memref<320000xi32, #tpu.memory_space<hbm>> -> memref<80xi32, #tpu.memory_space<hbm>>
    %dma_wait3A_118 = arith.constant 0 : i32
    %dma_wait3A_119 = tpu.memref_slice %arg2[%dma_wait3A_118] : memref<320000xi32, #tpu.memory_space<hbm>> -> memref<80xi32, #tpu.memory_space<hbm>>
    tpu.wait_dma2 semaphore(%arg11 : memref<!tpu.dma_semaphore, #tpu.memory_space<semaphore_mem>>) src(%dma_wait3A_119 : memref<80xi32, #tpu.memory_space<hbm>>) dst(%arg8 : memref<80xi32, #tpu.memory_space<vmem>>)
    %dma_start3A_120 = arith.constant 0 : i32
    %dma_start3A_121 = tpu.memref_slice %arg6[%dma_start3A_120] : memref<10000xf32, #tpu.memory_space<vmem_shared>> -> memref<10000xf32, #tpu.memory_space<vmem_shared>>
    tpu.enqueue_indirect_dma source(%arg4 : memref<80xf32, #tpu.memory_space<vmem>>) target(%dma_start3A_121 : memref<10000xf32, #tpu.memory_space<vmem_shared>>) offsets(%arg8 : memref<80xi32, #tpu.memory_space<vmem>>) semaphore(%arg14 : memref<!tpu.dma_semaphore, #tpu.memory_space<semaphore_mem>>) {add = true}
    %dma_wait3A_122 = arith.constant 0 : i32
    %dma_wait3A_123 = tpu.memref_slice %arg6[%dma_wait3A_122] : memref<10000xf32, #tpu.memory_space<vmem_shared>> -> memref<10000xf32, #tpu.memory_space<vmem_shared>>
    tpu.wait_indirect_dma semaphore(%arg13 : memref<!tpu.dma_semaphore, #tpu.memory_space<semaphore_mem>>) src(%arg4 : memref<80xf32, #tpu.memory_space<vmem>>) dst(%dma_wait3A_123 : memref<10000xf32, #tpu.memory_space<vmem_shared>>)
    %dma_wait3A_124 = arith.constant 0 : i32
    %dma_wait3A_125 = tpu.memref_slice %arg6[%dma_wait3A_124] : memref<10000xf32, #tpu.memory_space<vmem_shared>> -> memref<10000xf32, #tpu.memory_space<vmem_shared>>
    tpu.wait_indirect_dma semaphore(%arg14 : memref<!tpu.dma_semaphore, #tpu.memory_space<semaphore_mem>>) src(%arg4 : memref<80xf32, #tpu.memory_space<vmem>>) dst(%dma_wait3A_125 : memref<10000xf32, #tpu.memory_space<vmem_shared>>)
    %dma_wait3A_126 = arith.constant 0 : i32
    %dma_wait3A_127 = tpu.memref_slice %arg2[%dma_wait3A_126] : memref<320000xi32, #tpu.memory_space<hbm>> -> memref<80xi32, #tpu.memory_space<hbm>>
    %dma_wait3A_128 = arith.constant 0 : i32
    %dma_wait3A_129 = tpu.memref_slice %arg2[%dma_wait3A_128] : memref<320000xi32, #tpu.memory_space<hbm>> -> memref<80xi32, #tpu.memory_space<hbm>>
    tpu.wait_dma2 semaphore(%arg12 : memref<!tpu.dma_semaphore, #tpu.memory_space<semaphore_mem>>) src(%dma_wait3A_129 : memref<80xi32, #tpu.memory_space<hbm>>) dst(%arg9 : memref<80xi32, #tpu.memory_space<vmem>>)
    %barrier3A_130 = arith.constant 0 : index
    tpu.barrier barrier_id(%barrier3A_130)
    %eq3A_131 = arith.constant 0 : i32
    %eq3A_132 = arith.cmpi eq, %arg1, %eq3A_131 : i32
    %convert_element_type3A_133 = arith.extui %eq3A_132 : i1 to i32
    %cond3A_134 = arith.constant 0 : i32
    %cond3A_135 = arith.cmpi ne, %convert_element_type3A_133, %cond3A_134 : i32
    scf.if %cond3A_135 {
      "tpu.region"() ({
        %run_scoped3A = tpu.sem_alloc : memref<!tpu.dma_semaphore, #tpu.memory_space<semaphore_mem>>
        tpu.enqueue_dma source(%arg6 : memref<10000xf32, #tpu.memory_space<vmem_shared>>) target(%arg5 : memref<10000xf32, #tpu.memory_space<vmem>>) target_semaphore(%run_scoped3A : memref<!tpu.dma_semaphore, #tpu.memory_space<semaphore_mem>>)
        tpu.wait_dma2 semaphore(%run_scoped3A : memref<!tpu.dma_semaphore, #tpu.memory_space<semaphore_mem>>) src(%arg6 : memref<10000xf32, #tpu.memory_space<vmem_shared>>) dst(%arg5 : memref<10000xf32, #tpu.memory_space<vmem>>)
        tpu.yield
      }) : () -> ()
      %mul3A_136 = arith.constant 10000 : i32
      %mul3A_137 = arith.muli %arg0, %mul3A_136 : i32
      %multiple_of3A_138 = tpu.assume_multiple %mul3A_137, 8 : i32
      "tpu.region"() ({
        %run_scoped3A = tpu.sem_alloc : memref<!tpu.dma_semaphore, #tpu.memory_space<semaphore_mem>>
        %dma_start3A_139 = tpu.memref_slice %arg3[%multiple_of3A_138] : memref<20000xf32, #tpu.memory_space<hbm>> -> memref<10000xf32, #tpu.memory_space<hbm>>
        %dma_start3A_140 = tpu.memref_slice %arg3[%multiple_of3A_138] : memref<20000xf32, #tpu.memory_space<hbm>> -> memref<10000xf32, #tpu.memory_space<hbm>>
        tpu.enqueue_dma source(%arg5 : memref<10000xf32, #tpu.memory_space<vmem>>) target(%dma_start3A_140 : memref<10000xf32, #tpu.memory_space<hbm>>) target_semaphore(%run_scoped3A : memref<!tpu.dma_semaphore, #tpu.memory_space<semaphore_mem>>)
        %dma_wait3A_141 = tpu.memref_slice %arg3[%multiple_of3A_138] : memref<20000xf32, #tpu.memory_space<hbm>> -> memref<10000xf32, #tpu.memory_space<hbm>>
        %dma_wait3A_142 = tpu.memref_slice %arg3[%multiple_of3A_138] : memref<20000xf32, #tpu.memory_space<hbm>> -> memref<10000xf32, #tpu.memory_space<hbm>>
        tpu.wait_dma2 semaphore(%run_scoped3A : memref<!tpu.dma_semaphore, #tpu.memory_space<semaphore_mem>>) src(%arg5 : memref<10000xf32, #tpu.memory_space<vmem>>) dst(%dma_wait3A_142 : memref<10000xf32, #tpu.memory_space<hbm>>)
        tpu.yield
      }) : () -> ()
    } else {
    }
    return
  }
}

#map = affine_map<(d0, d1) -> (0)>
#map1 = affine_map<(d0, d1) -> (0, 0)>
#map2 = affine_map<(d0, d1) -> (0, 0, 0)>
module attributes {stable_mosaic.version = 14 : i64} {
  func.func @_scatter_kernel(%arg0: i32, %arg1: i32, %arg2: memref<320000xi32, #tpu.memory_space<hbm>>, %arg3: memref<320000xi32, #tpu.memory_space<hbm>>, %arg4: memref<10112x128xf32, #tpu.memory_space<hbm>>, %arg5: memref<2x10112x128xf32, #tpu.memory_space<hbm>>, %arg6: memref<10112x128xf32, #tpu.memory_space<vmem_shared>>, %arg7: memref<80x128xf32, #tpu.memory_space<vmem>>, %arg8: memref<80x128xf32, #tpu.memory_space<vmem>>, %arg9: memref<80x128xf32, #tpu.memory_space<vmem>>, %arg10: memref<80x128xf32, #tpu.memory_space<vmem>>, %arg11: memref<80xi32, #tpu.memory_space<vmem>>, %arg12: memref<80xi32, #tpu.memory_space<vmem>>, %arg13: memref<80xi32, #tpu.memory_space<vmem>>, %arg14: memref<80xi32, #tpu.memory_space<vmem>>, %arg15: memref<80xi32, #tpu.memory_space<vmem>>, %arg16: memref<80xi32, #tpu.memory_space<vmem>>, %arg17: memref<80xi32, #tpu.memory_space<vmem>>, %arg18: memref<80xi32, #tpu.memory_space<vmem>>, %arg19: memref<80xi32, #tpu.memory_space<vmem>>, %arg20: memref<80xi32, #tpu.memory_space<vmem>>, %arg21: memref<80xi32, #tpu.memory_space<vmem>>, %arg22: memref<80xi32, #tpu.memory_space<vmem>>, %arg23: memref<80xi32, #tpu.memory_space<vmem>>, %arg24: memref<80xi32, #tpu.memory_space<vmem>>, %arg25: memref<80xi32, #tpu.memory_space<vmem>>, %arg26: memref<80xi32, #tpu.memory_space<vmem>>, %arg27: memref<!tpu.dma_semaphore, #tpu.memory_space<semaphore_mem>>, %arg28: memref<!tpu.dma_semaphore, #tpu.memory_space<semaphore_mem>>, %arg29: memref<!tpu.dma_semaphore, #tpu.memory_space<semaphore_mem>>, %arg30: memref<!tpu.dma_semaphore, #tpu.memory_space<semaphore_mem>>, %arg31: memref<!tpu.dma_semaphore, #tpu.memory_space<semaphore_mem>>, %arg32: memref<!tpu.dma_semaphore, #tpu.memory_space<semaphore_mem>>, %arg33: memref<!tpu.dma_semaphore, #tpu.memory_space<semaphore_mem>>, %arg34: memref<!tpu.dma_semaphore, #tpu.memory_space<semaphore_mem>>, %arg35: memref<!tpu.dma_semaphore, #tpu.memory_space<semaphore_mem>>, %arg36: memref<!tpu.dma_semaphore, #tpu.memory_space<semaphore_mem>>, %arg37: memref<!tpu.dma_semaphore, #tpu.memory_space<semaphore_mem>>, %arg38: memref<!tpu.dma_semaphore, #tpu.memory_space<semaphore_mem>>, %arg39: memref<!tpu.dma_semaphore, #tpu.memory_space<semaphore_mem>>, %arg40: memref<!tpu.dma_semaphore, #tpu.memory_space<semaphore_mem>>, %arg41: memref<!tpu.dma_semaphore, #tpu.memory_space<semaphore_mem>>, %arg42: memref<!tpu.dma_semaphore, #tpu.memory_space<semaphore_mem>>, %arg43: memref<!tpu.dma_semaphore, #tpu.memory_space<semaphore_mem>>, %arg44: memref<!tpu.dma_semaphore, #tpu.memory_space<semaphore_mem>>, %arg45: memref<!tpu.dma_semaphore, #tpu.memory_space<semaphore_mem>>, %arg46: memref<!tpu.dma_semaphore, #tpu.memory_space<semaphore_mem>>, %arg47: memref<!tpu.dma_semaphore, #tpu.memory_space<semaphore_mem>>, %arg48: memref<!tpu.dma_semaphore, #tpu.memory_space<semaphore_mem>>, %arg49: memref<!tpu.dma_semaphore, #tpu.memory_space<semaphore_mem>>, %arg50: memref<!tpu.dma_semaphore, #tpu.memory_space<semaphore_mem>>) attributes {dimension_semantics = [#tpu.dimension_semantics<core_parallel>, #tpu.dimension_semantics<subcore_parallel>], iteration_bounds = array<i64: 2, 16>, scalar_prefetch = 0 : i64, scratch_operands = 45 : i64, tpu.core_type = #tpu.core_type<sc_vector_subcore>, window_params = [{transform_indices = #map}, {transform_indices = #map}, {transform_indices = #map1}, {transform_indices = #map2}]} {
    %mul3A = arith.constant 16 : i32
    %mul3A_0 = arith.muli %arg0, %mul3A : i32
    %add3A = arith.addi %mul3A_0, %arg1 : i32
    %mul3A_1 = arith.constant 632 : i32
    %mul3A_2 = arith.muli %arg1, %mul3A_1 : i32
    %multiple_of3A = tpu.assume_multiple %mul3A_2, 8 : i32
    "tpu.region"() ({
      %run_scoped3A = tpu.sem_alloc : memref<!tpu.dma_semaphore, #tpu.memory_space<semaphore_mem>>
      %dma_start3A_177 = arith.constant 0 : i32
      %dma_start3A_178 = tpu.memref_slice %arg6[%multiple_of3A, %dma_start3A_177] : memref<10112x128xf32, #tpu.memory_space<vmem_shared>> -> memref<632x128xf32, #tpu.memory_space<vmem_shared>>
      %dma_start3A_179 = arith.constant 0 : i32
      %dma_start3A_180 = tpu.memref_slice %arg4[%multiple_of3A, %dma_start3A_179] : memref<10112x128xf32, #tpu.memory_space<hbm>> -> memref<632x128xf32, #tpu.memory_space<hbm>>
      tpu.enqueue_dma source(%dma_start3A_180 : memref<632x128xf32, #tpu.memory_space<hbm>>) target(%dma_start3A_178 : memref<632x128xf32, #tpu.memory_space<vmem_shared>>) target_semaphore(%run_scoped3A : memref<!tpu.dma_semaphore, #tpu.memory_space<semaphore_mem>>)
      %dma_wait3A_181 = arith.constant 0 : i32
      %dma_wait3A_182 = tpu.memref_slice %arg6[%multiple_of3A, %dma_wait3A_181] : memref<10112x128xf32, #tpu.memory_space<vmem_shared>> -> memref<632x128xf32, #tpu.memory_space<vmem_shared>>
      %dma_wait3A_183 = arith.constant 0 : i32
      %dma_wait3A_184 = tpu.memref_slice %arg4[%multiple_of3A, %dma_wait3A_183] : memref<10112x128xf32, #tpu.memory_space<hbm>> -> memref<632x128xf32, #tpu.memory_space<hbm>>
      tpu.wait_dma2 semaphore(%run_scoped3A : memref<!tpu.dma_semaphore, #tpu.memory_space<semaphore_mem>>) src(%dma_wait3A_184 : memref<632x128xf32, #tpu.memory_space<hbm>>) dst(%dma_wait3A_182 : memref<632x128xf32, #tpu.memory_space<vmem_shared>>)
      tpu.yield
    }) : () -> ()
    %barrier3A = arith.constant 0 : index
    tpu.barrier barrier_id(%barrier3A)
    %mul3A_3 = arith.constant 10000 : i32
    %mul3A_4 = arith.muli %add3A, %mul3A_3 : i32
    %add3A_5 = arith.constant 0 : i32
    %add3A_6 = arith.addi %mul3A_4, %add3A_5 : i32
    %multiple_of3A_7 = tpu.assume_multiple %add3A_6, 8 : i32
    %dma_start3A = tpu.memref_slice %arg2[%multiple_of3A_7] : memref<320000xi32, #tpu.memory_space<hbm>> -> memref<80xi32, #tpu.memory_space<hbm>>
    %dma_start3A_8 = tpu.memref_slice %arg2[%multiple_of3A_7] : memref<320000xi32, #tpu.memory_space<hbm>> -> memref<80xi32, #tpu.memory_space<hbm>>
    tpu.enqueue_dma source(%dma_start3A_8 : memref<80xi32, #tpu.memory_space<hbm>>) target(%arg11 : memref<80xi32, #tpu.memory_space<vmem>>) target_semaphore(%arg35 : memref<!tpu.dma_semaphore, #tpu.memory_space<semaphore_mem>>)
    %mul3A_9 = arith.constant 10000 : i32
    %mul3A_10 = arith.muli %add3A, %mul3A_9 : i32
    %add3A_11 = arith.constant 0 : i32
    %add3A_12 = arith.addi %mul3A_10, %add3A_11 : i32
    %multiple_of3A_13 = tpu.assume_multiple %add3A_12, 8 : i32
    %dma_start3A_14 = tpu.memref_slice %arg3[%multiple_of3A_13] : memref<320000xi32, #tpu.memory_space<hbm>> -> memref<80xi32, #tpu.memory_space<hbm>>
    %dma_start3A_15 = tpu.memref_slice %arg3[%multiple_of3A_13] : memref<320000xi32, #tpu.memory_space<hbm>> -> memref<80xi32, #tpu.memory_space<hbm>>
    tpu.enqueue_dma source(%dma_start3A_15 : memref<80xi32, #tpu.memory_space<hbm>>) target(%arg19 : memref<80xi32, #tpu.memory_space<vmem>>) target_semaphore(%arg43 : memref<!tpu.dma_semaphore, #tpu.memory_space<semaphore_mem>>)
    %mul3A_16 = arith.constant 10000 : i32
    %mul3A_17 = arith.muli %add3A, %mul3A_16 : i32
    %add3A_18 = arith.constant 80 : i32
    %add3A_19 = arith.addi %mul3A_17, %add3A_18 : i32
    %multiple_of3A_20 = tpu.assume_multiple %add3A_19, 8 : i32
    %dma_start3A_21 = tpu.memref_slice %arg2[%multiple_of3A_20] : memref<320000xi32, #tpu.memory_space<hbm>> -> memref<80xi32, #tpu.memory_space<hbm>>
    %dma_start3A_22 = tpu.memref_slice %arg2[%multiple_of3A_20] : memref<320000xi32, #tpu.memory_space<hbm>> -> memref<80xi32, #tpu.memory_space<hbm>>
    tpu.enqueue_dma source(%dma_start3A_22 : memref<80xi32, #tpu.memory_space<hbm>>) target(%arg12 : memref<80xi32, #tpu.memory_space<vmem>>) target_semaphore(%arg36 : memref<!tpu.dma_semaphore, #tpu.memory_space<semaphore_mem>>)
    %mul3A_23 = arith.constant 10000 : i32
    %mul3A_24 = arith.muli %add3A, %mul3A_23 : i32
    %add3A_25 = arith.constant 80 : i32
    %add3A_26 = arith.addi %mul3A_24, %add3A_25 : i32
    %multiple_of3A_27 = tpu.assume_multiple %add3A_26, 8 : i32
    %dma_start3A_28 = tpu.memref_slice %arg3[%multiple_of3A_27] : memref<320000xi32, #tpu.memory_space<hbm>> -> memref<80xi32, #tpu.memory_space<hbm>>
    %dma_start3A_29 = tpu.memref_slice %arg3[%multiple_of3A_27] : memref<320000xi32, #tpu.memory_space<hbm>> -> memref<80xi32, #tpu.memory_space<hbm>>
    tpu.enqueue_dma source(%dma_start3A_29 : memref<80xi32, #tpu.memory_space<hbm>>) target(%arg20 : memref<80xi32, #tpu.memory_space<vmem>>) target_semaphore(%arg44 : memref<!tpu.dma_semaphore, #tpu.memory_space<semaphore_mem>>)
    %dma_wait3A = arith.constant 0 : i32
    %dma_wait3A_30 = tpu.memref_slice %arg2[%dma_wait3A] : memref<320000xi32, #tpu.memory_space<hbm>> -> memref<80xi32, #tpu.memory_space<hbm>>
    %dma_wait3A_31 = arith.constant 0 : i32
    %dma_wait3A_32 = tpu.memref_slice %arg2[%dma_wait3A_31] : memref<320000xi32, #tpu.memory_space<hbm>> -> memref<80xi32, #tpu.memory_space<hbm>>
    tpu.wait_dma2 semaphore(%arg35 : memref<!tpu.dma_semaphore, #tpu.memory_space<semaphore_mem>>) src(%dma_wait3A_32 : memref<80xi32, #tpu.memory_space<hbm>>) dst(%arg11 : memref<80xi32, #tpu.memory_space<vmem>>)
    %dma_start3A_33 = arith.constant 0 : i32
    %dma_start3A_34 = arith.constant 0 : i32
    %dma_start3A_35 = tpu.memref_slice %arg4[%dma_start3A_33, %dma_start3A_34] : memref<10112x128xf32, #tpu.memory_space<hbm>> -> memref<10112x128xf32, #tpu.memory_space<hbm>>
    tpu.enqueue_indirect_dma source(%dma_start3A_35 : memref<10112x128xf32, #tpu.memory_space<hbm>>) target(%arg7 : memref<80x128xf32, #tpu.memory_space<vmem>>) offsets(%arg11 : memref<80xi32, #tpu.memory_space<vmem>>) semaphore(%arg27 : memref<!tpu.dma_semaphore, #tpu.memory_space<semaphore_mem>>)
    %mul3A_36 = arith.constant 10000 : i32
    %mul3A_37 = arith.muli %add3A, %mul3A_36 : i32
    %add3A_38 = arith.constant 160 : i32
    %add3A_39 = arith.addi %mul3A_37, %add3A_38 : i32
    %multiple_of3A_40 = tpu.assume_multiple %add3A_39, 8 : i32
    %dma_start3A_41 = tpu.memref_slice %arg2[%multiple_of3A_40] : memref<320000xi32, #tpu.memory_space<hbm>> -> memref<80xi32, #tpu.memory_space<hbm>>
    %dma_start3A_42 = tpu.memref_slice %arg2[%multiple_of3A_40] : memref<320000xi32, #tpu.memory_space<hbm>> -> memref<80xi32, #tpu.memory_space<hbm>>
    tpu.enqueue_dma source(%dma_start3A_42 : memref<80xi32, #tpu.memory_space<hbm>>) target(%arg13 : memref<80xi32, #tpu.memory_space<vmem>>) target_semaphore(%arg37 : memref<!tpu.dma_semaphore, #tpu.memory_space<semaphore_mem>>)
    %mul3A_43 = arith.constant 10000 : i32
    %mul3A_44 = arith.muli %add3A, %mul3A_43 : i32
    %add3A_45 = arith.constant 160 : i32
    %add3A_46 = arith.addi %mul3A_44, %add3A_45 : i32
    %multiple_of3A_47 = tpu.assume_multiple %add3A_46, 8 : i32
    %dma_start3A_48 = tpu.memref_slice %arg3[%multiple_of3A_47] : memref<320000xi32, #tpu.memory_space<hbm>> -> memref<80xi32, #tpu.memory_space<hbm>>
    %dma_start3A_49 = tpu.memref_slice %arg3[%multiple_of3A_47] : memref<320000xi32, #tpu.memory_space<hbm>> -> memref<80xi32, #tpu.memory_space<hbm>>
    tpu.enqueue_dma source(%dma_start3A_49 : memref<80xi32, #tpu.memory_space<hbm>>) target(%arg21 : memref<80xi32, #tpu.memory_space<vmem>>) target_semaphore(%arg45 : memref<!tpu.dma_semaphore, #tpu.memory_space<semaphore_mem>>)
    %dma_wait3A_50 = arith.constant 0 : i32
    %dma_wait3A_51 = tpu.memref_slice %arg2[%dma_wait3A_50] : memref<320000xi32, #tpu.memory_space<hbm>> -> memref<80xi32, #tpu.memory_space<hbm>>
    %dma_wait3A_52 = arith.constant 0 : i32
    %dma_wait3A_53 = tpu.memref_slice %arg2[%dma_wait3A_52] : memref<320000xi32, #tpu.memory_space<hbm>> -> memref<80xi32, #tpu.memory_space<hbm>>
    tpu.wait_dma2 semaphore(%arg36 : memref<!tpu.dma_semaphore, #tpu.memory_space<semaphore_mem>>) src(%dma_wait3A_53 : memref<80xi32, #tpu.memory_space<hbm>>) dst(%arg12 : memref<80xi32, #tpu.memory_space<vmem>>)
    %dma_start3A_54 = arith.constant 0 : i32
    %dma_start3A_55 = arith.constant 0 : i32
    %dma_start3A_56 = tpu.memref_slice %arg4[%dma_start3A_54, %dma_start3A_55] : memref<10112x128xf32, #tpu.memory_space<hbm>> -> memref<10112x128xf32, #tpu.memory_space<hbm>>
    tpu.enqueue_indirect_dma source(%dma_start3A_56 : memref<10112x128xf32, #tpu.memory_space<hbm>>) target(%arg8 : memref<80x128xf32, #tpu.memory_space<vmem>>) offsets(%arg12 : memref<80xi32, #tpu.memory_space<vmem>>) semaphore(%arg28 : memref<!tpu.dma_semaphore, #tpu.memory_space<semaphore_mem>>)
    %dma_wait3A_57 = arith.constant 0 : i32
    %dma_wait3A_58 = arith.constant 0 : i32
    %dma_wait3A_59 = tpu.memref_slice %arg4[%dma_wait3A_57, %dma_wait3A_58] : memref<10112x128xf32, #tpu.memory_space<hbm>> -> memref<10112x128xf32, #tpu.memory_space<hbm>>
    tpu.wait_indirect_dma semaphore(%arg27 : memref<!tpu.dma_semaphore, #tpu.memory_space<semaphore_mem>>) src(%dma_wait3A_59 : memref<10112x128xf32, #tpu.memory_space<hbm>>) dst(%arg7 : memref<80x128xf32, #tpu.memory_space<vmem>>)
    %dma_wait3A_60 = arith.constant 0 : i32
    %dma_wait3A_61 = tpu.memref_slice %arg3[%dma_wait3A_60] : memref<320000xi32, #tpu.memory_space<hbm>> -> memref<80xi32, #tpu.memory_space<hbm>>
    %dma_wait3A_62 = arith.constant 0 : i32
    %dma_wait3A_63 = tpu.memref_slice %arg3[%dma_wait3A_62] : memref<320000xi32, #tpu.memory_space<hbm>> -> memref<80xi32, #tpu.memory_space<hbm>>
    tpu.wait_dma2 semaphore(%arg43 : memref<!tpu.dma_semaphore, #tpu.memory_space<semaphore_mem>>) src(%dma_wait3A_63 : memref<80xi32, #tpu.memory_space<hbm>>) dst(%arg19 : memref<80xi32, #tpu.memory_space<vmem>>)
    %dma_start3A_64 = arith.constant 0 : i32
    %dma_start3A_65 = arith.constant 0 : i32
    %dma_start3A_66 = tpu.memref_slice %arg6[%dma_start3A_64, %dma_start3A_65] : memref<10112x128xf32, #tpu.memory_space<vmem_shared>> -> memref<10112x128xf32, #tpu.memory_space<vmem_shared>>
    tpu.enqueue_indirect_dma source(%arg7 : memref<80x128xf32, #tpu.memory_space<vmem>>) target(%dma_start3A_66 : memref<10112x128xf32, #tpu.memory_space<vmem_shared>>) offsets(%arg19 : memref<80xi32, #tpu.memory_space<vmem>>) semaphore(%arg31 : memref<!tpu.dma_semaphore, #tpu.memory_space<semaphore_mem>>) {add = true}
    %mul3A_67 = arith.constant 10000 : i32
    %mul3A_68 = arith.muli %add3A, %mul3A_67 : i32
    %add3A_69 = arith.constant 240 : i32
    %add3A_70 = arith.addi %mul3A_68, %add3A_69 : i32
    %multiple_of3A_71 = tpu.assume_multiple %add3A_70, 8 : i32
    %dma_start3A_72 = tpu.memref_slice %arg2[%multiple_of3A_71] : memref<320000xi32, #tpu.memory_space<hbm>> -> memref<80xi32, #tpu.memory_space<hbm>>
    %dma_start3A_73 = tpu.memref_slice %arg2[%multiple_of3A_71] : memref<320000xi32, #tpu.memory_space<hbm>> -> memref<80xi32, #tpu.memory_space<hbm>>
    tpu.enqueue_dma source(%dma_start3A_73 : memref<80xi32, #tpu.memory_space<hbm>>) target(%arg14 : memref<80xi32, #tpu.memory_space<vmem>>) target_semaphore(%arg38 : memref<!tpu.dma_semaphore, #tpu.memory_space<semaphore_mem>>)
    %mul3A_74 = arith.constant 10000 : i32
    %mul3A_75 = arith.muli %add3A, %mul3A_74 : i32
    %add3A_76 = arith.constant 240 : i32
    %add3A_77 = arith.addi %mul3A_75, %add3A_76 : i32
    %multiple_of3A_78 = tpu.assume_multiple %add3A_77, 8 : i32
    %dma_start3A_79 = tpu.memref_slice %arg3[%multiple_of3A_78] : memref<320000xi32, #tpu.memory_space<hbm>> -> memref<80xi32, #tpu.memory_space<hbm>>
    %dma_start3A_80 = tpu.memref_slice %arg3[%multiple_of3A_78] : memref<320000xi32, #tpu.memory_space<hbm>> -> memref<80xi32, #tpu.memory_space<hbm>>
    tpu.enqueue_dma source(%dma_start3A_80 : memref<80xi32, #tpu.memory_space<hbm>>) target(%arg22 : memref<80xi32, #tpu.memory_space<vmem>>) target_semaphore(%arg46 : memref<!tpu.dma_semaphore, #tpu.memory_space<semaphore_mem>>)
    %dma_wait3A_81 = arith.constant 0 : i32
    %dma_wait3A_82 = tpu.memref_slice %arg2[%dma_wait3A_81] : memref<320000xi32, #tpu.memory_space<hbm>> -> memref<80xi32, #tpu.memory_space<hbm>>
    %dma_wait3A_83 = arith.constant 0 : i32
    %dma_wait3A_84 = tpu.memref_slice %arg2[%dma_wait3A_83] : memref<320000xi32, #tpu.memory_space<hbm>> -> memref<80xi32, #tpu.memory_space<hbm>>
    tpu.wait_dma2 semaphore(%arg37 : memref<!tpu.dma_semaphore, #tpu.memory_space<semaphore_mem>>) src(%dma_wait3A_84 : memref<80xi32, #tpu.memory_space<hbm>>) dst(%arg13 : memref<80xi32, #tpu.memory_space<vmem>>)
    %dma_start3A_85 = arith.constant 0 : i32
    %dma_start3A_86 = arith.constant 0 : i32
    %dma_start3A_87 = tpu.memref_slice %arg4[%dma_start3A_85, %dma_start3A_86] : memref<10112x128xf32, #tpu.memory_space<hbm>> -> memref<10112x128xf32, #tpu.memory_space<hbm>>
    tpu.enqueue_indirect_dma source(%dma_start3A_87 : memref<10112x128xf32, #tpu.memory_space<hbm>>) target(%arg9 : memref<80x128xf32, #tpu.memory_space<vmem>>) offsets(%arg13 : memref<80xi32, #tpu.memory_space<vmem>>) semaphore(%arg29 : memref<!tpu.dma_semaphore, #tpu.memory_space<semaphore_mem>>)
    %dma_wait3A_88 = arith.constant 0 : i32
    %dma_wait3A_89 = arith.constant 0 : i32
    %dma_wait3A_90 = tpu.memref_slice %arg4[%dma_wait3A_88, %dma_wait3A_89] : memref<10112x128xf32, #tpu.memory_space<hbm>> -> memref<10112x128xf32, #tpu.memory_space<hbm>>
    tpu.wait_indirect_dma semaphore(%arg28 : memref<!tpu.dma_semaphore, #tpu.memory_space<semaphore_mem>>) src(%dma_wait3A_90 : memref<10112x128xf32, #tpu.memory_space<hbm>>) dst(%arg8 : memref<80x128xf32, #tpu.memory_space<vmem>>)
    %dma_wait3A_91 = arith.constant 0 : i32
    %dma_wait3A_92 = tpu.memref_slice %arg3[%dma_wait3A_91] : memref<320000xi32, #tpu.memory_space<hbm>> -> memref<80xi32, #tpu.memory_space<hbm>>
    %dma_wait3A_93 = arith.constant 0 : i32
    %dma_wait3A_94 = tpu.memref_slice %arg3[%dma_wait3A_93] : memref<320000xi32, #tpu.memory_space<hbm>> -> memref<80xi32, #tpu.memory_space<hbm>>
    tpu.wait_dma2 semaphore(%arg44 : memref<!tpu.dma_semaphore, #tpu.memory_space<semaphore_mem>>) src(%dma_wait3A_94 : memref<80xi32, #tpu.memory_space<hbm>>) dst(%arg20 : memref<80xi32, #tpu.memory_space<vmem>>)
    %dma_start3A_95 = arith.constant 0 : i32
    %dma_start3A_96 = arith.constant 0 : i32
    %dma_start3A_97 = tpu.memref_slice %arg6[%dma_start3A_95, %dma_start3A_96] : memref<10112x128xf32, #tpu.memory_space<vmem_shared>> -> memref<10112x128xf32, #tpu.memory_space<vmem_shared>>
    tpu.enqueue_indirect_dma source(%arg8 : memref<80x128xf32, #tpu.memory_space<vmem>>) target(%dma_start3A_97 : memref<10112x128xf32, #tpu.memory_space<vmem_shared>>) offsets(%arg20 : memref<80xi32, #tpu.memory_space<vmem>>) semaphore(%arg32 : memref<!tpu.dma_semaphore, #tpu.memory_space<semaphore_mem>>) {add = true}
    %mul3A_98 = arith.constant 10000 : i32
    %mul3A_99 = arith.muli %add3A, %mul3A_98 : i32
    %add3A_100 = arith.constant 320 : i32
    %add3A_101 = arith.addi %mul3A_99, %add3A_100 : i32
    %multiple_of3A_102 = tpu.assume_multiple %add3A_101, 8 : i32
    %dma_start3A_103 = tpu.memref_slice %arg2[%multiple_of3A_102] : memref<320000xi32, #tpu.memory_space<hbm>> -> memref<80xi32, #tpu.memory_space<hbm>>
    %dma_start3A_104 = tpu.memref_slice %arg2[%multiple_of3A_102] : memref<320000xi32, #tpu.memory_space<hbm>> -> memref<80xi32, #tpu.memory_space<hbm>>
    tpu.enqueue_dma source(%dma_start3A_104 : memref<80xi32, #tpu.memory_space<hbm>>) target(%arg15 : memref<80xi32, #tpu.memory_space<vmem>>) target_semaphore(%arg39 : memref<!tpu.dma_semaphore, #tpu.memory_space<semaphore_mem>>)
    %mul3A_105 = arith.constant 10000 : i32
    %mul3A_106 = arith.muli %add3A, %mul3A_105 : i32
    %add3A_107 = arith.constant 320 : i32
    %add3A_108 = arith.addi %mul3A_106, %add3A_107 : i32
    %multiple_of3A_109 = tpu.assume_multiple %add3A_108, 8 : i32
    %dma_start3A_110 = tpu.memref_slice %arg3[%multiple_of3A_109] : memref<320000xi32, #tpu.memory_space<hbm>> -> memref<80xi32, #tpu.memory_space<hbm>>
    %dma_start3A_111 = tpu.memref_slice %arg3[%multiple_of3A_109] : memref<320000xi32, #tpu.memory_space<hbm>> -> memref<80xi32, #tpu.memory_space<hbm>>
    tpu.enqueue_dma source(%dma_start3A_111 : memref<80xi32, #tpu.memory_space<hbm>>) target(%arg23 : memref<80xi32, #tpu.memory_space<vmem>>) target_semaphore(%arg47 : memref<!tpu.dma_semaphore, #tpu.memory_space<semaphore_mem>>)
    %dma_wait3A_112 = arith.constant 0 : i32
    %dma_wait3A_113 = tpu.memref_slice %arg2[%dma_wait3A_112] : memref<320000xi32, #tpu.memory_space<hbm>> -> memref<80xi32, #tpu.memory_space<hbm>>
    %dma_wait3A_114 = arith.constant 0 : i32
    %dma_wait3A_115 = tpu.memref_slice %arg2[%dma_wait3A_114] : memref<320000xi32, #tpu.memory_space<hbm>> -> memref<80xi32, #tpu.memory_space<hbm>>
    tpu.wait_dma2 semaphore(%arg38 : memref<!tpu.dma_semaphore, #tpu.memory_space<semaphore_mem>>) src(%dma_wait3A_115 : memref<80xi32, #tpu.memory_space<hbm>>) dst(%arg14 : memref<80xi32, #tpu.memory_space<vmem>>)
    %dma_start3A_116 = arith.constant 0 : i32
    %dma_start3A_117 = arith.constant 0 : i32
    %dma_start3A_118 = tpu.memref_slice %arg4[%dma_start3A_116, %dma_start3A_117] : memref<10112x128xf32, #tpu.memory_space<hbm>> -> memref<10112x128xf32, #tpu.memory_space<hbm>>
    tpu.enqueue_indirect_dma source(%dma_start3A_118 : memref<10112x128xf32, #tpu.memory_space<hbm>>) target(%arg10 : memref<80x128xf32, #tpu.memory_space<vmem>>) offsets(%arg14 : memref<80xi32, #tpu.memory_space<vmem>>) semaphore(%arg30 : memref<!tpu.dma_semaphore, #tpu.memory_space<semaphore_mem>>)
    %dma_wait3A_119 = arith.constant 0 : i32
    %dma_wait3A_120 = arith.constant 0 : i32
    %dma_wait3A_121 = tpu.memref_slice %arg4[%dma_wait3A_119, %dma_wait3A_120] : memref<10112x128xf32, #tpu.memory_space<hbm>> -> memref<10112x128xf32, #tpu.memory_space<hbm>>
    tpu.wait_indirect_dma semaphore(%arg29 : memref<!tpu.dma_semaphore, #tpu.memory_space<semaphore_mem>>) src(%dma_wait3A_121 : memref<10112x128xf32, #tpu.memory_space<hbm>>) dst(%arg9 : memref<80x128xf32, #tpu.memory_space<vmem>>)
    %dma_wait3A_122 = arith.constant 0 : i32
    %dma_wait3A_123 = tpu.memref_slice %arg3[%dma_wait3A_122] : memref<320000xi32, #tpu.memory_space<hbm>> -> memref<80xi32, #tpu.memory_space<hbm>>
    %dma_wait3A_124 = arith.constant 0 : i32
    %dma_wait3A_125 = tpu.memref_slice %arg3[%dma_wait3A_124] : memref<320000xi32, #tpu.memory_space<hbm>> -> memref<80xi32, #tpu.memory_space<hbm>>
    tpu.wait_dma2 semaphore(%arg45 : memref<!tpu.dma_semaphore, #tpu.memory_space<semaphore_mem>>) src(%dma_wait3A_125 : memref<80xi32, #tpu.memory_space<hbm>>) dst(%arg21 : memref<80xi32, #tpu.memory_space<vmem>>)
    %dma_start3A_126 = arith.constant 0 : i32
    %dma_start3A_127 = arith.constant 0 : i32
    %dma_start3A_128 = tpu.memref_slice %arg6[%dma_start3A_126, %dma_start3A_127] : memref<10112x128xf32, #tpu.memory_space<vmem_shared>> -> memref<10112x128xf32, #tpu.memory_space<vmem_shared>>
    tpu.enqueue_indirect_dma source(%arg9 : memref<80x128xf32, #tpu.memory_space<vmem>>) target(%dma_start3A_128 : memref<10112x128xf32, #tpu.memory_space<vmem_shared>>) offsets(%arg21 : memref<80xi32, #tpu.memory_space<vmem>>) semaphore(%arg33 : memref<!tpu.dma_semaphore, #tpu.memory_space<semaphore_mem>>) {add = true}
    %scan3A = arith.constant 0 : i32
    %scan3A_129 = arith.constant 0 : i32
    %scan3A_130 = arith.constant 15 : i32
    %scan3A_131 = arith.addi %scan3A_129, %scan3A_130 : i32
    %scan3A_132 = arith.constant 1 : i32
    scf.for %scan3A_177 = %scan3A_129 to %scan3A_131 step %scan3A_132  : i32 {
      %mul3A_178 = arith.constant 8 : i32
      %mul3A_179 = arith.muli %scan3A_177, %mul3A_178 : i32
      %add3A_180 = arith.constant 3 : i32
      %add3A_181 = arith.addi %add3A_180, %mul3A_179 : i32
      %add3A_182 = arith.constant 0 : i32
      %add3A_183 = arith.addi %add3A_181, %add3A_182 : i32
      %dma_wait3A_184 = arith.constant 0 : i32
      %dma_wait3A_185 = arith.constant 0 : i32
      %dma_wait3A_186 = tpu.memref_slice %arg6[%dma_wait3A_184, %dma_wait3A_185] : memref<10112x128xf32, #tpu.memory_space<vmem_shared>> -> memref<10112x128xf32, #tpu.memory_space<vmem_shared>>
      tpu.wait_indirect_dma semaphore(%arg31 : memref<!tpu.dma_semaphore, #tpu.memory_space<semaphore_mem>>) src(%arg7 : memref<80x128xf32, #tpu.memory_space<vmem>>) dst(%dma_wait3A_186 : memref<10112x128xf32, #tpu.memory_space<vmem_shared>>)
      %add3A_187 = arith.constant 2 : i32
      %add3A_188 = arith.addi %add3A_183, %add3A_187 : i32
      %mul3A_189 = arith.constant 10000 : i32
      %mul3A_190 = arith.muli %add3A, %mul3A_189 : i32
      %mul3A_191 = arith.constant 80 : i32
      %mul3A_192 = arith.muli %add3A_188, %mul3A_191 : i32
      %add3A_193 = arith.addi %mul3A_190, %mul3A_192 : i32
      %multiple_of3A_194 = tpu.assume_multiple %add3A_193, 8 : i32
      %dma_start3A_195 = tpu.memref_slice %arg2[%multiple_of3A_194] : memref<320000xi32, #tpu.memory_space<hbm>> -> memref<80xi32, #tpu.memory_space<hbm>>
      %dma_start3A_196 = tpu.memref_slice %arg2[%multiple_of3A_194] : memref<320000xi32, #tpu.memory_space<hbm>> -> memref<80xi32, #tpu.memory_space<hbm>>
      tpu.enqueue_dma source(%dma_start3A_196 : memref<80xi32, #tpu.memory_space<hbm>>) target(%arg16 : memref<80xi32, #tpu.memory_space<vmem>>) target_semaphore(%arg40 : memref<!tpu.dma_semaphore, #tpu.memory_space<semaphore_mem>>)
      %add3A_197 = arith.constant 2 : i32
      %add3A_198 = arith.addi %add3A_183, %add3A_197 : i32
      %mul3A_199 = arith.constant 10000 : i32
      %mul3A_200 = arith.muli %add3A, %mul3A_199 : i32
      %mul3A_201 = arith.constant 80 : i32
      %mul3A_202 = arith.muli %add3A_198, %mul3A_201 : i32
      %add3A_203 = arith.addi %mul3A_200, %mul3A_202 : i32
      %multiple_of3A_204 = tpu.assume_multiple %add3A_203, 8 : i32
      %dma_start3A_205 = tpu.memref_slice %arg3[%multiple_of3A_204] : memref<320000xi32, #tpu.memory_space<hbm>> -> memref<80xi32, #tpu.memory_space<hbm>>
      %dma_start3A_206 = tpu.memref_slice %arg3[%multiple_of3A_204] : memref<320000xi32, #tpu.memory_space<hbm>> -> memref<80xi32, #tpu.memory_space<hbm>>
      tpu.enqueue_dma source(%dma_start3A_206 : memref<80xi32, #tpu.memory_space<hbm>>) target(%arg24 : memref<80xi32, #tpu.memory_space<vmem>>) target_semaphore(%arg48 : memref<!tpu.dma_semaphore, #tpu.memory_space<semaphore_mem>>)
      %dma_wait3A_207 = arith.constant 0 : i32
      %dma_wait3A_208 = tpu.memref_slice %arg2[%dma_wait3A_207] : memref<320000xi32, #tpu.memory_space<hbm>> -> memref<80xi32, #tpu.memory_space<hbm>>
      %dma_wait3A_209 = arith.constant 0 : i32
      %dma_wait3A_210 = tpu.memref_slice %arg2[%dma_wait3A_209] : memref<320000xi32, #tpu.memory_space<hbm>> -> memref<80xi32, #tpu.memory_space<hbm>>
      tpu.wait_dma2 semaphore(%arg39 : memref<!tpu.dma_semaphore, #tpu.memory_space<semaphore_mem>>) src(%dma_wait3A_210 : memref<80xi32, #tpu.memory_space<hbm>>) dst(%arg15 : memref<80xi32, #tpu.memory_space<vmem>>)
      %dma_start3A_211 = arith.constant 0 : i32
      %dma_start3A_212 = arith.constant 0 : i32
      %dma_start3A_213 = tpu.memref_slice %arg4[%dma_start3A_211, %dma_start3A_212] : memref<10112x128xf32, #tpu.memory_space<hbm>> -> memref<10112x128xf32, #tpu.memory_space<hbm>>
      tpu.enqueue_indirect_dma source(%dma_start3A_213 : memref<10112x128xf32, #tpu.memory_space<hbm>>) target(%arg7 : memref<80x128xf32, #tpu.memory_space<vmem>>) offsets(%arg15 : memref<80xi32, #tpu.memory_space<vmem>>) semaphore(%arg27 : memref<!tpu.dma_semaphore, #tpu.memory_space<semaphore_mem>>)
      %dma_wait3A_214 = arith.constant 0 : i32
      %dma_wait3A_215 = arith.constant 0 : i32
      %dma_wait3A_216 = tpu.memref_slice %arg4[%dma_wait3A_214, %dma_wait3A_215] : memref<10112x128xf32, #tpu.memory_space<hbm>> -> memref<10112x128xf32, #tpu.memory_space<hbm>>
      tpu.wait_indirect_dma semaphore(%arg30 : memref<!tpu.dma_semaphore, #tpu.memory_space<semaphore_mem>>) src(%dma_wait3A_216 : memref<10112x128xf32, #tpu.memory_space<hbm>>) dst(%arg10 : memref<80x128xf32, #tpu.memory_space<vmem>>)
      %dma_wait3A_217 = arith.constant 0 : i32
      %dma_wait3A_218 = tpu.memref_slice %arg3[%dma_wait3A_217] : memref<320000xi32, #tpu.memory_space<hbm>> -> memref<80xi32, #tpu.memory_space<hbm>>
      %dma_wait3A_219 = arith.constant 0 : i32
      %dma_wait3A_220 = tpu.memref_slice %arg3[%dma_wait3A_219] : memref<320000xi32, #tpu.memory_space<hbm>> -> memref<80xi32, #tpu.memory_space<hbm>>
      tpu.wait_dma2 semaphore(%arg46 : memref<!tpu.dma_semaphore, #tpu.memory_space<semaphore_mem>>) src(%dma_wait3A_220 : memref<80xi32, #tpu.memory_space<hbm>>) dst(%arg22 : memref<80xi32, #tpu.memory_space<vmem>>)
      %dma_start3A_221 = arith.constant 0 : i32
      %dma_start3A_222 = arith.constant 0 : i32
      %dma_start3A_223 = tpu.memref_slice %arg6[%dma_start3A_221, %dma_start3A_222] : memref<10112x128xf32, #tpu.memory_space<vmem_shared>> -> memref<10112x128xf32, #tpu.memory_space<vmem_shared>>
      tpu.enqueue_indirect_dma source(%arg10 : memref<80x128xf32, #tpu.memory_space<vmem>>) target(%dma_start3A_223 : memref<10112x128xf32, #tpu.memory_space<vmem_shared>>) offsets(%arg22 : memref<80xi32, #tpu.memory_space<vmem>>) semaphore(%arg34 : memref<!tpu.dma_semaphore, #tpu.memory_space<semaphore_mem>>) {add = true}
      %add3A_224 = arith.constant 1 : i32
      %add3A_225 = arith.addi %add3A_181, %add3A_224 : i32
      %dma_wait3A_226 = arith.constant 0 : i32
      %dma_wait3A_227 = arith.constant 0 : i32
      %dma_wait3A_228 = tpu.memref_slice %arg6[%dma_wait3A_226, %dma_wait3A_227] : memref<10112x128xf32, #tpu.memory_space<vmem_shared>> -> memref<10112x128xf32, #tpu.memory_space<vmem_shared>>
      tpu.wait_indirect_dma semaphore(%arg32 : memref<!tpu.dma_semaphore, #tpu.memory_space<semaphore_mem>>) src(%arg8 : memref<80x128xf32, #tpu.memory_space<vmem>>) dst(%dma_wait3A_228 : memref<10112x128xf32, #tpu.memory_space<vmem_shared>>)
      %add3A_229 = arith.constant 2 : i32
      %add3A_230 = arith.addi %add3A_225, %add3A_229 : i32
      %mul3A_231 = arith.constant 10000 : i32
      %mul3A_232 = arith.muli %add3A, %mul3A_231 : i32
      %mul3A_233 = arith.constant 80 : i32
      %mul3A_234 = arith.muli %add3A_230, %mul3A_233 : i32
      %add3A_235 = arith.addi %mul3A_232, %mul3A_234 : i32
      %multiple_of3A_236 = tpu.assume_multiple %add3A_235, 8 : i32
      %dma_start3A_237 = tpu.memref_slice %arg2[%multiple_of3A_236] : memref<320000xi32, #tpu.memory_space<hbm>> -> memref<80xi32, #tpu.memory_space<hbm>>
      %dma_start3A_238 = tpu.memref_slice %arg2[%multiple_of3A_236] : memref<320000xi32, #tpu.memory_space<hbm>> -> memref<80xi32, #tpu.memory_space<hbm>>
      tpu.enqueue_dma source(%dma_start3A_238 : memref<80xi32, #tpu.memory_space<hbm>>) target(%arg17 : memref<80xi32, #tpu.memory_space<vmem>>) target_semaphore(%arg41 : memref<!tpu.dma_semaphore, #tpu.memory_space<semaphore_mem>>)
      %add3A_239 = arith.constant 2 : i32
      %add3A_240 = arith.addi %add3A_225, %add3A_239 : i32
      %mul3A_241 = arith.constant 10000 : i32
      %mul3A_242 = arith.muli %add3A, %mul3A_241 : i32
      %mul3A_243 = arith.constant 80 : i32
      %mul3A_244 = arith.muli %add3A_240, %mul3A_243 : i32
      %add3A_245 = arith.addi %mul3A_242, %mul3A_244 : i32
      %multiple_of3A_246 = tpu.assume_multiple %add3A_245, 8 : i32
      %dma_start3A_247 = tpu.memref_slice %arg3[%multiple_of3A_246] : memref<320000xi32, #tpu.memory_space<hbm>> -> memref<80xi32, #tpu.memory_space<hbm>>
      %dma_start3A_248 = tpu.memref_slice %arg3[%multiple_of3A_246] : memref<320000xi32, #tpu.memory_space<hbm>> -> memref<80xi32, #tpu.memory_space<hbm>>
      tpu.enqueue_dma source(%dma_start3A_248 : memref<80xi32, #tpu.memory_space<hbm>>) target(%arg25 : memref<80xi32, #tpu.memory_space<vmem>>) target_semaphore(%arg49 : memref<!tpu.dma_semaphore, #tpu.memory_space<semaphore_mem>>)
      %dma_wait3A_249 = arith.constant 0 : i32
      %dma_wait3A_250 = tpu.memref_slice %arg2[%dma_wait3A_249] : memref<320000xi32, #tpu.memory_space<hbm>> -> memref<80xi32, #tpu.memory_space<hbm>>
      %dma_wait3A_251 = arith.constant 0 : i32
      %dma_wait3A_252 = tpu.memref_slice %arg2[%dma_wait3A_251] : memref<320000xi32, #tpu.memory_space<hbm>> -> memref<80xi32, #tpu.memory_space<hbm>>
      tpu.wait_dma2 semaphore(%arg40 : memref<!tpu.dma_semaphore, #tpu.memory_space<semaphore_mem>>) src(%dma_wait3A_252 : memref<80xi32, #tpu.memory_space<hbm>>) dst(%arg16 : memref<80xi32, #tpu.memory_space<vmem>>)
      %dma_start3A_253 = arith.constant 0 : i32
      %dma_start3A_254 = arith.constant 0 : i32
      %dma_start3A_255 = tpu.memref_slice %arg4[%dma_start3A_253, %dma_start3A_254] : memref<10112x128xf32, #tpu.memory_space<hbm>> -> memref<10112x128xf32, #tpu.memory_space<hbm>>
      tpu.enqueue_indirect_dma source(%dma_start3A_255 : memref<10112x128xf32, #tpu.memory_space<hbm>>) target(%arg8 : memref<80x128xf32, #tpu.memory_space<vmem>>) offsets(%arg16 : memref<80xi32, #tpu.memory_space<vmem>>) semaphore(%arg28 : memref<!tpu.dma_semaphore, #tpu.memory_space<semaphore_mem>>)
      %dma_wait3A_256 = arith.constant 0 : i32
      %dma_wait3A_257 = arith.constant 0 : i32
      %dma_wait3A_258 = tpu.memref_slice %arg4[%dma_wait3A_256, %dma_wait3A_257] : memref<10112x128xf32, #tpu.memory_space<hbm>> -> memref<10112x128xf32, #tpu.memory_space<hbm>>
      tpu.wait_indirect_dma semaphore(%arg27 : memref<!tpu.dma_semaphore, #tpu.memory_space<semaphore_mem>>) src(%dma_wait3A_258 : memref<10112x128xf32, #tpu.memory_space<hbm>>) dst(%arg7 : memref<80x128xf32, #tpu.memory_space<vmem>>)
      %dma_wait3A_259 = arith.constant 0 : i32
      %dma_wait3A_260 = tpu.memref_slice %arg3[%dma_wait3A_259] : memref<320000xi32, #tpu.memory_space<hbm>> -> memref<80xi32, #tpu.memory_space<hbm>>
      %dma_wait3A_261 = arith.constant 0 : i32
      %dma_wait3A_262 = tpu.memref_slice %arg3[%dma_wait3A_261] : memref<320000xi32, #tpu.memory_space<hbm>> -> memref<80xi32, #tpu.memory_space<hbm>>
      tpu.wait_dma2 semaphore(%arg47 : memref<!tpu.dma_semaphore, #tpu.memory_space<semaphore_mem>>) src(%dma_wait3A_262 : memref<80xi32, #tpu.memory_space<hbm>>) dst(%arg23 : memref<80xi32, #tpu.memory_space<vmem>>)
      %dma_start3A_263 = arith.constant 0 : i32
      %dma_start3A_264 = arith.constant 0 : i32
      %dma_start3A_265 = tpu.memref_slice %arg6[%dma_start3A_263, %dma_start3A_264] : memref<10112x128xf32, #tpu.memory_space<vmem_shared>> -> memref<10112x128xf32, #tpu.memory_space<vmem_shared>>
      tpu.enqueue_indirect_dma source(%arg7 : memref<80x128xf32, #tpu.memory_space<vmem>>) target(%dma_start3A_265 : memref<10112x128xf32, #tpu.memory_space<vmem_shared>>) offsets(%arg23 : memref<80xi32, #tpu.memory_space<vmem>>) semaphore(%arg31 : memref<!tpu.dma_semaphore, #tpu.memory_space<semaphore_mem>>) {add = true}
      %add3A_266 = arith.constant 2 : i32
      %add3A_267 = arith.addi %add3A_181, %add3A_266 : i32
      %dma_wait3A_268 = arith.constant 0 : i32
      %dma_wait3A_269 = arith.constant 0 : i32
      %dma_wait3A_270 = tpu.memref_slice %arg6[%dma_wait3A_268, %dma_wait3A_269] : memref<10112x128xf32, #tpu.memory_space<vmem_shared>> -> memref<10112x128xf32, #tpu.memory_space<vmem_shared>>
      tpu.wait_indirect_dma semaphore(%arg33 : memref<!tpu.dma_semaphore, #tpu.memory_space<semaphore_mem>>) src(%arg9 : memref<80x128xf32, #tpu.memory_space<vmem>>) dst(%dma_wait3A_270 : memref<10112x128xf32, #tpu.memory_space<vmem_shared>>)
      %add3A_271 = arith.constant 2 : i32
      %add3A_272 = arith.addi %add3A_267, %add3A_271 : i32
      %mul3A_273 = arith.constant 10000 : i32
      %mul3A_274 = arith.muli %add3A, %mul3A_273 : i32
      %mul3A_275 = arith.constant 80 : i32
      %mul3A_276 = arith.muli %add3A_272, %mul3A_275 : i32
      %add3A_277 = arith.addi %mul3A_274, %mul3A_276 : i32
      %multiple_of3A_278 = tpu.assume_multiple %add3A_277, 8 : i32
      %dma_start3A_279 = tpu.memref_slice %arg2[%multiple_of3A_278] : memref<320000xi32, #tpu.memory_space<hbm>> -> memref<80xi32, #tpu.memory_space<hbm>>
      %dma_start3A_280 = tpu.memref_slice %arg2[%multiple_of3A_278] : memref<320000xi32, #tpu.memory_space<hbm>> -> memref<80xi32, #tpu.memory_space<hbm>>
      tpu.enqueue_dma source(%dma_start3A_280 : memref<80xi32, #tpu.memory_space<hbm>>) target(%arg18 : memref<80xi32, #tpu.memory_space<vmem>>) target_semaphore(%arg42 : memref<!tpu.dma_semaphore, #tpu.memory_space<semaphore_mem>>)
      %add3A_281 = arith.constant 2 : i32
      %add3A_282 = arith.addi %add3A_267, %add3A_281 : i32
      %mul3A_283 = arith.constant 10000 : i32
      %mul3A_284 = arith.muli %add3A, %mul3A_283 : i32
      %mul3A_285 = arith.constant 80 : i32
      %mul3A_286 = arith.muli %add3A_282, %mul3A_285 : i32
      %add3A_287 = arith.addi %mul3A_284, %mul3A_286 : i32
      %multiple_of3A_288 = tpu.assume_multiple %add3A_287, 8 : i32
      %dma_start3A_289 = tpu.memref_slice %arg3[%multiple_of3A_288] : memref<320000xi32, #tpu.memory_space<hbm>> -> memref<80xi32, #tpu.memory_space<hbm>>
      %dma_start3A_290 = tpu.memref_slice %arg3[%multiple_of3A_288] : memref<320000xi32, #tpu.memory_space<hbm>> -> memref<80xi32, #tpu.memory_space<hbm>>
      tpu.enqueue_dma source(%dma_start3A_290 : memref<80xi32, #tpu.memory_space<hbm>>) target(%arg26 : memref<80xi32, #tpu.memory_space<vmem>>) target_semaphore(%arg50 : memref<!tpu.dma_semaphore, #tpu.memory_space<semaphore_mem>>)
      %dma_wait3A_291 = arith.constant 0 : i32
      %dma_wait3A_292 = tpu.memref_slice %arg2[%dma_wait3A_291] : memref<320000xi32, #tpu.memory_space<hbm>> -> memref<80xi32, #tpu.memory_space<hbm>>
      %dma_wait3A_293 = arith.constant 0 : i32
      %dma_wait3A_294 = tpu.memref_slice %arg2[%dma_wait3A_293] : memref<320000xi32, #tpu.memory_space<hbm>> -> memref<80xi32, #tpu.memory_space<hbm>>
      tpu.wait_dma2 semaphore(%arg41 : memref<!tpu.dma_semaphore, #tpu.memory_space<semaphore_mem>>) src(%dma_wait3A_294 : memref<80xi32, #tpu.memory_space<hbm>>) dst(%arg17 : memref<80xi32, #tpu.memory_space<vmem>>)
      %dma_start3A_295 = arith.constant 0 : i32
      %dma_start3A_296 = arith.constant 0 : i32
      %dma_start3A_297 = tpu.memref_slice %arg4[%dma_start3A_295, %dma_start3A_296] : memref<10112x128xf32, #tpu.memory_space<hbm>> -> memref<10112x128xf32, #tpu.memory_space<hbm>>
      tpu.enqueue_indirect_dma source(%dma_start3A_297 : memref<10112x128xf32, #tpu.memory_space<hbm>>) target(%arg9 : memref<80x128xf32, #tpu.memory_space<vmem>>) offsets(%arg17 : memref<80xi32, #tpu.memory_space<vmem>>) semaphore(%arg29 : memref<!tpu.dma_semaphore, #tpu.memory_space<semaphore_mem>>)
      %dma_wait3A_298 = arith.constant 0 : i32
      %dma_wait3A_299 = arith.constant 0 : i32
      %dma_wait3A_300 = tpu.memref_slice %arg4[%dma_wait3A_298, %dma_wait3A_299] : memref<10112x128xf32, #tpu.memory_space<hbm>> -> memref<10112x128xf32, #tpu.memory_space<hbm>>
      tpu.wait_indirect_dma semaphore(%arg28 : memref<!tpu.dma_semaphore, #tpu.memory_space<semaphore_mem>>) src(%dma_wait3A_300 : memref<10112x128xf32, #tpu.memory_space<hbm>>) dst(%arg8 : memref<80x128xf32, #tpu.memory_space<vmem>>)
      %dma_wait3A_301 = arith.constant 0 : i32
      %dma_wait3A_302 = tpu.memref_slice %arg3[%dma_wait3A_301] : memref<320000xi32, #tpu.memory_space<hbm>> -> memref<80xi32, #tpu.memory_space<hbm>>
      %dma_wait3A_303 = arith.constant 0 : i32
      %dma_wait3A_304 = tpu.memref_slice %arg3[%dma_wait3A_303] : memref<320000xi32, #tpu.memory_space<hbm>> -> memref<80xi32, #tpu.memory_space<hbm>>
      tpu.wait_dma2 semaphore(%arg48 : memref<!tpu.dma_semaphore, #tpu.memory_space<semaphore_mem>>) src(%dma_wait3A_304 : memref<80xi32, #tpu.memory_space<hbm>>) dst(%arg24 : memref<80xi32, #tpu.memory_space<vmem>>)
      %dma_start3A_305 = arith.constant 0 : i32
      %dma_start3A_306 = arith.constant 0 : i32
      %dma_start3A_307 = tpu.memref_slice %arg6[%dma_start3A_305, %dma_start3A_306] : memref<10112x128xf32, #tpu.memory_space<vmem_shared>> -> memref<10112x128xf32, #tpu.memory_space<vmem_shared>>
      tpu.enqueue_indirect_dma source(%arg8 : memref<80x128xf32, #tpu.memory_space<vmem>>) target(%dma_start3A_307 : memref<10112x128xf32, #tpu.memory_space<vmem_shared>>) offsets(%arg24 : memref<80xi32, #tpu.memory_space<vmem>>) semaphore(%arg32 : memref<!tpu.dma_semaphore, #tpu.memory_space<semaphore_mem>>) {add = true}
      %add3A_308 = arith.constant 3 : i32
      %add3A_309 = arith.addi %add3A_181, %add3A_308 : i32
      %dma_wait3A_310 = arith.constant 0 : i32
      %dma_wait3A_311 = arith.constant 0 : i32
      %dma_wait3A_312 = tpu.memref_slice %arg6[%dma_wait3A_310, %dma_wait3A_311] : memref<10112x128xf32, #tpu.memory_space<vmem_shared>> -> memref<10112x128xf32, #tpu.memory_space<vmem_shared>>
      tpu.wait_indirect_dma semaphore(%arg34 : memref<!tpu.dma_semaphore, #tpu.memory_space<semaphore_mem>>) src(%arg10 : memref<80x128xf32, #tpu.memory_space<vmem>>) dst(%dma_wait3A_312 : memref<10112x128xf32, #tpu.memory_space<vmem_shared>>)
      %add3A_313 = arith.constant 2 : i32
      %add3A_314 = arith.addi %add3A_309, %add3A_313 : i32
      %mul3A_315 = arith.constant 10000 : i32
      %mul3A_316 = arith.muli %add3A, %mul3A_315 : i32
      %mul3A_317 = arith.constant 80 : i32
      %mul3A_318 = arith.muli %add3A_314, %mul3A_317 : i32
      %add3A_319 = arith.addi %mul3A_316, %mul3A_318 : i32
      %multiple_of3A_320 = tpu.assume_multiple %add3A_319, 8 : i32
      %dma_start3A_321 = tpu.memref_slice %arg2[%multiple_of3A_320] : memref<320000xi32, #tpu.memory_space<hbm>> -> memref<80xi32, #tpu.memory_space<hbm>>
      %dma_start3A_322 = tpu.memref_slice %arg2[%multiple_of3A_320] : memref<320000xi32, #tpu.memory_space<hbm>> -> memref<80xi32, #tpu.memory_space<hbm>>
      tpu.enqueue_dma source(%dma_start3A_322 : memref<80xi32, #tpu.memory_space<hbm>>) target(%arg11 : memref<80xi32, #tpu.memory_space<vmem>>) target_semaphore(%arg35 : memref<!tpu.dma_semaphore, #tpu.memory_space<semaphore_mem>>)
      %add3A_323 = arith.constant 2 : i32
      %add3A_324 = arith.addi %add3A_309, %add3A_323 : i32
      %mul3A_325 = arith.constant 10000 : i32
      %mul3A_326 = arith.muli %add3A, %mul3A_325 : i32
      %mul3A_327 = arith.constant 80 : i32
      %mul3A_328 = arith.muli %add3A_324, %mul3A_327 : i32
      %add3A_329 = arith.addi %mul3A_326, %mul3A_328 : i32
      %multiple_of3A_330 = tpu.assume_multiple %add3A_329, 8 : i32
      %dma_start3A_331 = tpu.memref_slice %arg3[%multiple_of3A_330] : memref<320000xi32, #tpu.memory_space<hbm>> -> memref<80xi32, #tpu.memory_space<hbm>>
      %dma_start3A_332 = tpu.memref_slice %arg3[%multiple_of3A_330] : memref<320000xi32, #tpu.memory_space<hbm>> -> memref<80xi32, #tpu.memory_space<hbm>>
      tpu.enqueue_dma source(%dma_start3A_332 : memref<80xi32, #tpu.memory_space<hbm>>) target(%arg19 : memref<80xi32, #tpu.memory_space<vmem>>) target_semaphore(%arg43 : memref<!tpu.dma_semaphore, #tpu.memory_space<semaphore_mem>>)
      %dma_wait3A_333 = arith.constant 0 : i32
      %dma_wait3A_334 = tpu.memref_slice %arg2[%dma_wait3A_333] : memref<320000xi32, #tpu.memory_space<hbm>> -> memref<80xi32, #tpu.memory_space<hbm>>
      %dma_wait3A_335 = arith.constant 0 : i32
      %dma_wait3A_336 = tpu.memref_slice %arg2[%dma_wait3A_335] : memref<320000xi32, #tpu.memory_space<hbm>> -> memref<80xi32, #tpu.memory_space<hbm>>
      tpu.wait_dma2 semaphore(%arg42 : memref<!tpu.dma_semaphore, #tpu.memory_space<semaphore_mem>>) src(%dma_wait3A_336 : memref<80xi32, #tpu.memory_space<hbm>>) dst(%arg18 : memref<80xi32, #tpu.memory_space<vmem>>)
      %dma_start3A_337 = arith.constant 0 : i32
      %dma_start3A_338 = arith.constant 0 : i32
      %dma_start3A_339 = tpu.memref_slice %arg4[%dma_start3A_337, %dma_start3A_338] : memref<10112x128xf32, #tpu.memory_space<hbm>> -> memref<10112x128xf32, #tpu.memory_space<hbm>>
      tpu.enqueue_indirect_dma source(%dma_start3A_339 : memref<10112x128xf32, #tpu.memory_space<hbm>>) target(%arg10 : memref<80x128xf32, #tpu.memory_space<vmem>>) offsets(%arg18 : memref<80xi32, #tpu.memory_space<vmem>>) semaphore(%arg30 : memref<!tpu.dma_semaphore, #tpu.memory_space<semaphore_mem>>)
      %dma_wait3A_340 = arith.constant 0 : i32
      %dma_wait3A_341 = arith.constant 0 : i32
      %dma_wait3A_342 = tpu.memref_slice %arg4[%dma_wait3A_340, %dma_wait3A_341] : memref<10112x128xf32, #tpu.memory_space<hbm>> -> memref<10112x128xf32, #tpu.memory_space<hbm>>
      tpu.wait_indirect_dma semaphore(%arg29 : memref<!tpu.dma_semaphore, #tpu.memory_space<semaphore_mem>>) src(%dma_wait3A_342 : memref<10112x128xf32, #tpu.memory_space<hbm>>) dst(%arg9 : memref<80x128xf32, #tpu.memory_space<vmem>>)
      %dma_wait3A_343 = arith.constant 0 : i32
      %dma_wait3A_344 = tpu.memref_slice %arg3[%dma_wait3A_343] : memref<320000xi32, #tpu.memory_space<hbm>> -> memref<80xi32, #tpu.memory_space<hbm>>
      %dma_wait3A_345 = arith.constant 0 : i32
      %dma_wait3A_346 = tpu.memref_slice %arg3[%dma_wait3A_345] : memref<320000xi32, #tpu.memory_space<hbm>> -> memref<80xi32, #tpu.memory_space<hbm>>
      tpu.wait_dma2 semaphore(%arg49 : memref<!tpu.dma_semaphore, #tpu.memory_space<semaphore_mem>>) src(%dma_wait3A_346 : memref<80xi32, #tpu.memory_space<hbm>>) dst(%arg25 : memref<80xi32, #tpu.memory_space<vmem>>)
      %dma_start3A_347 = arith.constant 0 : i32
      %dma_start3A_348 = arith.constant 0 : i32
      %dma_start3A_349 = tpu.memref_slice %arg6[%dma_start3A_347, %dma_start3A_348] : memref<10112x128xf32, #tpu.memory_space<vmem_shared>> -> memref<10112x128xf32, #tpu.memory_space<vmem_shared>>
      tpu.enqueue_indirect_dma source(%arg9 : memref<80x128xf32, #tpu.memory_space<vmem>>) target(%dma_start3A_349 : memref<10112x128xf32, #tpu.memory_space<vmem_shared>>) offsets(%arg25 : memref<80xi32, #tpu.memory_space<vmem>>) semaphore(%arg33 : memref<!tpu.dma_semaphore, #tpu.memory_space<semaphore_mem>>) {add = true}
      %add3A_350 = arith.constant 4 : i32
      %add3A_351 = arith.addi %add3A_181, %add3A_350 : i32
      %dma_wait3A_352 = arith.constant 0 : i32
      %dma_wait3A_353 = arith.constant 0 : i32
      %dma_wait3A_354 = tpu.memref_slice %arg6[%dma_wait3A_352, %dma_wait3A_353] : memref<10112x128xf32, #tpu.memory_space<vmem_shared>> -> memref<10112x128xf32, #tpu.memory_space<vmem_shared>>
      tpu.wait_indirect_dma semaphore(%arg31 : memref<!tpu.dma_semaphore, #tpu.memory_space<semaphore_mem>>) src(%arg7 : memref<80x128xf32, #tpu.memory_space<vmem>>) dst(%dma_wait3A_354 : memref<10112x128xf32, #tpu.memory_space<vmem_shared>>)
      %add3A_355 = arith.constant 2 : i32
      %add3A_356 = arith.addi %add3A_351, %add3A_355 : i32
      %mul3A_357 = arith.constant 10000 : i32
      %mul3A_358 = arith.muli %add3A, %mul3A_357 : i32
      %mul3A_359 = arith.constant 80 : i32
      %mul3A_360 = arith.muli %add3A_356, %mul3A_359 : i32
      %add3A_361 = arith.addi %mul3A_358, %mul3A_360 : i32
      %multiple_of3A_362 = tpu.assume_multiple %add3A_361, 8 : i32
      %dma_start3A_363 = tpu.memref_slice %arg2[%multiple_of3A_362] : memref<320000xi32, #tpu.memory_space<hbm>> -> memref<80xi32, #tpu.memory_space<hbm>>
      %dma_start3A_364 = tpu.memref_slice %arg2[%multiple_of3A_362] : memref<320000xi32, #tpu.memory_space<hbm>> -> memref<80xi32, #tpu.memory_space<hbm>>
      tpu.enqueue_dma source(%dma_start3A_364 : memref<80xi32, #tpu.memory_space<hbm>>) target(%arg12 : memref<80xi32, #tpu.memory_space<vmem>>) target_semaphore(%arg36 : memref<!tpu.dma_semaphore, #tpu.memory_space<semaphore_mem>>)
      %add3A_365 = arith.constant 2 : i32
      %add3A_366 = arith.addi %add3A_351, %add3A_365 : i32
      %mul3A_367 = arith.constant 10000 : i32
      %mul3A_368 = arith.muli %add3A, %mul3A_367 : i32
      %mul3A_369 = arith.constant 80 : i32
      %mul3A_370 = arith.muli %add3A_366, %mul3A_369 : i32
      %add3A_371 = arith.addi %mul3A_368, %mul3A_370 : i32
      %multiple_of3A_372 = tpu.assume_multiple %add3A_371, 8 : i32
      %dma_start3A_373 = tpu.memref_slice %arg3[%multiple_of3A_372] : memref<320000xi32, #tpu.memory_space<hbm>> -> memref<80xi32, #tpu.memory_space<hbm>>
      %dma_start3A_374 = tpu.memref_slice %arg3[%multiple_of3A_372] : memref<320000xi32, #tpu.memory_space<hbm>> -> memref<80xi32, #tpu.memory_space<hbm>>
      tpu.enqueue_dma source(%dma_start3A_374 : memref<80xi32, #tpu.memory_space<hbm>>) target(%arg20 : memref<80xi32, #tpu.memory_space<vmem>>) target_semaphore(%arg44 : memref<!tpu.dma_semaphore, #tpu.memory_space<semaphore_mem>>)
      %dma_wait3A_375 = arith.constant 0 : i32
      %dma_wait3A_376 = tpu.memref_slice %arg2[%dma_wait3A_375] : memref<320000xi32, #tpu.memory_space<hbm>> -> memref<80xi32, #tpu.memory_space<hbm>>
      %dma_wait3A_377 = arith.constant 0 : i32
      %dma_wait3A_378 = tpu.memref_slice %arg2[%dma_wait3A_377] : memref<320000xi32, #tpu.memory_space<hbm>> -> memref<80xi32, #tpu.memory_space<hbm>>
      tpu.wait_dma2 semaphore(%arg35 : memref<!tpu.dma_semaphore, #tpu.memory_space<semaphore_mem>>) src(%dma_wait3A_378 : memref<80xi32, #tpu.memory_space<hbm>>) dst(%arg11 : memref<80xi32, #tpu.memory_space<vmem>>)
      %dma_start3A_379 = arith.constant 0 : i32
      %dma_start3A_380 = arith.constant 0 : i32
      %dma_start3A_381 = tpu.memref_slice %arg4[%dma_start3A_379, %dma_start3A_380] : memref<10112x128xf32, #tpu.memory_space<hbm>> -> memref<10112x128xf32, #tpu.memory_space<hbm>>
      tpu.enqueue_indirect_dma source(%dma_start3A_381 : memref<10112x128xf32, #tpu.memory_space<hbm>>) target(%arg7 : memref<80x128xf32, #tpu.memory_space<vmem>>) offsets(%arg11 : memref<80xi32, #tpu.memory_space<vmem>>) semaphore(%arg27 : memref<!tpu.dma_semaphore, #tpu.memory_space<semaphore_mem>>)
      %dma_wait3A_382 = arith.constant 0 : i32
      %dma_wait3A_383 = arith.constant 0 : i32
      %dma_wait3A_384 = tpu.memref_slice %arg4[%dma_wait3A_382, %dma_wait3A_383] : memref<10112x128xf32, #tpu.memory_space<hbm>> -> memref<10112x128xf32, #tpu.memory_space<hbm>>
      tpu.wait_indirect_dma semaphore(%arg30 : memref<!tpu.dma_semaphore, #tpu.memory_space<semaphore_mem>>) src(%dma_wait3A_384 : memref<10112x128xf32, #tpu.memory_space<hbm>>) dst(%arg10 : memref<80x128xf32, #tpu.memory_space<vmem>>)
      %dma_wait3A_385 = arith.constant 0 : i32
      %dma_wait3A_386 = tpu.memref_slice %arg3[%dma_wait3A_385] : memref<320000xi32, #tpu.memory_space<hbm>> -> memref<80xi32, #tpu.memory_space<hbm>>
      %dma_wait3A_387 = arith.constant 0 : i32
      %dma_wait3A_388 = tpu.memref_slice %arg3[%dma_wait3A_387] : memref<320000xi32, #tpu.memory_space<hbm>> -> memref<80xi32, #tpu.memory_space<hbm>>
      tpu.wait_dma2 semaphore(%arg50 : memref<!tpu.dma_semaphore, #tpu.memory_space<semaphore_mem>>) src(%dma_wait3A_388 : memref<80xi32, #tpu.memory_space<hbm>>) dst(%arg26 : memref<80xi32, #tpu.memory_space<vmem>>)
      %dma_start3A_389 = arith.constant 0 : i32
      %dma_start3A_390 = arith.constant 0 : i32
      %dma_start3A_391 = tpu.memref_slice %arg6[%dma_start3A_389, %dma_start3A_390] : memref<10112x128xf32, #tpu.memory_space<vmem_shared>> -> memref<10112x128xf32, #tpu.memory_space<vmem_shared>>
      tpu.enqueue_indirect_dma source(%arg10 : memref<80x128xf32, #tpu.memory_space<vmem>>) target(%dma_start3A_391 : memref<10112x128xf32, #tpu.memory_space<vmem_shared>>) offsets(%arg26 : memref<80xi32, #tpu.memory_space<vmem>>) semaphore(%arg34 : memref<!tpu.dma_semaphore, #tpu.memory_space<semaphore_mem>>) {add = true}
      %add3A_392 = arith.constant 5 : i32
      %add3A_393 = arith.addi %add3A_181, %add3A_392 : i32
      %dma_wait3A_394 = arith.constant 0 : i32
      %dma_wait3A_395 = arith.constant 0 : i32
      %dma_wait3A_396 = tpu.memref_slice %arg6[%dma_wait3A_394, %dma_wait3A_395] : memref<10112x128xf32, #tpu.memory_space<vmem_shared>> -> memref<10112x128xf32, #tpu.memory_space<vmem_shared>>
      tpu.wait_indirect_dma semaphore(%arg32 : memref<!tpu.dma_semaphore, #tpu.memory_space<semaphore_mem>>) src(%arg8 : memref<80x128xf32, #tpu.memory_space<vmem>>) dst(%dma_wait3A_396 : memref<10112x128xf32, #tpu.memory_space<vmem_shared>>)
      %add3A_397 = arith.constant 2 : i32
      %add3A_398 = arith.addi %add3A_393, %add3A_397 : i32
      %mul3A_399 = arith.constant 10000 : i32
      %mul3A_400 = arith.muli %add3A, %mul3A_399 : i32
      %mul3A_401 = arith.constant 80 : i32
      %mul3A_402 = arith.muli %add3A_398, %mul3A_401 : i32
      %add3A_403 = arith.addi %mul3A_400, %mul3A_402 : i32
      %multiple_of3A_404 = tpu.assume_multiple %add3A_403, 8 : i32
      %dma_start3A_405 = tpu.memref_slice %arg2[%multiple_of3A_404] : memref<320000xi32, #tpu.memory_space<hbm>> -> memref<80xi32, #tpu.memory_space<hbm>>
      %dma_start3A_406 = tpu.memref_slice %arg2[%multiple_of3A_404] : memref<320000xi32, #tpu.memory_space<hbm>> -> memref<80xi32, #tpu.memory_space<hbm>>
      tpu.enqueue_dma source(%dma_start3A_406 : memref<80xi32, #tpu.memory_space<hbm>>) target(%arg13 : memref<80xi32, #tpu.memory_space<vmem>>) target_semaphore(%arg37 : memref<!tpu.dma_semaphore, #tpu.memory_space<semaphore_mem>>)
      %add3A_407 = arith.constant 2 : i32
      %add3A_408 = arith.addi %add3A_393, %add3A_407 : i32
      %mul3A_409 = arith.constant 10000 : i32
      %mul3A_410 = arith.muli %add3A, %mul3A_409 : i32
      %mul3A_411 = arith.constant 80 : i32
      %mul3A_412 = arith.muli %add3A_408, %mul3A_411 : i32
      %add3A_413 = arith.addi %mul3A_410, %mul3A_412 : i32
      %multiple_of3A_414 = tpu.assume_multiple %add3A_413, 8 : i32
      %dma_start3A_415 = tpu.memref_slice %arg3[%multiple_of3A_414] : memref<320000xi32, #tpu.memory_space<hbm>> -> memref<80xi32, #tpu.memory_space<hbm>>
      %dma_start3A_416 = tpu.memref_slice %arg3[%multiple_of3A_414] : memref<320000xi32, #tpu.memory_space<hbm>> -> memref<80xi32, #tpu.memory_space<hbm>>
      tpu.enqueue_dma source(%dma_start3A_416 : memref<80xi32, #tpu.memory_space<hbm>>) target(%arg21 : memref<80xi32, #tpu.memory_space<vmem>>) target_semaphore(%arg45 : memref<!tpu.dma_semaphore, #tpu.memory_space<semaphore_mem>>)
      %dma_wait3A_417 = arith.constant 0 : i32
      %dma_wait3A_418 = tpu.memref_slice %arg2[%dma_wait3A_417] : memref<320000xi32, #tpu.memory_space<hbm>> -> memref<80xi32, #tpu.memory_space<hbm>>
      %dma_wait3A_419 = arith.constant 0 : i32
      %dma_wait3A_420 = tpu.memref_slice %arg2[%dma_wait3A_419] : memref<320000xi32, #tpu.memory_space<hbm>> -> memref<80xi32, #tpu.memory_space<hbm>>
      tpu.wait_dma2 semaphore(%arg36 : memref<!tpu.dma_semaphore, #tpu.memory_space<semaphore_mem>>) src(%dma_wait3A_420 : memref<80xi32, #tpu.memory_space<hbm>>) dst(%arg12 : memref<80xi32, #tpu.memory_space<vmem>>)
      %dma_start3A_421 = arith.constant 0 : i32
      %dma_start3A_422 = arith.constant 0 : i32
      %dma_start3A_423 = tpu.memref_slice %arg4[%dma_start3A_421, %dma_start3A_422] : memref<10112x128xf32, #tpu.memory_space<hbm>> -> memref<10112x128xf32, #tpu.memory_space<hbm>>
      tpu.enqueue_indirect_dma source(%dma_start3A_423 : memref<10112x128xf32, #tpu.memory_space<hbm>>) target(%arg8 : memref<80x128xf32, #tpu.memory_space<vmem>>) offsets(%arg12 : memref<80xi32, #tpu.memory_space<vmem>>) semaphore(%arg28 : memref<!tpu.dma_semaphore, #tpu.memory_space<semaphore_mem>>)
      %dma_wait3A_424 = arith.constant 0 : i32
      %dma_wait3A_425 = arith.constant 0 : i32
      %dma_wait3A_426 = tpu.memref_slice %arg4[%dma_wait3A_424, %dma_wait3A_425] : memref<10112x128xf32, #tpu.memory_space<hbm>> -> memref<10112x128xf32, #tpu.memory_space<hbm>>
      tpu.wait_indirect_dma semaphore(%arg27 : memref<!tpu.dma_semaphore, #tpu.memory_space<semaphore_mem>>) src(%dma_wait3A_426 : memref<10112x128xf32, #tpu.memory_space<hbm>>) dst(%arg7 : memref<80x128xf32, #tpu.memory_space<vmem>>)
      %dma_wait3A_427 = arith.constant 0 : i32
      %dma_wait3A_428 = tpu.memref_slice %arg3[%dma_wait3A_427] : memref<320000xi32, #tpu.memory_space<hbm>> -> memref<80xi32, #tpu.memory_space<hbm>>
      %dma_wait3A_429 = arith.constant 0 : i32
      %dma_wait3A_430 = tpu.memref_slice %arg3[%dma_wait3A_429] : memref<320000xi32, #tpu.memory_space<hbm>> -> memref<80xi32, #tpu.memory_space<hbm>>
      tpu.wait_dma2 semaphore(%arg43 : memref<!tpu.dma_semaphore, #tpu.memory_space<semaphore_mem>>) src(%dma_wait3A_430 : memref<80xi32, #tpu.memory_space<hbm>>) dst(%arg19 : memref<80xi32, #tpu.memory_space<vmem>>)
      %dma_start3A_431 = arith.constant 0 : i32
      %dma_start3A_432 = arith.constant 0 : i32
      %dma_start3A_433 = tpu.memref_slice %arg6[%dma_start3A_431, %dma_start3A_432] : memref<10112x128xf32, #tpu.memory_space<vmem_shared>> -> memref<10112x128xf32, #tpu.memory_space<vmem_shared>>
      tpu.enqueue_indirect_dma source(%arg7 : memref<80x128xf32, #tpu.memory_space<vmem>>) target(%dma_start3A_433 : memref<10112x128xf32, #tpu.memory_space<vmem_shared>>) offsets(%arg19 : memref<80xi32, #tpu.memory_space<vmem>>) semaphore(%arg31 : memref<!tpu.dma_semaphore, #tpu.memory_space<semaphore_mem>>) {add = true}
      %add3A_434 = arith.constant 6 : i32
      %add3A_435 = arith.addi %add3A_181, %add3A_434 : i32
      %dma_wait3A_436 = arith.constant 0 : i32
      %dma_wait3A_437 = arith.constant 0 : i32
      %dma_wait3A_438 = tpu.memref_slice %arg6[%dma_wait3A_436, %dma_wait3A_437] : memref<10112x128xf32, #tpu.memory_space<vmem_shared>> -> memref<10112x128xf32, #tpu.memory_space<vmem_shared>>
      tpu.wait_indirect_dma semaphore(%arg33 : memref<!tpu.dma_semaphore, #tpu.memory_space<semaphore_mem>>) src(%arg9 : memref<80x128xf32, #tpu.memory_space<vmem>>) dst(%dma_wait3A_438 : memref<10112x128xf32, #tpu.memory_space<vmem_shared>>)
      %add3A_439 = arith.constant 2 : i32
      %add3A_440 = arith.addi %add3A_435, %add3A_439 : i32
      %mul3A_441 = arith.constant 10000 : i32
      %mul3A_442 = arith.muli %add3A, %mul3A_441 : i32
      %mul3A_443 = arith.constant 80 : i32
      %mul3A_444 = arith.muli %add3A_440, %mul3A_443 : i32
      %add3A_445 = arith.addi %mul3A_442, %mul3A_444 : i32
      %multiple_of3A_446 = tpu.assume_multiple %add3A_445, 8 : i32
      %dma_start3A_447 = tpu.memref_slice %arg2[%multiple_of3A_446] : memref<320000xi32, #tpu.memory_space<hbm>> -> memref<80xi32, #tpu.memory_space<hbm>>
      %dma_start3A_448 = tpu.memref_slice %arg2[%multiple_of3A_446] : memref<320000xi32, #tpu.memory_space<hbm>> -> memref<80xi32, #tpu.memory_space<hbm>>
      tpu.enqueue_dma source(%dma_start3A_448 : memref<80xi32, #tpu.memory_space<hbm>>) target(%arg14 : memref<80xi32, #tpu.memory_space<vmem>>) target_semaphore(%arg38 : memref<!tpu.dma_semaphore, #tpu.memory_space<semaphore_mem>>)
      %add3A_449 = arith.constant 2 : i32
      %add3A_450 = arith.addi %add3A_435, %add3A_449 : i32
      %mul3A_451 = arith.constant 10000 : i32
      %mul3A_452 = arith.muli %add3A, %mul3A_451 : i32
      %mul3A_453 = arith.constant 80 : i32
      %mul3A_454 = arith.muli %add3A_450, %mul3A_453 : i32
      %add3A_455 = arith.addi %mul3A_452, %mul3A_454 : i32
      %multiple_of3A_456 = tpu.assume_multiple %add3A_455, 8 : i32
      %dma_start3A_457 = tpu.memref_slice %arg3[%multiple_of3A_456] : memref<320000xi32, #tpu.memory_space<hbm>> -> memref<80xi32, #tpu.memory_space<hbm>>
      %dma_start3A_458 = tpu.memref_slice %arg3[%multiple_of3A_456] : memref<320000xi32, #tpu.memory_space<hbm>> -> memref<80xi32, #tpu.memory_space<hbm>>
      tpu.enqueue_dma source(%dma_start3A_458 : memref<80xi32, #tpu.memory_space<hbm>>) target(%arg22 : memref<80xi32, #tpu.memory_space<vmem>>) target_semaphore(%arg46 : memref<!tpu.dma_semaphore, #tpu.memory_space<semaphore_mem>>)
      %dma_wait3A_459 = arith.constant 0 : i32
      %dma_wait3A_460 = tpu.memref_slice %arg2[%dma_wait3A_459] : memref<320000xi32, #tpu.memory_space<hbm>> -> memref<80xi32, #tpu.memory_space<hbm>>
      %dma_wait3A_461 = arith.constant 0 : i32
      %dma_wait3A_462 = tpu.memref_slice %arg2[%dma_wait3A_461] : memref<320000xi32, #tpu.memory_space<hbm>> -> memref<80xi32, #tpu.memory_space<hbm>>
      tpu.wait_dma2 semaphore(%arg37 : memref<!tpu.dma_semaphore, #tpu.memory_space<semaphore_mem>>) src(%dma_wait3A_462 : memref<80xi32, #tpu.memory_space<hbm>>) dst(%arg13 : memref<80xi32, #tpu.memory_space<vmem>>)
      %dma_start3A_463 = arith.constant 0 : i32
      %dma_start3A_464 = arith.constant 0 : i32
      %dma_start3A_465 = tpu.memref_slice %arg4[%dma_start3A_463, %dma_start3A_464] : memref<10112x128xf32, #tpu.memory_space<hbm>> -> memref<10112x128xf32, #tpu.memory_space<hbm>>
      tpu.enqueue_indirect_dma source(%dma_start3A_465 : memref<10112x128xf32, #tpu.memory_space<hbm>>) target(%arg9 : memref<80x128xf32, #tpu.memory_space<vmem>>) offsets(%arg13 : memref<80xi32, #tpu.memory_space<vmem>>) semaphore(%arg29 : memref<!tpu.dma_semaphore, #tpu.memory_space<semaphore_mem>>)
      %dma_wait3A_466 = arith.constant 0 : i32
      %dma_wait3A_467 = arith.constant 0 : i32
      %dma_wait3A_468 = tpu.memref_slice %arg4[%dma_wait3A_466, %dma_wait3A_467] : memref<10112x128xf32, #tpu.memory_space<hbm>> -> memref<10112x128xf32, #tpu.memory_space<hbm>>
      tpu.wait_indirect_dma semaphore(%arg28 : memref<!tpu.dma_semaphore, #tpu.memory_space<semaphore_mem>>) src(%dma_wait3A_468 : memref<10112x128xf32, #tpu.memory_space<hbm>>) dst(%arg8 : memref<80x128xf32, #tpu.memory_space<vmem>>)
      %dma_wait3A_469 = arith.constant 0 : i32
      %dma_wait3A_470 = tpu.memref_slice %arg3[%dma_wait3A_469] : memref<320000xi32, #tpu.memory_space<hbm>> -> memref<80xi32, #tpu.memory_space<hbm>>
      %dma_wait3A_471 = arith.constant 0 : i32
      %dma_wait3A_472 = tpu.memref_slice %arg3[%dma_wait3A_471] : memref<320000xi32, #tpu.memory_space<hbm>> -> memref<80xi32, #tpu.memory_space<hbm>>
      tpu.wait_dma2 semaphore(%arg44 : memref<!tpu.dma_semaphore, #tpu.memory_space<semaphore_mem>>) src(%dma_wait3A_472 : memref<80xi32, #tpu.memory_space<hbm>>) dst(%arg20 : memref<80xi32, #tpu.memory_space<vmem>>)
      %dma_start3A_473 = arith.constant 0 : i32
      %dma_start3A_474 = arith.constant 0 : i32
      %dma_start3A_475 = tpu.memref_slice %arg6[%dma_start3A_473, %dma_start3A_474] : memref<10112x128xf32, #tpu.memory_space<vmem_shared>> -> memref<10112x128xf32, #tpu.memory_space<vmem_shared>>
      tpu.enqueue_indirect_dma source(%arg8 : memref<80x128xf32, #tpu.memory_space<vmem>>) target(%dma_start3A_475 : memref<10112x128xf32, #tpu.memory_space<vmem_shared>>) offsets(%arg20 : memref<80xi32, #tpu.memory_space<vmem>>) semaphore(%arg32 : memref<!tpu.dma_semaphore, #tpu.memory_space<semaphore_mem>>) {add = true}
      %add3A_476 = arith.constant 7 : i32
      %add3A_477 = arith.addi %add3A_181, %add3A_476 : i32
      %dma_wait3A_478 = arith.constant 0 : i32
      %dma_wait3A_479 = arith.constant 0 : i32
      %dma_wait3A_480 = tpu.memref_slice %arg6[%dma_wait3A_478, %dma_wait3A_479] : memref<10112x128xf32, #tpu.memory_space<vmem_shared>> -> memref<10112x128xf32, #tpu.memory_space<vmem_shared>>
      tpu.wait_indirect_dma semaphore(%arg34 : memref<!tpu.dma_semaphore, #tpu.memory_space<semaphore_mem>>) src(%arg10 : memref<80x128xf32, #tpu.memory_space<vmem>>) dst(%dma_wait3A_480 : memref<10112x128xf32, #tpu.memory_space<vmem_shared>>)
      %add3A_481 = arith.constant 2 : i32
      %add3A_482 = arith.addi %add3A_477, %add3A_481 : i32
      %mul3A_483 = arith.constant 10000 : i32
      %mul3A_484 = arith.muli %add3A, %mul3A_483 : i32
      %mul3A_485 = arith.constant 80 : i32
      %mul3A_486 = arith.muli %add3A_482, %mul3A_485 : i32
      %add3A_487 = arith.addi %mul3A_484, %mul3A_486 : i32
      %multiple_of3A_488 = tpu.assume_multiple %add3A_487, 8 : i32
      %dma_start3A_489 = tpu.memref_slice %arg2[%multiple_of3A_488] : memref<320000xi32, #tpu.memory_space<hbm>> -> memref<80xi32, #tpu.memory_space<hbm>>
      %dma_start3A_490 = tpu.memref_slice %arg2[%multiple_of3A_488] : memref<320000xi32, #tpu.memory_space<hbm>> -> memref<80xi32, #tpu.memory_space<hbm>>
      tpu.enqueue_dma source(%dma_start3A_490 : memref<80xi32, #tpu.memory_space<hbm>>) target(%arg15 : memref<80xi32, #tpu.memory_space<vmem>>) target_semaphore(%arg39 : memref<!tpu.dma_semaphore, #tpu.memory_space<semaphore_mem>>)
      %add3A_491 = arith.constant 2 : i32
      %add3A_492 = arith.addi %add3A_477, %add3A_491 : i32
      %mul3A_493 = arith.constant 10000 : i32
      %mul3A_494 = arith.muli %add3A, %mul3A_493 : i32
      %mul3A_495 = arith.constant 80 : i32
      %mul3A_496 = arith.muli %add3A_492, %mul3A_495 : i32
      %add3A_497 = arith.addi %mul3A_494, %mul3A_496 : i32
      %multiple_of3A_498 = tpu.assume_multiple %add3A_497, 8 : i32
      %dma_start3A_499 = tpu.memref_slice %arg3[%multiple_of3A_498] : memref<320000xi32, #tpu.memory_space<hbm>> -> memref<80xi32, #tpu.memory_space<hbm>>
      %dma_start3A_500 = tpu.memref_slice %arg3[%multiple_of3A_498] : memref<320000xi32, #tpu.memory_space<hbm>> -> memref<80xi32, #tpu.memory_space<hbm>>
      tpu.enqueue_dma source(%dma_start3A_500 : memref<80xi32, #tpu.memory_space<hbm>>) target(%arg23 : memref<80xi32, #tpu.memory_space<vmem>>) target_semaphore(%arg47 : memref<!tpu.dma_semaphore, #tpu.memory_space<semaphore_mem>>)
      %dma_wait3A_501 = arith.constant 0 : i32
      %dma_wait3A_502 = tpu.memref_slice %arg2[%dma_wait3A_501] : memref<320000xi32, #tpu.memory_space<hbm>> -> memref<80xi32, #tpu.memory_space<hbm>>
      %dma_wait3A_503 = arith.constant 0 : i32
      %dma_wait3A_504 = tpu.memref_slice %arg2[%dma_wait3A_503] : memref<320000xi32, #tpu.memory_space<hbm>> -> memref<80xi32, #tpu.memory_space<hbm>>
      tpu.wait_dma2 semaphore(%arg38 : memref<!tpu.dma_semaphore, #tpu.memory_space<semaphore_mem>>) src(%dma_wait3A_504 : memref<80xi32, #tpu.memory_space<hbm>>) dst(%arg14 : memref<80xi32, #tpu.memory_space<vmem>>)
      %dma_start3A_505 = arith.constant 0 : i32
      %dma_start3A_506 = arith.constant 0 : i32
      %dma_start3A_507 = tpu.memref_slice %arg4[%dma_start3A_505, %dma_start3A_506] : memref<10112x128xf32, #tpu.memory_space<hbm>> -> memref<10112x128xf32, #tpu.memory_space<hbm>>
      tpu.enqueue_indirect_dma source(%dma_start3A_507 : memref<10112x128xf32, #tpu.memory_space<hbm>>) target(%arg10 : memref<80x128xf32, #tpu.memory_space<vmem>>) offsets(%arg14 : memref<80xi32, #tpu.memory_space<vmem>>) semaphore(%arg30 : memref<!tpu.dma_semaphore, #tpu.memory_space<semaphore_mem>>)
      %dma_wait3A_508 = arith.constant 0 : i32
      %dma_wait3A_509 = arith.constant 0 : i32
      %dma_wait3A_510 = tpu.memref_slice %arg4[%dma_wait3A_508, %dma_wait3A_509] : memref<10112x128xf32, #tpu.memory_space<hbm>> -> memref<10112x128xf32, #tpu.memory_space<hbm>>
      tpu.wait_indirect_dma semaphore(%arg29 : memref<!tpu.dma_semaphore, #tpu.memory_space<semaphore_mem>>) src(%dma_wait3A_510 : memref<10112x128xf32, #tpu.memory_space<hbm>>) dst(%arg9 : memref<80x128xf32, #tpu.memory_space<vmem>>)
      %dma_wait3A_511 = arith.constant 0 : i32
      %dma_wait3A_512 = tpu.memref_slice %arg3[%dma_wait3A_511] : memref<320000xi32, #tpu.memory_space<hbm>> -> memref<80xi32, #tpu.memory_space<hbm>>
      %dma_wait3A_513 = arith.constant 0 : i32
      %dma_wait3A_514 = tpu.memref_slice %arg3[%dma_wait3A_513] : memref<320000xi32, #tpu.memory_space<hbm>> -> memref<80xi32, #tpu.memory_space<hbm>>
      tpu.wait_dma2 semaphore(%arg45 : memref<!tpu.dma_semaphore, #tpu.memory_space<semaphore_mem>>) src(%dma_wait3A_514 : memref<80xi32, #tpu.memory_space<hbm>>) dst(%arg21 : memref<80xi32, #tpu.memory_space<vmem>>)
      %dma_start3A_515 = arith.constant 0 : i32
      %dma_start3A_516 = arith.constant 0 : i32
      %dma_start3A_517 = tpu.memref_slice %arg6[%dma_start3A_515, %dma_start3A_516] : memref<10112x128xf32, #tpu.memory_space<vmem_shared>> -> memref<10112x128xf32, #tpu.memory_space<vmem_shared>>
      tpu.enqueue_indirect_dma source(%arg9 : memref<80x128xf32, #tpu.memory_space<vmem>>) target(%dma_start3A_517 : memref<10112x128xf32, #tpu.memory_space<vmem_shared>>) offsets(%arg21 : memref<80xi32, #tpu.memory_space<vmem>>) semaphore(%arg33 : memref<!tpu.dma_semaphore, #tpu.memory_space<semaphore_mem>>) {add = true}
    }
    %scan3A_133 = arith.constant 15 : i32
    %dma_wait3A_134 = arith.constant 0 : i32
    %dma_wait3A_135 = arith.constant 0 : i32
    %dma_wait3A_136 = tpu.memref_slice %arg6[%dma_wait3A_134, %dma_wait3A_135] : memref<10112x128xf32, #tpu.memory_space<vmem_shared>> -> memref<10112x128xf32, #tpu.memory_space<vmem_shared>>
    tpu.wait_indirect_dma semaphore(%arg31 : memref<!tpu.dma_semaphore, #tpu.memory_space<semaphore_mem>>) src(%arg7 : memref<80x128xf32, #tpu.memory_space<vmem>>) dst(%dma_wait3A_136 : memref<10112x128xf32, #tpu.memory_space<vmem_shared>>)
    %dma_wait3A_137 = arith.constant 0 : i32
    %dma_wait3A_138 = tpu.memref_slice %arg2[%dma_wait3A_137] : memref<320000xi32, #tpu.memory_space<hbm>> -> memref<80xi32, #tpu.memory_space<hbm>>
    %dma_wait3A_139 = arith.constant 0 : i32
    %dma_wait3A_140 = tpu.memref_slice %arg2[%dma_wait3A_139] : memref<320000xi32, #tpu.memory_space<hbm>> -> memref<80xi32, #tpu.memory_space<hbm>>
    tpu.wait_dma2 semaphore(%arg39 : memref<!tpu.dma_semaphore, #tpu.memory_space<semaphore_mem>>) src(%dma_wait3A_140 : memref<80xi32, #tpu.memory_space<hbm>>) dst(%arg15 : memref<80xi32, #tpu.memory_space<vmem>>)
    %dma_start3A_141 = arith.constant 0 : i32
    %dma_start3A_142 = arith.constant 0 : i32
    %dma_start3A_143 = tpu.memref_slice %arg4[%dma_start3A_141, %dma_start3A_142] : memref<10112x128xf32, #tpu.memory_space<hbm>> -> memref<10112x128xf32, #tpu.memory_space<hbm>>
    tpu.enqueue_indirect_dma source(%dma_start3A_143 : memref<10112x128xf32, #tpu.memory_space<hbm>>) target(%arg7 : memref<80x128xf32, #tpu.memory_space<vmem>>) offsets(%arg15 : memref<80xi32, #tpu.memory_space<vmem>>) semaphore(%arg27 : memref<!tpu.dma_semaphore, #tpu.memory_space<semaphore_mem>>)
    %dma_wait3A_144 = arith.constant 0 : i32
    %dma_wait3A_145 = arith.constant 0 : i32
    %dma_wait3A_146 = tpu.memref_slice %arg4[%dma_wait3A_144, %dma_wait3A_145] : memref<10112x128xf32, #tpu.memory_space<hbm>> -> memref<10112x128xf32, #tpu.memory_space<hbm>>
    tpu.wait_indirect_dma semaphore(%arg30 : memref<!tpu.dma_semaphore, #tpu.memory_space<semaphore_mem>>) src(%dma_wait3A_146 : memref<10112x128xf32, #tpu.memory_space<hbm>>) dst(%arg10 : memref<80x128xf32, #tpu.memory_space<vmem>>)
    %dma_wait3A_147 = arith.constant 0 : i32
    %dma_wait3A_148 = tpu.memref_slice %arg3[%dma_wait3A_147] : memref<320000xi32, #tpu.memory_space<hbm>> -> memref<80xi32, #tpu.memory_space<hbm>>
    %dma_wait3A_149 = arith.constant 0 : i32
    %dma_wait3A_150 = tpu.memref_slice %arg3[%dma_wait3A_149] : memref<320000xi32, #tpu.memory_space<hbm>> -> memref<80xi32, #tpu.memory_space<hbm>>
    tpu.wait_dma2 semaphore(%arg46 : memref<!tpu.dma_semaphore, #tpu.memory_space<semaphore_mem>>) src(%dma_wait3A_150 : memref<80xi32, #tpu.memory_space<hbm>>) dst(%arg22 : memref<80xi32, #tpu.memory_space<vmem>>)
    %dma_start3A_151 = arith.constant 0 : i32
    %dma_start3A_152 = arith.constant 0 : i32
    %dma_start3A_153 = tpu.memref_slice %arg6[%dma_start3A_151, %dma_start3A_152] : memref<10112x128xf32, #tpu.memory_space<vmem_shared>> -> memref<10112x128xf32, #tpu.memory_space<vmem_shared>>
    tpu.enqueue_indirect_dma source(%arg10 : memref<80x128xf32, #tpu.memory_space<vmem>>) target(%dma_start3A_153 : memref<10112x128xf32, #tpu.memory_space<vmem_shared>>) offsets(%arg22 : memref<80xi32, #tpu.memory_space<vmem>>) semaphore(%arg34 : memref<!tpu.dma_semaphore, #tpu.memory_space<semaphore_mem>>) {add = true}
    %dma_wait3A_154 = arith.constant 0 : i32
    %dma_wait3A_155 = arith.constant 0 : i32
    %dma_wait3A_156 = tpu.memref_slice %arg6[%dma_wait3A_154, %dma_wait3A_155] : memref<10112x128xf32, #tpu.memory_space<vmem_shared>> -> memref<10112x128xf32, #tpu.memory_space<vmem_shared>>
    tpu.wait_indirect_dma semaphore(%arg32 : memref<!tpu.dma_semaphore, #tpu.memory_space<semaphore_mem>>) src(%arg8 : memref<80x128xf32, #tpu.memory_space<vmem>>) dst(%dma_wait3A_156 : memref<10112x128xf32, #tpu.memory_space<vmem_shared>>)
    %dma_wait3A_157 = arith.constant 0 : i32
    %dma_wait3A_158 = arith.constant 0 : i32
    %dma_wait3A_159 = tpu.memref_slice %arg4[%dma_wait3A_157, %dma_wait3A_158] : memref<10112x128xf32, #tpu.memory_space<hbm>> -> memref<10112x128xf32, #tpu.memory_space<hbm>>
    tpu.wait_indirect_dma semaphore(%arg27 : memref<!tpu.dma_semaphore, #tpu.memory_space<semaphore_mem>>) src(%dma_wait3A_159 : memref<10112x128xf32, #tpu.memory_space<hbm>>) dst(%arg7 : memref<80x128xf32, #tpu.memory_space<vmem>>)
    %dma_wait3A_160 = arith.constant 0 : i32
    %dma_wait3A_161 = tpu.memref_slice %arg3[%dma_wait3A_160] : memref<320000xi32, #tpu.memory_space<hbm>> -> memref<80xi32, #tpu.memory_space<hbm>>
    %dma_wait3A_162 = arith.constant 0 : i32
    %dma_wait3A_163 = tpu.memref_slice %arg3[%dma_wait3A_162] : memref<320000xi32, #tpu.memory_space<hbm>> -> memref<80xi32, #tpu.memory_space<hbm>>
    tpu.wait_dma2 semaphore(%arg47 : memref<!tpu.dma_semaphore, #tpu.memory_space<semaphore_mem>>) src(%dma_wait3A_163 : memref<80xi32, #tpu.memory_space<hbm>>) dst(%arg23 : memref<80xi32, #tpu.memory_space<vmem>>)
    %dma_start3A_164 = arith.constant 0 : i32
    %dma_start3A_165 = arith.constant 0 : i32
    %dma_start3A_166 = tpu.memref_slice %arg6[%dma_start3A_164, %dma_start3A_165] : memref<10112x128xf32, #tpu.memory_space<vmem_shared>> -> memref<10112x128xf32, #tpu.memory_space<vmem_shared>>
    tpu.enqueue_indirect_dma source(%arg7 : memref<80x128xf32, #tpu.memory_space<vmem>>) target(%dma_start3A_166 : memref<10112x128xf32, #tpu.memory_space<vmem_shared>>) offsets(%arg23 : memref<80xi32, #tpu.memory_space<vmem>>) semaphore(%arg31 : memref<!tpu.dma_semaphore, #tpu.memory_space<semaphore_mem>>) {add = true}
    %dma_wait3A_167 = arith.constant 0 : i32
    %dma_wait3A_168 = arith.constant 0 : i32
    %dma_wait3A_169 = tpu.memref_slice %arg6[%dma_wait3A_167, %dma_wait3A_168] : memref<10112x128xf32, #tpu.memory_space<vmem_shared>> -> memref<10112x128xf32, #tpu.memory_space<vmem_shared>>
    tpu.wait_indirect_dma semaphore(%arg33 : memref<!tpu.dma_semaphore, #tpu.memory_space<semaphore_mem>>) src(%arg9 : memref<80x128xf32, #tpu.memory_space<vmem>>) dst(%dma_wait3A_169 : memref<10112x128xf32, #tpu.memory_space<vmem_shared>>)
    %dma_wait3A_170 = arith.constant 0 : i32
    %dma_wait3A_171 = arith.constant 0 : i32
    %dma_wait3A_172 = tpu.memref_slice %arg6[%dma_wait3A_170, %dma_wait3A_171] : memref<10112x128xf32, #tpu.memory_space<vmem_shared>> -> memref<10112x128xf32, #tpu.memory_space<vmem_shared>>
    tpu.wait_indirect_dma semaphore(%arg34 : memref<!tpu.dma_semaphore, #tpu.memory_space<semaphore_mem>>) src(%arg10 : memref<80x128xf32, #tpu.memory_space<vmem>>) dst(%dma_wait3A_172 : memref<10112x128xf32, #tpu.memory_space<vmem_shared>>)
    %dma_wait3A_173 = arith.constant 0 : i32
    %dma_wait3A_174 = arith.constant 0 : i32
    %dma_wait3A_175 = tpu.memref_slice %arg6[%dma_wait3A_173, %dma_wait3A_174] : memref<10112x128xf32, #tpu.memory_space<vmem_shared>> -> memref<10112x128xf32, #tpu.memory_space<vmem_shared>>
    tpu.wait_indirect_dma semaphore(%arg31 : memref<!tpu.dma_semaphore, #tpu.memory_space<semaphore_mem>>) src(%arg7 : memref<80x128xf32, #tpu.memory_space<vmem>>) dst(%dma_wait3A_175 : memref<10112x128xf32, #tpu.memory_space<vmem_shared>>)
    %barrier3A_176 = arith.constant 0 : index
    tpu.barrier barrier_id(%barrier3A_176)
    "tpu.region"() ({
      %run_scoped3A = tpu.sem_alloc : memref<!tpu.dma_semaphore, #tpu.memory_space<semaphore_mem>>
      %dma_start3A_177 = arith.constant 0 : i32
      %dma_start3A_178 = tpu.memref_slice %arg5[%arg0, %multiple_of3A, %dma_start3A_177] : memref<2x10112x128xf32, #tpu.memory_space<hbm>> -> memref<1x632x128xf32, #tpu.memory_space<hbm>>
      %dma_start3A_179 = tpu.memref_squeeze %dma_start3A_178 : memref<1x632x128xf32, #tpu.memory_space<hbm>> -> memref<632x128xf32, #tpu.memory_space<hbm>>
      %dma_start3A_180 = arith.constant 0 : i32
      %dma_start3A_181 = tpu.memref_slice %arg6[%multiple_of3A, %dma_start3A_180] : memref<10112x128xf32, #tpu.memory_space<vmem_shared>> -> memref<632x128xf32, #tpu.memory_space<vmem_shared>>
      tpu.enqueue_dma source(%dma_start3A_181 : memref<632x128xf32, #tpu.memory_space<vmem_shared>>) target(%dma_start3A_179 : memref<632x128xf32, #tpu.memory_space<hbm>>) target_semaphore(%run_scoped3A : memref<!tpu.dma_semaphore, #tpu.memory_space<semaphore_mem>>)
      %dma_wait3A_182 = arith.constant 0 : i32
      %dma_wait3A_183 = tpu.memref_slice %arg5[%arg0, %multiple_of3A, %dma_wait3A_182] : memref<2x10112x128xf32, #tpu.memory_space<hbm>> -> memref<1x632x128xf32, #tpu.memory_space<hbm>>
      %dma_wait3A_184 = tpu.memref_squeeze %dma_wait3A_183 : memref<1x632x128xf32, #tpu.memory_space<hbm>> -> memref<632x128xf32, #tpu.memory_space<hbm>>
      %dma_wait3A_185 = arith.constant 0 : i32
      %dma_wait3A_186 = tpu.memref_slice %arg6[%multiple_of3A, %dma_wait3A_185] : memref<10112x128xf32, #tpu.memory_space<vmem_shared>> -> memref<632x128xf32, #tpu.memory_space<vmem_shared>>
      tpu.wait_dma2 semaphore(%run_scoped3A : memref<!tpu.dma_semaphore, #tpu.memory_space<semaphore_mem>>) src(%dma_wait3A_186 : memref<632x128xf32, #tpu.memory_space<vmem_shared>>) dst(%dma_wait3A_184 : memref<632x128xf32, #tpu.memory_space<hbm>>)
      tpu.yield
    }) : () -> ()
    return
  }
}

#map = affine_map<(d0, d1) -> (0)>
#map1 = affine_map<(d0, d1) -> (0, 0)>
#map2 = affine_map<(d0, d1) -> (0, 0, 0)>
module attributes {stable_mosaic.version = 14 : i64} {
  func.func @_scatter_kernel(%arg0: i32, %arg1: i32, %arg2: memref<320000xi32, #tpu.memory_space<hbm>>, %arg3: memref<320000xi32, #tpu.memory_space<hbm>>, %arg4: memref<10112x128xf32, #tpu.memory_space<hbm>>, %arg5: memref<2x10112x128xf32, #tpu.memory_space<hbm>>, %arg6: memref<10112x128xf32, #tpu.memory_space<vmem_shared>>, %arg7: memref<80x128xf32, #tpu.memory_space<vmem>>, %arg8: memref<80x128xf32, #tpu.memory_space<vmem>>, %arg9: memref<80x128xf32, #tpu.memory_space<vmem>>, %arg10: memref<80x128xf32, #tpu.memory_space<vmem>>, %arg11: memref<80xi32, #tpu.memory_space<vmem>>, %arg12: memref<80xi32, #tpu.memory_space<vmem>>, %arg13: memref<80xi32, #tpu.memory_space<vmem>>, %arg14: memref<80xi32, #tpu.memory_space<vmem>>, %arg15: memref<80xi32, #tpu.memory_space<vmem>>, %arg16: memref<80xi32, #tpu.memory_space<vmem>>, %arg17: memref<80xi32, #tpu.memory_space<vmem>>, %arg18: memref<80xi32, #tpu.memory_space<vmem>>, %arg19: memref<80xi32, #tpu.memory_space<vmem>>, %arg20: memref<80xi32, #tpu.memory_space<vmem>>, %arg21: memref<80xi32, #tpu.memory_space<vmem>>, %arg22: memref<80xi32, #tpu.memory_space<vmem>>, %arg23: memref<80xi32, #tpu.memory_space<vmem>>, %arg24: memref<80xi32, #tpu.memory_space<vmem>>, %arg25: memref<80xi32, #tpu.memory_space<vmem>>, %arg26: memref<80xi32, #tpu.memory_space<vmem>>, %arg27: memref<!tpu.dma_semaphore, #tpu.memory_space<semaphore_mem>>, %arg28: memref<!tpu.dma_semaphore, #tpu.memory_space<semaphore_mem>>, %arg29: memref<!tpu.dma_semaphore, #tpu.memory_space<semaphore_mem>>, %arg30: memref<!tpu.dma_semaphore, #tpu.memory_space<semaphore_mem>>, %arg31: memref<!tpu.dma_semaphore, #tpu.memory_space<semaphore_mem>>, %arg32: memref<!tpu.dma_semaphore, #tpu.memory_space<semaphore_mem>>, %arg33: memref<!tpu.dma_semaphore, #tpu.memory_space<semaphore_mem>>, %arg34: memref<!tpu.dma_semaphore, #tpu.memory_space<semaphore_mem>>, %arg35: memref<!tpu.dma_semaphore, #tpu.memory_space<semaphore_mem>>, %arg36: memref<!tpu.dma_semaphore, #tpu.memory_space<semaphore_mem>>, %arg37: memref<!tpu.dma_semaphore, #tpu.memory_space<semaphore_mem>>, %arg38: memref<!tpu.dma_semaphore, #tpu.memory_space<semaphore_mem>>, %arg39: memref<!tpu.dma_semaphore, #tpu.memory_space<semaphore_mem>>, %arg40: memref<!tpu.dma_semaphore, #tpu.memory_space<semaphore_mem>>, %arg41: memref<!tpu.dma_semaphore, #tpu.memory_space<semaphore_mem>>, %arg42: memref<!tpu.dma_semaphore, #tpu.memory_space<semaphore_mem>>, %arg43: memref<!tpu.dma_semaphore, #tpu.memory_space<semaphore_mem>>, %arg44: memref<!tpu.dma_semaphore, #tpu.memory_space<semaphore_mem>>, %arg45: memref<!tpu.dma_semaphore, #tpu.memory_space<semaphore_mem>>, %arg46: memref<!tpu.dma_semaphore, #tpu.memory_space<semaphore_mem>>, %arg47: memref<!tpu.dma_semaphore, #tpu.memory_space<semaphore_mem>>, %arg48: memref<!tpu.dma_semaphore, #tpu.memory_space<semaphore_mem>>, %arg49: memref<!tpu.dma_semaphore, #tpu.memory_space<semaphore_mem>>, %arg50: memref<!tpu.dma_semaphore, #tpu.memory_space<semaphore_mem>>) attributes {dimension_semantics = [#tpu.dimension_semantics<core_parallel>, #tpu.dimension_semantics<subcore_parallel>], iteration_bounds = array<i64: 2, 16>, scalar_prefetch = 0 : i64, scratch_operands = 45 : i64, tpu.core_type = #tpu.core_type<sc_vector_subcore>, window_params = [{transform_indices = #map}, {transform_indices = #map}, {transform_indices = #map1}, {transform_indices = #map2}]} {
    %mul3A = arith.constant 16 : i32
    %mul3A_0 = arith.muli %arg0, %mul3A : i32
    %add3A = arith.addi %mul3A_0, %arg1 : i32
    %mul3A_1 = arith.constant 632 : i32
    %mul3A_2 = arith.muli %arg1, %mul3A_1 : i32
    %multiple_of3A = tpu.assume_multiple %mul3A_2, 8 : i32
    "tpu.region"() ({
      %run_scoped3A = tpu.sem_alloc : memref<!tpu.dma_semaphore, #tpu.memory_space<semaphore_mem>>
      %dma_start3A_177 = arith.constant 0 : i32
      %dma_start3A_178 = tpu.memref_slice %arg6[%multiple_of3A, %dma_start3A_177] : memref<10112x128xf32, #tpu.memory_space<vmem_shared>> -> memref<632x128xf32, #tpu.memory_space<vmem_shared>>
      %dma_start3A_179 = arith.constant 0 : i32
      %dma_start3A_180 = tpu.memref_slice %arg4[%multiple_of3A, %dma_start3A_179] : memref<10112x128xf32, #tpu.memory_space<hbm>> -> memref<632x128xf32, #tpu.memory_space<hbm>>
      tpu.enqueue_dma source(%dma_start3A_180 : memref<632x128xf32, #tpu.memory_space<hbm>>) target(%dma_start3A_178 : memref<632x128xf32, #tpu.memory_space<vmem_shared>>) target_semaphore(%run_scoped3A : memref<!tpu.dma_semaphore, #tpu.memory_space<semaphore_mem>>)
      %dma_wait3A_181 = arith.constant 0 : i32
      %dma_wait3A_182 = tpu.memref_slice %arg6[%multiple_of3A, %dma_wait3A_181] : memref<10112x128xf32, #tpu.memory_space<vmem_shared>> -> memref<632x128xf32, #tpu.memory_space<vmem_shared>>
      %dma_wait3A_183 = arith.constant 0 : i32
      %dma_wait3A_184 = tpu.memref_slice %arg4[%multiple_of3A, %dma_wait3A_183] : memref<10112x128xf32, #tpu.memory_space<hbm>> -> memref<632x128xf32, #tpu.memory_space<hbm>>
      tpu.wait_dma2 semaphore(%run_scoped3A : memref<!tpu.dma_semaphore, #tpu.memory_space<semaphore_mem>>) src(%dma_wait3A_184 : memref<632x128xf32, #tpu.memory_space<hbm>>) dst(%dma_wait3A_182 : memref<632x128xf32, #tpu.memory_space<vmem_shared>>)
      tpu.yield
    }) : () -> ()
    %barrier3A = arith.constant 0 : index
    tpu.barrier barrier_id(%barrier3A)
    %mul3A_3 = arith.constant 10000 : i32
    %mul3A_4 = arith.muli %add3A, %mul3A_3 : i32
    %add3A_5 = arith.constant 0 : i32
    %add3A_6 = arith.addi %mul3A_4, %add3A_5 : i32
    %multiple_of3A_7 = tpu.assume_multiple %add3A_6, 8 : i32
    %dma_start3A = tpu.memref_slice %arg2[%multiple_of3A_7] : memref<320000xi32, #tpu.memory_space<hbm>> -> memref<80xi32, #tpu.memory_space<hbm>>
    %dma_start3A_8 = tpu.memref_slice %arg2[%multiple_of3A_7] : memref<320000xi32, #tpu.memory_space<hbm>> -> memref<80xi32, #tpu.memory_space<hbm>>
    tpu.enqueue_dma source(%dma_start3A_8 : memref<80xi32, #tpu.memory_space<hbm>>) target(%arg11 : memref<80xi32, #tpu.memory_space<vmem>>) target_semaphore(%arg35 : memref<!tpu.dma_semaphore, #tpu.memory_space<semaphore_mem>>)
    %mul3A_9 = arith.constant 10000 : i32
    %mul3A_10 = arith.muli %add3A, %mul3A_9 : i32
    %add3A_11 = arith.constant 0 : i32
    %add3A_12 = arith.addi %mul3A_10, %add3A_11 : i32
    %multiple_of3A_13 = tpu.assume_multiple %add3A_12, 8 : i32
    %dma_start3A_14 = tpu.memref_slice %arg3[%multiple_of3A_13] : memref<320000xi32, #tpu.memory_space<hbm>> -> memref<80xi32, #tpu.memory_space<hbm>>
    %dma_start3A_15 = tpu.memref_slice %arg3[%multiple_of3A_13] : memref<320000xi32, #tpu.memory_space<hbm>> -> memref<80xi32, #tpu.memory_space<hbm>>
    tpu.enqueue_dma source(%dma_start3A_15 : memref<80xi32, #tpu.memory_space<hbm>>) target(%arg19 : memref<80xi32, #tpu.memory_space<vmem>>) target_semaphore(%arg43 : memref<!tpu.dma_semaphore, #tpu.memory_space<semaphore_mem>>)
    %mul3A_16 = arith.constant 10000 : i32
    %mul3A_17 = arith.muli %add3A, %mul3A_16 : i32
    %add3A_18 = arith.constant 80 : i32
    %add3A_19 = arith.addi %mul3A_17, %add3A_18 : i32
    %multiple_of3A_20 = tpu.assume_multiple %add3A_19, 8 : i32
    %dma_start3A_21 = tpu.memref_slice %arg2[%multiple_of3A_20] : memref<320000xi32, #tpu.memory_space<hbm>> -> memref<80xi32, #tpu.memory_space<hbm>>
    %dma_start3A_22 = tpu.memref_slice %arg2[%multiple_of3A_20] : memref<320000xi32, #tpu.memory_space<hbm>> -> memref<80xi32, #tpu.memory_space<hbm>>
    tpu.enqueue_dma source(%dma_start3A_22 : memref<80xi32, #tpu.memory_space<hbm>>) target(%arg12 : memref<80xi32, #tpu.memory_space<vmem>>) target_semaphore(%arg36 : memref<!tpu.dma_semaphore, #tpu.memory_space<semaphore_mem>>)
    %mul3A_23 = arith.constant 10000 : i32
    %mul3A_24 = arith.muli %add3A, %mul3A_23 : i32
    %add3A_25 = arith.constant 80 : i32
    %add3A_26 = arith.addi %mul3A_24, %add3A_25 : i32
    %multiple_of3A_27 = tpu.assume_multiple %add3A_26, 8 : i32
    %dma_start3A_28 = tpu.memref_slice %arg3[%multiple_of3A_27] : memref<320000xi32, #tpu.memory_space<hbm>> -> memref<80xi32, #tpu.memory_space<hbm>>
    %dma_start3A_29 = tpu.memref_slice %arg3[%multiple_of3A_27] : memref<320000xi32, #tpu.memory_space<hbm>> -> memref<80xi32, #tpu.memory_space<hbm>>
    tpu.enqueue_dma source(%dma_start3A_29 : memref<80xi32, #tpu.memory_space<hbm>>) target(%arg20 : memref<80xi32, #tpu.memory_space<vmem>>) target_semaphore(%arg44 : memref<!tpu.dma_semaphore, #tpu.memory_space<semaphore_mem>>)
    %dma_wait3A = arith.constant 0 : i32
    %dma_wait3A_30 = tpu.memref_slice %arg2[%dma_wait3A] : memref<320000xi32, #tpu.memory_space<hbm>> -> memref<80xi32, #tpu.memory_space<hbm>>
    %dma_wait3A_31 = arith.constant 0 : i32
    %dma_wait3A_32 = tpu.memref_slice %arg2[%dma_wait3A_31] : memref<320000xi32, #tpu.memory_space<hbm>> -> memref<80xi32, #tpu.memory_space<hbm>>
    tpu.wait_dma2 semaphore(%arg35 : memref<!tpu.dma_semaphore, #tpu.memory_space<semaphore_mem>>) src(%dma_wait3A_32 : memref<80xi32, #tpu.memory_space<hbm>>) dst(%arg11 : memref<80xi32, #tpu.memory_space<vmem>>)
    %dma_start3A_33 = arith.constant 0 : i32
    %dma_start3A_34 = arith.constant 0 : i32
    %dma_start3A_35 = tpu.memref_slice %arg4[%dma_start3A_33, %dma_start3A_34] : memref<10112x128xf32, #tpu.memory_space<hbm>> -> memref<10112x128xf32, #tpu.memory_space<hbm>>
    tpu.enqueue_indirect_dma source(%dma_start3A_35 : memref<10112x128xf32, #tpu.memory_space<hbm>>) target(%arg7 : memref<80x128xf32, #tpu.memory_space<vmem>>) offsets(%arg11 : memref<80xi32, #tpu.memory_space<vmem>>) semaphore(%arg27 : memref<!tpu.dma_semaphore, #tpu.memory_space<semaphore_mem>>)
    %mul3A_36 = arith.constant 10000 : i32
    %mul3A_37 = arith.muli %add3A, %mul3A_36 : i32
    %add3A_38 = arith.constant 160 : i32
    %add3A_39 = arith.addi %mul3A_37, %add3A_38 : i32
    %multiple_of3A_40 = tpu.assume_multiple %add3A_39, 8 : i32
    %dma_start3A_41 = tpu.memref_slice %arg2[%multiple_of3A_40] : memref<320000xi32, #tpu.memory_space<hbm>> -> memref<80xi32, #tpu.memory_space<hbm>>
    %dma_start3A_42 = tpu.memref_slice %arg2[%multiple_of3A_40] : memref<320000xi32, #tpu.memory_space<hbm>> -> memref<80xi32, #tpu.memory_space<hbm>>
    tpu.enqueue_dma source(%dma_start3A_42 : memref<80xi32, #tpu.memory_space<hbm>>) target(%arg13 : memref<80xi32, #tpu.memory_space<vmem>>) target_semaphore(%arg37 : memref<!tpu.dma_semaphore, #tpu.memory_space<semaphore_mem>>)
    %mul3A_43 = arith.constant 10000 : i32
    %mul3A_44 = arith.muli %add3A, %mul3A_43 : i32
    %add3A_45 = arith.constant 160 : i32
    %add3A_46 = arith.addi %mul3A_44, %add3A_45 : i32
    %multiple_of3A_47 = tpu.assume_multiple %add3A_46, 8 : i32
    %dma_start3A_48 = tpu.memref_slice %arg3[%multiple_of3A_47] : memref<320000xi32, #tpu.memory_space<hbm>> -> memref<80xi32, #tpu.memory_space<hbm>>
    %dma_start3A_49 = tpu.memref_slice %arg3[%multiple_of3A_47] : memref<320000xi32, #tpu.memory_space<hbm>> -> memref<80xi32, #tpu.memory_space<hbm>>
    tpu.enqueue_dma source(%dma_start3A_49 : memref<80xi32, #tpu.memory_space<hbm>>) target(%arg21 : memref<80xi32, #tpu.memory_space<vmem>>) target_semaphore(%arg45 : memref<!tpu.dma_semaphore, #tpu.memory_space<semaphore_mem>>)
    %dma_wait3A_50 = arith.constant 0 : i32
    %dma_wait3A_51 = tpu.memref_slice %arg2[%dma_wait3A_50] : memref<320000xi32, #tpu.memory_space<hbm>> -> memref<80xi32, #tpu.memory_space<hbm>>
    %dma_wait3A_52 = arith.constant 0 : i32
    %dma_wait3A_53 = tpu.memref_slice %arg2[%dma_wait3A_52] : memref<320000xi32, #tpu.memory_space<hbm>> -> memref<80xi32, #tpu.memory_space<hbm>>
    tpu.wait_dma2 semaphore(%arg36 : memref<!tpu.dma_semaphore, #tpu.memory_space<semaphore_mem>>) src(%dma_wait3A_53 : memref<80xi32, #tpu.memory_space<hbm>>) dst(%arg12 : memref<80xi32, #tpu.memory_space<vmem>>)
    %dma_start3A_54 = arith.constant 0 : i32
    %dma_start3A_55 = arith.constant 0 : i32
    %dma_start3A_56 = tpu.memref_slice %arg4[%dma_start3A_54, %dma_start3A_55] : memref<10112x128xf32, #tpu.memory_space<hbm>> -> memref<10112x128xf32, #tpu.memory_space<hbm>>
    tpu.enqueue_indirect_dma source(%dma_start3A_56 : memref<10112x128xf32, #tpu.memory_space<hbm>>) target(%arg8 : memref<80x128xf32, #tpu.memory_space<vmem>>) offsets(%arg12 : memref<80xi32, #tpu.memory_space<vmem>>) semaphore(%arg28 : memref<!tpu.dma_semaphore, #tpu.memory_space<semaphore_mem>>)
    %dma_wait3A_57 = arith.constant 0 : i32
    %dma_wait3A_58 = arith.constant 0 : i32
    %dma_wait3A_59 = tpu.memref_slice %arg4[%dma_wait3A_57, %dma_wait3A_58] : memref<10112x128xf32, #tpu.memory_space<hbm>> -> memref<10112x128xf32, #tpu.memory_space<hbm>>
    tpu.wait_indirect_dma semaphore(%arg27 : memref<!tpu.dma_semaphore, #tpu.memory_space<semaphore_mem>>) src(%dma_wait3A_59 : memref<10112x128xf32, #tpu.memory_space<hbm>>) dst(%arg7 : memref<80x128xf32, #tpu.memory_space<vmem>>)
    %dma_wait3A_60 = arith.constant 0 : i32
    %dma_wait3A_61 = tpu.memref_slice %arg3[%dma_wait3A_60] : memref<320000xi32, #tpu.memory_space<hbm>> -> memref<80xi32, #tpu.memory_space<hbm>>
    %dma_wait3A_62 = arith.constant 0 : i32
    %dma_wait3A_63 = tpu.memref_slice %arg3[%dma_wait3A_62] : memref<320000xi32, #tpu.memory_space<hbm>> -> memref<80xi32, #tpu.memory_space<hbm>>
    tpu.wait_dma2 semaphore(%arg43 : memref<!tpu.dma_semaphore, #tpu.memory_space<semaphore_mem>>) src(%dma_wait3A_63 : memref<80xi32, #tpu.memory_space<hbm>>) dst(%arg19 : memref<80xi32, #tpu.memory_space<vmem>>)
    %dma_start3A_64 = arith.constant 0 : i32
    %dma_start3A_65 = arith.constant 0 : i32
    %dma_start3A_66 = tpu.memref_slice %arg6[%dma_start3A_64, %dma_start3A_65] : memref<10112x128xf32, #tpu.memory_space<vmem_shared>> -> memref<10112x128xf32, #tpu.memory_space<vmem_shared>>
    tpu.enqueue_indirect_dma source(%arg7 : memref<80x128xf32, #tpu.memory_space<vmem>>) target(%dma_start3A_66 : memref<10112x128xf32, #tpu.memory_space<vmem_shared>>) offsets(%arg19 : memref<80xi32, #tpu.memory_space<vmem>>) semaphore(%arg31 : memref<!tpu.dma_semaphore, #tpu.memory_space<semaphore_mem>>) {add = true}
    %mul3A_67 = arith.constant 10000 : i32
    %mul3A_68 = arith.muli %add3A, %mul3A_67 : i32
    %add3A_69 = arith.constant 240 : i32
    %add3A_70 = arith.addi %mul3A_68, %add3A_69 : i32
    %multiple_of3A_71 = tpu.assume_multiple %add3A_70, 8 : i32
    %dma_start3A_72 = tpu.memref_slice %arg2[%multiple_of3A_71] : memref<320000xi32, #tpu.memory_space<hbm>> -> memref<80xi32, #tpu.memory_space<hbm>>
    %dma_start3A_73 = tpu.memref_slice %arg2[%multiple_of3A_71] : memref<320000xi32, #tpu.memory_space<hbm>> -> memref<80xi32, #tpu.memory_space<hbm>>
    tpu.enqueue_dma source(%dma_start3A_73 : memref<80xi32, #tpu.memory_space<hbm>>) target(%arg14 : memref<80xi32, #tpu.memory_space<vmem>>) target_semaphore(%arg38 : memref<!tpu.dma_semaphore, #tpu.memory_space<semaphore_mem>>)
    %mul3A_74 = arith.constant 10000 : i32
    %mul3A_75 = arith.muli %add3A, %mul3A_74 : i32
    %add3A_76 = arith.constant 240 : i32
    %add3A_77 = arith.addi %mul3A_75, %add3A_76 : i32
    %multiple_of3A_78 = tpu.assume_multiple %add3A_77, 8 : i32
    %dma_start3A_79 = tpu.memref_slice %arg3[%multiple_of3A_78] : memref<320000xi32, #tpu.memory_space<hbm>> -> memref<80xi32, #tpu.memory_space<hbm>>
    %dma_start3A_80 = tpu.memref_slice %arg3[%multiple_of3A_78] : memref<320000xi32, #tpu.memory_space<hbm>> -> memref<80xi32, #tpu.memory_space<hbm>>
    tpu.enqueue_dma source(%dma_start3A_80 : memref<80xi32, #tpu.memory_space<hbm>>) target(%arg22 : memref<80xi32, #tpu.memory_space<vmem>>) target_semaphore(%arg46 : memref<!tpu.dma_semaphore, #tpu.memory_space<semaphore_mem>>)
    %dma_wait3A_81 = arith.constant 0 : i32
    %dma_wait3A_82 = tpu.memref_slice %arg2[%dma_wait3A_81] : memref<320000xi32, #tpu.memory_space<hbm>> -> memref<80xi32, #tpu.memory_space<hbm>>
    %dma_wait3A_83 = arith.constant 0 : i32
    %dma_wait3A_84 = tpu.memref_slice %arg2[%dma_wait3A_83] : memref<320000xi32, #tpu.memory_space<hbm>> -> memref<80xi32, #tpu.memory_space<hbm>>
    tpu.wait_dma2 semaphore(%arg37 : memref<!tpu.dma_semaphore, #tpu.memory_space<semaphore_mem>>) src(%dma_wait3A_84 : memref<80xi32, #tpu.memory_space<hbm>>) dst(%arg13 : memref<80xi32, #tpu.memory_space<vmem>>)
    %dma_start3A_85 = arith.constant 0 : i32
    %dma_start3A_86 = arith.constant 0 : i32
    %dma_start3A_87 = tpu.memref_slice %arg4[%dma_start3A_85, %dma_start3A_86] : memref<10112x128xf32, #tpu.memory_space<hbm>> -> memref<10112x128xf32, #tpu.memory_space<hbm>>
    tpu.enqueue_indirect_dma source(%dma_start3A_87 : memref<10112x128xf32, #tpu.memory_space<hbm>>) target(%arg9 : memref<80x128xf32, #tpu.memory_space<vmem>>) offsets(%arg13 : memref<80xi32, #tpu.memory_space<vmem>>) semaphore(%arg29 : memref<!tpu.dma_semaphore, #tpu.memory_space<semaphore_mem>>)
    %dma_wait3A_88 = arith.constant 0 : i32
    %dma_wait3A_89 = arith.constant 0 : i32
    %dma_wait3A_90 = tpu.memref_slice %arg4[%dma_wait3A_88, %dma_wait3A_89] : memref<10112x128xf32, #tpu.memory_space<hbm>> -> memref<10112x128xf32, #tpu.memory_space<hbm>>
    tpu.wait_indirect_dma semaphore(%arg28 : memref<!tpu.dma_semaphore, #tpu.memory_space<semaphore_mem>>) src(%dma_wait3A_90 : memref<10112x128xf32, #tpu.memory_space<hbm>>) dst(%arg8 : memref<80x128xf32, #tpu.memory_space<vmem>>)
    %dma_wait3A_91 = arith.constant 0 : i32
    %dma_wait3A_92 = tpu.memref_slice %arg3[%dma_wait3A_91] : memref<320000xi32, #tpu.memory_space<hbm>> -> memref<80xi32, #tpu.memory_space<hbm>>
    %dma_wait3A_93 = arith.constant 0 : i32
    %dma_wait3A_94 = tpu.memref_slice %arg3[%dma_wait3A_93] : memref<320000xi32, #tpu.memory_space<hbm>> -> memref<80xi32, #tpu.memory_space<hbm>>
    tpu.wait_dma2 semaphore(%arg44 : memref<!tpu.dma_semaphore, #tpu.memory_space<semaphore_mem>>) src(%dma_wait3A_94 : memref<80xi32, #tpu.memory_space<hbm>>) dst(%arg20 : memref<80xi32, #tpu.memory_space<vmem>>)
    %dma_start3A_95 = arith.constant 0 : i32
    %dma_start3A_96 = arith.constant 0 : i32
    %dma_start3A_97 = tpu.memref_slice %arg6[%dma_start3A_95, %dma_start3A_96] : memref<10112x128xf32, #tpu.memory_space<vmem_shared>> -> memref<10112x128xf32, #tpu.memory_space<vmem_shared>>
    tpu.enqueue_indirect_dma source(%arg8 : memref<80x128xf32, #tpu.memory_space<vmem>>) target(%dma_start3A_97 : memref<10112x128xf32, #tpu.memory_space<vmem_shared>>) offsets(%arg20 : memref<80xi32, #tpu.memory_space<vmem>>) semaphore(%arg32 : memref<!tpu.dma_semaphore, #tpu.memory_space<semaphore_mem>>) {add = true}
    %mul3A_98 = arith.constant 10000 : i32
    %mul3A_99 = arith.muli %add3A, %mul3A_98 : i32
    %add3A_100 = arith.constant 320 : i32
    %add3A_101 = arith.addi %mul3A_99, %add3A_100 : i32
    %multiple_of3A_102 = tpu.assume_multiple %add3A_101, 8 : i32
    %dma_start3A_103 = tpu.memref_slice %arg2[%multiple_of3A_102] : memref<320000xi32, #tpu.memory_space<hbm>> -> memref<80xi32, #tpu.memory_space<hbm>>
    %dma_start3A_104 = tpu.memref_slice %arg2[%multiple_of3A_102] : memref<320000xi32, #tpu.memory_space<hbm>> -> memref<80xi32, #tpu.memory_space<hbm>>
    tpu.enqueue_dma source(%dma_start3A_104 : memref<80xi32, #tpu.memory_space<hbm>>) target(%arg15 : memref<80xi32, #tpu.memory_space<vmem>>) target_semaphore(%arg39 : memref<!tpu.dma_semaphore, #tpu.memory_space<semaphore_mem>>)
    %mul3A_105 = arith.constant 10000 : i32
    %mul3A_106 = arith.muli %add3A, %mul3A_105 : i32
    %add3A_107 = arith.constant 320 : i32
    %add3A_108 = arith.addi %mul3A_106, %add3A_107 : i32
    %multiple_of3A_109 = tpu.assume_multiple %add3A_108, 8 : i32
    %dma_start3A_110 = tpu.memref_slice %arg3[%multiple_of3A_109] : memref<320000xi32, #tpu.memory_space<hbm>> -> memref<80xi32, #tpu.memory_space<hbm>>
    %dma_start3A_111 = tpu.memref_slice %arg3[%multiple_of3A_109] : memref<320000xi32, #tpu.memory_space<hbm>> -> memref<80xi32, #tpu.memory_space<hbm>>
    tpu.enqueue_dma source(%dma_start3A_111 : memref<80xi32, #tpu.memory_space<hbm>>) target(%arg23 : memref<80xi32, #tpu.memory_space<vmem>>) target_semaphore(%arg47 : memref<!tpu.dma_semaphore, #tpu.memory_space<semaphore_mem>>)
    %dma_wait3A_112 = arith.constant 0 : i32
    %dma_wait3A_113 = tpu.memref_slice %arg2[%dma_wait3A_112] : memref<320000xi32, #tpu.memory_space<hbm>> -> memref<80xi32, #tpu.memory_space<hbm>>
    %dma_wait3A_114 = arith.constant 0 : i32
    %dma_wait3A_115 = tpu.memref_slice %arg2[%dma_wait3A_114] : memref<320000xi32, #tpu.memory_space<hbm>> -> memref<80xi32, #tpu.memory_space<hbm>>
    tpu.wait_dma2 semaphore(%arg38 : memref<!tpu.dma_semaphore, #tpu.memory_space<semaphore_mem>>) src(%dma_wait3A_115 : memref<80xi32, #tpu.memory_space<hbm>>) dst(%arg14 : memref<80xi32, #tpu.memory_space<vmem>>)
    %dma_start3A_116 = arith.constant 0 : i32
    %dma_start3A_117 = arith.constant 0 : i32
    %dma_start3A_118 = tpu.memref_slice %arg4[%dma_start3A_116, %dma_start3A_117] : memref<10112x128xf32, #tpu.memory_space<hbm>> -> memref<10112x128xf32, #tpu.memory_space<hbm>>
    tpu.enqueue_indirect_dma source(%dma_start3A_118 : memref<10112x128xf32, #tpu.memory_space<hbm>>) target(%arg10 : memref<80x128xf32, #tpu.memory_space<vmem>>) offsets(%arg14 : memref<80xi32, #tpu.memory_space<vmem>>) semaphore(%arg30 : memref<!tpu.dma_semaphore, #tpu.memory_space<semaphore_mem>>)
    %dma_wait3A_119 = arith.constant 0 : i32
    %dma_wait3A_120 = arith.constant 0 : i32
    %dma_wait3A_121 = tpu.memref_slice %arg4[%dma_wait3A_119, %dma_wait3A_120] : memref<10112x128xf32, #tpu.memory_space<hbm>> -> memref<10112x128xf32, #tpu.memory_space<hbm>>
    tpu.wait_indirect_dma semaphore(%arg29 : memref<!tpu.dma_semaphore, #tpu.memory_space<semaphore_mem>>) src(%dma_wait3A_121 : memref<10112x128xf32, #tpu.memory_space<hbm>>) dst(%arg9 : memref<80x128xf32, #tpu.memory_space<vmem>>)
    %dma_wait3A_122 = arith.constant 0 : i32
    %dma_wait3A_123 = tpu.memref_slice %arg3[%dma_wait3A_122] : memref<320000xi32, #tpu.memory_space<hbm>> -> memref<80xi32, #tpu.memory_space<hbm>>
    %dma_wait3A_124 = arith.constant 0 : i32
    %dma_wait3A_125 = tpu.memref_slice %arg3[%dma_wait3A_124] : memref<320000xi32, #tpu.memory_space<hbm>> -> memref<80xi32, #tpu.memory_space<hbm>>
    tpu.wait_dma2 semaphore(%arg45 : memref<!tpu.dma_semaphore, #tpu.memory_space<semaphore_mem>>) src(%dma_wait3A_125 : memref<80xi32, #tpu.memory_space<hbm>>) dst(%arg21 : memref<80xi32, #tpu.memory_space<vmem>>)
    %dma_start3A_126 = arith.constant 0 : i32
    %dma_start3A_127 = arith.constant 0 : i32
    %dma_start3A_128 = tpu.memref_slice %arg6[%dma_start3A_126, %dma_start3A_127] : memref<10112x128xf32, #tpu.memory_space<vmem_shared>> -> memref<10112x128xf32, #tpu.memory_space<vmem_shared>>
    tpu.enqueue_indirect_dma source(%arg9 : memref<80x128xf32, #tpu.memory_space<vmem>>) target(%dma_start3A_128 : memref<10112x128xf32, #tpu.memory_space<vmem_shared>>) offsets(%arg21 : memref<80xi32, #tpu.memory_space<vmem>>) semaphore(%arg33 : memref<!tpu.dma_semaphore, #tpu.memory_space<semaphore_mem>>) {add = true}
    %scan3A = arith.constant 0 : i32
    %scan3A_129 = arith.constant 0 : i32
    %scan3A_130 = arith.constant 15 : i32
    %scan3A_131 = arith.addi %scan3A_129, %scan3A_130 : i32
    %scan3A_132 = arith.constant 1 : i32
    scf.for %scan3A_177 = %scan3A_129 to %scan3A_131 step %scan3A_132  : i32 {
      %mul3A_178 = arith.constant 8 : i32
      %mul3A_179 = arith.muli %scan3A_177, %mul3A_178 : i32
      %add3A_180 = arith.constant 3 : i32
      %add3A_181 = arith.addi %add3A_180, %mul3A_179 : i32
      %add3A_182 = arith.constant 0 : i32
      %add3A_183 = arith.addi %add3A_181, %add3A_182 : i32
      %dma_wait3A_184 = arith.constant 0 : i32
      %dma_wait3A_185 = arith.constant 0 : i32
      %dma_wait3A_186 = tpu.memref_slice %arg6[%dma_wait3A_184, %dma_wait3A_185] : memref<10112x128xf32, #tpu.memory_space<vmem_shared>> -> memref<10112x128xf32, #tpu.memory_space<vmem_shared>>
      tpu.wait_indirect_dma semaphore(%arg31 : memref<!tpu.dma_semaphore, #tpu.memory_space<semaphore_mem>>) src(%arg7 : memref<80x128xf32, #tpu.memory_space<vmem>>) dst(%dma_wait3A_186 : memref<10112x128xf32, #tpu.memory_space<vmem_shared>>)
      %add3A_187 = arith.constant 2 : i32
      %add3A_188 = arith.addi %add3A_183, %add3A_187 : i32
      %mul3A_189 = arith.constant 10000 : i32
      %mul3A_190 = arith.muli %add3A, %mul3A_189 : i32
      %mul3A_191 = arith.constant 80 : i32
      %mul3A_192 = arith.muli %add3A_188, %mul3A_191 : i32
      %add3A_193 = arith.addi %mul3A_190, %mul3A_192 : i32
      %multiple_of3A_194 = tpu.assume_multiple %add3A_193, 8 : i32
      %dma_start3A_195 = tpu.memref_slice %arg2[%multiple_of3A_194] : memref<320000xi32, #tpu.memory_space<hbm>> -> memref<80xi32, #tpu.memory_space<hbm>>
      %dma_start3A_196 = tpu.memref_slice %arg2[%multiple_of3A_194] : memref<320000xi32, #tpu.memory_space<hbm>> -> memref<80xi32, #tpu.memory_space<hbm>>
      tpu.enqueue_dma source(%dma_start3A_196 : memref<80xi32, #tpu.memory_space<hbm>>) target(%arg16 : memref<80xi32, #tpu.memory_space<vmem>>) target_semaphore(%arg40 : memref<!tpu.dma_semaphore, #tpu.memory_space<semaphore_mem>>)
      %add3A_197 = arith.constant 2 : i32
      %add3A_198 = arith.addi %add3A_183, %add3A_197 : i32
      %mul3A_199 = arith.constant 10000 : i32
      %mul3A_200 = arith.muli %add3A, %mul3A_199 : i32
      %mul3A_201 = arith.constant 80 : i32
      %mul3A_202 = arith.muli %add3A_198, %mul3A_201 : i32
      %add3A_203 = arith.addi %mul3A_200, %mul3A_202 : i32
      %multiple_of3A_204 = tpu.assume_multiple %add3A_203, 8 : i32
      %dma_start3A_205 = tpu.memref_slice %arg3[%multiple_of3A_204] : memref<320000xi32, #tpu.memory_space<hbm>> -> memref<80xi32, #tpu.memory_space<hbm>>
      %dma_start3A_206 = tpu.memref_slice %arg3[%multiple_of3A_204] : memref<320000xi32, #tpu.memory_space<hbm>> -> memref<80xi32, #tpu.memory_space<hbm>>
      tpu.enqueue_dma source(%dma_start3A_206 : memref<80xi32, #tpu.memory_space<hbm>>) target(%arg24 : memref<80xi32, #tpu.memory_space<vmem>>) target_semaphore(%arg48 : memref<!tpu.dma_semaphore, #tpu.memory_space<semaphore_mem>>)
      %dma_wait3A_207 = arith.constant 0 : i32
      %dma_wait3A_208 = tpu.memref_slice %arg2[%dma_wait3A_207] : memref<320000xi32, #tpu.memory_space<hbm>> -> memref<80xi32, #tpu.memory_space<hbm>>
      %dma_wait3A_209 = arith.constant 0 : i32
      %dma_wait3A_210 = tpu.memref_slice %arg2[%dma_wait3A_209] : memref<320000xi32, #tpu.memory_space<hbm>> -> memref<80xi32, #tpu.memory_space<hbm>>
      tpu.wait_dma2 semaphore(%arg39 : memref<!tpu.dma_semaphore, #tpu.memory_space<semaphore_mem>>) src(%dma_wait3A_210 : memref<80xi32, #tpu.memory_space<hbm>>) dst(%arg15 : memref<80xi32, #tpu.memory_space<vmem>>)
      %dma_start3A_211 = arith.constant 0 : i32
      %dma_start3A_212 = arith.constant 0 : i32
      %dma_start3A_213 = tpu.memref_slice %arg4[%dma_start3A_211, %dma_start3A_212] : memref<10112x128xf32, #tpu.memory_space<hbm>> -> memref<10112x128xf32, #tpu.memory_space<hbm>>
      tpu.enqueue_indirect_dma source(%dma_start3A_213 : memref<10112x128xf32, #tpu.memory_space<hbm>>) target(%arg7 : memref<80x128xf32, #tpu.memory_space<vmem>>) offsets(%arg15 : memref<80xi32, #tpu.memory_space<vmem>>) semaphore(%arg27 : memref<!tpu.dma_semaphore, #tpu.memory_space<semaphore_mem>>)
      %dma_wait3A_214 = arith.constant 0 : i32
      %dma_wait3A_215 = arith.constant 0 : i32
      %dma_wait3A_216 = tpu.memref_slice %arg4[%dma_wait3A_214, %dma_wait3A_215] : memref<10112x128xf32, #tpu.memory_space<hbm>> -> memref<10112x128xf32, #tpu.memory_space<hbm>>
      tpu.wait_indirect_dma semaphore(%arg30 : memref<!tpu.dma_semaphore, #tpu.memory_space<semaphore_mem>>) src(%dma_wait3A_216 : memref<10112x128xf32, #tpu.memory_space<hbm>>) dst(%arg10 : memref<80x128xf32, #tpu.memory_space<vmem>>)
      %dma_wait3A_217 = arith.constant 0 : i32
      %dma_wait3A_218 = tpu.memref_slice %arg3[%dma_wait3A_217] : memref<320000xi32, #tpu.memory_space<hbm>> -> memref<80xi32, #tpu.memory_space<hbm>>
      %dma_wait3A_219 = arith.constant 0 : i32
      %dma_wait3A_220 = tpu.memref_slice %arg3[%dma_wait3A_219] : memref<320000xi32, #tpu.memory_space<hbm>> -> memref<80xi32, #tpu.memory_space<hbm>>
      tpu.wait_dma2 semaphore(%arg46 : memref<!tpu.dma_semaphore, #tpu.memory_space<semaphore_mem>>) src(%dma_wait3A_220 : memref<80xi32, #tpu.memory_space<hbm>>) dst(%arg22 : memref<80xi32, #tpu.memory_space<vmem>>)
      %dma_start3A_221 = arith.constant 0 : i32
      %dma_start3A_222 = arith.constant 0 : i32
      %dma_start3A_223 = tpu.memref_slice %arg6[%dma_start3A_221, %dma_start3A_222] : memref<10112x128xf32, #tpu.memory_space<vmem_shared>> -> memref<10112x128xf32, #tpu.memory_space<vmem_shared>>
      tpu.enqueue_indirect_dma source(%arg10 : memref<80x128xf32, #tpu.memory_space<vmem>>) target(%dma_start3A_223 : memref<10112x128xf32, #tpu.memory_space<vmem_shared>>) offsets(%arg22 : memref<80xi32, #tpu.memory_space<vmem>>) semaphore(%arg34 : memref<!tpu.dma_semaphore, #tpu.memory_space<semaphore_mem>>) {add = true}
      %add3A_224 = arith.constant 1 : i32
      %add3A_225 = arith.addi %add3A_181, %add3A_224 : i32
      %dma_wait3A_226 = arith.constant 0 : i32
      %dma_wait3A_227 = arith.constant 0 : i32
      %dma_wait3A_228 = tpu.memref_slice %arg6[%dma_wait3A_226, %dma_wait3A_227] : memref<10112x128xf32, #tpu.memory_space<vmem_shared>> -> memref<10112x128xf32, #tpu.memory_space<vmem_shared>>
      tpu.wait_indirect_dma semaphore(%arg32 : memref<!tpu.dma_semaphore, #tpu.memory_space<semaphore_mem>>) src(%arg8 : memref<80x128xf32, #tpu.memory_space<vmem>>) dst(%dma_wait3A_228 : memref<10112x128xf32, #tpu.memory_space<vmem_shared>>)
      %add3A_229 = arith.constant 2 : i32
      %add3A_230 = arith.addi %add3A_225, %add3A_229 : i32
      %mul3A_231 = arith.constant 10000 : i32
      %mul3A_232 = arith.muli %add3A, %mul3A_231 : i32
      %mul3A_233 = arith.constant 80 : i32
      %mul3A_234 = arith.muli %add3A_230, %mul3A_233 : i32
      %add3A_235 = arith.addi %mul3A_232, %mul3A_234 : i32
      %multiple_of3A_236 = tpu.assume_multiple %add3A_235, 8 : i32
      %dma_start3A_237 = tpu.memref_slice %arg2[%multiple_of3A_236] : memref<320000xi32, #tpu.memory_space<hbm>> -> memref<80xi32, #tpu.memory_space<hbm>>
      %dma_start3A_238 = tpu.memref_slice %arg2[%multiple_of3A_236] : memref<320000xi32, #tpu.memory_space<hbm>> -> memref<80xi32, #tpu.memory_space<hbm>>
      tpu.enqueue_dma source(%dma_start3A_238 : memref<80xi32, #tpu.memory_space<hbm>>) target(%arg17 : memref<80xi32, #tpu.memory_space<vmem>>) target_semaphore(%arg41 : memref<!tpu.dma_semaphore, #tpu.memory_space<semaphore_mem>>)
      %add3A_239 = arith.constant 2 : i32
      %add3A_240 = arith.addi %add3A_225, %add3A_239 : i32
      %mul3A_241 = arith.constant 10000 : i32
      %mul3A_242 = arith.muli %add3A, %mul3A_241 : i32
      %mul3A_243 = arith.constant 80 : i32
      %mul3A_244 = arith.muli %add3A_240, %mul3A_243 : i32
      %add3A_245 = arith.addi %mul3A_242, %mul3A_244 : i32
      %multiple_of3A_246 = tpu.assume_multiple %add3A_245, 8 : i32
      %dma_start3A_247 = tpu.memref_slice %arg3[%multiple_of3A_246] : memref<320000xi32, #tpu.memory_space<hbm>> -> memref<80xi32, #tpu.memory_space<hbm>>
      %dma_start3A_248 = tpu.memref_slice %arg3[%multiple_of3A_246] : memref<320000xi32, #tpu.memory_space<hbm>> -> memref<80xi32, #tpu.memory_space<hbm>>
      tpu.enqueue_dma source(%dma_start3A_248 : memref<80xi32, #tpu.memory_space<hbm>>) target(%arg25 : memref<80xi32, #tpu.memory_space<vmem>>) target_semaphore(%arg49 : memref<!tpu.dma_semaphore, #tpu.memory_space<semaphore_mem>>)
      %dma_wait3A_249 = arith.constant 0 : i32
      %dma_wait3A_250 = tpu.memref_slice %arg2[%dma_wait3A_249] : memref<320000xi32, #tpu.memory_space<hbm>> -> memref<80xi32, #tpu.memory_space<hbm>>
      %dma_wait3A_251 = arith.constant 0 : i32
      %dma_wait3A_252 = tpu.memref_slice %arg2[%dma_wait3A_251] : memref<320000xi32, #tpu.memory_space<hbm>> -> memref<80xi32, #tpu.memory_space<hbm>>
      tpu.wait_dma2 semaphore(%arg40 : memref<!tpu.dma_semaphore, #tpu.memory_space<semaphore_mem>>) src(%dma_wait3A_252 : memref<80xi32, #tpu.memory_space<hbm>>) dst(%arg16 : memref<80xi32, #tpu.memory_space<vmem>>)
      %dma_start3A_253 = arith.constant 0 : i32
      %dma_start3A_254 = arith.constant 0 : i32
      %dma_start3A_255 = tpu.memref_slice %arg4[%dma_start3A_253, %dma_start3A_254] : memref<10112x128xf32, #tpu.memory_space<hbm>> -> memref<10112x128xf32, #tpu.memory_space<hbm>>
      tpu.enqueue_indirect_dma source(%dma_start3A_255 : memref<10112x128xf32, #tpu.memory_space<hbm>>) target(%arg8 : memref<80x128xf32, #tpu.memory_space<vmem>>) offsets(%arg16 : memref<80xi32, #tpu.memory_space<vmem>>) semaphore(%arg28 : memref<!tpu.dma_semaphore, #tpu.memory_space<semaphore_mem>>)
      %dma_wait3A_256 = arith.constant 0 : i32
      %dma_wait3A_257 = arith.constant 0 : i32
      %dma_wait3A_258 = tpu.memref_slice %arg4[%dma_wait3A_256, %dma_wait3A_257] : memref<10112x128xf32, #tpu.memory_space<hbm>> -> memref<10112x128xf32, #tpu.memory_space<hbm>>
      tpu.wait_indirect_dma semaphore(%arg27 : memref<!tpu.dma_semaphore, #tpu.memory_space<semaphore_mem>>) src(%dma_wait3A_258 : memref<10112x128xf32, #tpu.memory_space<hbm>>) dst(%arg7 : memref<80x128xf32, #tpu.memory_space<vmem>>)
      %dma_wait3A_259 = arith.constant 0 : i32
      %dma_wait3A_260 = tpu.memref_slice %arg3[%dma_wait3A_259] : memref<320000xi32, #tpu.memory_space<hbm>> -> memref<80xi32, #tpu.memory_space<hbm>>
      %dma_wait3A_261 = arith.constant 0 : i32
      %dma_wait3A_262 = tpu.memref_slice %arg3[%dma_wait3A_261] : memref<320000xi32, #tpu.memory_space<hbm>> -> memref<80xi32, #tpu.memory_space<hbm>>
      tpu.wait_dma2 semaphore(%arg47 : memref<!tpu.dma_semaphore, #tpu.memory_space<semaphore_mem>>) src(%dma_wait3A_262 : memref<80xi32, #tpu.memory_space<hbm>>) dst(%arg23 : memref<80xi32, #tpu.memory_space<vmem>>)
      %dma_start3A_263 = arith.constant 0 : i32
      %dma_start3A_264 = arith.constant 0 : i32
      %dma_start3A_265 = tpu.memref_slice %arg6[%dma_start3A_263, %dma_start3A_264] : memref<10112x128xf32, #tpu.memory_space<vmem_shared>> -> memref<10112x128xf32, #tpu.memory_space<vmem_shared>>
      tpu.enqueue_indirect_dma source(%arg7 : memref<80x128xf32, #tpu.memory_space<vmem>>) target(%dma_start3A_265 : memref<10112x128xf32, #tpu.memory_space<vmem_shared>>) offsets(%arg23 : memref<80xi32, #tpu.memory_space<vmem>>) semaphore(%arg31 : memref<!tpu.dma_semaphore, #tpu.memory_space<semaphore_mem>>) {add = true}
      %add3A_266 = arith.constant 2 : i32
      %add3A_267 = arith.addi %add3A_181, %add3A_266 : i32
      %dma_wait3A_268 = arith.constant 0 : i32
      %dma_wait3A_269 = arith.constant 0 : i32
      %dma_wait3A_270 = tpu.memref_slice %arg6[%dma_wait3A_268, %dma_wait3A_269] : memref<10112x128xf32, #tpu.memory_space<vmem_shared>> -> memref<10112x128xf32, #tpu.memory_space<vmem_shared>>
      tpu.wait_indirect_dma semaphore(%arg33 : memref<!tpu.dma_semaphore, #tpu.memory_space<semaphore_mem>>) src(%arg9 : memref<80x128xf32, #tpu.memory_space<vmem>>) dst(%dma_wait3A_270 : memref<10112x128xf32, #tpu.memory_space<vmem_shared>>)
      %add3A_271 = arith.constant 2 : i32
      %add3A_272 = arith.addi %add3A_267, %add3A_271 : i32
      %mul3A_273 = arith.constant 10000 : i32
      %mul3A_274 = arith.muli %add3A, %mul3A_273 : i32
      %mul3A_275 = arith.constant 80 : i32
      %mul3A_276 = arith.muli %add3A_272, %mul3A_275 : i32
      %add3A_277 = arith.addi %mul3A_274, %mul3A_276 : i32
      %multiple_of3A_278 = tpu.assume_multiple %add3A_277, 8 : i32
      %dma_start3A_279 = tpu.memref_slice %arg2[%multiple_of3A_278] : memref<320000xi32, #tpu.memory_space<hbm>> -> memref<80xi32, #tpu.memory_space<hbm>>
      %dma_start3A_280 = tpu.memref_slice %arg2[%multiple_of3A_278] : memref<320000xi32, #tpu.memory_space<hbm>> -> memref<80xi32, #tpu.memory_space<hbm>>
      tpu.enqueue_dma source(%dma_start3A_280 : memref<80xi32, #tpu.memory_space<hbm>>) target(%arg18 : memref<80xi32, #tpu.memory_space<vmem>>) target_semaphore(%arg42 : memref<!tpu.dma_semaphore, #tpu.memory_space<semaphore_mem>>)
      %add3A_281 = arith.constant 2 : i32
      %add3A_282 = arith.addi %add3A_267, %add3A_281 : i32
      %mul3A_283 = arith.constant 10000 : i32
      %mul3A_284 = arith.muli %add3A, %mul3A_283 : i32
      %mul3A_285 = arith.constant 80 : i32
      %mul3A_286 = arith.muli %add3A_282, %mul3A_285 : i32
      %add3A_287 = arith.addi %mul3A_284, %mul3A_286 : i32
      %multiple_of3A_288 = tpu.assume_multiple %add3A_287, 8 : i32
      %dma_start3A_289 = tpu.memref_slice %arg3[%multiple_of3A_288] : memref<320000xi32, #tpu.memory_space<hbm>> -> memref<80xi32, #tpu.memory_space<hbm>>
      %dma_start3A_290 = tpu.memref_slice %arg3[%multiple_of3A_288] : memref<320000xi32, #tpu.memory_space<hbm>> -> memref<80xi32, #tpu.memory_space<hbm>>
      tpu.enqueue_dma source(%dma_start3A_290 : memref<80xi32, #tpu.memory_space<hbm>>) target(%arg26 : memref<80xi32, #tpu.memory_space<vmem>>) target_semaphore(%arg50 : memref<!tpu.dma_semaphore, #tpu.memory_space<semaphore_mem>>)
      %dma_wait3A_291 = arith.constant 0 : i32
      %dma_wait3A_292 = tpu.memref_slice %arg2[%dma_wait3A_291] : memref<320000xi32, #tpu.memory_space<hbm>> -> memref<80xi32, #tpu.memory_space<hbm>>
      %dma_wait3A_293 = arith.constant 0 : i32
      %dma_wait3A_294 = tpu.memref_slice %arg2[%dma_wait3A_293] : memref<320000xi32, #tpu.memory_space<hbm>> -> memref<80xi32, #tpu.memory_space<hbm>>
      tpu.wait_dma2 semaphore(%arg41 : memref<!tpu.dma_semaphore, #tpu.memory_space<semaphore_mem>>) src(%dma_wait3A_294 : memref<80xi32, #tpu.memory_space<hbm>>) dst(%arg17 : memref<80xi32, #tpu.memory_space<vmem>>)
      %dma_start3A_295 = arith.constant 0 : i32
      %dma_start3A_296 = arith.constant 0 : i32
      %dma_start3A_297 = tpu.memref_slice %arg4[%dma_start3A_295, %dma_start3A_296] : memref<10112x128xf32, #tpu.memory_space<hbm>> -> memref<10112x128xf32, #tpu.memory_space<hbm>>
      tpu.enqueue_indirect_dma source(%dma_start3A_297 : memref<10112x128xf32, #tpu.memory_space<hbm>>) target(%arg9 : memref<80x128xf32, #tpu.memory_space<vmem>>) offsets(%arg17 : memref<80xi32, #tpu.memory_space<vmem>>) semaphore(%arg29 : memref<!tpu.dma_semaphore, #tpu.memory_space<semaphore_mem>>)
      %dma_wait3A_298 = arith.constant 0 : i32
      %dma_wait3A_299 = arith.constant 0 : i32
      %dma_wait3A_300 = tpu.memref_slice %arg4[%dma_wait3A_298, %dma_wait3A_299] : memref<10112x128xf32, #tpu.memory_space<hbm>> -> memref<10112x128xf32, #tpu.memory_space<hbm>>
      tpu.wait_indirect_dma semaphore(%arg28 : memref<!tpu.dma_semaphore, #tpu.memory_space<semaphore_mem>>) src(%dma_wait3A_300 : memref<10112x128xf32, #tpu.memory_space<hbm>>) dst(%arg8 : memref<80x128xf32, #tpu.memory_space<vmem>>)
      %dma_wait3A_301 = arith.constant 0 : i32
      %dma_wait3A_302 = tpu.memref_slice %arg3[%dma_wait3A_301] : memref<320000xi32, #tpu.memory_space<hbm>> -> memref<80xi32, #tpu.memory_space<hbm>>
      %dma_wait3A_303 = arith.constant 0 : i32
      %dma_wait3A_304 = tpu.memref_slice %arg3[%dma_wait3A_303] : memref<320000xi32, #tpu.memory_space<hbm>> -> memref<80xi32, #tpu.memory_space<hbm>>
      tpu.wait_dma2 semaphore(%arg48 : memref<!tpu.dma_semaphore, #tpu.memory_space<semaphore_mem>>) src(%dma_wait3A_304 : memref<80xi32, #tpu.memory_space<hbm>>) dst(%arg24 : memref<80xi32, #tpu.memory_space<vmem>>)
      %dma_start3A_305 = arith.constant 0 : i32
      %dma_start3A_306 = arith.constant 0 : i32
      %dma_start3A_307 = tpu.memref_slice %arg6[%dma_start3A_305, %dma_start3A_306] : memref<10112x128xf32, #tpu.memory_space<vmem_shared>> -> memref<10112x128xf32, #tpu.memory_space<vmem_shared>>
      tpu.enqueue_indirect_dma source(%arg8 : memref<80x128xf32, #tpu.memory_space<vmem>>) target(%dma_start3A_307 : memref<10112x128xf32, #tpu.memory_space<vmem_shared>>) offsets(%arg24 : memref<80xi32, #tpu.memory_space<vmem>>) semaphore(%arg32 : memref<!tpu.dma_semaphore, #tpu.memory_space<semaphore_mem>>) {add = true}
      %add3A_308 = arith.constant 3 : i32
      %add3A_309 = arith.addi %add3A_181, %add3A_308 : i32
      %dma_wait3A_310 = arith.constant 0 : i32
      %dma_wait3A_311 = arith.constant 0 : i32
      %dma_wait3A_312 = tpu.memref_slice %arg6[%dma_wait3A_310, %dma_wait3A_311] : memref<10112x128xf32, #tpu.memory_space<vmem_shared>> -> memref<10112x128xf32, #tpu.memory_space<vmem_shared>>
      tpu.wait_indirect_dma semaphore(%arg34 : memref<!tpu.dma_semaphore, #tpu.memory_space<semaphore_mem>>) src(%arg10 : memref<80x128xf32, #tpu.memory_space<vmem>>) dst(%dma_wait3A_312 : memref<10112x128xf32, #tpu.memory_space<vmem_shared>>)
      %add3A_313 = arith.constant 2 : i32
      %add3A_314 = arith.addi %add3A_309, %add3A_313 : i32
      %mul3A_315 = arith.constant 10000 : i32
      %mul3A_316 = arith.muli %add3A, %mul3A_315 : i32
      %mul3A_317 = arith.constant 80 : i32
      %mul3A_318 = arith.muli %add3A_314, %mul3A_317 : i32
      %add3A_319 = arith.addi %mul3A_316, %mul3A_318 : i32
      %multiple_of3A_320 = tpu.assume_multiple %add3A_319, 8 : i32
      %dma_start3A_321 = tpu.memref_slice %arg2[%multiple_of3A_320] : memref<320000xi32, #tpu.memory_space<hbm>> -> memref<80xi32, #tpu.memory_space<hbm>>
      %dma_start3A_322 = tpu.memref_slice %arg2[%multiple_of3A_320] : memref<320000xi32, #tpu.memory_space<hbm>> -> memref<80xi32, #tpu.memory_space<hbm>>
      tpu.enqueue_dma source(%dma_start3A_322 : memref<80xi32, #tpu.memory_space<hbm>>) target(%arg11 : memref<80xi32, #tpu.memory_space<vmem>>) target_semaphore(%arg35 : memref<!tpu.dma_semaphore, #tpu.memory_space<semaphore_mem>>)
      %add3A_323 = arith.constant 2 : i32
      %add3A_324 = arith.addi %add3A_309, %add3A_323 : i32
      %mul3A_325 = arith.constant 10000 : i32
      %mul3A_326 = arith.muli %add3A, %mul3A_325 : i32
      %mul3A_327 = arith.constant 80 : i32
      %mul3A_328 = arith.muli %add3A_324, %mul3A_327 : i32
      %add3A_329 = arith.addi %mul3A_326, %mul3A_328 : i32
      %multiple_of3A_330 = tpu.assume_multiple %add3A_329, 8 : i32
      %dma_start3A_331 = tpu.memref_slice %arg3[%multiple_of3A_330] : memref<320000xi32, #tpu.memory_space<hbm>> -> memref<80xi32, #tpu.memory_space<hbm>>
      %dma_start3A_332 = tpu.memref_slice %arg3[%multiple_of3A_330] : memref<320000xi32, #tpu.memory_space<hbm>> -> memref<80xi32, #tpu.memory_space<hbm>>
      tpu.enqueue_dma source(%dma_start3A_332 : memref<80xi32, #tpu.memory_space<hbm>>) target(%arg19 : memref<80xi32, #tpu.memory_space<vmem>>) target_semaphore(%arg43 : memref<!tpu.dma_semaphore, #tpu.memory_space<semaphore_mem>>)
      %dma_wait3A_333 = arith.constant 0 : i32
      %dma_wait3A_334 = tpu.memref_slice %arg2[%dma_wait3A_333] : memref<320000xi32, #tpu.memory_space<hbm>> -> memref<80xi32, #tpu.memory_space<hbm>>
      %dma_wait3A_335 = arith.constant 0 : i32
      %dma_wait3A_336 = tpu.memref_slice %arg2[%dma_wait3A_335] : memref<320000xi32, #tpu.memory_space<hbm>> -> memref<80xi32, #tpu.memory_space<hbm>>
      tpu.wait_dma2 semaphore(%arg42 : memref<!tpu.dma_semaphore, #tpu.memory_space<semaphore_mem>>) src(%dma_wait3A_336 : memref<80xi32, #tpu.memory_space<hbm>>) dst(%arg18 : memref<80xi32, #tpu.memory_space<vmem>>)
      %dma_start3A_337 = arith.constant 0 : i32
      %dma_start3A_338 = arith.constant 0 : i32
      %dma_start3A_339 = tpu.memref_slice %arg4[%dma_start3A_337, %dma_start3A_338] : memref<10112x128xf32, #tpu.memory_space<hbm>> -> memref<10112x128xf32, #tpu.memory_space<hbm>>
      tpu.enqueue_indirect_dma source(%dma_start3A_339 : memref<10112x128xf32, #tpu.memory_space<hbm>>) target(%arg10 : memref<80x128xf32, #tpu.memory_space<vmem>>) offsets(%arg18 : memref<80xi32, #tpu.memory_space<vmem>>) semaphore(%arg30 : memref<!tpu.dma_semaphore, #tpu.memory_space<semaphore_mem>>)
      %dma_wait3A_340 = arith.constant 0 : i32
      %dma_wait3A_341 = arith.constant 0 : i32
      %dma_wait3A_342 = tpu.memref_slice %arg4[%dma_wait3A_340, %dma_wait3A_341] : memref<10112x128xf32, #tpu.memory_space<hbm>> -> memref<10112x128xf32, #tpu.memory_space<hbm>>
      tpu.wait_indirect_dma semaphore(%arg29 : memref<!tpu.dma_semaphore, #tpu.memory_space<semaphore_mem>>) src(%dma_wait3A_342 : memref<10112x128xf32, #tpu.memory_space<hbm>>) dst(%arg9 : memref<80x128xf32, #tpu.memory_space<vmem>>)
      %dma_wait3A_343 = arith.constant 0 : i32
      %dma_wait3A_344 = tpu.memref_slice %arg3[%dma_wait3A_343] : memref<320000xi32, #tpu.memory_space<hbm>> -> memref<80xi32, #tpu.memory_space<hbm>>
      %dma_wait3A_345 = arith.constant 0 : i32
      %dma_wait3A_346 = tpu.memref_slice %arg3[%dma_wait3A_345] : memref<320000xi32, #tpu.memory_space<hbm>> -> memref<80xi32, #tpu.memory_space<hbm>>
      tpu.wait_dma2 semaphore(%arg49 : memref<!tpu.dma_semaphore, #tpu.memory_space<semaphore_mem>>) src(%dma_wait3A_346 : memref<80xi32, #tpu.memory_space<hbm>>) dst(%arg25 : memref<80xi32, #tpu.memory_space<vmem>>)
      %dma_start3A_347 = arith.constant 0 : i32
      %dma_start3A_348 = arith.constant 0 : i32
      %dma_start3A_349 = tpu.memref_slice %arg6[%dma_start3A_347, %dma_start3A_348] : memref<10112x128xf32, #tpu.memory_space<vmem_shared>> -> memref<10112x128xf32, #tpu.memory_space<vmem_shared>>
      tpu.enqueue_indirect_dma source(%arg9 : memref<80x128xf32, #tpu.memory_space<vmem>>) target(%dma_start3A_349 : memref<10112x128xf32, #tpu.memory_space<vmem_shared>>) offsets(%arg25 : memref<80xi32, #tpu.memory_space<vmem>>) semaphore(%arg33 : memref<!tpu.dma_semaphore, #tpu.memory_space<semaphore_mem>>) {add = true}
      %add3A_350 = arith.constant 4 : i32
      %add3A_351 = arith.addi %add3A_181, %add3A_350 : i32
      %dma_wait3A_352 = arith.constant 0 : i32
      %dma_wait3A_353 = arith.constant 0 : i32
      %dma_wait3A_354 = tpu.memref_slice %arg6[%dma_wait3A_352, %dma_wait3A_353] : memref<10112x128xf32, #tpu.memory_space<vmem_shared>> -> memref<10112x128xf32, #tpu.memory_space<vmem_shared>>
      tpu.wait_indirect_dma semaphore(%arg31 : memref<!tpu.dma_semaphore, #tpu.memory_space<semaphore_mem>>) src(%arg7 : memref<80x128xf32, #tpu.memory_space<vmem>>) dst(%dma_wait3A_354 : memref<10112x128xf32, #tpu.memory_space<vmem_shared>>)
      %add3A_355 = arith.constant 2 : i32
      %add3A_356 = arith.addi %add3A_351, %add3A_355 : i32
      %mul3A_357 = arith.constant 10000 : i32
      %mul3A_358 = arith.muli %add3A, %mul3A_357 : i32
      %mul3A_359 = arith.constant 80 : i32
      %mul3A_360 = arith.muli %add3A_356, %mul3A_359 : i32
      %add3A_361 = arith.addi %mul3A_358, %mul3A_360 : i32
      %multiple_of3A_362 = tpu.assume_multiple %add3A_361, 8 : i32
      %dma_start3A_363 = tpu.memref_slice %arg2[%multiple_of3A_362] : memref<320000xi32, #tpu.memory_space<hbm>> -> memref<80xi32, #tpu.memory_space<hbm>>
      %dma_start3A_364 = tpu.memref_slice %arg2[%multiple_of3A_362] : memref<320000xi32, #tpu.memory_space<hbm>> -> memref<80xi32, #tpu.memory_space<hbm>>
      tpu.enqueue_dma source(%dma_start3A_364 : memref<80xi32, #tpu.memory_space<hbm>>) target(%arg12 : memref<80xi32, #tpu.memory_space<vmem>>) target_semaphore(%arg36 : memref<!tpu.dma_semaphore, #tpu.memory_space<semaphore_mem>>)
      %add3A_365 = arith.constant 2 : i32
      %add3A_366 = arith.addi %add3A_351, %add3A_365 : i32
      %mul3A_367 = arith.constant 10000 : i32
      %mul3A_368 = arith.muli %add3A, %mul3A_367 : i32
      %mul3A_369 = arith.constant 80 : i32
      %mul3A_370 = arith.muli %add3A_366, %mul3A_369 : i32
      %add3A_371 = arith.addi %mul3A_368, %mul3A_370 : i32
      %multiple_of3A_372 = tpu.assume_multiple %add3A_371, 8 : i32
      %dma_start3A_373 = tpu.memref_slice %arg3[%multiple_of3A_372] : memref<320000xi32, #tpu.memory_space<hbm>> -> memref<80xi32, #tpu.memory_space<hbm>>
      %dma_start3A_374 = tpu.memref_slice %arg3[%multiple_of3A_372] : memref<320000xi32, #tpu.memory_space<hbm>> -> memref<80xi32, #tpu.memory_space<hbm>>
      tpu.enqueue_dma source(%dma_start3A_374 : memref<80xi32, #tpu.memory_space<hbm>>) target(%arg20 : memref<80xi32, #tpu.memory_space<vmem>>) target_semaphore(%arg44 : memref<!tpu.dma_semaphore, #tpu.memory_space<semaphore_mem>>)
      %dma_wait3A_375 = arith.constant 0 : i32
      %dma_wait3A_376 = tpu.memref_slice %arg2[%dma_wait3A_375] : memref<320000xi32, #tpu.memory_space<hbm>> -> memref<80xi32, #tpu.memory_space<hbm>>
      %dma_wait3A_377 = arith.constant 0 : i32
      %dma_wait3A_378 = tpu.memref_slice %arg2[%dma_wait3A_377] : memref<320000xi32, #tpu.memory_space<hbm>> -> memref<80xi32, #tpu.memory_space<hbm>>
      tpu.wait_dma2 semaphore(%arg35 : memref<!tpu.dma_semaphore, #tpu.memory_space<semaphore_mem>>) src(%dma_wait3A_378 : memref<80xi32, #tpu.memory_space<hbm>>) dst(%arg11 : memref<80xi32, #tpu.memory_space<vmem>>)
      %dma_start3A_379 = arith.constant 0 : i32
      %dma_start3A_380 = arith.constant 0 : i32
      %dma_start3A_381 = tpu.memref_slice %arg4[%dma_start3A_379, %dma_start3A_380] : memref<10112x128xf32, #tpu.memory_space<hbm>> -> memref<10112x128xf32, #tpu.memory_space<hbm>>
      tpu.enqueue_indirect_dma source(%dma_start3A_381 : memref<10112x128xf32, #tpu.memory_space<hbm>>) target(%arg7 : memref<80x128xf32, #tpu.memory_space<vmem>>) offsets(%arg11 : memref<80xi32, #tpu.memory_space<vmem>>) semaphore(%arg27 : memref<!tpu.dma_semaphore, #tpu.memory_space<semaphore_mem>>)
      %dma_wait3A_382 = arith.constant 0 : i32
      %dma_wait3A_383 = arith.constant 0 : i32
      %dma_wait3A_384 = tpu.memref_slice %arg4[%dma_wait3A_382, %dma_wait3A_383] : memref<10112x128xf32, #tpu.memory_space<hbm>> -> memref<10112x128xf32, #tpu.memory_space<hbm>>
      tpu.wait_indirect_dma semaphore(%arg30 : memref<!tpu.dma_semaphore, #tpu.memory_space<semaphore_mem>>) src(%dma_wait3A_384 : memref<10112x128xf32, #tpu.memory_space<hbm>>) dst(%arg10 : memref<80x128xf32, #tpu.memory_space<vmem>>)
      %dma_wait3A_385 = arith.constant 0 : i32
      %dma_wait3A_386 = tpu.memref_slice %arg3[%dma_wait3A_385] : memref<320000xi32, #tpu.memory_space<hbm>> -> memref<80xi32, #tpu.memory_space<hbm>>
      %dma_wait3A_387 = arith.constant 0 : i32
      %dma_wait3A_388 = tpu.memref_slice %arg3[%dma_wait3A_387] : memref<320000xi32, #tpu.memory_space<hbm>> -> memref<80xi32, #tpu.memory_space<hbm>>
      tpu.wait_dma2 semaphore(%arg50 : memref<!tpu.dma_semaphore, #tpu.memory_space<semaphore_mem>>) src(%dma_wait3A_388 : memref<80xi32, #tpu.memory_space<hbm>>) dst(%arg26 : memref<80xi32, #tpu.memory_space<vmem>>)
      %dma_start3A_389 = arith.constant 0 : i32
      %dma_start3A_390 = arith.constant 0 : i32
      %dma_start3A_391 = tpu.memref_slice %arg6[%dma_start3A_389, %dma_start3A_390] : memref<10112x128xf32, #tpu.memory_space<vmem_shared>> -> memref<10112x128xf32, #tpu.memory_space<vmem_shared>>
      tpu.enqueue_indirect_dma source(%arg10 : memref<80x128xf32, #tpu.memory_space<vmem>>) target(%dma_start3A_391 : memref<10112x128xf32, #tpu.memory_space<vmem_shared>>) offsets(%arg26 : memref<80xi32, #tpu.memory_space<vmem>>) semaphore(%arg34 : memref<!tpu.dma_semaphore, #tpu.memory_space<semaphore_mem>>) {add = true}
      %add3A_392 = arith.constant 5 : i32
      %add3A_393 = arith.addi %add3A_181, %add3A_392 : i32
      %dma_wait3A_394 = arith.constant 0 : i32
      %dma_wait3A_395 = arith.constant 0 : i32
      %dma_wait3A_396 = tpu.memref_slice %arg6[%dma_wait3A_394, %dma_wait3A_395] : memref<10112x128xf32, #tpu.memory_space<vmem_shared>> -> memref<10112x128xf32, #tpu.memory_space<vmem_shared>>
      tpu.wait_indirect_dma semaphore(%arg32 : memref<!tpu.dma_semaphore, #tpu.memory_space<semaphore_mem>>) src(%arg8 : memref<80x128xf32, #tpu.memory_space<vmem>>) dst(%dma_wait3A_396 : memref<10112x128xf32, #tpu.memory_space<vmem_shared>>)
      %add3A_397 = arith.constant 2 : i32
      %add3A_398 = arith.addi %add3A_393, %add3A_397 : i32
      %mul3A_399 = arith.constant 10000 : i32
      %mul3A_400 = arith.muli %add3A, %mul3A_399 : i32
      %mul3A_401 = arith.constant 80 : i32
      %mul3A_402 = arith.muli %add3A_398, %mul3A_401 : i32
      %add3A_403 = arith.addi %mul3A_400, %mul3A_402 : i32
      %multiple_of3A_404 = tpu.assume_multiple %add3A_403, 8 : i32
      %dma_start3A_405 = tpu.memref_slice %arg2[%multiple_of3A_404] : memref<320000xi32, #tpu.memory_space<hbm>> -> memref<80xi32, #tpu.memory_space<hbm>>
      %dma_start3A_406 = tpu.memref_slice %arg2[%multiple_of3A_404] : memref<320000xi32, #tpu.memory_space<hbm>> -> memref<80xi32, #tpu.memory_space<hbm>>
      tpu.enqueue_dma source(%dma_start3A_406 : memref<80xi32, #tpu.memory_space<hbm>>) target(%arg13 : memref<80xi32, #tpu.memory_space<vmem>>) target_semaphore(%arg37 : memref<!tpu.dma_semaphore, #tpu.memory_space<semaphore_mem>>)
      %add3A_407 = arith.constant 2 : i32
      %add3A_408 = arith.addi %add3A_393, %add3A_407 : i32
      %mul3A_409 = arith.constant 10000 : i32
      %mul3A_410 = arith.muli %add3A, %mul3A_409 : i32
      %mul3A_411 = arith.constant 80 : i32
      %mul3A_412 = arith.muli %add3A_408, %mul3A_411 : i32
      %add3A_413 = arith.addi %mul3A_410, %mul3A_412 : i32
      %multiple_of3A_414 = tpu.assume_multiple %add3A_413, 8 : i32
      %dma_start3A_415 = tpu.memref_slice %arg3[%multiple_of3A_414] : memref<320000xi32, #tpu.memory_space<hbm>> -> memref<80xi32, #tpu.memory_space<hbm>>
      %dma_start3A_416 = tpu.memref_slice %arg3[%multiple_of3A_414] : memref<320000xi32, #tpu.memory_space<hbm>> -> memref<80xi32, #tpu.memory_space<hbm>>
      tpu.enqueue_dma source(%dma_start3A_416 : memref<80xi32, #tpu.memory_space<hbm>>) target(%arg21 : memref<80xi32, #tpu.memory_space<vmem>>) target_semaphore(%arg45 : memref<!tpu.dma_semaphore, #tpu.memory_space<semaphore_mem>>)
      %dma_wait3A_417 = arith.constant 0 : i32
      %dma_wait3A_418 = tpu.memref_slice %arg2[%dma_wait3A_417] : memref<320000xi32, #tpu.memory_space<hbm>> -> memref<80xi32, #tpu.memory_space<hbm>>
      %dma_wait3A_419 = arith.constant 0 : i32
      %dma_wait3A_420 = tpu.memref_slice %arg2[%dma_wait3A_419] : memref<320000xi32, #tpu.memory_space<hbm>> -> memref<80xi32, #tpu.memory_space<hbm>>
      tpu.wait_dma2 semaphore(%arg36 : memref<!tpu.dma_semaphore, #tpu.memory_space<semaphore_mem>>) src(%dma_wait3A_420 : memref<80xi32, #tpu.memory_space<hbm>>) dst(%arg12 : memref<80xi32, #tpu.memory_space<vmem>>)
      %dma_start3A_421 = arith.constant 0 : i32
      %dma_start3A_422 = arith.constant 0 : i32
      %dma_start3A_423 = tpu.memref_slice %arg4[%dma_start3A_421, %dma_start3A_422] : memref<10112x128xf32, #tpu.memory_space<hbm>> -> memref<10112x128xf32, #tpu.memory_space<hbm>>
      tpu.enqueue_indirect_dma source(%dma_start3A_423 : memref<10112x128xf32, #tpu.memory_space<hbm>>) target(%arg8 : memref<80x128xf32, #tpu.memory_space<vmem>>) offsets(%arg12 : memref<80xi32, #tpu.memory_space<vmem>>) semaphore(%arg28 : memref<!tpu.dma_semaphore, #tpu.memory_space<semaphore_mem>>)
      %dma_wait3A_424 = arith.constant 0 : i32
      %dma_wait3A_425 = arith.constant 0 : i32
      %dma_wait3A_426 = tpu.memref_slice %arg4[%dma_wait3A_424, %dma_wait3A_425] : memref<10112x128xf32, #tpu.memory_space<hbm>> -> memref<10112x128xf32, #tpu.memory_space<hbm>>
      tpu.wait_indirect_dma semaphore(%arg27 : memref<!tpu.dma_semaphore, #tpu.memory_space<semaphore_mem>>) src(%dma_wait3A_426 : memref<10112x128xf32, #tpu.memory_space<hbm>>) dst(%arg7 : memref<80x128xf32, #tpu.memory_space<vmem>>)
      %dma_wait3A_427 = arith.constant 0 : i32
      %dma_wait3A_428 = tpu.memref_slice %arg3[%dma_wait3A_427] : memref<320000xi32, #tpu.memory_space<hbm>> -> memref<80xi32, #tpu.memory_space<hbm>>
      %dma_wait3A_429 = arith.constant 0 : i32
      %dma_wait3A_430 = tpu.memref_slice %arg3[%dma_wait3A_429] : memref<320000xi32, #tpu.memory_space<hbm>> -> memref<80xi32, #tpu.memory_space<hbm>>
      tpu.wait_dma2 semaphore(%arg43 : memref<!tpu.dma_semaphore, #tpu.memory_space<semaphore_mem>>) src(%dma_wait3A_430 : memref<80xi32, #tpu.memory_space<hbm>>) dst(%arg19 : memref<80xi32, #tpu.memory_space<vmem>>)
      %dma_start3A_431 = arith.constant 0 : i32
      %dma_start3A_432 = arith.constant 0 : i32
      %dma_start3A_433 = tpu.memref_slice %arg6[%dma_start3A_431, %dma_start3A_432] : memref<10112x128xf32, #tpu.memory_space<vmem_shared>> -> memref<10112x128xf32, #tpu.memory_space<vmem_shared>>
      tpu.enqueue_indirect_dma source(%arg7 : memref<80x128xf32, #tpu.memory_space<vmem>>) target(%dma_start3A_433 : memref<10112x128xf32, #tpu.memory_space<vmem_shared>>) offsets(%arg19 : memref<80xi32, #tpu.memory_space<vmem>>) semaphore(%arg31 : memref<!tpu.dma_semaphore, #tpu.memory_space<semaphore_mem>>) {add = true}
      %add3A_434 = arith.constant 6 : i32
      %add3A_435 = arith.addi %add3A_181, %add3A_434 : i32
      %dma_wait3A_436 = arith.constant 0 : i32
      %dma_wait3A_437 = arith.constant 0 : i32
      %dma_wait3A_438 = tpu.memref_slice %arg6[%dma_wait3A_436, %dma_wait3A_437] : memref<10112x128xf32, #tpu.memory_space<vmem_shared>> -> memref<10112x128xf32, #tpu.memory_space<vmem_shared>>
      tpu.wait_indirect_dma semaphore(%arg33 : memref<!tpu.dma_semaphore, #tpu.memory_space<semaphore_mem>>) src(%arg9 : memref<80x128xf32, #tpu.memory_space<vmem>>) dst(%dma_wait3A_438 : memref<10112x128xf32, #tpu.memory_space<vmem_shared>>)
      %add3A_439 = arith.constant 2 : i32
      %add3A_440 = arith.addi %add3A_435, %add3A_439 : i32
      %mul3A_441 = arith.constant 10000 : i32
      %mul3A_442 = arith.muli %add3A, %mul3A_441 : i32
      %mul3A_443 = arith.constant 80 : i32
      %mul3A_444 = arith.muli %add3A_440, %mul3A_443 : i32
      %add3A_445 = arith.addi %mul3A_442, %mul3A_444 : i32
      %multiple_of3A_446 = tpu.assume_multiple %add3A_445, 8 : i32
      %dma_start3A_447 = tpu.memref_slice %arg2[%multiple_of3A_446] : memref<320000xi32, #tpu.memory_space<hbm>> -> memref<80xi32, #tpu.memory_space<hbm>>
      %dma_start3A_448 = tpu.memref_slice %arg2[%multiple_of3A_446] : memref<320000xi32, #tpu.memory_space<hbm>> -> memref<80xi32, #tpu.memory_space<hbm>>
      tpu.enqueue_dma source(%dma_start3A_448 : memref<80xi32, #tpu.memory_space<hbm>>) target(%arg14 : memref<80xi32, #tpu.memory_space<vmem>>) target_semaphore(%arg38 : memref<!tpu.dma_semaphore, #tpu.memory_space<semaphore_mem>>)
      %add3A_449 = arith.constant 2 : i32
      %add3A_450 = arith.addi %add3A_435, %add3A_449 : i32
      %mul3A_451 = arith.constant 10000 : i32
      %mul3A_452 = arith.muli %add3A, %mul3A_451 : i32
      %mul3A_453 = arith.constant 80 : i32
      %mul3A_454 = arith.muli %add3A_450, %mul3A_453 : i32
      %add3A_455 = arith.addi %mul3A_452, %mul3A_454 : i32
      %multiple_of3A_456 = tpu.assume_multiple %add3A_455, 8 : i32
      %dma_start3A_457 = tpu.memref_slice %arg3[%multiple_of3A_456] : memref<320000xi32, #tpu.memory_space<hbm>> -> memref<80xi32, #tpu.memory_space<hbm>>
      %dma_start3A_458 = tpu.memref_slice %arg3[%multiple_of3A_456] : memref<320000xi32, #tpu.memory_space<hbm>> -> memref<80xi32, #tpu.memory_space<hbm>>
      tpu.enqueue_dma source(%dma_start3A_458 : memref<80xi32, #tpu.memory_space<hbm>>) target(%arg22 : memref<80xi32, #tpu.memory_space<vmem>>) target_semaphore(%arg46 : memref<!tpu.dma_semaphore, #tpu.memory_space<semaphore_mem>>)
      %dma_wait3A_459 = arith.constant 0 : i32
      %dma_wait3A_460 = tpu.memref_slice %arg2[%dma_wait3A_459] : memref<320000xi32, #tpu.memory_space<hbm>> -> memref<80xi32, #tpu.memory_space<hbm>>
      %dma_wait3A_461 = arith.constant 0 : i32
      %dma_wait3A_462 = tpu.memref_slice %arg2[%dma_wait3A_461] : memref<320000xi32, #tpu.memory_space<hbm>> -> memref<80xi32, #tpu.memory_space<hbm>>
      tpu.wait_dma2 semaphore(%arg37 : memref<!tpu.dma_semaphore, #tpu.memory_space<semaphore_mem>>) src(%dma_wait3A_462 : memref<80xi32, #tpu.memory_space<hbm>>) dst(%arg13 : memref<80xi32, #tpu.memory_space<vmem>>)
      %dma_start3A_463 = arith.constant 0 : i32
      %dma_start3A_464 = arith.constant 0 : i32
      %dma_start3A_465 = tpu.memref_slice %arg4[%dma_start3A_463, %dma_start3A_464] : memref<10112x128xf32, #tpu.memory_space<hbm>> -> memref<10112x128xf32, #tpu.memory_space<hbm>>
      tpu.enqueue_indirect_dma source(%dma_start3A_465 : memref<10112x128xf32, #tpu.memory_space<hbm>>) target(%arg9 : memref<80x128xf32, #tpu.memory_space<vmem>>) offsets(%arg13 : memref<80xi32, #tpu.memory_space<vmem>>) semaphore(%arg29 : memref<!tpu.dma_semaphore, #tpu.memory_space<semaphore_mem>>)
      %dma_wait3A_466 = arith.constant 0 : i32
      %dma_wait3A_467 = arith.constant 0 : i32
      %dma_wait3A_468 = tpu.memref_slice %arg4[%dma_wait3A_466, %dma_wait3A_467] : memref<10112x128xf32, #tpu.memory_space<hbm>> -> memref<10112x128xf32, #tpu.memory_space<hbm>>
      tpu.wait_indirect_dma semaphore(%arg28 : memref<!tpu.dma_semaphore, #tpu.memory_space<semaphore_mem>>) src(%dma_wait3A_468 : memref<10112x128xf32, #tpu.memory_space<hbm>>) dst(%arg8 : memref<80x128xf32, #tpu.memory_space<vmem>>)
      %dma_wait3A_469 = arith.constant 0 : i32
      %dma_wait3A_470 = tpu.memref_slice %arg3[%dma_wait3A_469] : memref<320000xi32, #tpu.memory_space<hbm>> -> memref<80xi32, #tpu.memory_space<hbm>>
      %dma_wait3A_471 = arith.constant 0 : i32
      %dma_wait3A_472 = tpu.memref_slice %arg3[%dma_wait3A_471] : memref<320000xi32, #tpu.memory_space<hbm>> -> memref<80xi32, #tpu.memory_space<hbm>>
      tpu.wait_dma2 semaphore(%arg44 : memref<!tpu.dma_semaphore, #tpu.memory_space<semaphore_mem>>) src(%dma_wait3A_472 : memref<80xi32, #tpu.memory_space<hbm>>) dst(%arg20 : memref<80xi32, #tpu.memory_space<vmem>>)
      %dma_start3A_473 = arith.constant 0 : i32
      %dma_start3A_474 = arith.constant 0 : i32
      %dma_start3A_475 = tpu.memref_slice %arg6[%dma_start3A_473, %dma_start3A_474] : memref<10112x128xf32, #tpu.memory_space<vmem_shared>> -> memref<10112x128xf32, #tpu.memory_space<vmem_shared>>
      tpu.enqueue_indirect_dma source(%arg8 : memref<80x128xf32, #tpu.memory_space<vmem>>) target(%dma_start3A_475 : memref<10112x128xf32, #tpu.memory_space<vmem_shared>>) offsets(%arg20 : memref<80xi32, #tpu.memory_space<vmem>>) semaphore(%arg32 : memref<!tpu.dma_semaphore, #tpu.memory_space<semaphore_mem>>) {add = true}
      %add3A_476 = arith.constant 7 : i32
      %add3A_477 = arith.addi %add3A_181, %add3A_476 : i32
      %dma_wait3A_478 = arith.constant 0 : i32
      %dma_wait3A_479 = arith.constant 0 : i32
      %dma_wait3A_480 = tpu.memref_slice %arg6[%dma_wait3A_478, %dma_wait3A_479] : memref<10112x128xf32, #tpu.memory_space<vmem_shared>> -> memref<10112x128xf32, #tpu.memory_space<vmem_shared>>
      tpu.wait_indirect_dma semaphore(%arg34 : memref<!tpu.dma_semaphore, #tpu.memory_space<semaphore_mem>>) src(%arg10 : memref<80x128xf32, #tpu.memory_space<vmem>>) dst(%dma_wait3A_480 : memref<10112x128xf32, #tpu.memory_space<vmem_shared>>)
      %add3A_481 = arith.constant 2 : i32
      %add3A_482 = arith.addi %add3A_477, %add3A_481 : i32
      %mul3A_483 = arith.constant 10000 : i32
      %mul3A_484 = arith.muli %add3A, %mul3A_483 : i32
      %mul3A_485 = arith.constant 80 : i32
      %mul3A_486 = arith.muli %add3A_482, %mul3A_485 : i32
      %add3A_487 = arith.addi %mul3A_484, %mul3A_486 : i32
      %multiple_of3A_488 = tpu.assume_multiple %add3A_487, 8 : i32
      %dma_start3A_489 = tpu.memref_slice %arg2[%multiple_of3A_488] : memref<320000xi32, #tpu.memory_space<hbm>> -> memref<80xi32, #tpu.memory_space<hbm>>
      %dma_start3A_490 = tpu.memref_slice %arg2[%multiple_of3A_488] : memref<320000xi32, #tpu.memory_space<hbm>> -> memref<80xi32, #tpu.memory_space<hbm>>
      tpu.enqueue_dma source(%dma_start3A_490 : memref<80xi32, #tpu.memory_space<hbm>>) target(%arg15 : memref<80xi32, #tpu.memory_space<vmem>>) target_semaphore(%arg39 : memref<!tpu.dma_semaphore, #tpu.memory_space<semaphore_mem>>)
      %add3A_491 = arith.constant 2 : i32
      %add3A_492 = arith.addi %add3A_477, %add3A_491 : i32
      %mul3A_493 = arith.constant 10000 : i32
      %mul3A_494 = arith.muli %add3A, %mul3A_493 : i32
      %mul3A_495 = arith.constant 80 : i32
      %mul3A_496 = arith.muli %add3A_492, %mul3A_495 : i32
      %add3A_497 = arith.addi %mul3A_494, %mul3A_496 : i32
      %multiple_of3A_498 = tpu.assume_multiple %add3A_497, 8 : i32
      %dma_start3A_499 = tpu.memref_slice %arg3[%multiple_of3A_498] : memref<320000xi32, #tpu.memory_space<hbm>> -> memref<80xi32, #tpu.memory_space<hbm>>
      %dma_start3A_500 = tpu.memref_slice %arg3[%multiple_of3A_498] : memref<320000xi32, #tpu.memory_space<hbm>> -> memref<80xi32, #tpu.memory_space<hbm>>
      tpu.enqueue_dma source(%dma_start3A_500 : memref<80xi32, #tpu.memory_space<hbm>>) target(%arg23 : memref<80xi32, #tpu.memory_space<vmem>>) target_semaphore(%arg47 : memref<!tpu.dma_semaphore, #tpu.memory_space<semaphore_mem>>)
      %dma_wait3A_501 = arith.constant 0 : i32
      %dma_wait3A_502 = tpu.memref_slice %arg2[%dma_wait3A_501] : memref<320000xi32, #tpu.memory_space<hbm>> -> memref<80xi32, #tpu.memory_space<hbm>>
      %dma_wait3A_503 = arith.constant 0 : i32
      %dma_wait3A_504 = tpu.memref_slice %arg2[%dma_wait3A_503] : memref<320000xi32, #tpu.memory_space<hbm>> -> memref<80xi32, #tpu.memory_space<hbm>>
      tpu.wait_dma2 semaphore(%arg38 : memref<!tpu.dma_semaphore, #tpu.memory_space<semaphore_mem>>) src(%dma_wait3A_504 : memref<80xi32, #tpu.memory_space<hbm>>) dst(%arg14 : memref<80xi32, #tpu.memory_space<vmem>>)
      %dma_start3A_505 = arith.constant 0 : i32
      %dma_start3A_506 = arith.constant 0 : i32
      %dma_start3A_507 = tpu.memref_slice %arg4[%dma_start3A_505, %dma_start3A_506] : memref<10112x128xf32, #tpu.memory_space<hbm>> -> memref<10112x128xf32, #tpu.memory_space<hbm>>
      tpu.enqueue_indirect_dma source(%dma_start3A_507 : memref<10112x128xf32, #tpu.memory_space<hbm>>) target(%arg10 : memref<80x128xf32, #tpu.memory_space<vmem>>) offsets(%arg14 : memref<80xi32, #tpu.memory_space<vmem>>) semaphore(%arg30 : memref<!tpu.dma_semaphore, #tpu.memory_space<semaphore_mem>>)
      %dma_wait3A_508 = arith.constant 0 : i32
      %dma_wait3A_509 = arith.constant 0 : i32
      %dma_wait3A_510 = tpu.memref_slice %arg4[%dma_wait3A_508, %dma_wait3A_509] : memref<10112x128xf32, #tpu.memory_space<hbm>> -> memref<10112x128xf32, #tpu.memory_space<hbm>>
      tpu.wait_indirect_dma semaphore(%arg29 : memref<!tpu.dma_semaphore, #tpu.memory_space<semaphore_mem>>) src(%dma_wait3A_510 : memref<10112x128xf32, #tpu.memory_space<hbm>>) dst(%arg9 : memref<80x128xf32, #tpu.memory_space<vmem>>)
      %dma_wait3A_511 = arith.constant 0 : i32
      %dma_wait3A_512 = tpu.memref_slice %arg3[%dma_wait3A_511] : memref<320000xi32, #tpu.memory_space<hbm>> -> memref<80xi32, #tpu.memory_space<hbm>>
      %dma_wait3A_513 = arith.constant 0 : i32
      %dma_wait3A_514 = tpu.memref_slice %arg3[%dma_wait3A_513] : memref<320000xi32, #tpu.memory_space<hbm>> -> memref<80xi32, #tpu.memory_space<hbm>>
      tpu.wait_dma2 semaphore(%arg45 : memref<!tpu.dma_semaphore, #tpu.memory_space<semaphore_mem>>) src(%dma_wait3A_514 : memref<80xi32, #tpu.memory_space<hbm>>) dst(%arg21 : memref<80xi32, #tpu.memory_space<vmem>>)
      %dma_start3A_515 = arith.constant 0 : i32
      %dma_start3A_516 = arith.constant 0 : i32
      %dma_start3A_517 = tpu.memref_slice %arg6[%dma_start3A_515, %dma_start3A_516] : memref<10112x128xf32, #tpu.memory_space<vmem_shared>> -> memref<10112x128xf32, #tpu.memory_space<vmem_shared>>
      tpu.enqueue_indirect_dma source(%arg9 : memref<80x128xf32, #tpu.memory_space<vmem>>) target(%dma_start3A_517 : memref<10112x128xf32, #tpu.memory_space<vmem_shared>>) offsets(%arg21 : memref<80xi32, #tpu.memory_space<vmem>>) semaphore(%arg33 : memref<!tpu.dma_semaphore, #tpu.memory_space<semaphore_mem>>) {add = true}
    }
    %scan3A_133 = arith.constant 15 : i32
    %dma_wait3A_134 = arith.constant 0 : i32
    %dma_wait3A_135 = arith.constant 0 : i32
    %dma_wait3A_136 = tpu.memref_slice %arg6[%dma_wait3A_134, %dma_wait3A_135] : memref<10112x128xf32, #tpu.memory_space<vmem_shared>> -> memref<10112x128xf32, #tpu.memory_space<vmem_shared>>
    tpu.wait_indirect_dma semaphore(%arg31 : memref<!tpu.dma_semaphore, #tpu.memory_space<semaphore_mem>>) src(%arg7 : memref<80x128xf32, #tpu.memory_space<vmem>>) dst(%dma_wait3A_136 : memref<10112x128xf32, #tpu.memory_space<vmem_shared>>)
    %dma_wait3A_137 = arith.constant 0 : i32
    %dma_wait3A_138 = tpu.memref_slice %arg2[%dma_wait3A_137] : memref<320000xi32, #tpu.memory_space<hbm>> -> memref<80xi32, #tpu.memory_space<hbm>>
    %dma_wait3A_139 = arith.constant 0 : i32
    %dma_wait3A_140 = tpu.memref_slice %arg2[%dma_wait3A_139] : memref<320000xi32, #tpu.memory_space<hbm>> -> memref<80xi32, #tpu.memory_space<hbm>>
    tpu.wait_dma2 semaphore(%arg39 : memref<!tpu.dma_semaphore, #tpu.memory_space<semaphore_mem>>) src(%dma_wait3A_140 : memref<80xi32, #tpu.memory_space<hbm>>) dst(%arg15 : memref<80xi32, #tpu.memory_space<vmem>>)
    %dma_start3A_141 = arith.constant 0 : i32
    %dma_start3A_142 = arith.constant 0 : i32
    %dma_start3A_143 = tpu.memref_slice %arg4[%dma_start3A_141, %dma_start3A_142] : memref<10112x128xf32, #tpu.memory_space<hbm>> -> memref<10112x128xf32, #tpu.memory_space<hbm>>
    tpu.enqueue_indirect_dma source(%dma_start3A_143 : memref<10112x128xf32, #tpu.memory_space<hbm>>) target(%arg7 : memref<80x128xf32, #tpu.memory_space<vmem>>) offsets(%arg15 : memref<80xi32, #tpu.memory_space<vmem>>) semaphore(%arg27 : memref<!tpu.dma_semaphore, #tpu.memory_space<semaphore_mem>>)
    %dma_wait3A_144 = arith.constant 0 : i32
    %dma_wait3A_145 = arith.constant 0 : i32
    %dma_wait3A_146 = tpu.memref_slice %arg4[%dma_wait3A_144, %dma_wait3A_145] : memref<10112x128xf32, #tpu.memory_space<hbm>> -> memref<10112x128xf32, #tpu.memory_space<hbm>>
    tpu.wait_indirect_dma semaphore(%arg30 : memref<!tpu.dma_semaphore, #tpu.memory_space<semaphore_mem>>) src(%dma_wait3A_146 : memref<10112x128xf32, #tpu.memory_space<hbm>>) dst(%arg10 : memref<80x128xf32, #tpu.memory_space<vmem>>)
    %dma_wait3A_147 = arith.constant 0 : i32
    %dma_wait3A_148 = tpu.memref_slice %arg3[%dma_wait3A_147] : memref<320000xi32, #tpu.memory_space<hbm>> -> memref<80xi32, #tpu.memory_space<hbm>>
    %dma_wait3A_149 = arith.constant 0 : i32
    %dma_wait3A_150 = tpu.memref_slice %arg3[%dma_wait3A_149] : memref<320000xi32, #tpu.memory_space<hbm>> -> memref<80xi32, #tpu.memory_space<hbm>>
    tpu.wait_dma2 semaphore(%arg46 : memref<!tpu.dma_semaphore, #tpu.memory_space<semaphore_mem>>) src(%dma_wait3A_150 : memref<80xi32, #tpu.memory_space<hbm>>) dst(%arg22 : memref<80xi32, #tpu.memory_space<vmem>>)
    %dma_start3A_151 = arith.constant 0 : i32
    %dma_start3A_152 = arith.constant 0 : i32
    %dma_start3A_153 = tpu.memref_slice %arg6[%dma_start3A_151, %dma_start3A_152] : memref<10112x128xf32, #tpu.memory_space<vmem_shared>> -> memref<10112x128xf32, #tpu.memory_space<vmem_shared>>
    tpu.enqueue_indirect_dma source(%arg10 : memref<80x128xf32, #tpu.memory_space<vmem>>) target(%dma_start3A_153 : memref<10112x128xf32, #tpu.memory_space<vmem_shared>>) offsets(%arg22 : memref<80xi32, #tpu.memory_space<vmem>>) semaphore(%arg34 : memref<!tpu.dma_semaphore, #tpu.memory_space<semaphore_mem>>) {add = true}
    %dma_wait3A_154 = arith.constant 0 : i32
    %dma_wait3A_155 = arith.constant 0 : i32
    %dma_wait3A_156 = tpu.memref_slice %arg6[%dma_wait3A_154, %dma_wait3A_155] : memref<10112x128xf32, #tpu.memory_space<vmem_shared>> -> memref<10112x128xf32, #tpu.memory_space<vmem_shared>>
    tpu.wait_indirect_dma semaphore(%arg32 : memref<!tpu.dma_semaphore, #tpu.memory_space<semaphore_mem>>) src(%arg8 : memref<80x128xf32, #tpu.memory_space<vmem>>) dst(%dma_wait3A_156 : memref<10112x128xf32, #tpu.memory_space<vmem_shared>>)
    %dma_wait3A_157 = arith.constant 0 : i32
    %dma_wait3A_158 = arith.constant 0 : i32
    %dma_wait3A_159 = tpu.memref_slice %arg4[%dma_wait3A_157, %dma_wait3A_158] : memref<10112x128xf32, #tpu.memory_space<hbm>> -> memref<10112x128xf32, #tpu.memory_space<hbm>>
    tpu.wait_indirect_dma semaphore(%arg27 : memref<!tpu.dma_semaphore, #tpu.memory_space<semaphore_mem>>) src(%dma_wait3A_159 : memref<10112x128xf32, #tpu.memory_space<hbm>>) dst(%arg7 : memref<80x128xf32, #tpu.memory_space<vmem>>)
    %dma_wait3A_160 = arith.constant 0 : i32
    %dma_wait3A_161 = tpu.memref_slice %arg3[%dma_wait3A_160] : memref<320000xi32, #tpu.memory_space<hbm>> -> memref<80xi32, #tpu.memory_space<hbm>>
    %dma_wait3A_162 = arith.constant 0 : i32
    %dma_wait3A_163 = tpu.memref_slice %arg3[%dma_wait3A_162] : memref<320000xi32, #tpu.memory_space<hbm>> -> memref<80xi32, #tpu.memory_space<hbm>>
    tpu.wait_dma2 semaphore(%arg47 : memref<!tpu.dma_semaphore, #tpu.memory_space<semaphore_mem>>) src(%dma_wait3A_163 : memref<80xi32, #tpu.memory_space<hbm>>) dst(%arg23 : memref<80xi32, #tpu.memory_space<vmem>>)
    %dma_start3A_164 = arith.constant 0 : i32
    %dma_start3A_165 = arith.constant 0 : i32
    %dma_start3A_166 = tpu.memref_slice %arg6[%dma_start3A_164, %dma_start3A_165] : memref<10112x128xf32, #tpu.memory_space<vmem_shared>> -> memref<10112x128xf32, #tpu.memory_space<vmem_shared>>
    tpu.enqueue_indirect_dma source(%arg7 : memref<80x128xf32, #tpu.memory_space<vmem>>) target(%dma_start3A_166 : memref<10112x128xf32, #tpu.memory_space<vmem_shared>>) offsets(%arg23 : memref<80xi32, #tpu.memory_space<vmem>>) semaphore(%arg31 : memref<!tpu.dma_semaphore, #tpu.memory_space<semaphore_mem>>) {add = true}
    %dma_wait3A_167 = arith.constant 0 : i32
    %dma_wait3A_168 = arith.constant 0 : i32
    %dma_wait3A_169 = tpu.memref_slice %arg6[%dma_wait3A_167, %dma_wait3A_168] : memref<10112x128xf32, #tpu.memory_space<vmem_shared>> -> memref<10112x128xf32, #tpu.memory_space<vmem_shared>>
    tpu.wait_indirect_dma semaphore(%arg33 : memref<!tpu.dma_semaphore, #tpu.memory_space<semaphore_mem>>) src(%arg9 : memref<80x128xf32, #tpu.memory_space<vmem>>) dst(%dma_wait3A_169 : memref<10112x128xf32, #tpu.memory_space<vmem_shared>>)
    %dma_wait3A_170 = arith.constant 0 : i32
    %dma_wait3A_171 = arith.constant 0 : i32
    %dma_wait3A_172 = tpu.memref_slice %arg6[%dma_wait3A_170, %dma_wait3A_171] : memref<10112x128xf32, #tpu.memory_space<vmem_shared>> -> memref<10112x128xf32, #tpu.memory_space<vmem_shared>>
    tpu.wait_indirect_dma semaphore(%arg34 : memref<!tpu.dma_semaphore, #tpu.memory_space<semaphore_mem>>) src(%arg10 : memref<80x128xf32, #tpu.memory_space<vmem>>) dst(%dma_wait3A_172 : memref<10112x128xf32, #tpu.memory_space<vmem_shared>>)
    %dma_wait3A_173 = arith.constant 0 : i32
    %dma_wait3A_174 = arith.constant 0 : i32
    %dma_wait3A_175 = tpu.memref_slice %arg6[%dma_wait3A_173, %dma_wait3A_174] : memref<10112x128xf32, #tpu.memory_space<vmem_shared>> -> memref<10112x128xf32, #tpu.memory_space<vmem_shared>>
    tpu.wait_indirect_dma semaphore(%arg31 : memref<!tpu.dma_semaphore, #tpu.memory_space<semaphore_mem>>) src(%arg7 : memref<80x128xf32, #tpu.memory_space<vmem>>) dst(%dma_wait3A_175 : memref<10112x128xf32, #tpu.memory_space<vmem_shared>>)
    %barrier3A_176 = arith.constant 0 : index
    tpu.barrier barrier_id(%barrier3A_176)
    "tpu.region"() ({
      %run_scoped3A = tpu.sem_alloc : memref<!tpu.dma_semaphore, #tpu.memory_space<semaphore_mem>>
      %dma_start3A_177 = arith.constant 0 : i32
      %dma_start3A_178 = tpu.memref_slice %arg5[%arg0, %multiple_of3A, %dma_start3A_177] : memref<2x10112x128xf32, #tpu.memory_space<hbm>> -> memref<1x632x128xf32, #tpu.memory_space<hbm>>
      %dma_start3A_179 = tpu.memref_squeeze %dma_start3A_178 : memref<1x632x128xf32, #tpu.memory_space<hbm>> -> memref<632x128xf32, #tpu.memory_space<hbm>>
      %dma_start3A_180 = arith.constant 0 : i32
      %dma_start3A_181 = tpu.memref_slice %arg6[%multiple_of3A, %dma_start3A_180] : memref<10112x128xf32, #tpu.memory_space<vmem_shared>> -> memref<632x128xf32, #tpu.memory_space<vmem_shared>>
      tpu.enqueue_dma source(%dma_start3A_181 : memref<632x128xf32, #tpu.memory_space<vmem_shared>>) target(%dma_start3A_179 : memref<632x128xf32, #tpu.memory_space<hbm>>) target_semaphore(%run_scoped3A : memref<!tpu.dma_semaphore, #tpu.memory_space<semaphore_mem>>)
      %dma_wait3A_182 = arith.constant 0 : i32
      %dma_wait3A_183 = tpu.memref_slice %arg5[%arg0, %multiple_of3A, %dma_wait3A_182] : memref<2x10112x128xf32, #tpu.memory_space<hbm>> -> memref<1x632x128xf32, #tpu.memory_space<hbm>>
      %dma_wait3A_184 = tpu.memref_squeeze %dma_wait3A_183 : memref<1x632x128xf32, #tpu.memory_space<hbm>> -> memref<632x128xf32, #tpu.memory_space<hbm>>
      %dma_wait3A_185 = arith.constant 0 : i32
      %dma_wait3A_186 = tpu.memref_slice %arg6[%multiple_of3A, %dma_wait3A_185] : memref<10112x128xf32, #tpu.memory_space<vmem_shared>> -> memref<632x128xf32, #tpu.memory_space<vmem_shared>>
      tpu.wait_dma2 semaphore(%run_scoped3A : memref<!tpu.dma_semaphore, #tpu.memory_space<semaphore_mem>>) src(%dma_wait3A_186 : memref<632x128xf32, #tpu.memory_space<vmem_shared>>) dst(%dma_wait3A_184 : memref<632x128xf32, #tpu.memory_space<hbm>>)
      tpu.yield
    }) : () -> ()
    return
  }
}

module attributes {stable_mosaic.version = 14 : i64} {
  func.func @_mlp_body(%arg0: memref<8000x128xf32, #tpu.memory_space<vmem>>, %arg1: memref<2000x128xf32, #tpu.memory_space<vmem>>, %arg2: memref<128x512xf32, #tpu.memory_space<vmem>>, %arg3: memref<1x512xf32, #tpu.memory_space<vmem>>, %arg4: memref<512x128xf32, #tpu.memory_space<vmem>>, %arg5: memref<1x128xf32, #tpu.memory_space<vmem>>, %arg6: memref<10000x128xf32, #tpu.memory_space<vmem>>) attributes {dimension_semantics = [], scalar_prefetch = 0 : i64, scratch_operands = 0 : i64, tpu.core_type = #tpu.core_type<tc>} {
    %get3A = arith.constant 0 : index
    %get3A_0 = arith.constant 0 : index
    %get3A_1 = vector.load %arg0[%get3A, %get3A_0] : memref<8000x128xf32, #tpu.memory_space<vmem>>, vector<8000x128xf32>
    %get3A_2 = arith.constant 0 : index
    %get3A_3 = arith.constant 0 : index
    %get3A_4 = vector.load %arg2[%get3A_2, %get3A_3] : memref<128x512xf32, #tpu.memory_space<vmem>>, vector<128x512xf32>
    %dot_general3A = arith.constant dense<0.000000e+00> : vector<8000x512xf32>
    %dot_general3A_5 = tpu.matmul %get3A_1, %get3A_4, %dot_general3A {dimension_numbers = #tpu.dot_dimension_numbers<[1], [0], [0], [1], [0, 0, 1, 1], [], []>, transpose_lhs_hint = false} : vector<8000x128xf32>, vector<128x512xf32>, vector<8000x512xf32> -> vector<8000x512xf32>
    %get3A_6 = arith.constant 0 : index
    %get3A_7 = arith.constant 0 : index
    %get3A_8 = vector.load %arg3[%get3A_6, %get3A_7] : memref<1x512xf32, #tpu.memory_space<vmem>>, vector<1x512xf32>
    %add3A = vector.broadcast %get3A_8 : vector<1x512xf32> to vector<8000x512xf32>
    %add3A_9 = arith.addf %dot_general3A_5, %add3A : vector<8000x512xf32>
    %ge3A = arith.constant 0.000000e+00 : f32
    %ge3A_10 = vector.broadcast %ge3A : f32 to vector<8000x512xf32>
    %ge3A_11 = arith.cmpf oge, %add3A_9, %ge3A_10 : vector<8000x512xf32>
    %mul3A = arith.constant 0.00999999977 : f32
    %mul3A_12 = vector.broadcast %mul3A : f32 to vector<8000x512xf32>
    %mul3A_13 = arith.mulf %mul3A_12, %add3A_9 : vector<8000x512xf32>
    %select_n3A = arith.select %ge3A_11, %add3A_9, %mul3A_13 : vector<8000x512xi1>, vector<8000x512xf32>
    %get3A_14 = arith.constant 0 : index
    %get3A_15 = arith.constant 0 : index
    %get3A_16 = vector.load %arg1[%get3A_14, %get3A_15] : memref<2000x128xf32, #tpu.memory_space<vmem>>, vector<2000x128xf32>
    %swap3A = arith.constant 0 : index
    %swap3A_17 = arith.constant 0 : index
    %swap3A_18 = vector.load %arg6[%swap3A, %swap3A_17] : memref<10000x128xf32, #tpu.memory_space<vmem>>, vector<2000x128xf32>
    tpu.vector_store %arg6[%swap3A, %swap3A_17], %get3A_16 {strides = array<i32>} : memref<10000x128xf32, #tpu.memory_space<vmem>>, vector<2000x128xf32>,
    %get3A_19 = arith.constant 0 : index
    %get3A_20 = arith.constant 0 : index
    %get3A_21 = vector.load %arg4[%get3A_19, %get3A_20] : memref<512x128xf32, #tpu.memory_space<vmem>>, vector<512x128xf32>
    %dot_general3A_22 = arith.constant dense<0.000000e+00> : vector<8000x128xf32>
    %dot_general3A_23 = tpu.matmul %select_n3A, %get3A_21, %dot_general3A_22 {dimension_numbers = #tpu.dot_dimension_numbers<[1], [0], [0], [1], [0, 0, 1, 1], [], []>, transpose_lhs_hint = false} : vector<8000x512xf32>, vector<512x128xf32>, vector<8000x128xf32> -> vector<8000x128xf32>
    %get3A_24 = arith.constant 0 : index
    %get3A_25 = arith.constant 0 : index
    %get3A_26 = vector.load %arg5[%get3A_24, %get3A_25] : memref<1x128xf32, #tpu.memory_space<vmem>>, vector<1x128xf32>
    %add3A_27 = vector.broadcast %get3A_26 : vector<1x128xf32> to vector<8000x128xf32>
    %add3A_28 = arith.addf %dot_general3A_23, %add3A_27 : vector<8000x128xf32>
    %swap3A_29 = arith.constant 2000 : index
    %swap3A_30 = arith.constant 0 : index
    %swap3A_31 = vector.load %arg6[%swap3A_29, %swap3A_30] : memref<10000x128xf32, #tpu.memory_space<vmem>>, vector<8000x128xf32>
    tpu.vector_store %arg6[%swap3A_29, %swap3A_30], %add3A_28 {strides = array<i32>} : memref<10000x128xf32, #tpu.memory_space<vmem>>, vector<8000x128xf32>,
    return
  }
}

module attributes {stable_mosaic.version = 14 : i64} {
  func.func @_prep_body(%arg0: memref<10000x128xf32, #tpu.memory_space<vmem>>, %arg1: memref<10000x2xf32, #tpu.memory_space<vmem>>, %arg2: memref<128x128xf32, #tpu.memory_space<vmem>>, %arg3: memref<10000x128xf32, #tpu.memory_space<vmem>>, %arg4: memref<10112x128xf32, #tpu.memory_space<vmem>>) attributes {dimension_semantics = [], scalar_prefetch = 0 : i64, scratch_operands = 0 : i64, tpu.core_type = #tpu.core_type<tc>} {
    %get3A = arith.constant 0 : index
    %get3A_0 = arith.constant 0 : index
    %get3A_1 = vector.load %arg0[%get3A, %get3A_0] : memref<10000x128xf32, #tpu.memory_space<vmem>>, vector<10000x128xf32>
    %mul3A = arith.mulf %get3A_1, %get3A_1 : vector<10000x128xf32>
    %reduce_sum3A = arith.constant dense<0.000000e+00> : vector<10000xf32>
    %reduce_sum3A_2 = vector.multi_reduction <add>, %mul3A, %reduce_sum3A [1] : vector<10000x128xf32> to vector<10000xf32>
    %broadcast_in_dim3A = vector.shape_cast %reduce_sum3A_2 : vector<10000xf32> to vector<10000x1xf32>
    %sqrt3A = math.sqrt %broadcast_in_dim3A : vector<10000x1xf32>
    %max3A = arith.constant 9.99999996E-13 : f32
    %max3A_3 = vector.broadcast %max3A : f32 to vector<10000x1xf32>
    %max3A_4 = arith.maximumf %sqrt3A, %max3A_3 : vector<10000x1xf32>
    %div3A = vector.broadcast %max3A_4 : vector<10000x1xf32> to vector<10000x128xf32>
    %div3A_5 = arith.divf %get3A_1, %div3A : vector<10000x128xf32>
    %swap3A = arith.constant 0 : index
    %swap3A_6 = arith.constant 0 : index
    %swap3A_7 = vector.load %arg3[%swap3A, %swap3A_6] : memref<10000x128xf32, #tpu.memory_space<vmem>>, vector<10000x128xf32>
    tpu.vector_store %arg3[%swap3A, %swap3A_6], %div3A_5 {strides = array<i32>} : memref<10000x128xf32, #tpu.memory_space<vmem>>, vector<10000x128xf32>,
    %get3A_8 = arith.constant 0 : index
    %get3A_9 = arith.constant 0 : index
    %get3A_10 = vector.load %arg2[%get3A_8, %get3A_9] : memref<128x128xf32, #tpu.memory_space<vmem>>, vector<128x128xf32>
    %dot_general3A = arith.constant dense<0.000000e+00> : vector<10000x128xf32>
    %dot_general3A_11 = tpu.matmul %div3A_5, %get3A_10, %dot_general3A {dimension_numbers = #tpu.dot_dimension_numbers<[1], [0], [0], [1], [0, 0, 1, 1], [], []>, transpose_lhs_hint = false} : vector<10000x128xf32>, vector<128x128xf32>, vector<10000x128xf32> -> vector<10000x128xf32>
    %get3A_12 = arith.constant 0 : index
    %get3A_13 = arith.constant 0 : index
    %get3A_14 = vector.load %arg1[%get3A_12, %get3A_13] : memref<10000x2xf32, #tpu.memory_space<vmem>>, vector<10000x1xf32>
    %get3A_15 = arith.constant 0 : index
    %get3A_16 = arith.constant 1 : index
    %get3A_17 = vector.load %arg1[%get3A_15, %get3A_16] : memref<10000x2xf32, #tpu.memory_space<vmem>>, vector<10000x1xf32>
    %add3A = arith.addf %get3A_14, %get3A_17 : vector<10000x1xf32>
    %sub3A = arith.constant 1.000000e+00 : f32
    %sub3A_18 = vector.broadcast %sub3A : f32 to vector<10000x1xf32>
    %sub3A_19 = arith.subf %add3A, %sub3A_18 : vector<10000x1xf32>
    %rsqrt3A = math.rsqrt %sub3A_19 : vector<10000x1xf32>
    %mul3A_20 = vector.broadcast %rsqrt3A : vector<10000x1xf32> to vector<10000x128xf32>
    %mul3A_21 = arith.mulf %dot_general3A_11, %mul3A_20 : vector<10000x128xf32>
    %swap3A_22 = arith.constant 0 : index
    %swap3A_23 = arith.constant 0 : index
    %swap3A_24 = vector.load %arg4[%swap3A_22, %swap3A_23] : memref<10112x128xf32, #tpu.memory_space<vmem>>, vector<10000x128xf32>
    tpu.vector_store %arg4[%swap3A_22, %swap3A_23], %mul3A_21 {strides = array<i32>} : memref<10112x128xf32, #tpu.memory_space<vmem>>, vector<10000x128xf32>,
    %broadcast_in_dim3A_25 = arith.constant 0.000000e+00 : f32
    %broadcast_in_dim3A_26 = vector.broadcast %broadcast_in_dim3A_25 : f32 to vector<112x128xf32>
    %swap3A_27 = arith.constant 10000 : index
    %swap3A_28 = arith.constant 0 : index
    %swap3A_29 = vector.load %arg4[%swap3A_27, %swap3A_28] : memref<10112x128xf32, #tpu.memory_space<vmem>>, vector<112x128xf32>
    tpu.vector_store %arg4[%swap3A_27, %swap3A_28], %broadcast_in_dim3A_26 {strides = array<i32>} : memref<10112x128xf32, #tpu.memory_space<vmem>>, vector<112x128xf32>,
    return
  }
}

module attributes {stable_mosaic.version = 14 : i64} {
  func.func @_mid_body(%arg0: memref<2x10112x128xf32, #tpu.memory_space<vmem>>, %arg1: memref<10112x128xf32, #tpu.memory_space<vmem>>, %arg2: memref<10000x2xf32, #tpu.memory_space<vmem>>, %arg3: memref<128x128xf32, #tpu.memory_space<vmem>>, %arg4: memref<1x128xf32, #tpu.memory_space<vmem>>, %arg5: memref<10000x128xf32, #tpu.memory_space<vmem>>, %arg6: memref<10112x128xf32, #tpu.memory_space<vmem>>) attributes {dimension_semantics = [], scalar_prefetch = 0 : i64, scratch_operands = 0 : i64, tpu.core_type = #tpu.core_type<tc>} {
    %get3A = arith.constant 0 : index
    %get3A_0 = arith.constant 0 : index
    %get3A_1 = vector.load %arg2[%get3A, %get3A_0] : memref<10000x2xf32, #tpu.memory_space<vmem>>, vector<10000x1xf32>
    %get3A_2 = arith.constant 0 : index
    %get3A_3 = arith.constant 1 : index
    %get3A_4 = vector.load %arg2[%get3A_2, %get3A_3] : memref<10000x2xf32, #tpu.memory_space<vmem>>, vector<10000x1xf32>
    %add3A = arith.addf %get3A_1, %get3A_4 : vector<10000x1xf32>
    %sub3A = arith.constant 1.000000e+00 : f32
    %sub3A_5 = vector.broadcast %sub3A : f32 to vector<10000x1xf32>
    %sub3A_6 = arith.subf %add3A, %sub3A_5 : vector<10000x1xf32>
    %rsqrt3A = math.rsqrt %sub3A_6 : vector<10000x1xf32>
    %get3A_7 = arith.constant 0 : index
    %get3A_8 = arith.constant 0 : index
    %get3A_9 = vector.load %arg1[%get3A_7, %get3A_8] : memref<10112x128xf32, #tpu.memory_space<vmem>>, vector<10000x128xf32>
    %get3A_10 = arith.constant 0 : index
    %get3A_11 = arith.constant 0 : index
    %get3A_12 = arith.constant 0 : index
    %get3A_13 = vector.load %arg0[%get3A_10, %get3A_11, %get3A_12] : memref<2x10112x128xf32, #tpu.memory_space<vmem>>, vector<1x10000x128xf32>
    %get3A_14 = vector.shape_cast %get3A_13 : vector<1x10000x128xf32> to vector<10000x128xf32>
    %get3A_15 = arith.constant 1 : index
    %get3A_16 = arith.constant 0 : index
    %get3A_17 = arith.constant 0 : index
    %get3A_18 = vector.load %arg0[%get3A_15, %get3A_16, %get3A_17] : memref<2x10112x128xf32, #tpu.memory_space<vmem>>, vector<1x10000x128xf32>
    %get3A_19 = vector.shape_cast %get3A_18 : vector<1x10000x128xf32> to vector<10000x128xf32>
    %add3A_20 = arith.addf %get3A_14, %get3A_19 : vector<10000x128xf32>
    %sub3A_21 = arith.subf %add3A_20, %get3A_9 : vector<10000x128xf32>
    %mul3A = vector.broadcast %rsqrt3A : vector<10000x1xf32> to vector<10000x128xf32>
    %mul3A_22 = arith.mulf %mul3A, %sub3A_21 : vector<10000x128xf32>
    %get3A_23 = arith.constant 0 : index
    %get3A_24 = arith.constant 0 : index
    %get3A_25 = vector.load %arg4[%get3A_23, %get3A_24] : memref<1x128xf32, #tpu.memory_space<vmem>>, vector<1x128xf32>
    %add3A_26 = vector.broadcast %get3A_25 : vector<1x128xf32> to vector<10000x128xf32>
    %add3A_27 = arith.addf %mul3A_22, %add3A_26 : vector<10000x128xf32>
    %swap3A = arith.constant 0 : index
    %swap3A_28 = arith.constant 0 : index
    %swap3A_29 = vector.load %arg5[%swap3A, %swap3A_28] : memref<10000x128xf32, #tpu.memory_space<vmem>>, vector<10000x128xf32>
    tpu.vector_store %arg5[%swap3A, %swap3A_28], %add3A_27 {strides = array<i32>} : memref<10000x128xf32, #tpu.memory_space<vmem>>, vector<10000x128xf32>,
    %get3A_30 = arith.constant 0 : index
    %get3A_31 = arith.constant 0 : index
    %get3A_32 = vector.load %arg3[%get3A_30, %get3A_31] : memref<128x128xf32, #tpu.memory_space<vmem>>, vector<128x128xf32>
    %dot_general3A = arith.constant dense<0.000000e+00> : vector<10000x128xf32>
    %dot_general3A_33 = tpu.matmul %add3A_27, %get3A_32, %dot_general3A {dimension_numbers = #tpu.dot_dimension_numbers<[1], [0], [0], [1], [0, 0, 1, 1], [], []>, transpose_lhs_hint = false} : vector<10000x128xf32>, vector<128x128xf32>, vector<10000x128xf32> -> vector<10000x128xf32>
    %mul3A_34 = vector.broadcast %rsqrt3A : vector<10000x1xf32> to vector<10000x128xf32>
    %mul3A_35 = arith.mulf %dot_general3A_33, %mul3A_34 : vector<10000x128xf32>
    %swap3A_36 = arith.constant 0 : index
    %swap3A_37 = arith.constant 0 : index
    %swap3A_38 = vector.load %arg6[%swap3A_36, %swap3A_37] : memref<10112x128xf32, #tpu.memory_space<vmem>>, vector<10000x128xf32>
    tpu.vector_store %arg6[%swap3A_36, %swap3A_37], %mul3A_35 {strides = array<i32>} : memref<10112x128xf32, #tpu.memory_space<vmem>>, vector<10000x128xf32>,
    %broadcast_in_dim3A = arith.constant 0.000000e+00 : f32
    %broadcast_in_dim3A_39 = vector.broadcast %broadcast_in_dim3A : f32 to vector<112x128xf32>
    %swap3A_40 = arith.constant 10000 : index
    %swap3A_41 = arith.constant 0 : index
    %swap3A_42 = vector.load %arg6[%swap3A_40, %swap3A_41] : memref<10112x128xf32, #tpu.memory_space<vmem>>, vector<112x128xf32>
    tpu.vector_store %arg6[%swap3A_40, %swap3A_41], %broadcast_in_dim3A_39 {strides = array<i32>} : memref<10112x128xf32, #tpu.memory_space<vmem>>, vector<112x128xf32>,
    return
  }
}

module attributes {stable_mosaic.version = 14 : i64} {
  func.func @_fin_body(%arg0: memref<2x10112x128xf32, #tpu.memory_space<vmem>>, %arg1: memref<10112x128xf32, #tpu.memory_space<vmem>>, %arg2: memref<10000x128xf32, #tpu.memory_space<vmem>>, %arg3: memref<10000x128xf32, #tpu.memory_space<vmem>>, %arg4: memref<10000x2xf32, #tpu.memory_space<vmem>>, %arg5: memref<1x128xf32, #tpu.memory_space<vmem>>, %arg6: memref<10000x128xf32, #tpu.memory_space<vmem>>) attributes {dimension_semantics = [], scalar_prefetch = 0 : i64, scratch_operands = 0 : i64, tpu.core_type = #tpu.core_type<tc>} {
    %get3A = arith.constant 0 : index
    %get3A_0 = arith.constant 0 : index
    %get3A_1 = vector.load %arg4[%get3A, %get3A_0] : memref<10000x2xf32, #tpu.memory_space<vmem>>, vector<10000x1xf32>
    %get3A_2 = arith.constant 0 : index
    %get3A_3 = arith.constant 1 : index
    %get3A_4 = vector.load %arg4[%get3A_2, %get3A_3] : memref<10000x2xf32, #tpu.memory_space<vmem>>, vector<10000x1xf32>
    %add3A = arith.addf %get3A_1, %get3A_4 : vector<10000x1xf32>
    %sub3A = arith.constant 1.000000e+00 : f32
    %sub3A_5 = vector.broadcast %sub3A : f32 to vector<10000x1xf32>
    %sub3A_6 = arith.subf %add3A, %sub3A_5 : vector<10000x1xf32>
    %rsqrt3A = math.rsqrt %sub3A_6 : vector<10000x1xf32>
    %get3A_7 = arith.constant 0 : index
    %get3A_8 = arith.constant 0 : index
    %get3A_9 = vector.load %arg1[%get3A_7, %get3A_8] : memref<10112x128xf32, #tpu.memory_space<vmem>>, vector<10000x128xf32>
    %get3A_10 = arith.constant 0 : index
    %get3A_11 = arith.constant 0 : index
    %get3A_12 = arith.constant 0 : index
    %get3A_13 = vector.load %arg0[%get3A_10, %get3A_11, %get3A_12] : memref<2x10112x128xf32, #tpu.memory_space<vmem>>, vector<1x10000x128xf32>
    %get3A_14 = vector.shape_cast %get3A_13 : vector<1x10000x128xf32> to vector<10000x128xf32>
    %get3A_15 = arith.constant 1 : index
    %get3A_16 = arith.constant 0 : index
    %get3A_17 = arith.constant 0 : index
    %get3A_18 = vector.load %arg0[%get3A_15, %get3A_16, %get3A_17] : memref<2x10112x128xf32, #tpu.memory_space<vmem>>, vector<1x10000x128xf32>
    %get3A_19 = vector.shape_cast %get3A_18 : vector<1x10000x128xf32> to vector<10000x128xf32>
    %add3A_20 = arith.addf %get3A_14, %get3A_19 : vector<10000x128xf32>
    %sub3A_21 = arith.subf %add3A_20, %get3A_9 : vector<10000x128xf32>
    %mul3A = vector.broadcast %rsqrt3A : vector<10000x1xf32> to vector<10000x128xf32>
    %mul3A_22 = arith.mulf %mul3A, %sub3A_21 : vector<10000x128xf32>
    %get3A_23 = arith.constant 0 : index
    %get3A_24 = arith.constant 0 : index
    %get3A_25 = vector.load %arg5[%get3A_23, %get3A_24] : memref<1x128xf32, #tpu.memory_space<vmem>>, vector<1x128xf32>
    %add3A_26 = vector.broadcast %get3A_25 : vector<1x128xf32> to vector<10000x128xf32>
    %add3A_27 = arith.addf %mul3A_22, %add3A_26 : vector<10000x128xf32>
    %get3A_28 = arith.constant 0 : index
    %get3A_29 = arith.constant 0 : index
    %get3A_30 = vector.load %arg3[%get3A_28, %get3A_29] : memref<10000x128xf32, #tpu.memory_space<vmem>>, vector<10000x128xf32>
    %get3A_31 = arith.constant 0 : index
    %get3A_32 = arith.constant 0 : index
    %get3A_33 = vector.load %arg2[%get3A_31, %get3A_32] : memref<10000x128xf32, #tpu.memory_space<vmem>>, vector<10000x128xf32>
    %add3A_34 = arith.addf %get3A_30, %get3A_33 : vector<10000x128xf32>
    %add3A_35 = arith.addf %add3A_34, %add3A_27 : vector<10000x128xf32>
    %swap3A = arith.constant 0 : index
    %swap3A_36 = arith.constant 0 : index
    %swap3A_37 = vector.load %arg6[%swap3A, %swap3A_36] : memref<10000x128xf32, #tpu.memory_space<vmem>>, vector<10000x128xf32>
    tpu.vector_store %arg6[%swap3A, %swap3A_36], %add3A_35 {strides = array<i32>} : memref<10000x128xf32, #tpu.memory_space<vmem>>, vector<10000x128xf32>,
    return
  }
}

</mosaic_0001>

<sc_bundles>
// kernel: kernel.12.cloned.1.call-start
scs
__scs_entry_jumppad:
0x0: {  	(pc) =	sbr.rel $0x88, $3  }
0x1: {  	(tag) =	ssettag $0x0;
	lr =	simm.s32 $0x1  }
0x2: {  	[smem:$0x3F98] =	sst lr;
	_ =	strace $0xD0000000  }
0x3: {  	_ = 	snop  }
0x4: {  	_ = 	snop  }
0x5: {  	_ = 	snop  }
0x6: {  	_ = 	snop  }
0x7: {  	_ = 	snop  }
__scs_overlays_trampoline_lowered:
0x8: {  	[smem:$0x3FA7] =	sst s0  }
0x9: {  	[smem:$0x3FA8] =	sst s1  }
0xa: {  	[smem:$0x3FA9] =	sst s2  }
0xb: {  	[smem:$0x3FAA] =	sst s3  }
0xc: {  	[smem:$0x3FAB] =	sst s4  }
0xd: {  	[smem:$0x3FAC] =	sst s5  }
0xe: {  	[smem:$0x3FAD] =	sst s6  }
0xf: {  	[smem:$0x3FAE] =	sst s7  }
0x10: {  	[smem:$0x3FAF] =	sst s8  }
0x11: {  	[smem:$0x3FB0] =	sst s9;
	s0 =	simm.s32 @!p0 $0x0  }
0x12: {  	s1 =	sld [smem:$0x3F96];
	s0 =	simm.s32 @p0 $0x1  }
0x13: {  	[smem:$0x3FB1] =	sst s0;
	s0 =	simm.s32 @!p1 $0x0  }
0x14: {  	s2 =	sld [smem:$0x3F95];
	s0 =	simm.s32 @p1 $0x1  }
0x15: {  	[smem:$0x3FB2] =	sst s0;
	s0 =	simm.s32 @!p2 $0x0  }
0x16: {  	s3 =	sld [smem:$0x3FDB];
	s0 =	simm.s32 @p2 $0x1  }
0x17: {  	s4 =	simm.s32 $0x1BF5;
	[smem:$0x3FB4] =	sst s0  }
0x18: {  	s0 =	sld [smem:$0x3F97];
	_ =	swait.ge [sflag:s4], $0x0  }
0x19: {  	s7 =	sld [smem:$0x3F98]  }
0x1a: {  	s8 =	sadd.s32 $0xFFFFE003, lr  }
0x1b: {  	s9 =	sadd.s32 $0xFFFFFEF7, lr;
	s5 =	simm.s32 $0xFFFFFFFF;
	p2 =	slt.u32 s8, $0xFFFFF086  }
0x1c: {  	p1 =	slt.u32 s9, $0xF7A;
	s5 =	simm.s32 @!p2 $0x0  }
0x1d: {  	s5 =	simm.s32 @p1 $0x1;
	p0 =	seq.s32 s7, s2  }
0x1e: {  	s7 =	smul.u32 @!p0 $0xF7A, s2;
	p2 =	seq.s32 @!p0 s5, $0x0  }
0x1f: {  	s9 =	smul.u32 $0xF7A, s1;
	s8 =	simm.s32 @!p0 $0x1BF5;
	p2 =	por !p2, p0  }
0x20: {  	[sflag:s8] =	ssyncset.s32 @!p0 $0xFFFFF086;
	s6 =	sadd.s32 @!p0 s3, s7;
	s7 =	simm.s32 @!p0 $0x108  }
0x21: {  	s3 =	sadd.s32 s3, s9;
	s6 =	sadd.s32 @!p0 $0x88, s6;
	s7 =	simm.s32 @p2 $0x1082  }
0x22: {  	[simem:s7], [sflag:s8] =	dma.local @!p0 [hbm:s6], $0xF7A  }
0x23: {  	s9 =	sor.u32 $0xD0000000, s2;
	s6 =	simm.s32 $0x108;
	_ =	swait.ge @!p0 [sflag:s8], $0x0  }
0x24: {  	s3 =	sadd.s32 $0x88, s3;
	s6 =	simm.s32 @!p1 $0x1082;
	[sflag:s4] =	ssyncset.s32 $0xFFFFF086  }
0x25: {  	[simem:s6], [sflag:s4] =	dma.local [hbm:s3], $0xF7A  }
0x26: {  	[smem:$0x3F98] =	sst s1;
	(tag) =	ssettag s2;
	_ =	strace s9  }
0x27: {  	s1 =	sld [smem:$0x3FA8]  }
0x28: {  	s2 =	sld [smem:$0x3FA9]  }
0x29: {  	s4 =	sld [smem:$0x3FAB]  }
0x2a: {  	p0 =	seq.s32 s5, $0x0;
	s5 =	sld [smem:$0x3FAC]  }
0x2b: {  	s6 =	sld [smem:$0x3FAD]  }
0x2c: {  	s7 =	sld [smem:$0x3FAE]  }
0x2d: {  	s3 =	simm.s32 $0x108;
	s8 =	sld [smem:$0x3FAF]  }
0x2e: {  	s3 =	simm.s32 @!p0 $0x1082;
	s9 =	sld [smem:$0x3FB0]  }
0x2f: {  	lr =	sadd.s32 s0, s3;
	s0 =	sld [smem:$0x3FA7]  }
0x30: {  	s3 =	sld [smem:$0x3FAA]  }
0x31: {  	[smem:$0x3FB3] =	sst s10  }
0x32: {  	s10 =	sld [smem:$0x3FB1];
	_ =	sdelay $0x3  }
0x33: {  	p0 =	seq.s32 s10, $0x1;
	s10 =	sld [smem:$0x3FB3];
	_ =	sdelay $0x3  }
0x34: {  	[smem:$0x3FB3] =	sst s10  }
0x35: {  	s10 =	sld [smem:$0x3FB2];
	_ =	sdelay $0x3  }
0x36: {  	p1 =	seq.s32 s10, $0x1;
	s10 =	sld [smem:$0x3FB3];
	_ =	sdelay $0x3  }
0x37: {  	[smem:$0x3FB3] =	sst s10  }
0x38: {  	s10 =	sld [smem:$0x3FB4]  }
0x39: {  	_ = 	snop;
	(pc) =	sbr.ind lr, $3  }
0x3a: {  	_ = 	snop  }
0x3b: {  	_ = 	snop  }
0x3c: {  	p2 =	seq.s32 s10, $0x1;
	s10 =	sld [smem:$0x3FB3]  }
0x3d: {  	_ =	shalt  }
0x3e: {  	_ =	shalt  }
0x3f: {  	_ =	shalt  }
0x40: {  	_ =	shalt  }
0x41: {  	_ =	shalt  }
0x42: {  	_ =	shalt  }
0x43: {  	_ =	shalt  }
0x44: {  	_ =	shalt  }
0x45: {  	_ =	shalt  }
0x46: {  	_ =	shalt  }
0x47: {  	_ =	shalt  }
0x48: {  	_ =	shalt  }
0x49: {  	_ =	shalt  }
0x4a: {  	_ =	shalt  }
0x4b: {  	_ =	shalt  }
0x4c: {  	_ =	shalt  }
0x4d: {  	_ =	shalt  }
0x4e: {  	_ =	shalt  }
0x4f: {  	_ =	shalt  }
0x50: {  	_ =	shalt  }
0x51: {  	_ =	shalt  }
0x52: {  	_ =	shalt  }
0x53: {  	_ =	shalt  }
0x54: {  	_ =	shalt  }
0x55: {  	_ =	shalt  }
0x56: {  	_ =	shalt  }
0x57: {  	_ =	shalt  }
0x58: {  	_ =	shalt  }
0x59: {  	_ =	shalt  }
0x5a: {  	_ =	shalt  }
0x5b: {  	_ =	shalt  }
0x5c: {  	_ =	shalt  }
0x5d: {  	_ =	shalt  }
0x5e: {  	_ =	shalt  }
0x5f: {  	_ =	shalt  }
0x60: {  	_ =	shalt  }
0x61: {  	_ =	shalt  }
0x62: {  	_ =	shalt  }
0x63: {  	_ =	shalt  }
0x64: {  	_ =	shalt  }
0x65: {  	_ =	shalt  }
0x66: {  	_ =	shalt  }
0x67: {  	_ =	shalt  }
0x68: {  	_ =	shalt  }
0x69: {  	_ =	shalt  }
0x6a: {  	_ =	shalt  }
0x6b: {  	_ =	shalt  }
0x6c: {  	_ =	shalt  }
0x6d: {  	_ =	shalt  }
0x6e: {  	_ =	shalt  }
0x6f: {  	_ =	shalt  }
0x70: {  	_ =	shalt  }
0x71: {  	_ =	shalt  }
0x72: {  	_ =	shalt  }
0x73: {  	_ =	shalt  }
0x74: {  	_ =	shalt  }
0x75: {  	_ =	shalt  }
0x76: {  	_ =	shalt  }
0x77: {  	_ =	shalt  }
0x78: {  	_ =	shalt  }
0x79: {  	_ =	shalt  }
0x7a: {  	_ =	shalt  }
0x7b: {  	_ =	shalt  }
0x7c: {  	_ =	shalt  }
0x7d: {  	_ =	shalt  }
0x7e: {  	_ =	shalt  }
0x7f: {  	_ =	shalt  }
0x80: {  	_ =	shalt  }
0x81: {  	_ =	shalt  }
0x82: {  	_ =	shalt  }
0x83: {  	_ =	shalt  }
0x84: {  	_ =	shalt  }
0x85: {  	_ =	shalt  }
0x86: {  	_ =	shalt  }
0x87: {  	_ =	shalt  }
.Lfunc_end0:
.L_simem_size_0:
called_computation.1_lowered:
.L_overlay_start_0:
0x88: {  	s2 =	sld [smem:$0x3FD9]  }
0x89: {  	s3 =	sld [smem:$0x3FFE];
	_ =	sdelay $0x1  }
0x8a: {  	s1 =	srdreg.scid  }
0x8b: {  	s0 =	sand.u32 $0x1, s1  }
0x8c: {  	s14 =	sshll.u32 s0, $0xA;
	s2 =	sadd.s32 s3, s2  }
0x8d: {  	s2 =	sadd.s32 s2, s14  }
0x8e: {  	[smem:$0x3FBF] =	sst s2  }
0x8f: {  	_ = 	snop  }
0x90: {  	s2 =	sld [smem:$0x3FD0];
	_ =	sdelay $0x2  }
0x91: {  	s15 =	simm.s32 $0xA;
	s4 =	simm.s32 $0x10  }
0x92: {  	[smem:s4], [sflag:s15] =	dma.local [hbm:s2], $0x1  }
0x93: {  	_ =	swait.eq [sflag:s15], $0x1  }
0x94: {  	[sflag:s15] =	ssyncset.done $0x0  }
0x95: {  	[sflag:s15] =	ssyncadd.s32 $0xFFFFFFFF  }
0x96: {  	s16 =	sld [smem:$0x10];
	(tm) =	ssettm $0x1  }
0x97: {  	s17 =	sld [smem:$0x3FFB];
	_ =	sdelay $0x3  }
0x98: {  	_ =	strace s17  }
0x99: {  	s3 =	sld [smem:$0x3FFC];
	_ =	sdelay $0x3  }
0x9a: {  	_ =	strace s3  }
0x9b: {  	s3 =	sld [smem:$0x3FFD];
	_ =	sdelay $0x3  }
0x9c: {  	_ =	strace s3  }
0x9d: {  	_ =	strace $0x8FFFFFFF  }
0x9e: {  	s18 =	sld [smem:$0x3FDB];
	_ =	sdelay $0x1  }
0x9f: {  	s19 =	simm.s32 $_scs_section_size  }
0xa0: {  	s5 =	simm.s32 $_size__tile_overlayer_lowered;
	s6 =	simm.s32 $_tile_overlayer_lowered  }
0xa1: {  	s22 =	simm.s32 $0x1BFF;
	s21 =	sshll.u32 s6, $0x1;
	s3 =	sadd.s32 s19, s18  }
0xa2: {  	s7 =	simm.s32 $0x0;
	s20 =	sshll.u32 s5, $0x1;
	s5 =	sadd.s32 s21, s3  }
0xa3: {  	[timem:s7], [sflag:s22] =	dma.local [hbm:s5], s20  }
0xa4: {  	_ =	swait.ge [sflag:s22], s20  }
0xa5: {  	s4 =	ssub.s32 $0x0, s20;
	[sflag:s22] =	ssyncset.done $0x0  }
0xa6: {  	[sflag:s22] =	ssyncadd.s32 s4;
	_ =	sdelay $0x1  }
0xa7: {  	s23 =	simm.s32 $0x1B8B  }
0xa8: {  	_ =	swait.ge [sflag:s23], $0x1  }
0xa9: {  	[sflag:s23] =	ssyncset.done $0x0  }
0xaa: {  	s25 =	simm.s32 $0x1B8E;
	s24 =	sld [smem:$0x3FFE];
	[sflag:s23] =	ssyncadd.s32 $0xFFFFFFFF  }
0xab: {  	s26 =	simm.s32 $execute0_lowered;
	[smem:$0x3FD2] =	sst s25  }
0xac: {  	s5 =	sshll.u32 s26, $0x1;
	_ =	strace $0x80000049;
	[dreg:$0x1] =	wrdreg $0xFFFFFFFF  }
0xad: {  	s28 =	simm.s32 $_size_execute0_lowered;
	s3 =	sadd.s32 s3, s5;
	[dreg:$0x0] =	wrdreg $0x0  }
0xae: {  	s5 =	sshll.u32 s28, $0x1;
	[dreg:$0x2] =	wrdreg s3  }
0xaf: {  	[dreg:$0x3] =	wrdreg s5  }
0xb0: {  	[dreg:$0x4] =	wrdreg $0xC0  }
0xb1: {  	_ =	task [dreg:s7], $0x5FFFF  }
0xb2: {  	[dreg:$0x1] =	wrdreg $0xFFFFFFFF  }
0xb3: {  	[dreg:$0x0] =	wrdreg $0x60  }
0xb4: {  	[dreg:$0x2] =	wrdreg s24  }
0xb5: {  	[dreg:$0x3] =	wrdreg s16  }
0xb6: {  	[dreg:$0x4] =	wrdreg $0x0  }
0xb7: {  	[dreg:$0x5] =	wrdreg $0x9  }
0xb8: {  	_ =	task.clear_ibuf [dreg:s7], $0x6FFFF;
	_ =	strace $0x90000049  }
0xb9: {  	s29 =	simm.s32 $0x9;
	_ =	strace $0x8000004B  }
0xba: {  	_ =	swait.ge [sflag:s29], $0x1  }
0xbb: {  	[sflag:s29] =	ssyncadd.s32 $0xFFFFFFFF  }
0xbc: {  	_ =	strace $0x9000004B  }
0xbd: {  	_ =	sfence  }
0xbe: {  	s30 =	sld [smem:$0x0];
	_ =	sdelay $0x2  }
0xbf: {  	s31 =	sshll.u32 s1, $0xD;
	s1 =	sshrl.u32 s1, $0x2  }
0xc0: {  	s3 =	sand.u32 $0x4000, s31;
	s1 =	sadd.s32 s1, s30  }
0xc1: {  	s0 =	sor.u32 s3, s0;
	s1 =	sshll.u32 s1, $0x11  }
0xc2: {  	s0 =	sor.u32 s1, s0  }
0xc3: {  	s0 =	sadd.s32 $0x8F2B, s0  }
0xc4: {  	[sflag:s0] =	ssyncadd.remote.s32 $0x1  }
0xc5: {  	_ =	sfence.sel $0xFFFF  }
0xc6: {  	[dreg:$0x0] =	wrdreg $0xFFFFFFFF;
	(pc) =	sbr.abs _section_cstart, $3  }
0xc7: {  	[dreg:$0x1] =	wrdreg $0xFFFFFFFF  }
0xc8: {  	_ =	task.clear_ibuf [dreg:s7], $0x2FFFF;
	_ =	strace $0x9FFFFFFF  }
0xc9: {  	(tm) =	ssettm $0x7FFFFFFF  }
tec
execute0_lowered:
.L_overlay_start_1:
0x0: {  	(tag) =	ssettag $0x1  }
0x1: {  	s0 =	rddreg [dreg:$0x0]  }
0x2: {  	s15 =	rddreg [dreg:$0x1]  }
0x3: {  	s3 =	rddreg [dreg:$0x2]  }
0x4: {  	s1 =	srdreg.scid;
	s11 =	stileid.u32  }
0x5: {  	s4 =	simm.s32 $0x0;
	s30 =	simm.s32 $0x50;
	s2 =	smul.u32 $0x13C00, s11  }
0x6: {  	s28 =	simm.s32 $0x6;
	s1 =	sand.u32 $0x1, s1;
	s7 =	smul.u32 $0x4F000, s11  }
0x7: {  	[smem:$0x7FF] =	sst s4;
	s21 =	sadd.s32 $0x2000, s0;
	s13 =	smul.u32 $0x2710, s11  }
0x8: {  	s6 =	sadd.s32 $0xBE00, s0;
	s29 =	sshll.u32 s11, $0x6;
	s5 =	smul.u32 $0x13C000, s1  }
0x9: {  	_ =	strace $0x8000004A;
	s8 =	sshll.u32 s1, $0x4;
	s9 =	ssub.s32 $0x2, s1  }
0xa: {  	s14 =	sor.u32 $0x1C19, s29;
	s1 =	smul.u32 $0x27100, s1;
	[dreg:$0x12] =	wrdreg s21  }
0xb: {  	s8 =	sor.u32 s11, s8;
	s10 =	sshrl.u32 s9, $0x1;
	s7 =	sshrl.u32 s7, $0x2  }
0xc: {  	[dreg:$0x15] =	wrdreg s14;
	s5 =	sadd.s32 s2, s5;
	s8 =	smul.u32 $0x2710, s8  }
0xd: {  	s7 =	sadd.s32 s7, s3;
	s2 =	sshrl.u32 s2, $0x3;
	s1 =	sadd.s32 s13, s1  }
0xe: {  	s5 =	sshrl.u32 s5, $0x3;
	[dreg:$0x13] =	wrdreg s7;
	s2 =	sadd.s32 s6, s2  }
0xf: {  	s20 =	sadd.s32 $0x3C0, s1;
	s24 =	sadd.s32 $0x370, s1;
	s8 =	sshrl.u32 s8, $0x3  }
0x10: {  	s13 =	sadd.s32 $0x230, s1;
	[dreg:$0x14] =	wrdreg s2;
	s31 =	sadd.s32 s21, s8  }
0x11: {  	s0 =	sadd.s32 s5, s0;
	s7 =	sadd.s32 s15, s8;
	[dreg:$0x16] =	wrdreg s31  }
0x12: {  	s22 =	sshrl.u32 s20, $0x3;
	s0 =	sadd.s32 $0x33600, s0;
	[dreg:$0x17] =	wrdreg s7  }
0x13: {  	s5 =	ssub.s32 s9, s10;
	s23 =	sadd.s32 s22, s15;
	[smem:$0x7FB] =	sst s0  }
0x14: {  	s26 =	sshrl.u32 s24, $0x3;
	s25 =	sadd.s32 s22, s21;
	[dreg:$0x4] =	wrdreg s23  }
0x15: {  	s24 =	sadd.s32 $0x190, s1;
	s29 =	sadd.s32 s26, s15;
	[dreg:$0x5] =	wrdreg s25  }
0x16: {  	s9 =	sadd.s32 $0xA, s8;
	s5 =	smax.u32 s5, $0x1;
	[dreg:$0x6] =	wrdreg s29  }
0x17: {  	s12 =	sadd.s32 $0x14, s8;
	s10 =	sadd.s32 s21, s9;
	[smem:$0x7FC] =	sst s5  }
0x18: {  	s17 =	sadd.s32 $0x1E, s8;
	s2 =	sadd.s32 s15, s9;
	[dreg:$0x18] =	wrdreg s10  }
0x19: {  	s19 =	sadd.s32 $0x28, s8;
	s16 =	sadd.s32 s21, s12;
	[dreg:$0x19] =	wrdreg s2  }
0x1a: {  	s7 =	sadd.s32 s15, s12;
	s18 =	sadd.s32 s21, s17;
	[dreg:$0x1a] =	wrdreg s16  }
0x1b: {  	s8 =	sadd.s32 s21, s19;
	s31 =	sadd.s32 $0x320, s1;
	[dreg:$0x1b] =	wrdreg s7  }
0x1c: {  	s9 =	sadd.s32 $0x2D0, s1;
	s5 =	simm.s32 $0x1E080;
	[dreg:$0x1c] =	wrdreg s18  }
0x1d: {  	s0 =	simm.s32 $0x9;
	s2 =	sadd.s32 s15, s17;
	[dreg:$0x1e] =	wrdreg s8  }
0x1e: {  	s7 =	sshrl.u32 s31, $0x3;
	s11 =	sshrl.u32 s9, $0x3;
	s17 =	sshrl.u32 s13, $0x3  }
0x1f: {  	s13 =	simm.s32 $0x1DC80;
	[dreg:$0x1d] =	wrdreg s2;
	s2 =	sadd.s32 s15, s19  }
0x20: {  	s9 =	simm.s32 $0x3;
	s8 =	sadd.s32 s7, s15;
	[dreg:$0x1f] =	wrdreg s2  }
0x21: {  	s10 =	sadd.s32 s7, s21;
	s12 =	sadd.s32 s11, s15;
	[dreg:$0x8] =	wrdreg s8  }
0x22: {  	s16 =	sadd.s32 s11, s21;
	s18 =	sadd.s32 s17, s15;
	[dreg:$0x9] =	wrdreg s10  }
0x23: {  	s19 =	sadd.s32 $0x1E0, s1;
	s20 =	sadd.s32 s17, s21;
	[dreg:$0xa] =	wrdreg s12  }
0x24: {  	s1 =	sadd.s32 $0x280, s1;
	s11 =	simm.s32 $0x19;
	[dreg:$0xb] =	wrdreg s16  }
0x25: {  	s17 =	simm.s32 $0x1DC00;
	s2 =	sadd.s32 s26, s21;
	[dreg:$0xc] =	wrdreg s18  }
0x26: {  	s22 =	sshrl.u32 s19, $0x3;
	[dreg:$0xd] =	wrdreg s20;
	s26 =	sshrl.u32 s24, $0x3  }
0x27: {  	[smem:$0x7FD] =	sst s1;
	s12 =	simm.s32 $0x1E000;
	s20 =	simm.s32 $0xA  }
0x28: {  	s19 =	simm.s32 $0x16400;
	s18 =	simm.s32 $0x7;
	s1 =	simm.s32 $0x8  }
0x29: {  	s8 =	simm.s32 $0x0;
	[dreg:$0x7] =	wrdreg s2;
	s23 =	sadd.s32 s22, s15  }
0x2a: {  	s25 =	sadd.s32 s22, s21;
	s29 =	sadd.s32 s26, s15;
	[dreg:$0xe] =	wrdreg s23  }
0x2b: {  	s31 =	sadd.s32 s26, s21;
	s2 =	simm.s32 $0x1DD00;
	[dreg:$0xf] =	wrdreg s25  }
0x2c: {  	s26 =	simm.s32 $0x11;
	s22 =	simm.s32 $0x1DD80;
	[dreg:$0x10] =	wrdreg s29  }
0x2d: {  	[dreg:$0x11] =	wrdreg s31;
	s23 =	simm.s32 $0x5;
	s25 =	simm.s32 $0x4  }
.LBB2_1:
0x2e: {  	[smem:$0x7F9] =	sst s8  }
0x2f: {  	s7 =	rddreg [dreg:$0x13]  }
0x30: {  	s16 =	rddreg [dreg:$0x14];
	s10 =	sshrl.u32 s7, $0x3  }
0x31: {  	[smem:$0x7FA] =	sst s10  }
0x32: {  	[spmem:s10], [sflag:s14] =	dma.local [hbm:s16], $0x2780  }
0x33: {  	_ =	swait.ge [sflag:s11], $0x2780  }
0x34: {  	[sflag:s11] =	ssyncset.done $0x0  }
0x35: {  	[sflag:s11] =	ssyncadd.s32 $0xFFFFD880  }
0x36: {  	[bflag:$0x0] =	sbarrier.arrive $0xFFFF  }
0x37: {  	s24 =	rddreg [dreg:$0x16]  }
0x38: {  	[tilespmem:s17], [sflag:$0x9] =	stream.linear.gather [hbm4b:s24+s4], $0x50, $0x38;
	[tilespmem:$0x1E400] =	vst v63  }
0x39: {  	s29 =	rddreg [dreg:$0x17]  }
0x3a: {  	[tilespmem:s12], [sflag:$0x11] =	stream.linear.gather [hbm4b:s29+s4], $0x50, $0x38;
	[tilespmem:$0x1E400] =	vst v63  }
0x3b: {  	s31 =	rddreg [dreg:$0x18]  }
0x3c: {  	[tilespmem:s13], [sflag:$0xA] =	stream.linear.gather [hbm4b:s31+s4], $0x50, $0x38;
	[tilespmem:$0x1E400] =	vst v63  }
0x3d: {  	s8 =	rddreg [dreg:$0x19]  }
0x3e: {  	[tilespmem:s5], [sflag:$0x12] =	stream.linear.gather [hbm4b:s8+s4], $0x50, $0x38;
	[tilespmem:$0x1E400] =	vst v63  }
0x3f: {  	_ =	swait.ge [sflag:s0], $0x50  }
0x40: {  	[sflag:s0] =	ssyncset.done $0x0  }
0x41: {  	s10 =	simm.s32 $0x13C00;
	[sflag:s0] =	ssyncadd.s32 $0xFFFFFFB0  }
0x42: {  	[tilespmem:s10], [sflag:$0x1] =	stream.indirect.gather [hbm4b:s6+s30], $0x80, s17, s30, $0xb8;
	[tilespmem:$0x1E400] =	vst v63  }
0x43: {  	s14 =	rddreg [dreg:$0x1a]  }
0x44: {  	[tilespmem:s2], [sflag:$0xB] =	stream.linear.gather [hbm4b:s14+s4], $0x50, $0x38;
	[tilespmem:$0x1E400] =	vst v63  }
0x45: {  	s16 =	rddreg [dreg:$0x1b];
	s10 =	simm.s32 $0x1E100  }
0x46: {  	[tilespmem:s10], [sflag:$0x13] =	stream.linear.gather [hbm4b:s16+s4], $0x50, $0x38;
	[tilespmem:$0x1E400] =	vst v63  }
0x47: {  	_ =	swait.ge [sflag:s20], $0x50  }
0x48: {  	[sflag:s20] =	ssyncset.done $0x0  }
0x49: {  	s10 =	simm.s32 $0x1;
	[sflag:s20] =	ssyncadd.s32 $0xFFFFFFB0  }
0x4a: {  	[tilespmem:s19], [sflag:$0x2] =	stream.indirect.gather [hbm4b:s6+s30], $0x80, s13, s30, $0xb8;
	[tilespmem:$0x1E400] =	vst v63  }
0x4b: {  	_ =	swait.ge [sflag:s10], $0x2800  }
0x4c: {  	[sflag:s10] =	ssyncset.done $0x0  }
0x4d: {  	[sflag:s10] =	ssyncadd.s32 $0xFFFFD800  }
0x4e: {  	_ =	swait.ge [sflag:s26], $0x50  }
0x4f: {  	[sflag:s26] =	ssyncset.done $0x0  }
0x50: {  	s11 =	simm.s32 $0x13C00;
	[sflag:s26] =	ssyncadd.s32 $0xFFFFFFB0  }
0x51: {  	[spmem:s3] =	stream.indirect.scatter.add.f32 [tilespmem:s11], [sflag:$0x5], $0x80, s12, s30, $0xb8;
	[tilespmem:$0x1E400] =	vst v63  }
0x52: {  	s24 =	rddreg [dreg:$0x1c]  }
0x53: {  	[tilespmem:s22], [sflag:$0xC] =	stream.linear.gather [hbm4b:s24+s4], $0x50, $0x38;
	[tilespmem:$0x1E400] =	vst v63  }
0x54: {  	s31 =	simm.s32 $0x1E180;
	s29 =	rddreg [dreg:$0x1d];
	s11 =	simm.s32 $0xB  }
0x55: {  	[tilespmem:s31], [sflag:$0x14] =	stream.linear.gather [hbm4b:s29+s4], $0x50, $0x38;
	[tilespmem:$0x1E400] =	vst v63  }
0x56: {  	_ =	swait.ge [sflag:s11], $0x50  }
0x57: {  	[sflag:s11] =	ssyncset.done $0x0  }
0x58: {  	s16 =	simm.s32 $0x18C00;
	[sflag:s11] =	ssyncadd.s32 $0xFFFFFFB0  }
0x59: {  	[tilespmem:s16], [sflag:$0x3] =	stream.indirect.gather [hbm4b:s6+s30], $0x80, s2, s30, $0xb8;
	[tilespmem:$0x1E400] =	vst v63  }
0x5a: {  	s16 =	simm.s32 $0x2  }
0x5b: {  	_ =	swait.ge [sflag:s16], $0x2800  }
0x5c: {  	[sflag:s16] =	ssyncset.done $0x0  }
0x5d: {  	s24 =	simm.s32 $0x12;
	[sflag:s16] =	ssyncadd.s32 $0xFFFFD800  }
0x5e: {  	_ =	swait.ge [sflag:s24], $0x50  }
0x5f: {  	[sflag:s24] =	ssyncset.done $0x0  }
0x60: {  	[sflag:s24] =	ssyncadd.s32 $0xFFFFFFB0  }
0x61: {  	[spmem:s3] =	stream.indirect.scatter.add.f32 [tilespmem:s19], [sflag:$0x6], $0x80, s5, s30, $0xb8;
	[tilespmem:$0x1E400] =	vst v63  }
0x62: {  	s31 =	simm.s32 $0x1DE00;
	s29 =	rddreg [dreg:$0x1e]  }
0x63: {  	[tilespmem:s31], [sflag:$0xD] =	stream.linear.gather [hbm4b:s29+s4], $0x50, $0x38;
	[tilespmem:$0x1E400] =	vst v63  }
0x64: {  	s8 =	rddreg [dreg:$0x1f];
	s24 =	simm.s32 $0x1E200;
	s29 =	simm.s32 $0xC  }
0x65: {  	[tilespmem:s24], [sflag:$0x15] =	stream.linear.gather [hbm4b:s8+s4], $0x50, $0x38;
	[tilespmem:$0x1E400] =	vst v63  }
0x66: {  	_ =	swait.ge [sflag:s29], $0x50  }
0x67: {  	[sflag:s29] =	ssyncset.done $0x0  }
0x68: {  	s24 =	simm.s32 $0x1B400;
	[sflag:s29] =	ssyncadd.s32 $0xFFFFFFB0  }
0x69: {  	[tilespmem:s24], [sflag:$0x4] =	stream.indirect.gather [hbm4b:s6+s30], $0x80, s22, s30, $0xb8;
	[tilespmem:$0x1E400] =	vst v63  }
0x6a: {  	_ =	swait.ge [sflag:s9], $0x2800  }
0x6b: {  	[sflag:s9] =	ssyncset.done $0x0  }
0x6c: {  	s29 =	simm.s32 $0x13;
	[sflag:s9] =	ssyncadd.s32 $0xFFFFD800  }
0x6d: {  	_ =	swait.ge [sflag:s29], $0x50  }
0x6e: {  	[sflag:s29] =	ssyncset.done $0x0  }
0x6f: {  	s14 =	simm.s32 $0x1E100;
	s11 =	simm.s32 $0x18C00;
	[sflag:s29] =	ssyncadd.s32 $0xFFFFFFB0  }
0x70: {  	[spmem:s3] =	stream.indirect.scatter.add.f32 [tilespmem:s11], [sflag:$0x7], $0x80, s14, s30, $0xb8;
	[tilespmem:$0x1E400] =	vst v63  }
0x71: {  	_ =	swait.ge [sflag:s23], $0x2800  }
0x72: {  	s14 =	rddreg [dreg:$0x11]  }
0x73: {  	[sflag:s23] =	ssyncset.done $0x0;
	s29 =	rddreg [dreg:$0x10]  }
0x74: {  	[sflag:s23] =	ssyncadd.s32 $0xFFFFD800;
	s7 =	sadd.s32 $0x0, s14;
	s14 =	simm.s32 $0x1DE80  }
0x75: {  	[tilespmem:s14], [sflag:$0xE] =	stream.linear.gather [hbm4b:s7+s4], $0x50, $0x38;
	[tilespmem:$0x1E400] =	vst v63  }
0x76: {  	s11 =	sadd.s32 $0x0, s29;
	s29 =	simm.s32 $0x1E280  }
0x77: {  	[tilespmem:s29], [sflag:$0x16] =	stream.linear.gather [hbm4b:s11+s4], $0x50, $0x38;
	[tilespmem:$0x1E400] =	vst v63  }
0x78: {  	s29 =	simm.s32 $0xD  }
0x79: {  	_ =	swait.ge [sflag:s29], $0x50  }
0x7a: {  	[sflag:s29] =	ssyncset.done $0x0  }
0x7b: {  	s31 =	simm.s32 $0x1DE00;
	[sflag:s29] =	ssyncadd.s32 $0xFFFFFFB0;
	s29 =	simm.s32 $0x13C00  }
0x7c: {  	[tilespmem:s29], [sflag:$0x1] =	stream.indirect.gather [hbm4b:s6+s30], $0x80, s31, s30, $0xb8;
	[tilespmem:$0x1E400] =	vst v63  }
0x7d: {  	_ =	swait.ge [sflag:s25], $0x2800  }
0x7e: {  	[sflag:s25] =	ssyncset.done $0x0  }
0x7f: {  	s11 =	simm.s32 $0x14;
	[sflag:s25] =	ssyncadd.s32 $0xFFFFD800  }
0x80: {  	_ =	swait.ge [sflag:s11], $0x50  }
0x81: {  	[sflag:s11] =	ssyncset.done $0x0  }
0x82: {  	s24 =	simm.s32 $0x1B400;
	s31 =	simm.s32 $0x1E180;
	[sflag:s11] =	ssyncadd.s32 $0xFFFFFFB0  }
0x83: {  	[spmem:s3] =	stream.indirect.scatter.add.f32 [tilespmem:s24], [sflag:$0x8], $0x80, s31, s30, $0xb8;
	[tilespmem:$0x1E400] =	vst v63  }
0x84: {  	_ =	swait.ge [sflag:s28], $0x2800  }
0x85: {  	s31 =	simm.s32 $0x1DF00;
	s11 =	rddreg [dreg:$0xf];
	[sflag:s28] =	ssyncset.done $0x0  }
0x86: {  	s24 =	rddreg [dreg:$0xe];
	[sflag:s28] =	ssyncadd.s32 $0xFFFFD800;
	s7 =	sadd.s32 $0x0, s11  }
0x87: {  	[tilespmem:s31], [sflag:$0xF] =	stream.linear.gather [hbm4b:s7+s4], $0x50, $0x38;
	[tilespmem:$0x1E400] =	vst v63  }
0x88: {  	s11 =	sadd.s32 $0x0, s24;
	s24 =	simm.s32 $0x1E300  }
0x89: {  	[tilespmem:s24], [sflag:$0x17] =	stream.linear.gather [hbm4b:s11+s4], $0x50, $0x38;
	[tilespmem:$0x1E400] =	vst v63  }
0x8a: {  	s11 =	simm.s32 $0xE  }
0x8b: {  	_ =	swait.ge [sflag:s11], $0x50  }
0x8c: {  	[sflag:s11] =	ssyncset.done $0x0  }
0x8d: {  	[sflag:s11] =	ssyncadd.s32 $0xFFFFFFB0  }
0x8e: {  	[tilespmem:s19], [sflag:$0x2] =	stream.indirect.gather [hbm4b:s6+s30], $0x80, s14, s30, $0xb8;
	[tilespmem:$0x1E400] =	vst v63  }
0x8f: {  	_ =	swait.ge [sflag:s10], $0x2800  }
0x90: {  	[sflag:s10] =	ssyncset.done $0x0  }
0x91: {  	s19 =	simm.s32 $0x15;
	[sflag:s10] =	ssyncadd.s32 $0xFFFFD800  }
0x92: {  	_ =	swait.ge [sflag:s19], $0x50  }
0x93: {  	[sflag:s19] =	ssyncset.done $0x0  }
0x94: {  	s8 =	simm.s32 $0x1E200;
	[sflag:s19] =	ssyncadd.s32 $0xFFFFFFB0  }
0x95: {  	[spmem:s3] =	stream.indirect.scatter.add.f32 [tilespmem:s29], [sflag:$0x5], $0x80, s8, s30, $0xb8;
	[tilespmem:$0x1E400] =	vst v63  }
0x96: {  	_ =	swait.ge [sflag:s18], $0x2800  }
0x97: {  	s19 =	simm.s32 $0x1DF80;
	s29 =	rddreg [dreg:$0xd];
	[sflag:s18] =	ssyncset.done $0x0  }
0x98: {  	s8 =	rddreg [dreg:$0xc];
	[sflag:s18] =	ssyncadd.s32 $0xFFFFD800;
	s7 =	sadd.s32 $0x0, s29  }
0x99: {  	[tilespmem:s19], [sflag:$0x10] =	stream.linear.gather [hbm4b:s7+s4], $0x50, $0x38;
	[tilespmem:$0x1E400] =	vst v63  }
0x9a: {  	s14 =	sadd.s32 $0x0, s8;
	s8 =	simm.s32 $0x1E380;
	s29 =	simm.s32 $0xF  }
0x9b: {  	[tilespmem:s8], [sflag:$0x18] =	stream.linear.gather [hbm4b:s14+s4], $0x50, $0x38;
	[tilespmem:$0x1E400] =	vst v63  }
0x9c: {  	_ =	swait.ge [sflag:s29], $0x50  }
0x9d: {  	[sflag:s29] =	ssyncset.done $0x0  }
0x9e: {  	[sflag:s29] =	ssyncadd.s32 $0xFFFFFFB0;
	s29 =	simm.s32 $0x18C00  }
0x9f: {  	[tilespmem:s29], [sflag:$0x3] =	stream.indirect.gather [hbm4b:s6+s30], $0x80, s31, s30, $0xb8;
	[tilespmem:$0x1E400] =	vst v63  }
0xa0: {  	_ =	swait.ge [sflag:s16], $0x2800  }
0xa1: {  	[sflag:s16] =	ssyncset.done $0x0  }
0xa2: {  	s31 =	simm.s32 $0x16;
	[sflag:s16] =	ssyncadd.s32 $0xFFFFD800  }
0xa3: {  	_ =	swait.ge [sflag:s31], $0x50  }
0xa4: {  	[sflag:s31] =	ssyncset.done $0x0  }
0xa5: {  	s11 =	simm.s32 $0x16400;
	s14 =	simm.s32 $0x1E280;
	[sflag:s31] =	ssyncadd.s32 $0xFFFFFFB0  }
0xa6: {  	[spmem:s3] =	stream.indirect.scatter.add.f32 [tilespmem:s11], [sflag:$0x6], $0x80, s14, s30, $0xb8;
	[tilespmem:$0x1E400] =	vst v63  }
0xa7: {  	_ =	swait.ge [sflag:s1], $0x2800  }
0xa8: {  	s14 =	sld [smem:$0x7FD];
	_ =	sdelay $0x2  }
0xa9: {  	[sflag:s1] =	ssyncset.done $0x0;
	s16 =	sshrl.u32 s14, $0x3  }
0xaa: {  	[sflag:s1] =	ssyncadd.s32 $0xFFFFD800;
	s21 =	sadd.s32 s21, s16  }
0xab: {  	[tilespmem:s17], [sflag:$0x9] =	stream.linear.gather [hbm4b:s21+s4], $0x50, $0x38;
	[tilespmem:$0x1E400] =	vst v63  }
0xac: {  	s7 =	sadd.s32 s15, s16;
	s16 =	simm.s32 $0x10  }
0xad: {  	[tilespmem:s12], [sflag:$0x11] =	stream.linear.gather [hbm4b:s7+s4], $0x50, $0x38;
	[tilespmem:$0x1E400] =	vst v63  }
0xae: {  	_ =	swait.ge [sflag:s16], $0x50  }
0xaf: {  	[sflag:s16] =	ssyncset.done $0x0  }
0xb0: {  	s15 =	simm.s32 $0x1B400;
	[sflag:s16] =	ssyncadd.s32 $0xFFFFFFB0  }
0xb1: {  	[tilespmem:s15], [sflag:$0x4] =	stream.indirect.gather [hbm4b:s6+s30], $0x80, s19, s30, $0xb8;
	[tilespmem:$0x1E400] =	vst v63  }
0xb2: {  	_ =	swait.ge [sflag:s9], $0x2800  }
0xb3: {  	[sflag:s9] =	ssyncset.done $0x0  }
0xb4: {  	s19 =	simm.s32 $0x17;
	[sflag:s9] =	ssyncadd.s32 $0xFFFFD800  }
0xb5: {  	_ =	swait.ge [sflag:s19], $0x50  }
0xb6: {  	[sflag:s19] =	ssyncset.done $0x0  }
0xb7: {  	[sflag:s19] =	ssyncadd.s32 $0xFFFFFFB0  }
0xb8: {  	[spmem:s3] =	stream.indirect.scatter.add.f32 [tilespmem:s29], [sflag:$0x7], $0x80, s24, s30, $0xb8;
	[tilespmem:$0x1E400] =	vst v63  }
0xb9: {  	_ =	swait.ge [sflag:s23], $0x2800  }
0xba: {  	s21 =	rddreg [dreg:$0xb];
	[sflag:s23] =	ssyncset.done $0x0  }
0xbb: {  	s24 =	rddreg [dreg:$0xa];
	[sflag:s23] =	ssyncadd.s32 $0xFFFFD800;
	s7 =	sadd.s32 $0x0, s21  }
0xbc: {  	[tilespmem:s13], [sflag:$0xA] =	stream.linear.gather [hbm4b:s7+s4], $0x50, $0x38;
	[tilespmem:$0x1E400] =	vst v63  }
0xbd: {  	s29 =	sadd.s32 $0x0, s24  }
0xbe: {  	[tilespmem:s5], [sflag:$0x12] =	stream.linear.gather [hbm4b:s29+s4], $0x50, $0x38;
	[tilespmem:$0x1E400] =	vst v63  }
0xbf: {  	_ =	swait.ge [sflag:s0], $0x50  }
0xc0: {  	[sflag:s0] =	ssyncset.done $0x0  }
0xc1: {  	s7 =	simm.s32 $0x13C00;
	[sflag:s0] =	ssyncadd.s32 $0xFFFFFFB0  }
0xc2: {  	[tilespmem:s7], [sflag:$0x1] =	stream.indirect.gather [hbm4b:s6+s30], $0x80, s17, s30, $0xb8;
	[tilespmem:$0x1E400] =	vst v63  }
0xc3: {  	_ =	swait.ge [sflag:s25], $0x2800  }
0xc4: {  	[sflag:s25] =	ssyncset.done $0x0  }
0xc5: {  	s11 =	simm.s32 $0x18;
	[sflag:s25] =	ssyncadd.s32 $0xFFFFD800  }
0xc6: {  	_ =	swait.ge [sflag:s11], $0x50  }
0xc7: {  	[sflag:s11] =	ssyncset.done $0x0  }
0xc8: {  	[sflag:s11] =	ssyncadd.s32 $0xFFFFFFB0  }
0xc9: {  	[spmem:s3] =	stream.indirect.scatter.add.f32 [tilespmem:s15], [sflag:$0x8], $0x80, s8, s30, $0xb8;
	[tilespmem:$0x1E400] =	vst v63  }
0xca: {  	_ =	swait.ge [sflag:s28], $0x2800  }
0xcb: {  	s19 =	rddreg [dreg:$0x9];
	[sflag:s28] =	ssyncset.done $0x0  }
0xcc: {  	s21 =	rddreg [dreg:$0x8];
	[sflag:s28] =	ssyncadd.s32 $0xFFFFD800;
	s7 =	sadd.s32 $0x0, s19  }
0xcd: {  	[tilespmem:s2], [sflag:$0xB] =	stream.linear.gather [hbm4b:s7+s4], $0x50, $0x38;
	[tilespmem:$0x1E400] =	vst v63  }
0xce: {  	s29 =	simm.s32 $0x1E100;
	s24 =	sadd.s32 $0x0, s21  }
0xcf: {  	[tilespmem:s29], [sflag:$0x13] =	stream.linear.gather [hbm4b:s24+s4], $0x50, $0x38;
	[tilespmem:$0x1E400] =	vst v63  }
0xd0: {  	_ =	swait.ge [sflag:s20], $0x50  }
0xd1: {  	[sflag:s20] =	ssyncset.done $0x0  }
0xd2: {  	s31 =	simm.s32 $0x16400;
	[sflag:s20] =	ssyncadd.s32 $0xFFFFFFB0  }
0xd3: {  	[tilespmem:s31], [sflag:$0x2] =	stream.indirect.gather [hbm4b:s6+s30], $0x80, s13, s30, $0xb8;
	[tilespmem:$0x1E400] =	vst v63  }
0xd4: {  	_ =	swait.ge [sflag:s10], $0x2800  }
0xd5: {  	[sflag:s10] =	ssyncset.done $0x0  }
0xd6: {  	[sflag:s10] =	ssyncadd.s32 $0xFFFFD800  }
0xd7: {  	_ =	swait.ge [sflag:s26], $0x50  }
0xd8: {  	[sflag:s26] =	ssyncset.done $0x0  }
0xd9: {  	s17 =	simm.s32 $0x13C00;
	[sflag:s26] =	ssyncadd.s32 $0xFFFFFFB0  }
0xda: {  	[spmem:s3] =	stream.indirect.scatter.add.f32 [tilespmem:s17], [sflag:$0x5], $0x80, s12, s30, $0xb8;
	[tilespmem:$0x1E400] =	vst v63  }
0xdb: {  	_ =	swait.ge [sflag:s18], $0x2800  }
0xdc: {  	s0 =	rddreg [dreg:$0x7];
	[sflag:s18] =	ssyncset.done $0x0  }
0xdd: {  	s10 =	rddreg [dreg:$0x6];
	[sflag:s18] =	ssyncadd.s32 $0xFFFFD800;
	s7 =	sadd.s32 $0x0, s0  }
0xde: {  	[tilespmem:s22], [sflag:$0xC] =	stream.linear.gather [hbm4b:s7+s4], $0x50, $0x38;
	[tilespmem:$0x1E400] =	vst v63  }
0xdf: {  	s13 =	simm.s32 $0xB;
	s12 =	simm.s32 $0x1E180;
	s11 =	sadd.s32 $0x0, s10  }
0xe0: {  	[tilespmem:s12], [sflag:$0x14] =	stream.linear.gather [hbm4b:s11+s4], $0x50, $0x38;
	[tilespmem:$0x1E400] =	vst v63  }
0xe1: {  	_ =	swait.ge [sflag:s13], $0x50  }
0xe2: {  	[sflag:s13] =	ssyncset.done $0x0  }
0xe3: {  	s16 =	simm.s32 $0x18C00;
	s26 =	simm.s32 $0x2;
	[sflag:s13] =	ssyncadd.s32 $0xFFFFFFB0  }
0xe4: {  	[tilespmem:s16], [sflag:$0x3] =	stream.indirect.gather [hbm4b:s6+s30], $0x80, s2, s30, $0xb8;
	[tilespmem:$0x1E400] =	vst v63  }
0xe5: {  	_ =	swait.ge [sflag:s26], $0x2800  }
0xe6: {  	[sflag:s26] =	ssyncset.done $0x0  }
0xe7: {  	s15 =	simm.s32 $0x12;
	[sflag:s26] =	ssyncadd.s32 $0xFFFFD800  }
0xe8: {  	_ =	swait.ge [sflag:s15], $0x50  }
0xe9: {  	[sflag:s15] =	ssyncset.done $0x0  }
0xea: {  	[sflag:s15] =	ssyncadd.s32 $0xFFFFFFB0  }
0xeb: {  	[spmem:s3] =	stream.indirect.scatter.add.f32 [tilespmem:s31], [sflag:$0x6], $0x80, s5, s30, $0xb8;
	[tilespmem:$0x1E400] =	vst v63  }
0xec: {  	_ =	swait.ge [sflag:s1], $0x2800  }
0xed: {  	s19 =	simm.s32 $0x1DE00;
	s16 =	rddreg [dreg:$0x5];
	[sflag:s1] =	ssyncset.done $0x0  }
0xee: {  	s17 =	rddreg [dreg:$0x4];
	[sflag:s1] =	ssyncadd.s32 $0xFFFFD800;
	s7 =	sadd.s32 $0x0, s16  }
0xef: {  	[tilespmem:s19], [sflag:$0xD] =	stream.linear.gather [hbm4b:s7+s4], $0x50, $0x38;
	[tilespmem:$0x1E400] =	vst v63  }
0xf0: {  	s21 =	simm.s32 $0x1E200;
	s24 =	simm.s32 $0xC;
	s20 =	sadd.s32 $0x0, s17  }
0xf1: {  	[tilespmem:s21], [sflag:$0x15] =	stream.linear.gather [hbm4b:s20+s4], $0x50, $0x38;
	[tilespmem:$0x1E400] =	vst v63  }
0xf2: {  	_ =	swait.ge [sflag:s24], $0x50  }
0xf3: {  	[sflag:s24] =	ssyncset.done $0x0  }
0xf4: {  	s8 =	simm.s32 $0x1B400;
	[sflag:s24] =	ssyncadd.s32 $0xFFFFFFB0  }
0xf5: {  	[tilespmem:s8], [sflag:$0x4] =	stream.indirect.gather [hbm4b:s6+s30], $0x80, s22, s30, $0xb8;
	[tilespmem:$0x1E400] =	vst v63  }
0xf6: {  	_ =	swait.ge [sflag:s9], $0x2800  }
0xf7: {  	[sflag:s9] =	ssyncset.done $0x0  }
0xf8: {  	s29 =	simm.s32 $0x13;
	[sflag:s9] =	ssyncadd.s32 $0xFFFFD800  }
0xf9: {  	_ =	swait.ge [sflag:s29], $0x50  }
0xfa: {  	s31 =	simm.s32 $0x13;
	[sflag:s29] =	ssyncset.done $0x0  }
0xfb: {  	s11 =	sadd.s32 $0x280, s14;
	s7 =	simm.s32 $0x50;
	[sflag:s31] =	ssyncadd.s32 $0xFFFFFFB0  }
.LBB2_2:
0xfc: {  	s2 =	simm.s32 $0x1E100;
	s21 =	simm.s32 $0x18C00  }
0xfd: {  	[spmem:s3] =	stream.indirect.scatter.add.f32 [tilespmem:s21], [sflag:$0x7], $0x80, s2, s30, $0xb8;
	[tilespmem:$0x1E400] =	vst v63  }
0xfe: {  	s14 =	smov.u32 s7;
	_ =	swait.ge [sflag:s23], $0x2800  }
0xff: {  	s29 =	simm.s32 $0x1DE80;
	s17 =	rddreg [dreg:$0x11];
	[sflag:s23] =	ssyncset.done $0x0  }
0x100: {  	s20 =	rddreg [dreg:$0x10];
	[sflag:s23] =	ssyncadd.s32 $0xFFFFD800;
	s17 =	sadd.s32 s14, s17  }
0x101: {  	[tilespmem:s29], [sflag:$0xE] =	stream.linear.gather [hbm4b:s17+s4], $0x50, $0x38;
	[tilespmem:$0x1E400] =	vst v63  }
0x102: {  	s31 =	simm.s32 $0x1E280;
	s5 =	simm.s32 $0xD;
	s24 =	sadd.s32 s14, s20  }
0x103: {  	[tilespmem:s31], [sflag:$0x16] =	stream.linear.gather [hbm4b:s24+s4], $0x50, $0x38;
	[tilespmem:$0x1E400] =	vst v63  }
0x104: {  	_ =	swait.ge [sflag:s5], $0x50  }
0x105: {  	[sflag:s5] =	ssyncset.done $0x0  }
0x106: {  	s13 =	simm.s32 $0x1DE00;
	s8 =	simm.s32 $0x13C00;
	[sflag:s5] =	ssyncadd.s32 $0xFFFFFFB0  }
0x107: {  	[tilespmem:s8], [sflag:$0x1] =	stream.indirect.gather [hbm4b:s6+s30], $0x80, s13, s30, $0xb8;
	[tilespmem:$0x1E400] =	vst v63  }
0x108: {  	_ =	swait.ge [sflag:s25], $0x2800  }
0x109: {  	[sflag:s25] =	ssyncset.done $0x0  }
0x10a: {  	s0 =	simm.s32 $0x14;
	[sflag:s25] =	ssyncadd.s32 $0xFFFFD800  }
0x10b: {  	_ =	swait.ge [sflag:s0], $0x50  }
0x10c: {  	[sflag:s0] =	ssyncset.done $0x0  }
0x10d: {  	s12 =	simm.s32 $0x1E180;
	s19 =	simm.s32 $0x1B400;
	[sflag:s0] =	ssyncadd.s32 $0xFFFFFFB0  }
0x10e: {  	[spmem:s3] =	stream.indirect.scatter.add.f32 [tilespmem:s19], [sflag:$0x8], $0x80, s12, s30, $0xb8;
	[tilespmem:$0x1E400] =	vst v63  }
0x10f: {  	_ =	swait.ge [sflag:s28], $0x2800  }
0x110: {  	s15 =	simm.s32 $0x1DF00;
	s5 =	rddreg [dreg:$0xf];
	[sflag:s28] =	ssyncset.done $0x0  }
0x111: {  	s10 =	rddreg [dreg:$0xe];
	[sflag:s28] =	ssyncadd.s32 $0xFFFFD800;
	s17 =	sadd.s32 s14, s5  }
0x112: {  	[tilespmem:s15], [sflag:$0xF] =	stream.linear.gather [hbm4b:s17+s4], $0x50, $0x38;
	[tilespmem:$0x1E400] =	vst v63  }
0x113: {  	s24 =	simm.s32 $0x1E300;
	s16 =	sadd.s32 s14, s10;
	s17 =	simm.s32 $0xE  }
0x114: {  	[tilespmem:s24], [sflag:$0x17] =	stream.linear.gather [hbm4b:s16+s4], $0x50, $0x38;
	[tilespmem:$0x1E400] =	vst v63  }
0x115: {  	_ =	swait.ge [sflag:s17], $0x50  }
0x116: {  	[sflag:s17] =	ssyncset.done $0x0  }
0x117: {  	s22 =	simm.s32 $0x16400;
	s16 =	simm.s32 $0x1;
	[sflag:s17] =	ssyncadd.s32 $0xFFFFFFB0  }
0x118: {  	[tilespmem:s22], [sflag:$0x2] =	stream.indirect.gather [hbm4b:s6+s30], $0x80, s29, s30, $0xb8;
	[tilespmem:$0x1E400] =	vst v63  }
0x119: {  	_ =	swait.ge [sflag:s16], $0x2800  }
0x11a: {  	[sflag:s16] =	ssyncset.done $0x0  }
0x11b: {  	s20 =	simm.s32 $0x15;
	[sflag:s16] =	ssyncadd.s32 $0xFFFFD800  }
0x11c: {  	_ =	swait.ge [sflag:s20], $0x50  }
0x11d: {  	[sflag:s20] =	ssyncset.done $0x0  }
0x11e: {  	s5 =	simm.s32 $0x1E200;
	[sflag:s20] =	ssyncadd.s32 $0xFFFFFFB0  }
0x11f: {  	[spmem:s3] =	stream.indirect.scatter.add.f32 [tilespmem:s8], [sflag:$0x5], $0x80, s5, s30, $0xb8;
	[tilespmem:$0x1E400] =	vst v63  }
0x120: {  	_ =	swait.ge [sflag:s18], $0x2800  }
0x121: {  	s29 =	simm.s32 $0x1DF80;
	s0 =	rddreg [dreg:$0xd];
	[sflag:s18] =	ssyncset.done $0x0  }
0x122: {  	s10 =	rddreg [dreg:$0xc];
	[sflag:s18] =	ssyncadd.s32 $0xFFFFD800;
	s17 =	sadd.s32 s14, s0  }
0x123: {  	[tilespmem:s29], [sflag:$0x10] =	stream.linear.gather [hbm4b:s17+s4], $0x50, $0x38;
	[tilespmem:$0x1E400] =	vst v63  }
0x124: {  	s20 =	sadd.s32 s14, s10;
	s0 =	simm.s32 $0x1E380;
	s10 =	simm.s32 $0xF  }
0x125: {  	[tilespmem:s0], [sflag:$0x18] =	stream.linear.gather [hbm4b:s20+s4], $0x50, $0x38;
	[tilespmem:$0x1E400] =	vst v63  }
0x126: {  	_ =	swait.ge [sflag:s10], $0x50  }
0x127: {  	[sflag:s10] =	ssyncset.done $0x0  }
0x128: {  	[sflag:s10] =	ssyncadd.s32 $0xFFFFFFB0  }
0x129: {  	[tilespmem:s21], [sflag:$0x3] =	stream.indirect.gather [hbm4b:s6+s30], $0x80, s15, s30, $0xb8;
	[tilespmem:$0x1E400] =	vst v63  }
0x12a: {  	_ =	swait.ge [sflag:s26], $0x2800  }
0x12b: {  	[sflag:s26] =	ssyncset.done $0x0  }
0x12c: {  	s17 =	simm.s32 $0x16;
	[sflag:s26] =	ssyncadd.s32 $0xFFFFD800  }
0x12d: {  	_ =	swait.ge [sflag:s17], $0x50  }
0x12e: {  	[sflag:s17] =	ssyncset.done $0x0  }
0x12f: {  	[sflag:s17] =	ssyncadd.s32 $0xFFFFFFB0  }
0x130: {  	[spmem:s3] =	stream.indirect.scatter.add.f32 [tilespmem:s22], [sflag:$0x6], $0x80, s31, s30, $0xb8;
	[tilespmem:$0x1E400] =	vst v63  }
0x131: {  	_ =	swait.ge [sflag:s1], $0x2800  }
0x132: {  	s17 =	sshrl.u32 s11, $0x3;
	[sflag:s1] =	ssyncset.done $0x0;
	s20 =	rddreg [dreg:$0x12]  }
0x133: {  	s31 =	simm.s32 $0x1DC00;
	[sflag:s1] =	ssyncadd.s32 $0xFFFFD800;
	s26 =	sadd.s32 s20, s17  }
0x134: {  	[tilespmem:s31], [sflag:$0x9] =	stream.linear.gather [hbm4b:s26+s4], $0x50, $0x38;
	[tilespmem:$0x1E400] =	vst v63  }
0x135: {  	s10 =	rddreg [dreg:$0x1]  }
0x136: {  	s26 =	simm.s32 $0x1E000;
	s17 =	sadd.s32 s10, s17  }
0x137: {  	[tilespmem:s26], [sflag:$0x11] =	stream.linear.gather [hbm4b:s17+s4], $0x50, $0x38;
	[tilespmem:$0x1E400] =	vst v63  }
0x138: {  	s17 =	simm.s32 $0x10  }
0x139: {  	_ =	swait.ge [sflag:s17], $0x50  }
0x13a: {  	[sflag:s17] =	ssyncset.done $0x0  }
0x13b: {  	[sflag:s17] =	ssyncadd.s32 $0xFFFFFFB0  }
0x13c: {  	[tilespmem:s19], [sflag:$0x4] =	stream.indirect.gather [hbm4b:s6+s30], $0x80, s29, s30, $0xb8;
	[tilespmem:$0x1E400] =	vst v63  }
0x13d: {  	_ =	swait.ge [sflag:s9], $0x2800  }
0x13e: {  	[sflag:s9] =	ssyncset.done $0x0  }
0x13f: {  	s20 =	simm.s32 $0x17;
	[sflag:s9] =	ssyncadd.s32 $0xFFFFD800  }
0x140: {  	_ =	swait.ge [sflag:s20], $0x50  }
0x141: {  	[sflag:s20] =	ssyncset.done $0x0  }
0x142: {  	[sflag:s20] =	ssyncadd.s32 $0xFFFFFFB0  }
0x143: {  	[spmem:s3] =	stream.indirect.scatter.add.f32 [tilespmem:s21], [sflag:$0x7], $0x80, s24, s30, $0xb8;
	[tilespmem:$0x1E400] =	vst v63  }
0x144: {  	_ =	swait.ge [sflag:s23], $0x2800  }
0x145: {  	s24 =	rddreg [dreg:$0xb]  }
0x146: {  	[sflag:s23] =	ssyncset.done $0x0;
	s10 =	rddreg [dreg:$0xa]  }
0x147: {  	[sflag:s23] =	ssyncadd.s32 $0xFFFFD800;
	s17 =	sadd.s32 s14, s24;
	s24 =	simm.s32 $0x1DC80  }
0x148: {  	[tilespmem:s24], [sflag:$0xA] =	stream.linear.gather [hbm4b:s17+s4], $0x50, $0x38;
	[tilespmem:$0x1E400] =	vst v63  }
0x149: {  	s20 =	simm.s32 $0x9;
	s15 =	sadd.s32 s14, s10;
	s10 =	simm.s32 $0x1E080  }
0x14a: {  	[tilespmem:s10], [sflag:$0x12] =	stream.linear.gather [hbm4b:s15+s4], $0x50, $0x38;
	[tilespmem:$0x1E400] =	vst v63  }
0x14b: {  	_ =	swait.ge [sflag:s20], $0x50  }
0x14c: {  	[sflag:s20] =	ssyncset.done $0x0  }
0x14d: {  	[sflag:s20] =	ssyncadd.s32 $0xFFFFFFB0  }
0x14e: {  	[tilespmem:s8], [sflag:$0x1] =	stream.indirect.gather [hbm4b:s6+s30], $0x80, s31, s30, $0xb8;
	[tilespmem:$0x1E400] =	vst v63  }
0x14f: {  	_ =	swait.ge [sflag:s25], $0x2800  }
0x150: {  	[sflag:s25] =	ssyncset.done $0x0  }
0x151: {  	s31 =	simm.s32 $0x18;
	[sflag:s25] =	ssyncadd.s32 $0xFFFFD800  }
0x152: {  	_ =	swait.ge [sflag:s31], $0x50  }
0x153: {  	[sflag:s31] =	ssyncset.done $0x0  }
0x154: {  	[sflag:s31] =	ssyncadd.s32 $0xFFFFFFB0  }
0x155: {  	[spmem:s3] =	stream.indirect.scatter.add.f32 [tilespmem:s19], [sflag:$0x8], $0x80, s0, s30, $0xb8;
	[tilespmem:$0x1E400] =	vst v63  }
0x156: {  	_ =	swait.ge [sflag:s28], $0x2800  }
0x157: {  	s0 =	rddreg [dreg:$0x9]  }
0x158: {  	[sflag:s28] =	ssyncset.done $0x0;
	s15 =	rddreg [dreg:$0x8]  }
0x159: {  	[sflag:s28] =	ssyncadd.s32 $0xFFFFD800;
	s17 =	sadd.s32 s14, s0;
	s0 =	simm.s32 $0x1DD00  }
0x15a: {  	[tilespmem:s0], [sflag:$0xB] =	stream.linear.gather [hbm4b:s17+s4], $0x50, $0x38;
	[tilespmem:$0x1E400] =	vst v63  }
0x15b: {  	s31 =	sadd.s32 s14, s15;
	s15 =	simm.s32 $0xA  }
0x15c: {  	[tilespmem:s2], [sflag:$0x13] =	stream.linear.gather [hbm4b:s31+s4], $0x50, $0x38;
	[tilespmem:$0x1E400] =	vst v63  }
0x15d: {  	_ =	swait.ge [sflag:s15], $0x50  }
0x15e: {  	[sflag:s15] =	ssyncset.done $0x0  }
0x15f: {  	[sflag:s15] =	ssyncadd.s32 $0xFFFFFFB0  }
0x160: {  	[tilespmem:s22], [sflag:$0x2] =	stream.indirect.gather [hbm4b:s6+s30], $0x80, s24, s30, $0xb8;
	[tilespmem:$0x1E400] =	vst v63  }
0x161: {  	_ =	swait.ge [sflag:s16], $0x2800  }
0x162: {  	[sflag:s16] =	ssyncset.done $0x0  }
0x163: {  	s17 =	simm.s32 $0x11;
	[sflag:s16] =	ssyncadd.s32 $0xFFFFD800  }
0x164: {  	_ =	swait.ge [sflag:s17], $0x50  }
0x165: {  	[sflag:s17] =	ssyncset.done $0x0  }
0x166: {  	[sflag:s17] =	ssyncadd.s32 $0xFFFFFFB0  }
0x167: {  	[spmem:s3] =	stream.indirect.scatter.add.f32 [tilespmem:s8], [sflag:$0x5], $0x80, s26, s30, $0xb8;
	[tilespmem:$0x1E400] =	vst v63  }
0x168: {  	_ =	swait.ge [sflag:s18], $0x2800  }
0x169: {  	s31 =	simm.s32 $0x1DD80;
	s20 =	rddreg [dreg:$0x7];
	[sflag:s18] =	ssyncset.done $0x0  }
0x16a: {  	s24 =	rddreg [dreg:$0x6];
	[sflag:s18] =	ssyncadd.s32 $0xFFFFD800;
	s17 =	sadd.s32 s14, s20  }
0x16b: {  	[tilespmem:s31], [sflag:$0xC] =	stream.linear.gather [hbm4b:s17+s4], $0x50, $0x38;
	[tilespmem:$0x1E400] =	vst v63  }
0x16c: {  	s16 =	sadd.s32 s14, s24;
	s17 =	simm.s32 $0xB  }
0x16d: {  	[tilespmem:s12], [sflag:$0x14] =	stream.linear.gather [hbm4b:s16+s4], $0x50, $0x38;
	[tilespmem:$0x1E400] =	vst v63  }
0x16e: {  	_ =	swait.ge [sflag:s17], $0x50  }
0x16f: {  	[sflag:s17] =	ssyncset.done $0x0  }
0x170: {  	s26 =	simm.s32 $0x2;
	[sflag:s17] =	ssyncadd.s32 $0xFFFFFFB0  }
0x171: {  	[tilespmem:s21], [sflag:$0x3] =	stream.indirect.gather [hbm4b:s6+s30], $0x80, s0, s30, $0xb8;
	[tilespmem:$0x1E400] =	vst v63  }
0x172: {  	_ =	swait.ge [sflag:s26], $0x2800  }
0x173: {  	[sflag:s26] =	ssyncset.done $0x0  }
0x174: {  	s20 =	simm.s32 $0x12;
	[sflag:s26] =	ssyncadd.s32 $0xFFFFD800  }
0x175: {  	_ =	swait.ge [sflag:s20], $0x50  }
0x176: {  	[sflag:s20] =	ssyncset.done $0x0  }
0x177: {  	[sflag:s20] =	ssyncadd.s32 $0xFFFFFFB0  }
0x178: {  	[spmem:s3] =	stream.indirect.scatter.add.f32 [tilespmem:s22], [sflag:$0x6], $0x80, s10, s30, $0xb8;
	[tilespmem:$0x1E400] =	vst v63  }
0x179: {  	_ =	swait.ge [sflag:s1], $0x2800  }
0x17a: {  	s21 =	rddreg [dreg:$0x5];
	[sflag:s1] =	ssyncset.done $0x0  }
0x17b: {  	s22 =	rddreg [dreg:$0x4];
	[sflag:s1] =	ssyncadd.s32 $0xFFFFD800;
	s17 =	sadd.s32 s14, s21  }
0x17c: {  	[tilespmem:s13], [sflag:$0xD] =	stream.linear.gather [hbm4b:s17+s4], $0x50, $0x38;
	[tilespmem:$0x1E400] =	vst v63  }
0x17d: {  	s24 =	simm.s32 $0xC;
	s14 =	sadd.s32 s14, s22  }
0x17e: {  	[tilespmem:s5], [sflag:$0x15] =	stream.linear.gather [hbm4b:s14+s4], $0x50, $0x38;
	[tilespmem:$0x1E400] =	vst v63  }
0x17f: {  	_ =	swait.ge [sflag:s24], $0x50  }
0x180: {  	[sflag:s24] =	ssyncset.done $0x0  }
0x181: {  	[sflag:s24] =	ssyncadd.s32 $0xFFFFFFB0  }
0x182: {  	[tilespmem:s19], [sflag:$0x4] =	stream.indirect.gather [hbm4b:s6+s30], $0x80, s31, s30, $0xb8;
	[tilespmem:$0x1E400] =	vst v63  }
0x183: {  	p0 =	sne.s32 s7, $0x460;
	_ =	swait.ge [sflag:s9], $0x2800  }
.Ltmp0:
0x184: {  	s7 =	sadd.s32 $0x50, s7;
	[sflag:s9] =	ssyncset.done $0x0;
	(pc) =	sbr.rel @p0 .LBB2_2-.Ltmp0, $4  }
0x185: {  	s11 =	sadd.s32 $0x280, s11;
	s31 =	simm.s32 $0x13;
	[sflag:s9] =	ssyncadd.s32 $0xFFFFD800  }
0x186: {  	s29 =	simm.s32 $0x1E100;
	s2 =	simm.s32 $0x1E180;
	_ =	swait.ge [sflag:s31], $0x50  }
0x187: {  	s8 =	simm.s32 $0x18C00;
	s12 =	simm.s32 $0x1DE00;
	[sflag:s31] =	ssyncset.done $0x0  }
0x188: {  	s13 =	simm.s32 $0x1E200;
	s14 =	simm.s32 $0x1B400;
	[sflag:s31] =	ssyncadd.s32 $0xFFFFFFB0  }
0x189: {  	[spmem:s3] =	stream.indirect.scatter.add.f32 [tilespmem:s8], [sflag:$0x7], $0x80, s29, s30, $0xb8;
	[tilespmem:$0x1E400] =	vst v63  }
0x18a: {  	_ =	swait.ge [sflag:s23], $0x2800  }
0x18b: {  	[sflag:s23] =	ssyncset.done $0x0  }
0x18c: {  	s0 =	simm.s32 $0xD;
	[sflag:s23] =	ssyncadd.s32 $0xFFFFD800  }
0x18d: {  	_ =	swait.ge [sflag:s0], $0x50  }
0x18e: {  	[sflag:s0] =	ssyncset.done $0x0  }
0x18f: {  	s5 =	simm.s32 $0x13C00;
	[sflag:s0] =	ssyncadd.s32 $0xFFFFFFB0  }
0x190: {  	[tilespmem:s5], [sflag:$0x1] =	stream.indirect.gather [hbm4b:s6+s30], $0x80, s12, s30, $0xb8;
	[tilespmem:$0x1E400] =	vst v63  }
0x191: {  	_ =	swait.ge [sflag:s25], $0x2800  }
0x192: {  	[sflag:s25] =	ssyncset.done $0x0  }
0x193: {  	s21 =	simm.s32 $0x14;
	[sflag:s25] =	ssyncadd.s32 $0xFFFFD800  }
0x194: {  	_ =	swait.ge [sflag:s21], $0x50  }
0x195: {  	[sflag:s21] =	ssyncset.done $0x0  }
0x196: {  	[sflag:s21] =	ssyncadd.s32 $0xFFFFFFB0  }
0x197: {  	[spmem:s3] =	stream.indirect.scatter.add.f32 [tilespmem:s14], [sflag:$0x8], $0x80, s2, s30, $0xb8;
	[tilespmem:$0x1E400] =	vst v63  }
0x198: {  	_ =	swait.ge [sflag:s28], $0x2800  }
0x199: {  	[sflag:s28] =	ssyncset.done $0x0  }
0x19a: {  	s22 =	simm.s32 $0x1;
	[sflag:s28] =	ssyncadd.s32 $0xFFFFD800  }
0x19b: {  	_ =	swait.ge [sflag:s22], $0x2800  }
0x19c: {  	[sflag:s22] =	ssyncset.done $0x0  }
0x19d: {  	s24 =	simm.s32 $0x15;
	[sflag:s22] =	ssyncadd.s32 $0xFFFFD800  }
0x19e: {  	_ =	swait.ge [sflag:s24], $0x50  }
0x19f: {  	[sflag:s24] =	ssyncset.done $0x0  }
0x1a0: {  	[sflag:s24] =	ssyncadd.s32 $0xFFFFFFB0  }
0x1a1: {  	[spmem:s3] =	stream.indirect.scatter.add.f32 [tilespmem:s5], [sflag:$0x5], $0x80, s13, s30, $0xb8;
	[tilespmem:$0x1E400] =	vst v63  }
0x1a2: {  	_ =	swait.ge [sflag:s18], $0x2800  }
0x1a3: {  	[sflag:s18] =	ssyncset.done $0x0  }
0x1a4: {  	[sflag:s18] =	ssyncadd.s32 $0xFFFFD800  }
0x1a5: {  	_ =	swait.ge [sflag:s1], $0x2800  }
0x1a6: {  	[sflag:s1] =	ssyncset.done $0x0  }
0x1a7: {  	[sflag:s1] =	ssyncadd.s32 $0xFFFFD800  }
0x1a8: {  	_ =	swait.ge [sflag:s23], $0x2800  }
0x1a9: {  	[sflag:s23] =	ssyncset.done $0x0  }
0x1aa: {  	[sflag:s23] =	ssyncadd.s32 $0xFFFFD800  }
0x1ab: {  	[bflag:$0x0] =	sbarrier.arrive $0xFFFF  }
0x1ac: {  	s7 =	sld [smem:$0x7FB]  }
0x1ad: {  	s26 =	sld [smem:$0x7FA];
	_ =	sdelay $0x1  }
0x1ae: {  	s11 =	simm.s32 $0x19;
	s14 =	rddreg [dreg:$0x15]  }
0x1af: {  	[hbm:s7], [sflag:s14] =	dma.local [spmem:s26], $0x2780  }
0x1b0: {  	_ =	swait.ge [sflag:s11], $0x2780  }
0x1b1: {  	s29 =	sld [smem:$0x7F9]  }
0x1b2: {  	s31 =	sld [smem:$0x7FC];
	_ =	sdelay $0x1  }
0x1b3: {  	s8 =	sadd.s32 $0x1, s29  }
0x1b4: {  	p0 =	sne.s32 s8, s31  }
.Ltmp1:
0x1b5: {  	s17 =	simm.s32 $0x1DC00;
	s20 =	simm.s32 $0xA;
	(pc) =	sbr.rel @p0 .LBB2_1-.Ltmp1, $4  }
0x1b6: {  	s19 =	simm.s32 $0x16400;
	s0 =	simm.s32 $0x9;
	s12 =	simm.s32 $0x1E000  }
0x1b7: {  	s2 =	simm.s32 $0x1DD00;
	s22 =	simm.s32 $0x1DD80;
	[sflag:s11] =	ssyncset.done $0x0  }
0x1b8: {  	s13 =	simm.s32 $0x1DC80;
	s21 =	rddreg [dreg:$0x12];
	[sflag:s11] =	ssyncadd.s32 $0xFFFFD880  }
0x1b9: {  	s5 =	simm.s32 $0x1E080;
	s26 =	simm.s32 $0x11;
	s15 =	rddreg [dreg:$0x1]  }
0x1ba: {  	_ =	sfence.sel $0x180000  }
0x1bb: {  	[bflag:$0x0] =	sbarrier.arrive $0xFFFF  }
0x1bc: {  	_ =	strace $0x9000004A  }
0x1bd: {  	s0 =	stileid.u32;
	[bflag:$0x2] =	sbarrier.arrive $0xFFFF  }
0x1be: {  	p0 =	sne.s32 s0, $0x0;
	s0 =	rddreg [dreg:$0x3]  }
0x1bf: {  	s0 =	sadd.s32 @!p0 $0x100000, s0  }
0x1c0: {  	[sflag:s0] =	ssyncadd.tile.s32 @!p0 $0x1;
	_ =	shalt  }
.Lfunc_end2:
_tile_overlayer_lowered:
.L_overlay_start_2:
0x1c1: {  	(tag) =	ssettag $0x2  }
0x1c2: {  	s0 =	rddreg [dreg:$0x0];
	s2 =	stileid.u32  }
0x1c3: {  	s1 =	rddreg [dreg:$0x1];
	p0 =	sne.s32 s2, $0x0  }
0x1c4: {  	s3 =	rddreg [dreg:$0x2];
	[bflag:$0x3] =	sbarrier.arrive $0xFFFF;
	s2 =	simm.s32 @!p0 $0x1C19  }
0x1c5: {  	[timem:s3], [sflag:s2] =	dma.local @!p0 [hbm:s0], s1  }
0x1c6: {  	s0 =	simm.s32 @!p0 $0x19  }
0x1c7: {  	_ =	swait.ge @!p0 [sflag:s0], s1  }
0x1c8: {  	s1 =	ssub.s32 @!p0 $0x0, s1;
	[sflag:s0] =	ssyncset.done @!p0 $0x0  }
0x1c9: {  	[sflag:s0] =	ssyncadd.s32 @!p0 s1  }
0x1ca: {  	[bflag:$0x3] =	sbarrier.arrive $0xFFFF  }
0x1cb: {  	_ =	shalt  }

// kernel: kernel.15.cloned.1.call-start
scs
__scs_entry_jumppad:
0x0: {  	(pc) =	sbr.rel $0x88, $3  }
0x1: {  	(tag) =	ssettag $0x0;
	lr =	simm.s32 $0x1  }
0x2: {  	[smem:$0x3F98] =	sst lr;
	_ =	strace $0xD0000000  }
0x3: {  	_ = 	snop  }
0x4: {  	_ = 	snop  }
0x5: {  	_ = 	snop  }
0x6: {  	_ = 	snop  }
0x7: {  	_ = 	snop  }
__scs_overlays_trampoline_lowered:
0x8: {  	[smem:$0x3FA7] =	sst s0  }
0x9: {  	[smem:$0x3FA8] =	sst s1  }
0xa: {  	[smem:$0x3FA9] =	sst s2  }
0xb: {  	[smem:$0x3FAA] =	sst s3  }
0xc: {  	[smem:$0x3FAB] =	sst s4  }
0xd: {  	[smem:$0x3FAC] =	sst s5  }
0xe: {  	[smem:$0x3FAD] =	sst s6  }
0xf: {  	[smem:$0x3FAE] =	sst s7  }
0x10: {  	[smem:$0x3FAF] =	sst s8  }
0x11: {  	[smem:$0x3FB0] =	sst s9;
	s0 =	simm.s32 @!p0 $0x0  }
0x12: {  	s1 =	sld [smem:$0x3F96];
	s0 =	simm.s32 @p0 $0x1  }
0x13: {  	[smem:$0x3FB1] =	sst s0;
	s0 =	simm.s32 @!p1 $0x0  }
0x14: {  	s2 =	sld [smem:$0x3F95];
	s0 =	simm.s32 @p1 $0x1  }
0x15: {  	[smem:$0x3FB2] =	sst s0;
	s0 =	simm.s32 @!p2 $0x0  }
0x16: {  	s3 =	sld [smem:$0x3FDB];
	s0 =	simm.s32 @p2 $0x1  }
0x17: {  	s4 =	simm.s32 $0x1BF5;
	[smem:$0x3FB4] =	sst s0  }
0x18: {  	s0 =	sld [smem:$0x3F97];
	_ =	swait.ge [sflag:s4], $0x0  }
0x19: {  	s7 =	sld [smem:$0x3F98]  }
0x1a: {  	s8 =	sadd.s32 $0xFFFFE003, lr  }
0x1b: {  	s9 =	sadd.s32 $0xFFFFFEF7, lr;
	s5 =	simm.s32 $0xFFFFFFFF;
	p2 =	slt.u32 s8, $0xFFFFF086  }
0x1c: {  	p1 =	slt.u32 s9, $0xF7A;
	s5 =	simm.s32 @!p2 $0x0  }
0x1d: {  	s5 =	simm.s32 @p1 $0x1;
	p0 =	seq.s32 s7, s2  }
0x1e: {  	s7 =	smul.u32 @!p0 $0xF7A, s2;
	p2 =	seq.s32 @!p0 s5, $0x0  }
0x1f: {  	s9 =	smul.u32 $0xF7A, s1;
	s8 =	simm.s32 @!p0 $0x1BF5;
	p2 =	por !p2, p0  }
0x20: {  	[sflag:s8] =	ssyncset.s32 @!p0 $0xFFFFF086;
	s6 =	sadd.s32 @!p0 s3, s7;
	s7 =	simm.s32 @!p0 $0x108  }
0x21: {  	s3 =	sadd.s32 s3, s9;
	s6 =	sadd.s32 @!p0 $0x88, s6;
	s7 =	simm.s32 @p2 $0x1082  }
0x22: {  	[simem:s7], [sflag:s8] =	dma.local @!p0 [hbm:s6], $0xF7A  }
0x23: {  	s9 =	sor.u32 $0xD0000000, s2;
	s6 =	simm.s32 $0x108;
	_ =	swait.ge @!p0 [sflag:s8], $0x0  }
0x24: {  	s3 =	sadd.s32 $0x88, s3;
	s6 =	simm.s32 @!p1 $0x1082;
	[sflag:s4] =	ssyncset.s32 $0xFFFFF086  }
0x25: {  	[simem:s6], [sflag:s4] =	dma.local [hbm:s3], $0xF7A  }
0x26: {  	[smem:$0x3F98] =	sst s1;
	(tag) =	ssettag s2;
	_ =	strace s9  }
0x27: {  	s1 =	sld [smem:$0x3FA8]  }
0x28: {  	s2 =	sld [smem:$0x3FA9]  }
0x29: {  	s4 =	sld [smem:$0x3FAB]  }
0x2a: {  	p0 =	seq.s32 s5, $0x0;
	s5 =	sld [smem:$0x3FAC]  }
0x2b: {  	s6 =	sld [smem:$0x3FAD]  }
0x2c: {  	s7 =	sld [smem:$0x3FAE]  }
0x2d: {  	s3 =	simm.s32 $0x108;
	s8 =	sld [smem:$0x3FAF]  }
0x2e: {  	s3 =	simm.s32 @!p0 $0x1082;
	s9 =	sld [smem:$0x3FB0]  }
0x2f: {  	lr =	sadd.s32 s0, s3;
	s0 =	sld [smem:$0x3FA7]  }
0x30: {  	s3 =	sld [smem:$0x3FAA]  }
0x31: {  	[smem:$0x3FB3] =	sst s10  }
0x32: {  	s10 =	sld [smem:$0x3FB1];
	_ =	sdelay $0x3  }
0x33: {  	p0 =	seq.s32 s10, $0x1;
	s10 =	sld [smem:$0x3FB3];
	_ =	sdelay $0x3  }
0x34: {  	[smem:$0x3FB3] =	sst s10  }
0x35: {  	s10 =	sld [smem:$0x3FB2];
	_ =	sdelay $0x3  }
0x36: {  	p1 =	seq.s32 s10, $0x1;
	s10 =	sld [smem:$0x3FB3];
	_ =	sdelay $0x3  }
0x37: {  	[smem:$0x3FB3] =	sst s10  }
0x38: {  	s10 =	sld [smem:$0x3FB4]  }
0x39: {  	_ = 	snop;
	(pc) =	sbr.ind lr, $3  }
0x3a: {  	_ = 	snop  }
0x3b: {  	_ = 	snop  }
0x3c: {  	p2 =	seq.s32 s10, $0x1;
	s10 =	sld [smem:$0x3FB3]  }
0x3d: {  	_ =	shalt  }
0x3e: {  	_ =	shalt  }
0x3f: {  	_ =	shalt  }
0x40: {  	_ =	shalt  }
0x41: {  	_ =	shalt  }
0x42: {  	_ =	shalt  }
0x43: {  	_ =	shalt  }
0x44: {  	_ =	shalt  }
0x45: {  	_ =	shalt  }
0x46: {  	_ =	shalt  }
0x47: {  	_ =	shalt  }
0x48: {  	_ =	shalt  }
0x49: {  	_ =	shalt  }
0x4a: {  	_ =	shalt  }
0x4b: {  	_ =	shalt  }
0x4c: {  	_ =	shalt  }
0x4d: {  	_ =	shalt  }
0x4e: {  	_ =	shalt  }
0x4f: {  	_ =	shalt  }
0x50: {  	_ =	shalt  }
0x51: {  	_ =	shalt  }
0x52: {  	_ =	shalt  }
0x53: {  	_ =	shalt  }
0x54: {  	_ =	shalt  }
0x55: {  	_ =	shalt  }
0x56: {  	_ =	shalt  }
0x57: {  	_ =	shalt  }
0x58: {  	_ =	shalt  }
0x59: {  	_ =	shalt  }
0x5a: {  	_ =	shalt  }
0x5b: {  	_ =	shalt  }
0x5c: {  	_ =	shalt  }
0x5d: {  	_ =	shalt  }
0x5e: {  	_ =	shalt  }
0x5f: {  	_ =	shalt  }
0x60: {  	_ =	shalt  }
0x61: {  	_ =	shalt  }
0x62: {  	_ =	shalt  }
0x63: {  	_ =	shalt  }
0x64: {  	_ =	shalt  }
0x65: {  	_ =	shalt  }
0x66: {  	_ =	shalt  }
0x67: {  	_ =	shalt  }
0x68: {  	_ =	shalt  }
0x69: {  	_ =	shalt  }
0x6a: {  	_ =	shalt  }
0x6b: {  	_ =	shalt  }
0x6c: {  	_ =	shalt  }
0x6d: {  	_ =	shalt  }
0x6e: {  	_ =	shalt  }
0x6f: {  	_ =	shalt  }
0x70: {  	_ =	shalt  }
0x71: {  	_ =	shalt  }
0x72: {  	_ =	shalt  }
0x73: {  	_ =	shalt  }
0x74: {  	_ =	shalt  }
0x75: {  	_ =	shalt  }
0x76: {  	_ =	shalt  }
0x77: {  	_ =	shalt  }
0x78: {  	_ =	shalt  }
0x79: {  	_ =	shalt  }
0x7a: {  	_ =	shalt  }
0x7b: {  	_ =	shalt  }
0x7c: {  	_ =	shalt  }
0x7d: {  	_ =	shalt  }
0x7e: {  	_ =	shalt  }
0x7f: {  	_ =	shalt  }
0x80: {  	_ =	shalt  }
0x81: {  	_ =	shalt  }
0x82: {  	_ =	shalt  }
0x83: {  	_ =	shalt  }
0x84: {  	_ =	shalt  }
0x85: {  	_ =	shalt  }
0x86: {  	_ =	shalt  }
0x87: {  	_ =	shalt  }
.Lfunc_end0:
.L_simem_size_0:
called_computation.2_lowered:
.L_overlay_start_0:
0x88: {  	s2 =	sld [smem:$0x3FD9]  }
0x89: {  	s3 =	sld [smem:$0x3FFE];
	_ =	sdelay $0x1  }
0x8a: {  	s1 =	srdreg.scid  }
0x8b: {  	s0 =	sand.u32 $0x1, s1  }
0x8c: {  	s14 =	sshll.u32 s0, $0xA;
	s2 =	sadd.s32 s3, s2  }
0x8d: {  	s2 =	sadd.s32 s2, s14  }
0x8e: {  	[smem:$0x3FBF] =	sst s2  }
0x8f: {  	_ = 	snop  }
0x90: {  	s2 =	sld [smem:$0x3FD0];
	_ =	sdelay $0x2  }
0x91: {  	s15 =	simm.s32 $0xA;
	s4 =	simm.s32 $0x10  }
0x92: {  	[smem:s4], [sflag:s15] =	dma.local [hbm:s2], $0x1  }
0x93: {  	_ =	swait.eq [sflag:s15], $0x1  }
0x94: {  	[sflag:s15] =	ssyncset.done $0x0  }
0x95: {  	[sflag:s15] =	ssyncadd.s32 $0xFFFFFFFF  }
0x96: {  	s16 =	sld [smem:$0x10];
	(tm) =	ssettm $0x1  }
0x97: {  	s17 =	sld [smem:$0x3FFB];
	_ =	sdelay $0x3  }
0x98: {  	_ =	strace s17  }
0x99: {  	s3 =	sld [smem:$0x3FFC];
	_ =	sdelay $0x3  }
0x9a: {  	_ =	strace s3  }
0x9b: {  	s3 =	sld [smem:$0x3FFD];
	_ =	sdelay $0x3  }
0x9c: {  	_ =	strace s3  }
0x9d: {  	_ =	strace $0x8FFFFFFF  }
0x9e: {  	s18 =	sld [smem:$0x3FDB];
	_ =	sdelay $0x1  }
0x9f: {  	s19 =	simm.s32 $_scs_section_size  }
0xa0: {  	s5 =	simm.s32 $_size__tile_overlayer_lowered;
	s6 =	simm.s32 $_tile_overlayer_lowered  }
0xa1: {  	s22 =	simm.s32 $0x1BFF;
	s21 =	sshll.u32 s6, $0x1;
	s3 =	sadd.s32 s19, s18  }
0xa2: {  	s7 =	simm.s32 $0x0;
	s20 =	sshll.u32 s5, $0x1;
	s5 =	sadd.s32 s21, s3  }
0xa3: {  	[timem:s7], [sflag:s22] =	dma.local [hbm:s5], s20  }
0xa4: {  	_ =	swait.ge [sflag:s22], s20  }
0xa5: {  	s4 =	ssub.s32 $0x0, s20;
	[sflag:s22] =	ssyncset.done $0x0  }
0xa6: {  	[sflag:s22] =	ssyncadd.s32 s4;
	_ =	sdelay $0x1  }
0xa7: {  	s23 =	simm.s32 $0x1B8B  }
0xa8: {  	_ =	swait.ge [sflag:s23], $0x1  }
0xa9: {  	[sflag:s23] =	ssyncset.done $0x0  }
0xaa: {  	s25 =	simm.s32 $0x1B8E;
	s24 =	sld [smem:$0x3FFE];
	[sflag:s23] =	ssyncadd.s32 $0xFFFFFFFF  }
0xab: {  	s26 =	simm.s32 $execute0_lowered;
	[smem:$0x3FD2] =	sst s25  }
0xac: {  	s5 =	sshll.u32 s26, $0x1;
	_ =	strace $0x8000004C;
	[dreg:$0x1] =	wrdreg $0xFFFFFFFF  }
0xad: {  	s28 =	simm.s32 $_size_execute0_lowered;
	s3 =	sadd.s32 s3, s5;
	[dreg:$0x0] =	wrdreg $0x0  }
0xae: {  	s5 =	sshll.u32 s28, $0x1;
	[dreg:$0x2] =	wrdreg s3  }
0xaf: {  	[dreg:$0x3] =	wrdreg s5  }
0xb0: {  	[dreg:$0x4] =	wrdreg $0xC0  }
0xb1: {  	_ =	task [dreg:s7], $0x5FFFF  }
0xb2: {  	[dreg:$0x1] =	wrdreg $0xFFFFFFFF  }
0xb3: {  	[dreg:$0x0] =	wrdreg $0x60  }
0xb4: {  	[dreg:$0x2] =	wrdreg s24  }
0xb5: {  	[dreg:$0x3] =	wrdreg s16  }
0xb6: {  	[dreg:$0x4] =	wrdreg $0x0  }
0xb7: {  	[dreg:$0x5] =	wrdreg $0x9  }
0xb8: {  	_ =	task.clear_ibuf [dreg:s7], $0x6FFFF;
	_ =	strace $0x9000004C  }
0xb9: {  	s29 =	simm.s32 $0x9;
	_ =	strace $0x8000004E  }
0xba: {  	_ =	swait.ge [sflag:s29], $0x1  }
0xbb: {  	[sflag:s29] =	ssyncadd.s32 $0xFFFFFFFF  }
0xbc: {  	_ =	strace $0x9000004E  }
0xbd: {  	_ =	sfence  }
0xbe: {  	s30 =	sld [smem:$0x0];
	_ =	sdelay $0x2  }
0xbf: {  	s31 =	sshll.u32 s1, $0xD;
	s1 =	sshrl.u32 s1, $0x2  }
0xc0: {  	s3 =	sand.u32 $0x4000, s31;
	s1 =	sadd.s32 s1, s30  }
0xc1: {  	s0 =	sor.u32 s3, s0;
	s1 =	sshll.u32 s1, $0x11  }
0xc2: {  	s0 =	sor.u32 s1, s0  }
0xc3: {  	s0 =	sadd.s32 $0x8F2B, s0  }
0xc4: {  	[sflag:s0] =	ssyncadd.remote.s32 $0x1  }
0xc5: {  	_ =	sfence.sel $0xFFFF  }
0xc6: {  	[dreg:$0x0] =	wrdreg $0xFFFFFFFF;
	(pc) =	sbr.abs _section_cstart, $3  }
0xc7: {  	[dreg:$0x1] =	wrdreg $0xFFFFFFFF  }
0xc8: {  	_ =	task.clear_ibuf [dreg:s7], $0x2FFFF;
	_ =	strace $0x9FFFFFFF  }
0xc9: {  	(tm) =	ssettm $0x7FFFFFFF  }
tec
execute0_lowered:
.L_overlay_start_1:
0x0: {  	(tag) =	ssettag $0x1  }
0x1: {  	s0 =	rddreg [dreg:$0x0]  }
0x2: {  	s15 =	rddreg [dreg:$0x1]  }
0x3: {  	s3 =	rddreg [dreg:$0x2]  }
0x4: {  	s1 =	srdreg.scid;
	s11 =	stileid.u32  }
0x5: {  	s4 =	simm.s32 $0x0;
	s30 =	simm.s32 $0x50;
	s2 =	smul.u32 $0x13C00, s11  }
0x6: {  	s28 =	simm.s32 $0x6;
	s1 =	sand.u32 $0x1, s1;
	s7 =	smul.u32 $0x4F000, s11  }
0x7: {  	[smem:$0x7FF] =	sst s4;
	s21 =	sadd.s32 $0x2000, s0;
	s13 =	smul.u32 $0x2710, s11  }
0x8: {  	s6 =	sadd.s32 $0xBE00, s0;
	s29 =	sshll.u32 s11, $0x6;
	s5 =	smul.u32 $0x13C000, s1  }
0x9: {  	_ =	strace $0x8000004D;
	s8 =	sshll.u32 s1, $0x4;
	s9 =	ssub.s32 $0x2, s1  }
0xa: {  	s14 =	sor.u32 $0x1C19, s29;
	s1 =	smul.u32 $0x27100, s1;
	[dreg:$0x12] =	wrdreg s21  }
0xb: {  	s8 =	sor.u32 s11, s8;
	s10 =	sshrl.u32 s9, $0x1;
	s7 =	sshrl.u32 s7, $0x2  }
0xc: {  	[dreg:$0x15] =	wrdreg s14;
	s5 =	sadd.s32 s2, s5;
	s8 =	smul.u32 $0x2710, s8  }
0xd: {  	s7 =	sadd.s32 s7, s3;
	s2 =	sshrl.u32 s2, $0x3;
	s1 =	sadd.s32 s13, s1  }
0xe: {  	s5 =	sshrl.u32 s5, $0x3;
	[dreg:$0x13] =	wrdreg s7;
	s2 =	sadd.s32 s6, s2  }
0xf: {  	s20 =	sadd.s32 $0x3C0, s1;
	s24 =	sadd.s32 $0x370, s1;
	s8 =	sshrl.u32 s8, $0x3  }
0x10: {  	s13 =	sadd.s32 $0x230, s1;
	[dreg:$0x14] =	wrdreg s2;
	s31 =	sadd.s32 s21, s8  }
0x11: {  	s0 =	sadd.s32 s5, s0;
	s7 =	sadd.s32 s15, s8;
	[dreg:$0x16] =	wrdreg s31  }
0x12: {  	s22 =	sshrl.u32 s20, $0x3;
	s0 =	sadd.s32 $0x33600, s0;
	[dreg:$0x17] =	wrdreg s7  }
0x13: {  	s5 =	ssub.s32 s9, s10;
	s23 =	sadd.s32 s22, s15;
	[smem:$0x7FB] =	sst s0  }
0x14: {  	s26 =	sshrl.u32 s24, $0x3;
	s25 =	sadd.s32 s22, s21;
	[dreg:$0x4] =	wrdreg s23  }
0x15: {  	s24 =	sadd.s32 $0x190, s1;
	s29 =	sadd.s32 s26, s15;
	[dreg:$0x5] =	wrdreg s25  }
0x16: {  	s9 =	sadd.s32 $0xA, s8;
	s5 =	smax.u32 s5, $0x1;
	[dreg:$0x6] =	wrdreg s29  }
0x17: {  	s12 =	sadd.s32 $0x14, s8;
	s10 =	sadd.s32 s21, s9;
	[smem:$0x7FC] =	sst s5  }
0x18: {  	s17 =	sadd.s32 $0x1E, s8;
	s2 =	sadd.s32 s15, s9;
	[dreg:$0x18] =	wrdreg s10  }
0x19: {  	s19 =	sadd.s32 $0x28, s8;
	s16 =	sadd.s32 s21, s12;
	[dreg:$0x19] =	wrdreg s2  }
0x1a: {  	s7 =	sadd.s32 s15, s12;
	s18 =	sadd.s32 s21, s17;
	[dreg:$0x1a] =	wrdreg s16  }
0x1b: {  	s8 =	sadd.s32 s21, s19;
	s31 =	sadd.s32 $0x320, s1;
	[dreg:$0x1b] =	wrdreg s7  }
0x1c: {  	s9 =	sadd.s32 $0x2D0, s1;
	s5 =	simm.s32 $0x1E080;
	[dreg:$0x1c] =	wrdreg s18  }
0x1d: {  	s0 =	simm.s32 $0x9;
	s2 =	sadd.s32 s15, s17;
	[dreg:$0x1e] =	wrdreg s8  }
0x1e: {  	s7 =	sshrl.u32 s31, $0x3;
	s11 =	sshrl.u32 s9, $0x3;
	s17 =	sshrl.u32 s13, $0x3  }
0x1f: {  	s13 =	simm.s32 $0x1DC80;
	[dreg:$0x1d] =	wrdreg s2;
	s2 =	sadd.s32 s15, s19  }
0x20: {  	s9 =	simm.s32 $0x3;
	s8 =	sadd.s32 s7, s15;
	[dreg:$0x1f] =	wrdreg s2  }
0x21: {  	s10 =	sadd.s32 s7, s21;
	s12 =	sadd.s32 s11, s15;
	[dreg:$0x8] =	wrdreg s8  }
0x22: {  	s16 =	sadd.s32 s11, s21;
	s18 =	sadd.s32 s17, s15;
	[dreg:$0x9] =	wrdreg s10  }
0x23: {  	s19 =	sadd.s32 $0x1E0, s1;
	s20 =	sadd.s32 s17, s21;
	[dreg:$0xa] =	wrdreg s12  }
0x24: {  	s1 =	sadd.s32 $0x280, s1;
	s11 =	simm.s32 $0x19;
	[dreg:$0xb] =	wrdreg s16  }
0x25: {  	s17 =	simm.s32 $0x1DC00;
	s2 =	sadd.s32 s26, s21;
	[dreg:$0xc] =	wrdreg s18  }
0x26: {  	s22 =	sshrl.u32 s19, $0x3;
	[dreg:$0xd] =	wrdreg s20;
	s26 =	sshrl.u32 s24, $0x3  }
0x27: {  	[smem:$0x7FD] =	sst s1;
	s12 =	simm.s32 $0x1E000;
	s20 =	simm.s32 $0xA  }
0x28: {  	s19 =	simm.s32 $0x16400;
	s18 =	simm.s32 $0x7;
	s1 =	simm.s32 $0x8  }
0x29: {  	s8 =	simm.s32 $0x0;
	[dreg:$0x7] =	wrdreg s2;
	s23 =	sadd.s32 s22, s15  }
0x2a: {  	s25 =	sadd.s32 s22, s21;
	s29 =	sadd.s32 s26, s15;
	[dreg:$0xe] =	wrdreg s23  }
0x2b: {  	s31 =	sadd.s32 s26, s21;
	s2 =	simm.s32 $0x1DD00;
	[dreg:$0xf] =	wrdreg s25  }
0x2c: {  	s26 =	simm.s32 $0x11;
	s22 =	simm.s32 $0x1DD80;
	[dreg:$0x10] =	wrdreg s29  }
0x2d: {  	[dreg:$0x11] =	wrdreg s31;
	s23 =	simm.s32 $0x5;
	s25 =	simm.s32 $0x4  }
.LBB2_1:
0x2e: {  	[smem:$0x7F9] =	sst s8  }
0x2f: {  	s7 =	rddreg [dreg:$0x13]  }
0x30: {  	s16 =	rddreg [dreg:$0x14];
	s10 =	sshrl.u32 s7, $0x3  }
0x31: {  	[smem:$0x7FA] =	sst s10  }
0x32: {  	[spmem:s10], [sflag:s14] =	dma.local [hbm:s16], $0x2780  }
0x33: {  	_ =	swait.ge [sflag:s11], $0x2780  }
0x34: {  	[sflag:s11] =	ssyncset.done $0x0  }
0x35: {  	[sflag:s11] =	ssyncadd.s32 $0xFFFFD880  }
0x36: {  	[bflag:$0x0] =	sbarrier.arrive $0xFFFF  }
0x37: {  	s24 =	rddreg [dreg:$0x16]  }
0x38: {  	[tilespmem:s17], [sflag:$0x9] =	stream.linear.gather [hbm4b:s24+s4], $0x50, $0x38;
	[tilespmem:$0x1E400] =	vst v63  }
0x39: {  	s29 =	rddreg [dreg:$0x17]  }
0x3a: {  	[tilespmem:s12], [sflag:$0x11] =	stream.linear.gather [hbm4b:s29+s4], $0x50, $0x38;
	[tilespmem:$0x1E400] =	vst v63  }
0x3b: {  	s31 =	rddreg [dreg:$0x18]  }
0x3c: {  	[tilespmem:s13], [sflag:$0xA] =	stream.linear.gather [hbm4b:s31+s4], $0x50, $0x38;
	[tilespmem:$0x1E400] =	vst v63  }
0x3d: {  	s8 =	rddreg [dreg:$0x19]  }
0x3e: {  	[tilespmem:s5], [sflag:$0x12] =	stream.linear.gather [hbm4b:s8+s4], $0x50, $0x38;
	[tilespmem:$0x1E400] =	vst v63  }
0x3f: {  	_ =	swait.ge [sflag:s0], $0x50  }
0x40: {  	[sflag:s0] =	ssyncset.done $0x0  }
0x41: {  	s10 =	simm.s32 $0x13C00;
	[sflag:s0] =	ssyncadd.s32 $0xFFFFFFB0  }
0x42: {  	[tilespmem:s10], [sflag:$0x1] =	stream.indirect.gather [hbm4b:s6+s30], $0x80, s17, s30, $0xb8;
	[tilespmem:$0x1E400] =	vst v63  }
0x43: {  	s14 =	rddreg [dreg:$0x1a]  }
0x44: {  	[tilespmem:s2], [sflag:$0xB] =	stream.linear.gather [hbm4b:s14+s4], $0x50, $0x38;
	[tilespmem:$0x1E400] =	vst v63  }
0x45: {  	s16 =	rddreg [dreg:$0x1b];
	s10 =	simm.s32 $0x1E100  }
0x46: {  	[tilespmem:s10], [sflag:$0x13] =	stream.linear.gather [hbm4b:s16+s4], $0x50, $0x38;
	[tilespmem:$0x1E400] =	vst v63  }
0x47: {  	_ =	swait.ge [sflag:s20], $0x50  }
0x48: {  	[sflag:s20] =	ssyncset.done $0x0  }
0x49: {  	s10 =	simm.s32 $0x1;
	[sflag:s20] =	ssyncadd.s32 $0xFFFFFFB0  }
0x4a: {  	[tilespmem:s19], [sflag:$0x2] =	stream.indirect.gather [hbm4b:s6+s30], $0x80, s13, s30, $0xb8;
	[tilespmem:$0x1E400] =	vst v63  }
0x4b: {  	_ =	swait.ge [sflag:s10], $0x2800  }
0x4c: {  	[sflag:s10] =	ssyncset.done $0x0  }
0x4d: {  	[sflag:s10] =	ssyncadd.s32 $0xFFFFD800  }
0x4e: {  	_ =	swait.ge [sflag:s26], $0x50  }
0x4f: {  	[sflag:s26] =	ssyncset.done $0x0  }
0x50: {  	s11 =	simm.s32 $0x13C00;
	[sflag:s26] =	ssyncadd.s32 $0xFFFFFFB0  }
0x51: {  	[spmem:s3] =	stream.indirect.scatter.add.f32 [tilespmem:s11], [sflag:$0x5], $0x80, s12, s30, $0xb8;
	[tilespmem:$0x1E400] =	vst v63  }
0x52: {  	s24 =	rddreg [dreg:$0x1c]  }
0x53: {  	[tilespmem:s22], [sflag:$0xC] =	stream.linear.gather [hbm4b:s24+s4], $0x50, $0x38;
	[tilespmem:$0x1E400] =	vst v63  }
0x54: {  	s31 =	simm.s32 $0x1E180;
	s29 =	rddreg [dreg:$0x1d];
	s11 =	simm.s32 $0xB  }
0x55: {  	[tilespmem:s31], [sflag:$0x14] =	stream.linear.gather [hbm4b:s29+s4], $0x50, $0x38;
	[tilespmem:$0x1E400] =	vst v63  }
0x56: {  	_ =	swait.ge [sflag:s11], $0x50  }
0x57: {  	[sflag:s11] =	ssyncset.done $0x0  }
0x58: {  	s16 =	simm.s32 $0x18C00;
	[sflag:s11] =	ssyncadd.s32 $0xFFFFFFB0  }
0x59: {  	[tilespmem:s16], [sflag:$0x3] =	stream.indirect.gather [hbm4b:s6+s30], $0x80, s2, s30, $0xb8;
	[tilespmem:$0x1E400] =	vst v63  }
0x5a: {  	s16 =	simm.s32 $0x2  }
0x5b: {  	_ =	swait.ge [sflag:s16], $0x2800  }
0x5c: {  	[sflag:s16] =	ssyncset.done $0x0  }
0x5d: {  	s24 =	simm.s32 $0x12;
	[sflag:s16] =	ssyncadd.s32 $0xFFFFD800  }
0x5e: {  	_ =	swait.ge [sflag:s24], $0x50  }
0x5f: {  	[sflag:s24] =	ssyncset.done $0x0  }
0x60: {  	[sflag:s24] =	ssyncadd.s32 $0xFFFFFFB0  }
0x61: {  	[spmem:s3] =	stream.indirect.scatter.add.f32 [tilespmem:s19], [sflag:$0x6], $0x80, s5, s30, $0xb8;
	[tilespmem:$0x1E400] =	vst v63  }
0x62: {  	s31 =	simm.s32 $0x1DE00;
	s29 =	rddreg [dreg:$0x1e]  }
0x63: {  	[tilespmem:s31], [sflag:$0xD] =	stream.linear.gather [hbm4b:s29+s4], $0x50, $0x38;
	[tilespmem:$0x1E400] =	vst v63  }
0x64: {  	s8 =	rddreg [dreg:$0x1f];
	s24 =	simm.s32 $0x1E200;
	s29 =	simm.s32 $0xC  }
0x65: {  	[tilespmem:s24], [sflag:$0x15] =	stream.linear.gather [hbm4b:s8+s4], $0x50, $0x38;
	[tilespmem:$0x1E400] =	vst v63  }
0x66: {  	_ =	swait.ge [sflag:s29], $0x50  }
0x67: {  	[sflag:s29] =	ssyncset.done $0x0  }
0x68: {  	s24 =	simm.s32 $0x1B400;
	[sflag:s29] =	ssyncadd.s32 $0xFFFFFFB0  }
0x69: {  	[tilespmem:s24], [sflag:$0x4] =	stream.indirect.gather [hbm4b:s6+s30], $0x80, s22, s30, $0xb8;
	[tilespmem:$0x1E400] =	vst v63  }
0x6a: {  	_ =	swait.ge [sflag:s9], $0x2800  }
0x6b: {  	[sflag:s9] =	ssyncset.done $0x0  }
0x6c: {  	s29 =	simm.s32 $0x13;
	[sflag:s9] =	ssyncadd.s32 $0xFFFFD800  }
0x6d: {  	_ =	swait.ge [sflag:s29], $0x50  }
0x6e: {  	[sflag:s29] =	ssyncset.done $0x0  }
0x6f: {  	s14 =	simm.s32 $0x1E100;
	s11 =	simm.s32 $0x18C00;
	[sflag:s29] =	ssyncadd.s32 $0xFFFFFFB0  }
0x70: {  	[spmem:s3] =	stream.indirect.scatter.add.f32 [tilespmem:s11], [sflag:$0x7], $0x80, s14, s30, $0xb8;
	[tilespmem:$0x1E400] =	vst v63  }
0x71: {  	_ =	swait.ge [sflag:s23], $0x2800  }
0x72: {  	s14 =	rddreg [dreg:$0x11]  }
0x73: {  	[sflag:s23] =	ssyncset.done $0x0;
	s29 =	rddreg [dreg:$0x10]  }
0x74: {  	[sflag:s23] =	ssyncadd.s32 $0xFFFFD800;
	s7 =	sadd.s32 $0x0, s14;
	s14 =	simm.s32 $0x1DE80  }
0x75: {  	[tilespmem:s14], [sflag:$0xE] =	stream.linear.gather [hbm4b:s7+s4], $0x50, $0x38;
	[tilespmem:$0x1E400] =	vst v63  }
0x76: {  	s11 =	sadd.s32 $0x0, s29;
	s29 =	simm.s32 $0x1E280  }
0x77: {  	[tilespmem:s29], [sflag:$0x16] =	stream.linear.gather [hbm4b:s11+s4], $0x50, $0x38;
	[tilespmem:$0x1E400] =	vst v63  }
0x78: {  	s29 =	simm.s32 $0xD  }
0x79: {  	_ =	swait.ge [sflag:s29], $0x50  }
0x7a: {  	[sflag:s29] =	ssyncset.done $0x0  }
0x7b: {  	s31 =	simm.s32 $0x1DE00;
	[sflag:s29] =	ssyncadd.s32 $0xFFFFFFB0;
	s29 =	simm.s32 $0x13C00  }
0x7c: {  	[tilespmem:s29], [sflag:$0x1] =	stream.indirect.gather [hbm4b:s6+s30], $0x80, s31, s30, $0xb8;
	[tilespmem:$0x1E400] =	vst v63  }
0x7d: {  	_ =	swait.ge [sflag:s25], $0x2800  }
0x7e: {  	[sflag:s25] =	ssyncset.done $0x0  }
0x7f: {  	s11 =	simm.s32 $0x14;
	[sflag:s25] =	ssyncadd.s32 $0xFFFFD800  }
0x80: {  	_ =	swait.ge [sflag:s11], $0x50  }
0x81: {  	[sflag:s11] =	ssyncset.done $0x0  }
0x82: {  	s24 =	simm.s32 $0x1B400;
	s31 =	simm.s32 $0x1E180;
	[sflag:s11] =	ssyncadd.s32 $0xFFFFFFB0  }
0x83: {  	[spmem:s3] =	stream.indirect.scatter.add.f32 [tilespmem:s24], [sflag:$0x8], $0x80, s31, s30, $0xb8;
	[tilespmem:$0x1E400] =	vst v63  }
0x84: {  	_ =	swait.ge [sflag:s28], $0x2800  }
0x85: {  	s31 =	simm.s32 $0x1DF00;
	s11 =	rddreg [dreg:$0xf];
	[sflag:s28] =	ssyncset.done $0x0  }
0x86: {  	s24 =	rddreg [dreg:$0xe];
	[sflag:s28] =	ssyncadd.s32 $0xFFFFD800;
	s7 =	sadd.s32 $0x0, s11  }
0x87: {  	[tilespmem:s31], [sflag:$0xF] =	stream.linear.gather [hbm4b:s7+s4], $0x50, $0x38;
	[tilespmem:$0x1E400] =	vst v63  }
0x88: {  	s11 =	sadd.s32 $0x0, s24;
	s24 =	simm.s32 $0x1E300  }
0x89: {  	[tilespmem:s24], [sflag:$0x17] =	stream.linear.gather [hbm4b:s11+s4], $0x50, $0x38;
	[tilespmem:$0x1E400] =	vst v63  }
0x8a: {  	s11 =	simm.s32 $0xE  }
0x8b: {  	_ =	swait.ge [sflag:s11], $0x50  }
0x8c: {  	[sflag:s11] =	ssyncset.done $0x0  }
0x8d: {  	[sflag:s11] =	ssyncadd.s32 $0xFFFFFFB0  }
0x8e: {  	[tilespmem:s19], [sflag:$0x2] =	stream.indirect.gather [hbm4b:s6+s30], $0x80, s14, s30, $0xb8;
	[tilespmem:$0x1E400] =	vst v63  }
0x8f: {  	_ =	swait.ge [sflag:s10], $0x2800  }
0x90: {  	[sflag:s10] =	ssyncset.done $0x0  }
0x91: {  	s19 =	simm.s32 $0x15;
	[sflag:s10] =	ssyncadd.s32 $0xFFFFD800  }
0x92: {  	_ =	swait.ge [sflag:s19], $0x50  }
0x93: {  	[sflag:s19] =	ssyncset.done $0x0  }
0x94: {  	s8 =	simm.s32 $0x1E200;
	[sflag:s19] =	ssyncadd.s32 $0xFFFFFFB0  }
0x95: {  	[spmem:s3] =	stream.indirect.scatter.add.f32 [tilespmem:s29], [sflag:$0x5], $0x80, s8, s30, $0xb8;
	[tilespmem:$0x1E400] =	vst v63  }
0x96: {  	_ =	swait.ge [sflag:s18], $0x2800  }
0x97: {  	s19 =	simm.s32 $0x1DF80;
	s29 =	rddreg [dreg:$0xd];
	[sflag:s18] =	ssyncset.done $0x0  }
0x98: {  	s8 =	rddreg [dreg:$0xc];
	[sflag:s18] =	ssyncadd.s32 $0xFFFFD800;
	s7 =	sadd.s32 $0x0, s29  }
0x99: {  	[tilespmem:s19], [sflag:$0x10] =	stream.linear.gather [hbm4b:s7+s4], $0x50, $0x38;
	[tilespmem:$0x1E400] =	vst v63  }
0x9a: {  	s14 =	sadd.s32 $0x0, s8;
	s8 =	simm.s32 $0x1E380;
	s29 =	simm.s32 $0xF  }
0x9b: {  	[tilespmem:s8], [sflag:$0x18] =	stream.linear.gather [hbm4b:s14+s4], $0x50, $0x38;
	[tilespmem:$0x1E400] =	vst v63  }
0x9c: {  	_ =	swait.ge [sflag:s29], $0x50  }
0x9d: {  	[sflag:s29] =	ssyncset.done $0x0  }
0x9e: {  	[sflag:s29] =	ssyncadd.s32 $0xFFFFFFB0;
	s29 =	simm.s32 $0x18C00  }
0x9f: {  	[tilespmem:s29], [sflag:$0x3] =	stream.indirect.gather [hbm4b:s6+s30], $0x80, s31, s30, $0xb8;
	[tilespmem:$0x1E400] =	vst v63  }
0xa0: {  	_ =	swait.ge [sflag:s16], $0x2800  }
0xa1: {  	[sflag:s16] =	ssyncset.done $0x0  }
0xa2: {  	s31 =	simm.s32 $0x16;
	[sflag:s16] =	ssyncadd.s32 $0xFFFFD800  }
0xa3: {  	_ =	swait.ge [sflag:s31], $0x50  }
0xa4: {  	[sflag:s31] =	ssyncset.done $0x0  }
0xa5: {  	s11 =	simm.s32 $0x16400;
	s14 =	simm.s32 $0x1E280;
	[sflag:s31] =	ssyncadd.s32 $0xFFFFFFB0  }
0xa6: {  	[spmem:s3] =	stream.indirect.scatter.add.f32 [tilespmem:s11], [sflag:$0x6], $0x80, s14, s30, $0xb8;
	[tilespmem:$0x1E400] =	vst v63  }
0xa7: {  	_ =	swait.ge [sflag:s1], $0x2800  }
0xa8: {  	s14 =	sld [smem:$0x7FD];
	_ =	sdelay $0x2  }
0xa9: {  	[sflag:s1] =	ssyncset.done $0x0;
	s16 =	sshrl.u32 s14, $0x3  }
0xaa: {  	[sflag:s1] =	ssyncadd.s32 $0xFFFFD800;
	s21 =	sadd.s32 s21, s16  }
0xab: {  	[tilespmem:s17], [sflag:$0x9] =	stream.linear.gather [hbm4b:s21+s4], $0x50, $0x38;
	[tilespmem:$0x1E400] =	vst v63  }
0xac: {  	s7 =	sadd.s32 s15, s16;
	s16 =	simm.s32 $0x10  }
0xad: {  	[tilespmem:s12], [sflag:$0x11] =	stream.linear.gather [hbm4b:s7+s4], $0x50, $0x38;
	[tilespmem:$0x1E400] =	vst v63  }
0xae: {  	_ =	swait.ge [sflag:s16], $0x50  }
0xaf: {  	[sflag:s16] =	ssyncset.done $0x0  }
0xb0: {  	s15 =	simm.s32 $0x1B400;
	[sflag:s16] =	ssyncadd.s32 $0xFFFFFFB0  }
0xb1: {  	[tilespmem:s15], [sflag:$0x4] =	stream.indirect.gather [hbm4b:s6+s30], $0x80, s19, s30, $0xb8;
	[tilespmem:$0x1E400] =	vst v63  }
0xb2: {  	_ =	swait.ge [sflag:s9], $0x2800  }
0xb3: {  	[sflag:s9] =	ssyncset.done $0x0  }
0xb4: {  	s19 =	simm.s32 $0x17;
	[sflag:s9] =	ssyncadd.s32 $0xFFFFD800  }
0xb5: {  	_ =	swait.ge [sflag:s19], $0x50  }
0xb6: {  	[sflag:s19] =	ssyncset.done $0x0  }
0xb7: {  	[sflag:s19] =	ssyncadd.s32 $0xFFFFFFB0  }
0xb8: {  	[spmem:s3] =	stream.indirect.scatter.add.f32 [tilespmem:s29], [sflag:$0x7], $0x80, s24, s30, $0xb8;
	[tilespmem:$0x1E400] =	vst v63  }
0xb9: {  	_ =	swait.ge [sflag:s23], $0x2800  }
0xba: {  	s21 =	rddreg [dreg:$0xb];
	[sflag:s23] =	ssyncset.done $0x0  }
0xbb: {  	s24 =	rddreg [dreg:$0xa];
	[sflag:s23] =	ssyncadd.s32 $0xFFFFD800;
	s7 =	sadd.s32 $0x0, s21  }
0xbc: {  	[tilespmem:s13], [sflag:$0xA] =	stream.linear.gather [hbm4b:s7+s4], $0x50, $0x38;
	[tilespmem:$0x1E400] =	vst v63  }
0xbd: {  	s29 =	sadd.s32 $0x0, s24  }
0xbe: {  	[tilespmem:s5], [sflag:$0x12] =	stream.linear.gather [hbm4b:s29+s4], $0x50, $0x38;
	[tilespmem:$0x1E400] =	vst v63  }
0xbf: {  	_ =	swait.ge [sflag:s0], $0x50  }
0xc0: {  	[sflag:s0] =	ssyncset.done $0x0  }
0xc1: {  	s7 =	simm.s32 $0x13C00;
	[sflag:s0] =	ssyncadd.s32 $0xFFFFFFB0  }
0xc2: {  	[tilespmem:s7], [sflag:$0x1] =	stream.indirect.gather [hbm4b:s6+s30], $0x80, s17, s30, $0xb8;
	[tilespmem:$0x1E400] =	vst v63  }
0xc3: {  	_ =	swait.ge [sflag:s25], $0x2800  }
0xc4: {  	[sflag:s25] =	ssyncset.done $0x0  }
0xc5: {  	s11 =	simm.s32 $0x18;
	[sflag:s25] =	ssyncadd.s32 $0xFFFFD800  }
0xc6: {  	_ =	swait.ge [sflag:s11], $0x50  }
0xc7: {  	[sflag:s11] =	ssyncset.done $0x0  }
0xc8: {  	[sflag:s11] =	ssyncadd.s32 $0xFFFFFFB0  }
0xc9: {  	[spmem:s3] =	stream.indirect.scatter.add.f32 [tilespmem:s15], [sflag:$0x8], $0x80, s8, s30, $0xb8;
	[tilespmem:$0x1E400] =	vst v63  }
0xca: {  	_ =	swait.ge [sflag:s28], $0x2800  }
0xcb: {  	s19 =	rddreg [dreg:$0x9];
	[sflag:s28] =	ssyncset.done $0x0  }
0xcc: {  	s21 =	rddreg [dreg:$0x8];
	[sflag:s28] =	ssyncadd.s32 $0xFFFFD800;
	s7 =	sadd.s32 $0x0, s19  }
0xcd: {  	[tilespmem:s2], [sflag:$0xB] =	stream.linear.gather [hbm4b:s7+s4], $0x50, $0x38;
	[tilespmem:$0x1E400] =	vst v63  }
0xce: {  	s29 =	simm.s32 $0x1E100;
	s24 =	sadd.s32 $0x0, s21  }
0xcf: {  	[tilespmem:s29], [sflag:$0x13] =	stream.linear.gather [hbm4b:s24+s4], $0x50, $0x38;
	[tilespmem:$0x1E400] =	vst v63  }
0xd0: {  	_ =	swait.ge [sflag:s20], $0x50  }
0xd1: {  	[sflag:s20] =	ssyncset.done $0x0  }
0xd2: {  	s31 =	simm.s32 $0x16400;
	[sflag:s20] =	ssyncadd.s32 $0xFFFFFFB0  }
0xd3: {  	[tilespmem:s31], [sflag:$0x2] =	stream.indirect.gather [hbm4b:s6+s30], $0x80, s13, s30, $0xb8;
	[tilespmem:$0x1E400] =	vst v63  }
0xd4: {  	_ =	swait.ge [sflag:s10], $0x2800  }
0xd5: {  	[sflag:s10] =	ssyncset.done $0x0  }
0xd6: {  	[sflag:s10] =	ssyncadd.s32 $0xFFFFD800  }
0xd7: {  	_ =	swait.ge [sflag:s26], $0x50  }
0xd8: {  	[sflag:s26] =	ssyncset.done $0x0  }
0xd9: {  	s17 =	simm.s32 $0x13C00;
	[sflag:s26] =	ssyncadd.s32 $0xFFFFFFB0  }
0xda: {  	[spmem:s3] =	stream.indirect.scatter.add.f32 [tilespmem:s17], [sflag:$0x5], $0x80, s12, s30, $0xb8;
	[tilespmem:$0x1E400] =	vst v63  }
0xdb: {  	_ =	swait.ge [sflag:s18], $0x2800  }
0xdc: {  	s0 =	rddreg [dreg:$0x7];
	[sflag:s18] =	ssyncset.done $0x0  }
0xdd: {  	s10 =	rddreg [dreg:$0x6];
	[sflag:s18] =	ssyncadd.s32 $0xFFFFD800;
	s7 =	sadd.s32 $0x0, s0  }
0xde: {  	[tilespmem:s22], [sflag:$0xC] =	stream.linear.gather [hbm4b:s7+s4], $0x50, $0x38;
	[tilespmem:$0x1E400] =	vst v63  }
0xdf: {  	s13 =	simm.s32 $0xB;
	s12 =	simm.s32 $0x1E180;
	s11 =	sadd.s32 $0x0, s10  }
0xe0: {  	[tilespmem:s12], [sflag:$0x14] =	stream.linear.gather [hbm4b:s11+s4], $0x50, $0x38;
	[tilespmem:$0x1E400] =	vst v63  }
0xe1: {  	_ =	swait.ge [sflag:s13], $0x50  }
0xe2: {  	[sflag:s13] =	ssyncset.done $0x0  }
0xe3: {  	s16 =	simm.s32 $0x18C00;
	s26 =	simm.s32 $0x2;
	[sflag:s13] =	ssyncadd.s32 $0xFFFFFFB0  }
0xe4: {  	[tilespmem:s16], [sflag:$0x3] =	stream.indirect.gather [hbm4b:s6+s30], $0x80, s2, s30, $0xb8;
	[tilespmem:$0x1E400] =	vst v63  }
0xe5: {  	_ =	swait.ge [sflag:s26], $0x2800  }
0xe6: {  	[sflag:s26] =	ssyncset.done $0x0  }
0xe7: {  	s15 =	simm.s32 $0x12;
	[sflag:s26] =	ssyncadd.s32 $0xFFFFD800  }
0xe8: {  	_ =	swait.ge [sflag:s15], $0x50  }
0xe9: {  	[sflag:s15] =	ssyncset.done $0x0  }
0xea: {  	[sflag:s15] =	ssyncadd.s32 $0xFFFFFFB0  }
0xeb: {  	[spmem:s3] =	stream.indirect.scatter.add.f32 [tilespmem:s31], [sflag:$0x6], $0x80, s5, s30, $0xb8;
	[tilespmem:$0x1E400] =	vst v63  }
0xec: {  	_ =	swait.ge [sflag:s1], $0x2800  }
0xed: {  	s19 =	simm.s32 $0x1DE00;
	s16 =	rddreg [dreg:$0x5];
	[sflag:s1] =	ssyncset.done $0x0  }
0xee: {  	s17 =	rddreg [dreg:$0x4];
	[sflag:s1] =	ssyncadd.s32 $0xFFFFD800;
	s7 =	sadd.s32 $0x0, s16  }
0xef: {  	[tilespmem:s19], [sflag:$0xD] =	stream.linear.gather [hbm4b:s7+s4], $0x50, $0x38;
	[tilespmem:$0x1E400] =	vst v63  }
0xf0: {  	s21 =	simm.s32 $0x1E200;
	s24 =	simm.s32 $0xC;
	s20 =	sadd.s32 $0x0, s17  }
0xf1: {  	[tilespmem:s21], [sflag:$0x15] =	stream.linear.gather [hbm4b:s20+s4], $0x50, $0x38;
	[tilespmem:$0x1E400] =	vst v63  }
0xf2: {  	_ =	swait.ge [sflag:s24], $0x50  }
0xf3: {  	[sflag:s24] =	ssyncset.done $0x0  }
0xf4: {  	s8 =	simm.s32 $0x1B400;
	[sflag:s24] =	ssyncadd.s32 $0xFFFFFFB0  }
0xf5: {  	[tilespmem:s8], [sflag:$0x4] =	stream.indirect.gather [hbm4b:s6+s30], $0x80, s22, s30, $0xb8;
	[tilespmem:$0x1E400] =	vst v63  }
0xf6: {  	_ =	swait.ge [sflag:s9], $0x2800  }
0xf7: {  	[sflag:s9] =	ssyncset.done $0x0  }
0xf8: {  	s29 =	simm.s32 $0x13;
	[sflag:s9] =	ssyncadd.s32 $0xFFFFD800  }
0xf9: {  	_ =	swait.ge [sflag:s29], $0x50  }
0xfa: {  	s31 =	simm.s32 $0x13;
	[sflag:s29] =	ssyncset.done $0x0  }
0xfb: {  	s11 =	sadd.s32 $0x280, s14;
	s7 =	simm.s32 $0x50;
	[sflag:s31] =	ssyncadd.s32 $0xFFFFFFB0  }
.LBB2_2:
0xfc: {  	s2 =	simm.s32 $0x1E100;
	s21 =	simm.s32 $0x18C00  }
0xfd: {  	[spmem:s3] =	stream.indirect.scatter.add.f32 [tilespmem:s21], [sflag:$0x7], $0x80, s2, s30, $0xb8;
	[tilespmem:$0x1E400] =	vst v63  }
0xfe: {  	s14 =	smov.u32 s7;
	_ =	swait.ge [sflag:s23], $0x2800  }
0xff: {  	s29 =	simm.s32 $0x1DE80;
	s17 =	rddreg [dreg:$0x11];
	[sflag:s23] =	ssyncset.done $0x0  }
0x100: {  	s20 =	rddreg [dreg:$0x10];
	[sflag:s23] =	ssyncadd.s32 $0xFFFFD800;
	s17 =	sadd.s32 s14, s17  }
0x101: {  	[tilespmem:s29], [sflag:$0xE] =	stream.linear.gather [hbm4b:s17+s4], $0x50, $0x38;
	[tilespmem:$0x1E400] =	vst v63  }
0x102: {  	s31 =	simm.s32 $0x1E280;
	s5 =	simm.s32 $0xD;
	s24 =	sadd.s32 s14, s20  }
0x103: {  	[tilespmem:s31], [sflag:$0x16] =	stream.linear.gather [hbm4b:s24+s4], $0x50, $0x38;
	[tilespmem:$0x1E400] =	vst v63  }
0x104: {  	_ =	swait.ge [sflag:s5], $0x50  }
0x105: {  	[sflag:s5] =	ssyncset.done $0x0  }
0x106: {  	s13 =	simm.s32 $0x1DE00;
	s8 =	simm.s32 $0x13C00;
	[sflag:s5] =	ssyncadd.s32 $0xFFFFFFB0  }
0x107: {  	[tilespmem:s8], [sflag:$0x1] =	stream.indirect.gather [hbm4b:s6+s30], $0x80, s13, s30, $0xb8;
	[tilespmem:$0x1E400] =	vst v63  }
0x108: {  	_ =	swait.ge [sflag:s25], $0x2800  }
0x109: {  	[sflag:s25] =	ssyncset.done $0x0  }
0x10a: {  	s0 =	simm.s32 $0x14;
	[sflag:s25] =	ssyncadd.s32 $0xFFFFD800  }
0x10b: {  	_ =	swait.ge [sflag:s0], $0x50  }
0x10c: {  	[sflag:s0] =	ssyncset.done $0x0  }
0x10d: {  	s12 =	simm.s32 $0x1E180;
	s19 =	simm.s32 $0x1B400;
	[sflag:s0] =	ssyncadd.s32 $0xFFFFFFB0  }
0x10e: {  	[spmem:s3] =	stream.indirect.scatter.add.f32 [tilespmem:s19], [sflag:$0x8], $0x80, s12, s30, $0xb8;
	[tilespmem:$0x1E400] =	vst v63  }
0x10f: {  	_ =	swait.ge [sflag:s28], $0x2800  }
0x110: {  	s15 =	simm.s32 $0x1DF00;
	s5 =	rddreg [dreg:$0xf];
	[sflag:s28] =	ssyncset.done $0x0  }
0x111: {  	s10 =	rddreg [dreg:$0xe];
	[sflag:s28] =	ssyncadd.s32 $0xFFFFD800;
	s17 =	sadd.s32 s14, s5  }
0x112: {  	[tilespmem:s15], [sflag:$0xF] =	stream.linear.gather [hbm4b:s17+s4], $0x50, $0x38;
	[tilespmem:$0x1E400] =	vst v63  }
0x113: {  	s24 =	simm.s32 $0x1E300;
	s16 =	sadd.s32 s14, s10;
	s17 =	simm.s32 $0xE  }
0x114: {  	[tilespmem:s24], [sflag:$0x17] =	stream.linear.gather [hbm4b:s16+s4], $0x50, $0x38;
	[tilespmem:$0x1E400] =	vst v63  }
0x115: {  	_ =	swait.ge [sflag:s17], $0x50  }
0x116: {  	[sflag:s17] =	ssyncset.done $0x0  }
0x117: {  	s22 =	simm.s32 $0x16400;
	s16 =	simm.s32 $0x1;
	[sflag:s17] =	ssyncadd.s32 $0xFFFFFFB0  }
0x118: {  	[tilespmem:s22], [sflag:$0x2] =	stream.indirect.gather [hbm4b:s6+s30], $0x80, s29, s30, $0xb8;
	[tilespmem:$0x1E400] =	vst v63  }
0x119: {  	_ =	swait.ge [sflag:s16], $0x2800  }
0x11a: {  	[sflag:s16] =	ssyncset.done $0x0  }
0x11b: {  	s20 =	simm.s32 $0x15;
	[sflag:s16] =	ssyncadd.s32 $0xFFFFD800  }
0x11c: {  	_ =	swait.ge [sflag:s20], $0x50  }
0x11d: {  	[sflag:s20] =	ssyncset.done $0x0  }
0x11e: {  	s5 =	simm.s32 $0x1E200;
	[sflag:s20] =	ssyncadd.s32 $0xFFFFFFB0  }
0x11f: {  	[spmem:s3] =	stream.indirect.scatter.add.f32 [tilespmem:s8], [sflag:$0x5], $0x80, s5, s30, $0xb8;
	[tilespmem:$0x1E400] =	vst v63  }
0x120: {  	_ =	swait.ge [sflag:s18], $0x2800  }
0x121: {  	s29 =	simm.s32 $0x1DF80;
	s0 =	rddreg [dreg:$0xd];
	[sflag:s18] =	ssyncset.done $0x0  }
0x122: {  	s10 =	rddreg [dreg:$0xc];
	[sflag:s18] =	ssyncadd.s32 $0xFFFFD800;
	s17 =	sadd.s32 s14, s0  }
0x123: {  	[tilespmem:s29], [sflag:$0x10] =	stream.linear.gather [hbm4b:s17+s4], $0x50, $0x38;
	[tilespmem:$0x1E400] =	vst v63  }
0x124: {  	s20 =	sadd.s32 s14, s10;
	s0 =	simm.s32 $0x1E380;
	s10 =	simm.s32 $0xF  }
0x125: {  	[tilespmem:s0], [sflag:$0x18] =	stream.linear.gather [hbm4b:s20+s4], $0x50, $0x38;
	[tilespmem:$0x1E400] =	vst v63  }
0x126: {  	_ =	swait.ge [sflag:s10], $0x50  }
0x127: {  	[sflag:s10] =	ssyncset.done $0x0  }
0x128: {  	[sflag:s10] =	ssyncadd.s32 $0xFFFFFFB0  }
0x129: {  	[tilespmem:s21], [sflag:$0x3] =	stream.indirect.gather [hbm4b:s6+s30], $0x80, s15, s30, $0xb8;
	[tilespmem:$0x1E400] =	vst v63  }
0x12a: {  	_ =	swait.ge [sflag:s26], $0x2800  }
0x12b: {  	[sflag:s26] =	ssyncset.done $0x0  }
0x12c: {  	s17 =	simm.s32 $0x16;
	[sflag:s26] =	ssyncadd.s32 $0xFFFFD800  }
0x12d: {  	_ =	swait.ge [sflag:s17], $0x50  }
0x12e: {  	[sflag:s17] =	ssyncset.done $0x0  }
0x12f: {  	[sflag:s17] =	ssyncadd.s32 $0xFFFFFFB0  }
0x130: {  	[spmem:s3] =	stream.indirect.scatter.add.f32 [tilespmem:s22], [sflag:$0x6], $0x80, s31, s30, $0xb8;
	[tilespmem:$0x1E400] =	vst v63  }
0x131: {  	_ =	swait.ge [sflag:s1], $0x2800  }
0x132: {  	s17 =	sshrl.u32 s11, $0x3;
	[sflag:s1] =	ssyncset.done $0x0;
	s20 =	rddreg [dreg:$0x12]  }
0x133: {  	s31 =	simm.s32 $0x1DC00;
	[sflag:s1] =	ssyncadd.s32 $0xFFFFD800;
	s26 =	sadd.s32 s20, s17  }
0x134: {  	[tilespmem:s31], [sflag:$0x9] =	stream.linear.gather [hbm4b:s26+s4], $0x50, $0x38;
	[tilespmem:$0x1E400] =	vst v63  }
0x135: {  	s10 =	rddreg [dreg:$0x1]  }
0x136: {  	s26 =	simm.s32 $0x1E000;
	s17 =	sadd.s32 s10, s17  }
0x137: {  	[tilespmem:s26], [sflag:$0x11] =	stream.linear.gather [hbm4b:s17+s4], $0x50, $0x38;
	[tilespmem:$0x1E400] =	vst v63  }
0x138: {  	s17 =	simm.s32 $0x10  }
0x139: {  	_ =	swait.ge [sflag:s17], $0x50  }
0x13a: {  	[sflag:s17] =	ssyncset.done $0x0  }
0x13b: {  	[sflag:s17] =	ssyncadd.s32 $0xFFFFFFB0  }
0x13c: {  	[tilespmem:s19], [sflag:$0x4] =	stream.indirect.gather [hbm4b:s6+s30], $0x80, s29, s30, $0xb8;
	[tilespmem:$0x1E400] =	vst v63  }
0x13d: {  	_ =	swait.ge [sflag:s9], $0x2800  }
0x13e: {  	[sflag:s9] =	ssyncset.done $0x0  }
0x13f: {  	s20 =	simm.s32 $0x17;
	[sflag:s9] =	ssyncadd.s32 $0xFFFFD800  }
0x140: {  	_ =	swait.ge [sflag:s20], $0x50  }
0x141: {  	[sflag:s20] =	ssyncset.done $0x0  }
0x142: {  	[sflag:s20] =	ssyncadd.s32 $0xFFFFFFB0  }
0x143: {  	[spmem:s3] =	stream.indirect.scatter.add.f32 [tilespmem:s21], [sflag:$0x7], $0x80, s24, s30, $0xb8;
	[tilespmem:$0x1E400] =	vst v63  }
0x144: {  	_ =	swait.ge [sflag:s23], $0x2800  }
0x145: {  	s24 =	rddreg [dreg:$0xb]  }
0x146: {  	[sflag:s23] =	ssyncset.done $0x0;
	s10 =	rddreg [dreg:$0xa]  }
0x147: {  	[sflag:s23] =	ssyncadd.s32 $0xFFFFD800;
	s17 =	sadd.s32 s14, s24;
	s24 =	simm.s32 $0x1DC80  }
0x148: {  	[tilespmem:s24], [sflag:$0xA] =	stream.linear.gather [hbm4b:s17+s4], $0x50, $0x38;
	[tilespmem:$0x1E400] =	vst v63  }
0x149: {  	s20 =	simm.s32 $0x9;
	s15 =	sadd.s32 s14, s10;
	s10 =	simm.s32 $0x1E080  }
0x14a: {  	[tilespmem:s10], [sflag:$0x12] =	stream.linear.gather [hbm4b:s15+s4], $0x50, $0x38;
	[tilespmem:$0x1E400] =	vst v63  }
0x14b: {  	_ =	swait.ge [sflag:s20], $0x50  }
0x14c: {  	[sflag:s20] =	ssyncset.done $0x0  }
0x14d: {  	[sflag:s20] =	ssyncadd.s32 $0xFFFFFFB0  }
0x14e: {  	[tilespmem:s8], [sflag:$0x1] =	stream.indirect.gather [hbm4b:s6+s30], $0x80, s31, s30, $0xb8;
	[tilespmem:$0x1E400] =	vst v63  }
0x14f: {  	_ =	swait.ge [sflag:s25], $0x2800  }
0x150: {  	[sflag:s25] =	ssyncset.done $0x0  }
0x151: {  	s31 =	simm.s32 $0x18;
	[sflag:s25] =	ssyncadd.s32 $0xFFFFD800  }
0x152: {  	_ =	swait.ge [sflag:s31], $0x50  }
0x153: {  	[sflag:s31] =	ssyncset.done $0x0  }
0x154: {  	[sflag:s31] =	ssyncadd.s32 $0xFFFFFFB0  }
0x155: {  	[spmem:s3] =	stream.indirect.scatter.add.f32 [tilespmem:s19], [sflag:$0x8], $0x80, s0, s30, $0xb8;
	[tilespmem:$0x1E400] =	vst v63  }
0x156: {  	_ =	swait.ge [sflag:s28], $0x2800  }
0x157: {  	s0 =	rddreg [dreg:$0x9]  }
0x158: {  	[sflag:s28] =	ssyncset.done $0x0;
	s15 =	rddreg [dreg:$0x8]  }
0x159: {  	[sflag:s28] =	ssyncadd.s32 $0xFFFFD800;
	s17 =	sadd.s32 s14, s0;
	s0 =	simm.s32 $0x1DD00  }
0x15a: {  	[tilespmem:s0], [sflag:$0xB] =	stream.linear.gather [hbm4b:s17+s4], $0x50, $0x38;
	[tilespmem:$0x1E400] =	vst v63  }
0x15b: {  	s31 =	sadd.s32 s14, s15;
	s15 =	simm.s32 $0xA  }
0x15c: {  	[tilespmem:s2], [sflag:$0x13] =	stream.linear.gather [hbm4b:s31+s4], $0x50, $0x38;
	[tilespmem:$0x1E400] =	vst v63  }
0x15d: {  	_ =	swait.ge [sflag:s15], $0x50  }
0x15e: {  	[sflag:s15] =	ssyncset.done $0x0  }
0x15f: {  	[sflag:s15] =	ssyncadd.s32 $0xFFFFFFB0  }
0x160: {  	[tilespmem:s22], [sflag:$0x2] =	stream.indirect.gather [hbm4b:s6+s30], $0x80, s24, s30, $0xb8;
	[tilespmem:$0x1E400] =	vst v63  }
0x161: {  	_ =	swait.ge [sflag:s16], $0x2800  }
0x162: {  	[sflag:s16] =	ssyncset.done $0x0  }
0x163: {  	s17 =	simm.s32 $0x11;
	[sflag:s16] =	ssyncadd.s32 $0xFFFFD800  }
0x164: {  	_ =	swait.ge [sflag:s17], $0x50  }
0x165: {  	[sflag:s17] =	ssyncset.done $0x0  }
0x166: {  	[sflag:s17] =	ssyncadd.s32 $0xFFFFFFB0  }
0x167: {  	[spmem:s3] =	stream.indirect.scatter.add.f32 [tilespmem:s8], [sflag:$0x5], $0x80, s26, s30, $0xb8;
	[tilespmem:$0x1E400] =	vst v63  }
0x168: {  	_ =	swait.ge [sflag:s18], $0x2800  }
0x169: {  	s31 =	simm.s32 $0x1DD80;
	s20 =	rddreg [dreg:$0x7];
	[sflag:s18] =	ssyncset.done $0x0  }
0x16a: {  	s24 =	rddreg [dreg:$0x6];
	[sflag:s18] =	ssyncadd.s32 $0xFFFFD800;
	s17 =	sadd.s32 s14, s20  }
0x16b: {  	[tilespmem:s31], [sflag:$0xC] =	stream.linear.gather [hbm4b:s17+s4], $0x50, $0x38;
	[tilespmem:$0x1E400] =	vst v63  }
0x16c: {  	s16 =	sadd.s32 s14, s24;
	s17 =	simm.s32 $0xB  }
0x16d: {  	[tilespmem:s12], [sflag:$0x14] =	stream.linear.gather [hbm4b:s16+s4], $0x50, $0x38;
	[tilespmem:$0x1E400] =	vst v63  }
0x16e: {  	_ =	swait.ge [sflag:s17], $0x50  }
0x16f: {  	[sflag:s17] =	ssyncset.done $0x0  }
0x170: {  	s26 =	simm.s32 $0x2;
	[sflag:s17] =	ssyncadd.s32 $0xFFFFFFB0  }
0x171: {  	[tilespmem:s21], [sflag:$0x3] =	stream.indirect.gather [hbm4b:s6+s30], $0x80, s0, s30, $0xb8;
	[tilespmem:$0x1E400] =	vst v63  }
0x172: {  	_ =	swait.ge [sflag:s26], $0x2800  }
0x173: {  	[sflag:s26] =	ssyncset.done $0x0  }
0x174: {  	s20 =	simm.s32 $0x12;
	[sflag:s26] =	ssyncadd.s32 $0xFFFFD800  }
0x175: {  	_ =	swait.ge [sflag:s20], $0x50  }
0x176: {  	[sflag:s20] =	ssyncset.done $0x0  }
0x177: {  	[sflag:s20] =	ssyncadd.s32 $0xFFFFFFB0  }
0x178: {  	[spmem:s3] =	stream.indirect.scatter.add.f32 [tilespmem:s22], [sflag:$0x6], $0x80, s10, s30, $0xb8;
	[tilespmem:$0x1E400] =	vst v63  }
0x179: {  	_ =	swait.ge [sflag:s1], $0x2800  }
0x17a: {  	s21 =	rddreg [dreg:$0x5];
	[sflag:s1] =	ssyncset.done $0x0  }
0x17b: {  	s22 =	rddreg [dreg:$0x4];
	[sflag:s1] =	ssyncadd.s32 $0xFFFFD800;
	s17 =	sadd.s32 s14, s21  }
0x17c: {  	[tilespmem:s13], [sflag:$0xD] =	stream.linear.gather [hbm4b:s17+s4], $0x50, $0x38;
	[tilespmem:$0x1E400] =	vst v63  }
0x17d: {  	s24 =	simm.s32 $0xC;
	s14 =	sadd.s32 s14, s22  }
0x17e: {  	[tilespmem:s5], [sflag:$0x15] =	stream.linear.gather [hbm4b:s14+s4], $0x50, $0x38;
	[tilespmem:$0x1E400] =	vst v63  }
0x17f: {  	_ =	swait.ge [sflag:s24], $0x50  }
0x180: {  	[sflag:s24] =	ssyncset.done $0x0  }
0x181: {  	[sflag:s24] =	ssyncadd.s32 $0xFFFFFFB0  }
0x182: {  	[tilespmem:s19], [sflag:$0x4] =	stream.indirect.gather [hbm4b:s6+s30], $0x80, s31, s30, $0xb8;
	[tilespmem:$0x1E400] =	vst v63  }
0x183: {  	p0 =	sne.s32 s7, $0x460;
	_ =	swait.ge [sflag:s9], $0x2800  }
.Ltmp0:
0x184: {  	s7 =	sadd.s32 $0x50, s7;
	[sflag:s9] =	ssyncset.done $0x0;
	(pc) =	sbr.rel @p0 .LBB2_2-.Ltmp0, $4  }
0x185: {  	s11 =	sadd.s32 $0x280, s11;
	s31 =	simm.s32 $0x13;
	[sflag:s9] =	ssyncadd.s32 $0xFFFFD800  }
0x186: {  	s29 =	simm.s32 $0x1E100;
	s2 =	simm.s32 $0x1E180;
	_ =	swait.ge [sflag:s31], $0x50  }
0x187: {  	s8 =	simm.s32 $0x18C00;
	s12 =	simm.s32 $0x1DE00;
	[sflag:s31] =	ssyncset.done $0x0  }
0x188: {  	s13 =	simm.s32 $0x1E200;
	s14 =	simm.s32 $0x1B400;
	[sflag:s31] =	ssyncadd.s32 $0xFFFFFFB0  }
0x189: {  	[spmem:s3] =	stream.indirect.scatter.add.f32 [tilespmem:s8], [sflag:$0x7], $0x80, s29, s30, $0xb8;
	[tilespmem:$0x1E400] =	vst v63  }
0x18a: {  	_ =	swait.ge [sflag:s23], $0x2800  }
0x18b: {  	[sflag:s23] =	ssyncset.done $0x0  }
0x18c: {  	s0 =	simm.s32 $0xD;
	[sflag:s23] =	ssyncadd.s32 $0xFFFFD800  }
0x18d: {  	_ =	swait.ge [sflag:s0], $0x50  }
0x18e: {  	[sflag:s0] =	ssyncset.done $0x0  }
0x18f: {  	s5 =	simm.s32 $0x13C00;
	[sflag:s0] =	ssyncadd.s32 $0xFFFFFFB0  }
0x190: {  	[tilespmem:s5], [sflag:$0x1] =	stream.indirect.gather [hbm4b:s6+s30], $0x80, s12, s30, $0xb8;
	[tilespmem:$0x1E400] =	vst v63  }
0x191: {  	_ =	swait.ge [sflag:s25], $0x2800  }
0x192: {  	[sflag:s25] =	ssyncset.done $0x0  }
0x193: {  	s21 =	simm.s32 $0x14;
	[sflag:s25] =	ssyncadd.s32 $0xFFFFD800  }
0x194: {  	_ =	swait.ge [sflag:s21], $0x50  }
0x195: {  	[sflag:s21] =	ssyncset.done $0x0  }
0x196: {  	[sflag:s21] =	ssyncadd.s32 $0xFFFFFFB0  }
0x197: {  	[spmem:s3] =	stream.indirect.scatter.add.f32 [tilespmem:s14], [sflag:$0x8], $0x80, s2, s30, $0xb8;
	[tilespmem:$0x1E400] =	vst v63  }
0x198: {  	_ =	swait.ge [sflag:s28], $0x2800  }
0x199: {  	[sflag:s28] =	ssyncset.done $0x0  }
0x19a: {  	s22 =	simm.s32 $0x1;
	[sflag:s28] =	ssyncadd.s32 $0xFFFFD800  }
0x19b: {  	_ =	swait.ge [sflag:s22], $0x2800  }
0x19c: {  	[sflag:s22] =	ssyncset.done $0x0  }
0x19d: {  	s24 =	simm.s32 $0x15;
	[sflag:s22] =	ssyncadd.s32 $0xFFFFD800  }
0x19e: {  	_ =	swait.ge [sflag:s24], $0x50  }
0x19f: {  	[sflag:s24] =	ssyncset.done $0x0  }
0x1a0: {  	[sflag:s24] =	ssyncadd.s32 $0xFFFFFFB0  }
0x1a1: {  	[spmem:s3] =	stream.indirect.scatter.add.f32 [tilespmem:s5], [sflag:$0x5], $0x80, s13, s30, $0xb8;
	[tilespmem:$0x1E400] =	vst v63  }
0x1a2: {  	_ =	swait.ge [sflag:s18], $0x2800  }
0x1a3: {  	[sflag:s18] =	ssyncset.done $0x0  }
0x1a4: {  	[sflag:s18] =	ssyncadd.s32 $0xFFFFD800  }
0x1a5: {  	_ =	swait.ge [sflag:s1], $0x2800  }
0x1a6: {  	[sflag:s1] =	ssyncset.done $0x0  }
0x1a7: {  	[sflag:s1] =	ssyncadd.s32 $0xFFFFD800  }
0x1a8: {  	_ =	swait.ge [sflag:s23], $0x2800  }
0x1a9: {  	[sflag:s23] =	ssyncset.done $0x0  }
0x1aa: {  	[sflag:s23] =	ssyncadd.s32 $0xFFFFD800  }
0x1ab: {  	[bflag:$0x0] =	sbarrier.arrive $0xFFFF  }
0x1ac: {  	s7 =	sld [smem:$0x7FB]  }
0x1ad: {  	s26 =	sld [smem:$0x7FA];
	_ =	sdelay $0x1  }
0x1ae: {  	s11 =	simm.s32 $0x19;
	s14 =	rddreg [dreg:$0x15]  }
0x1af: {  	[hbm:s7], [sflag:s14] =	dma.local [spmem:s26], $0x2780  }
0x1b0: {  	_ =	swait.ge [sflag:s11], $0x2780  }
0x1b1: {  	s29 =	sld [smem:$0x7F9]  }
0x1b2: {  	s31 =	sld [smem:$0x7FC];
	_ =	sdelay $0x1  }
0x1b3: {  	s8 =	sadd.s32 $0x1, s29  }
0x1b4: {  	p0 =	sne.s32 s8, s31  }
.Ltmp1:
0x1b5: {  	s17 =	simm.s32 $0x1DC00;
	s20 =	simm.s32 $0xA;
	(pc) =	sbr.rel @p0 .LBB2_1-.Ltmp1, $4  }
0x1b6: {  	s19 =	simm.s32 $0x16400;
	s0 =	simm.s32 $0x9;
	s12 =	simm.s32 $0x1E000  }
0x1b7: {  	s2 =	simm.s32 $0x1DD00;
	s22 =	simm.s32 $0x1DD80;
	[sflag:s11] =	ssyncset.done $0x0  }
0x1b8: {  	s13 =	simm.s32 $0x1DC80;
	s21 =	rddreg [dreg:$0x12];
	[sflag:s11] =	ssyncadd.s32 $0xFFFFD880  }
0x1b9: {  	s5 =	simm.s32 $0x1E080;
	s26 =	simm.s32 $0x11;
	s15 =	rddreg [dreg:$0x1]  }
0x1ba: {  	_ =	sfence.sel $0x180000  }
0x1bb: {  	[bflag:$0x0] =	sbarrier.arrive $0xFFFF  }
0x1bc: {  	_ =	strace $0x9000004D  }
0x1bd: {  	s0 =	stileid.u32;
	[bflag:$0x2] =	sbarrier.arrive $0xFFFF  }
0x1be: {  	p0 =	sne.s32 s0, $0x0;
	s0 =	rddreg [dreg:$0x3]  }
0x1bf: {  	s0 =	sadd.s32 @!p0 $0x100000, s0  }
0x1c0: {  	[sflag:s0] =	ssyncadd.tile.s32 @!p0 $0x1;
	_ =	shalt  }
.Lfunc_end2:
_tile_overlayer_lowered:
.L_overlay_start_2:
0x1c1: {  	(tag) =	ssettag $0x2  }
0x1c2: {  	s0 =	rddreg [dreg:$0x0];
	s2 =	stileid.u32  }
0x1c3: {  	s1 =	rddreg [dreg:$0x1];
	p0 =	sne.s32 s2, $0x0  }
0x1c4: {  	s3 =	rddreg [dreg:$0x2];
	[bflag:$0x3] =	sbarrier.arrive $0xFFFF;
	s2 =	simm.s32 @!p0 $0x1C19  }
0x1c5: {  	[timem:s3], [sflag:s2] =	dma.local @!p0 [hbm:s0], s1  }
0x1c6: {  	s0 =	simm.s32 @!p0 $0x19  }
0x1c7: {  	_ =	swait.ge @!p0 [sflag:s0], s1  }
0x1c8: {  	s1 =	ssub.s32 @!p0 $0x0, s1;
	[sflag:s0] =	ssyncset.done @!p0 $0x0  }
0x1c9: {  	[sflag:s0] =	ssyncadd.s32 @!p0 s1  }
0x1ca: {  	[bflag:$0x3] =	sbarrier.arrive $0xFFFF  }
0x1cb: {  	_ =	shalt  }

// kernel: kernel.9.cloned.1.call-start
scs
__scs_entry_jumppad:
0x0: {  	(pc) =	sbr.rel $0x88, $3  }
0x1: {  	(tag) =	ssettag $0x0;
	lr =	simm.s32 $0x1  }
0x2: {  	[smem:$0x3F98] =	sst lr;
	_ =	strace $0xD0000000  }
0x3: {  	_ = 	snop  }
0x4: {  	_ = 	snop  }
0x5: {  	_ = 	snop  }
0x6: {  	_ = 	snop  }
0x7: {  	_ = 	snop  }
__scs_overlays_trampoline_lowered:
0x8: {  	[smem:$0x3FA7] =	sst s0  }
0x9: {  	[smem:$0x3FA8] =	sst s1  }
0xa: {  	[smem:$0x3FA9] =	sst s2  }
0xb: {  	[smem:$0x3FAA] =	sst s3  }
0xc: {  	[smem:$0x3FAB] =	sst s4  }
0xd: {  	[smem:$0x3FAC] =	sst s5  }
0xe: {  	[smem:$0x3FAD] =	sst s6  }
0xf: {  	[smem:$0x3FAE] =	sst s7  }
0x10: {  	[smem:$0x3FAF] =	sst s8  }
0x11: {  	[smem:$0x3FB0] =	sst s9;
	s0 =	simm.s32 @!p0 $0x0  }
0x12: {  	s1 =	sld [smem:$0x3F96];
	s0 =	simm.s32 @p0 $0x1  }
0x13: {  	[smem:$0x3FB1] =	sst s0;
	s0 =	simm.s32 @!p1 $0x0  }
0x14: {  	s2 =	sld [smem:$0x3F95];
	s0 =	simm.s32 @p1 $0x1  }
0x15: {  	[smem:$0x3FB2] =	sst s0;
	s0 =	simm.s32 @!p2 $0x0  }
0x16: {  	s3 =	sld [smem:$0x3FDB];
	s0 =	simm.s32 @p2 $0x1  }
0x17: {  	s4 =	simm.s32 $0x1BF5;
	[smem:$0x3FB4] =	sst s0  }
0x18: {  	s0 =	sld [smem:$0x3F97];
	_ =	swait.ge [sflag:s4], $0x0  }
0x19: {  	s7 =	sld [smem:$0x3F98]  }
0x1a: {  	s8 =	sadd.s32 $0xFFFFE003, lr  }
0x1b: {  	s9 =	sadd.s32 $0xFFFFFEF7, lr;
	s5 =	simm.s32 $0xFFFFFFFF;
	p2 =	slt.u32 s8, $0xFFFFF086  }
0x1c: {  	p1 =	slt.u32 s9, $0xF7A;
	s5 =	simm.s32 @!p2 $0x0  }
0x1d: {  	s5 =	simm.s32 @p1 $0x1;
	p0 =	seq.s32 s7, s2  }
0x1e: {  	s7 =	smul.u32 @!p0 $0xF7A, s2;
	p2 =	seq.s32 @!p0 s5, $0x0  }
0x1f: {  	s9 =	smul.u32 $0xF7A, s1;
	s8 =	simm.s32 @!p0 $0x1BF5;
	p2 =	por !p2, p0  }
0x20: {  	[sflag:s8] =	ssyncset.s32 @!p0 $0xFFFFF086;
	s6 =	sadd.s32 @!p0 s3, s7;
	s7 =	simm.s32 @!p0 $0x108  }
0x21: {  	s3 =	sadd.s32 s3, s9;
	s6 =	sadd.s32 @!p0 $0x88, s6;
	s7 =	simm.s32 @p2 $0x1082  }
0x22: {  	[simem:s7], [sflag:s8] =	dma.local @!p0 [hbm:s6], $0xF7A  }
0x23: {  	s9 =	sor.u32 $0xD0000000, s2;
	s6 =	simm.s32 $0x108;
	_ =	swait.ge @!p0 [sflag:s8], $0x0  }
0x24: {  	s3 =	sadd.s32 $0x88, s3;
	s6 =	simm.s32 @!p1 $0x1082;
	[sflag:s4] =	ssyncset.s32 $0xFFFFF086  }
0x25: {  	[simem:s6], [sflag:s4] =	dma.local [hbm:s3], $0xF7A  }
0x26: {  	[smem:$0x3F98] =	sst s1;
	(tag) =	ssettag s2;
	_ =	strace s9  }
0x27: {  	s1 =	sld [smem:$0x3FA8]  }
0x28: {  	s2 =	sld [smem:$0x3FA9]  }
0x29: {  	s4 =	sld [smem:$0x3FAB]  }
0x2a: {  	p0 =	seq.s32 s5, $0x0;
	s5 =	sld [smem:$0x3FAC]  }
0x2b: {  	s6 =	sld [smem:$0x3FAD]  }
0x2c: {  	s7 =	sld [smem:$0x3FAE]  }
0x2d: {  	s3 =	simm.s32 $0x108;
	s8 =	sld [smem:$0x3FAF]  }
0x2e: {  	s3 =	simm.s32 @!p0 $0x1082;
	s9 =	sld [smem:$0x3FB0]  }
0x2f: {  	lr =	sadd.s32 s0, s3;
	s0 =	sld [smem:$0x3FA7]  }
0x30: {  	s3 =	sld [smem:$0x3FAA]  }
0x31: {  	[smem:$0x3FB3] =	sst s10  }
0x32: {  	s10 =	sld [smem:$0x3FB1];
	_ =	sdelay $0x3  }
0x33: {  	p0 =	seq.s32 s10, $0x1;
	s10 =	sld [smem:$0x3FB3];
	_ =	sdelay $0x3  }
0x34: {  	[smem:$0x3FB3] =	sst s10  }
0x35: {  	s10 =	sld [smem:$0x3FB2];
	_ =	sdelay $0x3  }
0x36: {  	p1 =	seq.s32 s10, $0x1;
	s10 =	sld [smem:$0x3FB3];
	_ =	sdelay $0x3  }
0x37: {  	[smem:$0x3FB3] =	sst s10  }
0x38: {  	s10 =	sld [smem:$0x3FB4]  }
0x39: {  	_ = 	snop;
	(pc) =	sbr.ind lr, $3  }
0x3a: {  	_ = 	snop  }
0x3b: {  	_ = 	snop  }
0x3c: {  	p2 =	seq.s32 s10, $0x1;
	s10 =	sld [smem:$0x3FB3]  }
0x3d: {  	_ =	shalt  }
0x3e: {  	_ =	shalt  }
0x3f: {  	_ =	shalt  }
0x40: {  	_ =	shalt  }
0x41: {  	_ =	shalt  }
0x42: {  	_ =	shalt  }
0x43: {  	_ =	shalt  }
0x44: {  	_ =	shalt  }
0x45: {  	_ =	shalt  }
0x46: {  	_ =	shalt  }
0x47: {  	_ =	shalt  }
0x48: {  	_ =	shalt  }
0x49: {  	_ =	shalt  }
0x4a: {  	_ =	shalt  }
0x4b: {  	_ =	shalt  }
0x4c: {  	_ =	shalt  }
0x4d: {  	_ =	shalt  }
0x4e: {  	_ =	shalt  }
0x4f: {  	_ =	shalt  }
0x50: {  	_ =	shalt  }
0x51: {  	_ =	shalt  }
0x52: {  	_ =	shalt  }
0x53: {  	_ =	shalt  }
0x54: {  	_ =	shalt  }
0x55: {  	_ =	shalt  }
0x56: {  	_ =	shalt  }
0x57: {  	_ =	shalt  }
0x58: {  	_ =	shalt  }
0x59: {  	_ =	shalt  }
0x5a: {  	_ =	shalt  }
0x5b: {  	_ =	shalt  }
0x5c: {  	_ =	shalt  }
0x5d: {  	_ =	shalt  }
0x5e: {  	_ =	shalt  }
0x5f: {  	_ =	shalt  }
0x60: {  	_ =	shalt  }
0x61: {  	_ =	shalt  }
0x62: {  	_ =	shalt  }
0x63: {  	_ =	shalt  }
0x64: {  	_ =	shalt  }
0x65: {  	_ =	shalt  }
0x66: {  	_ =	shalt  }
0x67: {  	_ =	shalt  }
0x68: {  	_ =	shalt  }
0x69: {  	_ =	shalt  }
0x6a: {  	_ =	shalt  }
0x6b: {  	_ =	shalt  }
0x6c: {  	_ =	shalt  }
0x6d: {  	_ =	shalt  }
0x6e: {  	_ =	shalt  }
0x6f: {  	_ =	shalt  }
0x70: {  	_ =	shalt  }
0x71: {  	_ =	shalt  }
0x72: {  	_ =	shalt  }
0x73: {  	_ =	shalt  }
0x74: {  	_ =	shalt  }
0x75: {  	_ =	shalt  }
0x76: {  	_ =	shalt  }
0x77: {  	_ =	shalt  }
0x78: {  	_ =	shalt  }
0x79: {  	_ =	shalt  }
0x7a: {  	_ =	shalt  }
0x7b: {  	_ =	shalt  }
0x7c: {  	_ =	shalt  }
0x7d: {  	_ =	shalt  }
0x7e: {  	_ =	shalt  }
0x7f: {  	_ =	shalt  }
0x80: {  	_ =	shalt  }
0x81: {  	_ =	shalt  }
0x82: {  	_ =	shalt  }
0x83: {  	_ =	shalt  }
0x84: {  	_ =	shalt  }
0x85: {  	_ =	shalt  }
0x86: {  	_ =	shalt  }
0x87: {  	_ =	shalt  }
.Lfunc_end0:
.L_simem_size_0:
called_computation_lowered:
.L_overlay_start_0:
0x88: {  	s2 =	sld [smem:$0x3FD9]  }
0x89: {  	s3 =	sld [smem:$0x3FFE];
	_ =	sdelay $0x1  }
0x8a: {  	s1 =	srdreg.scid  }
0x8b: {  	s0 =	sand.u32 $0x1, s1  }
0x8c: {  	s15 =	sshll.u32 s0, $0xA;
	s2 =	sadd.s32 s3, s2  }
0x8d: {  	s2 =	sadd.s32 s2, s15  }
0x8e: {  	[smem:$0x3FBF] =	sst s2  }
0x8f: {  	_ = 	snop  }
0x90: {  	s2 =	sld [smem:$0x3FD0];
	_ =	sdelay $0x2  }
0x91: {  	s16 =	simm.s32 $0xA;
	s4 =	simm.s32 $0x10  }
0x92: {  	[smem:s4], [sflag:s16] =	dma.local [hbm:s2], $0x1  }
0x93: {  	_ =	swait.eq [sflag:s16], $0x1  }
0x94: {  	[sflag:s16] =	ssyncset.done $0x0  }
0x95: {  	s17 =	sld [smem:$0x10];
	[sflag:s16] =	ssyncadd.s32 $0xFFFFFFFF  }
0x96: {  	s18 =	sld [smem:$0x11];
	(tm) =	ssettm $0x1  }
0x97: {  	s19 =	sld [smem:$0x3FFB];
	_ =	sdelay $0x3  }
0x98: {  	_ =	strace s19  }
0x99: {  	s4 =	sld [smem:$0x3FFC];
	_ =	sdelay $0x3  }
0x9a: {  	_ =	strace s4  }
0x9b: {  	s4 =	sld [smem:$0x3FFD];
	_ =	sdelay $0x3  }
0x9c: {  	_ =	strace s4  }
0x9d: {  	_ =	strace $0x8FFFFFFF  }
0x9e: {  	s20 =	sld [smem:$0x3FDB];
	_ =	sdelay $0x1  }
0x9f: {  	s5 =	simm.s32 $_scs_section_size  }
0xa0: {  	s6 =	simm.s32 $_size__tile_overlayer_lowered;
	s7 =	simm.s32 $_tile_overlayer_lowered  }
0xa1: {  	s23 =	simm.s32 $0x1BFF;
	s22 =	sshll.u32 s7, $0x1;
	s4 =	sadd.s32 s5, s20  }
0xa2: {  	s8 =	simm.s32 $0x0;
	s21 =	sshll.u32 s6, $0x1;
	s6 =	sadd.s32 s22, s4  }
0xa3: {  	[timem:s8], [sflag:s23] =	dma.local [hbm:s6], s21  }
0xa4: {  	_ =	swait.ge [sflag:s23], s21  }
0xa5: {  	s5 =	ssub.s32 $0x0, s21;
	[sflag:s23] =	ssyncset.done $0x0  }
0xa6: {  	[sflag:s23] =	ssyncadd.s32 s5;
	_ =	sdelay $0x1  }
0xa7: {  	s24 =	simm.s32 $0x1B8B  }
0xa8: {  	_ =	swait.ge [sflag:s24], $0x1  }
0xa9: {  	[sflag:s24] =	ssyncset.done $0x0  }
0xaa: {  	s25 =	simm.s32 $0x1B8E;
	[sflag:s24] =	ssyncadd.s32 $0xFFFFFFFF  }
0xab: {  	s26 =	simm.s32 $execute0_lowered;
	[smem:$0x3FD2] =	sst s25  }
0xac: {  	s5 =	sshll.u32 s26, $0x1;
	_ =	strace $0x80000046;
	[dreg:$0x1] =	wrdreg $0xFFFFFFFF  }
0xad: {  	s28 =	simm.s32 $_size_execute0_lowered;
	s4 =	sadd.s32 s4, s5;
	[dreg:$0x0] =	wrdreg $0x0  }
0xae: {  	s5 =	sshll.u32 s28, $0x1;
	[dreg:$0x2] =	wrdreg s4  }
0xaf: {  	[dreg:$0x3] =	wrdreg s5  }
0xb0: {  	[dreg:$0x4] =	wrdreg $0xC0  }
0xb1: {  	_ =	task [dreg:s8], $0x5FFFF  }
0xb2: {  	[dreg:$0x1] =	wrdreg $0xFFFFFFFF  }
0xb3: {  	[dreg:$0x0] =	wrdreg $0x60  }
0xb4: {  	[dreg:$0x2] =	wrdreg s17  }
0xb5: {  	[dreg:$0x3] =	wrdreg s18  }
0xb6: {  	[dreg:$0x4] =	wrdreg $0x28000  }
0xb7: {  	[dreg:$0x5] =	wrdreg $0x9  }
0xb8: {  	_ =	task.clear_ibuf [dreg:s8], $0x6FFFF;
	_ =	strace $0x90000046  }
0xb9: {  	s29 =	simm.s32 $0x9;
	_ =	strace $0x80000048  }
0xba: {  	_ =	swait.ge [sflag:s29], $0x1  }
0xbb: {  	[sflag:s29] =	ssyncadd.s32 $0xFFFFFFFF  }
0xbc: {  	_ =	strace $0x90000048  }
0xbd: {  	_ =	sfence  }
0xbe: {  	s30 =	sld [smem:$0x0];
	_ =	sdelay $0x2  }
0xbf: {  	s31 =	sshll.u32 s1, $0xD;
	s1 =	sshrl.u32 s1, $0x2  }
0xc0: {  	s3 =	sand.u32 $0x4000, s31;
	s1 =	sadd.s32 s1, s30  }
0xc1: {  	s0 =	sor.u32 s3, s0;
	s1 =	sshll.u32 s1, $0x11  }
0xc2: {  	s0 =	sor.u32 s1, s0  }
0xc3: {  	s0 =	sadd.s32 $0x8F2B, s0  }
0xc4: {  	[sflag:s0] =	ssyncadd.remote.s32 $0x1  }
0xc5: {  	_ =	sfence.sel $0xFFFF  }
0xc6: {  	[dreg:$0x0] =	wrdreg $0xFFFFFFFF;
	(pc) =	sbr.abs _section_cstart, $3  }
0xc7: {  	[dreg:$0x1] =	wrdreg $0xFFFFFFFF  }
0xc8: {  	_ =	task.clear_ibuf [dreg:s8], $0x2FFFF;
	_ =	strace $0x9FFFFFFF  }
0xc9: {  	(tm) =	ssettm $0x7FFFFFFF  }
tec
execute0_lowered:
.L_overlay_start_1:
0x0: {  	(tag) =	ssettag $0x1  }
0x1: {  	s12 =	rddreg [dreg:$0x0]  }
0x2: {  	s0 =	srdreg.scid;
	s8 =	rddreg [dreg:$0x1]  }
0x3: {  	s1 =	rddreg [dreg:$0x2];
	s13 =	stileid.u32;
	s2 =	simm.s32 $0x0  }
0x4: {  	s16 =	simm.s32 $0x2AF8;
	s17 =	simm.s32 $0x1;
	s18 =	simm.s32 $0x50  }
0x5: {  	s19 =	simm.s32 $0x2B78;
	s20 =	simm.s32 $0x2;
	s21 =	simm.s32 $0x4  }
0x6: {  	s22 =	simm.s32 $0x3;
	s23 =	simm.s32 $0x5;
	s24 =	simm.s32 $0x6  }
0x7: {  	s25 =	simm.s32 $0x0;
	s3 =	sand.u32 $0x1, s0;
	s0 =	rddreg [dreg:$0x3]  }
0x8: {  	[smem:$0x7FF] =	sst s2;
	s14 =	smul.u32 $0x2710, s13;
	p0 =	sne.s32 s13, $0x0  }
0x9: {  	s4 =	sshll.u32 s3, $0x4;
	_ =	strace $0x80000047;
	s9 =	smul.u32 $0x4E2, s3  }
0xa: {  	s5 =	ssub.s32 $0x2, s3;
	s10 =	smul.u32 $0x27100, s3;
	s4 =	sor.u32 s13, s4  }
0xb: {  	s6 =	sshrl.u32 s5, $0x1;
	s13 =	simm.s32 $0x80;
	s4 =	smul.u32 $0x2710, s4  }
0xc: {  	s11 =	ssub.s32 s5, s6;
	s8 =	sadd.s32 s8, s9;
	s10 =	sadd.s32 s14, s10  }
0xd: {  	s9 =	smax.u32 s11, $0x1;
	s30 =	sadd.s32 $0x1E0, s10;
	s14 =	sadd.s32 $0x190, s10  }
0xe: {  	s15 =	sadd.s32 $0x140, s10;
	s4 =	sshrl.u32 s4, $0x3;
	s11 =	sshrl.u32 s30, $0x3  }
0xf: {  	s14 =	sshrl.u32 s14, $0x3;
	s31 =	sshrl.u32 s15, $0x3;
	s15 =	simm.s32 $0x2A78  }
0x10: {  	s3 =	sadd.s32 s12, s4;
	s10 =	sadd.s32 s11, s12;
	s11 =	sadd.s32 s14, s12  }
0x11: {  	s12 =	sadd.s32 s31, s12;
	s14 =	simm.s32 $0x7;
	s4 =	sadd.s32 $0xA, s3  }
0x12: {  	v0 =	vimm.f32 $1.000000000e+00;
	s5 =	sadd.s32 $0x14, s3;
	s6 =	sadd.s32 $0x1E, s3;
	s7 =	sadd.s32 $0x4D8, s3  }
.LBB2_1:
.Ltmp0:
0x13: {  	[tilespmem:$0x0] =	vst v0;
	(pc) =	sbr.rel @p0 .LBB2_5-.Ltmp0, $4  }
0x14: {  	[tilespmem:$0x10] =	vst v0  }
0x15: {  	[tilespmem:$0x20] =	vst v0  }
0x16: {  	[tilespmem:$0x30] =	vst v0  }
0x17: {  	[tilespmem:$0x40] =	vst v0  }
0x18: {  	s26 =	simm.s32 $0x40;
	s28 =	simm.s32 $0x0  }
.LBB2_3:
0x19: {  	p1 =	sne.s32 s26, $0x9C00;
	[tilespmem:s28+$0x80] =	vst v0;
	s28 =	smov.u32 s26;
	s26 =	sadd.s32 $0x40, s26  }
.Ltmp1:
0x1a: {  	(pc) =	sbr.rel @p1 .LBB2_3-.Ltmp1, $2  }
0x1b: {  	_ =	sdelay $0x2  }
0x1c: {  	s28 =	sshra.s32 s28, $0x2  }
0x1d: {  	[tilespmem:s28+$0x80] =	vst v0  }
0x1e: {  	[spmem:s1] =	stream.linear.scatter [tilespmem:s13], [sflag:$0x7], $0x2780, $0x38;
	[tilespmem:$0x2BF8] =	vst v63  }
0x1f: {  	_ =	swait.ge [sflag:s14], $0x2780  }
0x20: {  	[sflag:s14] =	ssyncset.done $0x0  }
0x21: {  	[sflag:s14] =	ssyncadd.s32 $0xFFFFD880  }
.LBB2_5:
0x22: {  	[bflag:$0x0] =	sbarrier.arrive $0xFFFF;
	s26 =	simm.s32 $0x0  }
0x23: {  	[tilespmem:s15], [sflag:$0x1] =	stream.linear.gather [hbm4b:s3+s26], $0x50, $0x38;
	[tilespmem:$0x2BF8] =	vst v63  }
0x24: {  	_ = 	snop  }
0x25: {  	[tilespmem:s16], [sflag:$0x2] =	stream.linear.gather [hbm4b:s4+s26], $0x50, $0x38;
	[tilespmem:$0x2BF8] =	vst v63  }
0x26: {  	_ =	swait.ge [sflag:s17], $0x50  }
0x27: {  	[sflag:s17] =	ssyncset.done $0x0  }
0x28: {  	[sflag:s17] =	ssyncadd.s32 $0xFFFFFFB0  }
0x29: {  	[spmem:s1] =	stream.indirect.scatter.add.f32 [tilespmem:s26], [sflag:$0x4], $0x1, s15, s18, $0xb8;
	[tilespmem:$0x2BF8] =	vst v63  }
0x2a: {  	_ = 	snop  }
0x2b: {  	[tilespmem:s19], [sflag:$0x3] =	stream.linear.gather [hbm4b:s5+s26], $0x50, $0x38;
	[tilespmem:$0x2BF8] =	vst v63  }
0x2c: {  	_ =	swait.ge [sflag:s20], $0x50  }
0x2d: {  	[sflag:s20] =	ssyncset.done $0x0  }
0x2e: {  	[sflag:s20] =	ssyncadd.s32 $0xFFFFFFB0  }
0x2f: {  	[spmem:s1] =	stream.indirect.scatter.add.f32 [tilespmem:s26], [sflag:$0x5], $0x1, s16, s18, $0xb8;
	[tilespmem:$0x2BF8] =	vst v63  }
0x30: {  	_ =	swait.ge [sflag:s21], $0x50  }
0x31: {  	[sflag:s21] =	ssyncset.done $0x0  }
0x32: {  	[sflag:s21] =	ssyncadd.s32 $0xFFFFFFB0  }
0x33: {  	[tilespmem:s15], [sflag:$0x1] =	stream.linear.gather [hbm4b:s6+s26], $0x50, $0x38;
	[tilespmem:$0x2BF8] =	vst v63  }
0x34: {  	_ =	swait.ge [sflag:s22], $0x50  }
0x35: {  	[sflag:s22] =	ssyncset.done $0x0  }
0x36: {  	[sflag:s22] =	ssyncadd.s32 $0xFFFFFFB0  }
0x37: {  	[spmem:s1] =	stream.indirect.scatter.add.f32 [tilespmem:s26], [sflag:$0x6], $0x1, s19, s18, $0xb8;
	[tilespmem:$0x2BF8] =	vst v63  }
0x38: {  	_ =	swait.ge [sflag:s23], $0x50  }
0x39: {  	[sflag:s23] =	ssyncset.done $0x0  }
0x3a: {  	s29 =	sadd.s32 $0x0, s12;
	[sflag:s23] =	ssyncadd.s32 $0xFFFFFFB0  }
0x3b: {  	[tilespmem:s16], [sflag:$0x2] =	stream.linear.gather [hbm4b:s29+s2], $0x50, $0x38;
	[tilespmem:$0x2BF8] =	vst v63  }
0x3c: {  	_ =	swait.ge [sflag:s17], $0x50  }
0x3d: {  	[sflag:s17] =	ssyncset.done $0x0  }
0x3e: {  	[sflag:s17] =	ssyncadd.s32 $0xFFFFFFB0  }
0x3f: {  	[spmem:s1] =	stream.indirect.scatter.add.f32 [tilespmem:s2], [sflag:$0x4], $0x1, s15, s18, $0xb8;
	[tilespmem:$0x2BF8] =	vst v63  }
0x40: {  	_ =	swait.ge [sflag:s24], $0x50  }
0x41: {  	[sflag:s24] =	ssyncset.done $0x0  }
0x42: {  	s30 =	sadd.s32 $0x0, s11;
	[sflag:s24] =	ssyncadd.s32 $0xFFFFFFB0  }
0x43: {  	[tilespmem:s19], [sflag:$0x3] =	stream.linear.gather [hbm4b:s30+s2], $0x50, $0x38;
	[tilespmem:$0x2BF8] =	vst v63  }
0x44: {  	_ =	swait.ge [sflag:s20], $0x50  }
0x45: {  	[sflag:s20] =	ssyncset.done $0x0  }
0x46: {  	[sflag:s20] =	ssyncadd.s32 $0xFFFFFFB0  }
0x47: {  	[spmem:s1] =	stream.indirect.scatter.add.f32 [tilespmem:s2], [sflag:$0x5], $0x1, s16, s18, $0xb8;
	[tilespmem:$0x2BF8] =	vst v63  }
0x48: {  	_ =	swait.ge [sflag:s21], $0x50  }
0x49: {  	[sflag:s21] =	ssyncset.done $0x0  }
0x4a: {  	s31 =	sadd.s32 $0x0, s10;
	[sflag:s21] =	ssyncadd.s32 $0xFFFFFFB0  }
0x4b: {  	[tilespmem:s15], [sflag:$0x1] =	stream.linear.gather [hbm4b:s31+s2], $0x50, $0x38;
	[tilespmem:$0x2BF8] =	vst v63  }
0x4c: {  	_ =	swait.ge [sflag:s22], $0x50  }
0x4d: {  	[sflag:s22] =	ssyncset.done $0x0  }
0x4e: {  	s26 =	simm.s32 $0x1E;
	[sflag:s22] =	ssyncadd.s32 $0xFFFFFFB0  }
.LBB2_6:
0x4f: {  	[spmem:s1] =	stream.indirect.scatter.add.f32 [tilespmem:s2], [sflag:$0x6], $0x1, s19, s18, $0xb8;
	[tilespmem:$0x2BF8] =	vst v63  }
0x50: {  	s28 =	smov.u32 s26  }
0x51: {  	p1 =	sne.s32 s26, $0x492;
	s26 =	sadd.s32 $0x1E, s26;
	_ =	swait.ge [sflag:s23], $0x50  }
0x52: {  	[sflag:s23] =	ssyncset.done $0x0  }
0x53: {  	s29 =	sadd.s32 s28, s12;
	[sflag:s23] =	ssyncadd.s32 $0xFFFFFFB0  }
0x54: {  	[tilespmem:s16], [sflag:$0x2] =	stream.linear.gather [hbm4b:s29+s2], $0x50, $0x38;
	[tilespmem:$0x2BF8] =	vst v63  }
0x55: {  	_ =	swait.ge [sflag:s17], $0x50  }
0x56: {  	[sflag:s17] =	ssyncset.done $0x0  }
0x57: {  	[sflag:s17] =	ssyncadd.s32 $0xFFFFFFB0  }
0x58: {  	[spmem:s1] =	stream.indirect.scatter.add.f32 [tilespmem:s2], [sflag:$0x4], $0x1, s15, s18, $0xb8;
	[tilespmem:$0x2BF8] =	vst v63  }
0x59: {  	_ =	swait.ge [sflag:s24], $0x50  }
0x5a: {  	[sflag:s24] =	ssyncset.done $0x0  }
0x5b: {  	s29 =	sadd.s32 s28, s11;
	[sflag:s24] =	ssyncadd.s32 $0xFFFFFFB0  }
0x5c: {  	[tilespmem:s19], [sflag:$0x3] =	stream.linear.gather [hbm4b:s29+s2], $0x50, $0x38;
	[tilespmem:$0x2BF8] =	vst v63  }
0x5d: {  	_ =	swait.ge [sflag:s20], $0x50  }
0x5e: {  	[sflag:s20] =	ssyncset.done $0x0  }
0x5f: {  	[sflag:s20] =	ssyncadd.s32 $0xFFFFFFB0  }
0x60: {  	[spmem:s1] =	stream.indirect.scatter.add.f32 [tilespmem:s2], [sflag:$0x5], $0x1, s16, s18, $0xb8;
	[tilespmem:$0x2BF8] =	vst v63  }
0x61: {  	_ =	swait.ge [sflag:s21], $0x50  }
0x62: {  	[sflag:s21] =	ssyncset.done $0x0  }
.Ltmp2:
0x63: {  	s28 =	sadd.s32 s28, s10;
	[sflag:s21] =	ssyncadd.s32 $0xFFFFFFB0;
	(pc) =	sbr.rel @p1 .LBB2_6-.Ltmp2, $4  }
0x64: {  	[tilespmem:s15], [sflag:$0x1] =	stream.linear.gather [hbm4b:s28+s2], $0x50, $0x38;
	[tilespmem:$0x2BF8] =	vst v63  }
0x65: {  	_ =	swait.ge [sflag:s22], $0x50  }
0x66: {  	[sflag:s22] =	ssyncset.done $0x0  }
0x67: {  	[sflag:s22] =	ssyncadd.s32 $0xFFFFFFB0  }
0x68: {  	[spmem:s1] =	stream.indirect.scatter.add.f32 [tilespmem:s2], [sflag:$0x6], $0x1, s19, s18, $0xb8;
	[tilespmem:$0x2BF8] =	vst v63  }
0x69: {  	_ =	swait.ge [sflag:s23], $0x50  }
0x6a: {  	[sflag:s23] =	ssyncset.done $0x0  }
0x6b: {  	[sflag:s23] =	ssyncadd.s32 $0xFFFFFFB0  }
0x6c: {  	[tilespmem:s16], [sflag:$0x2] =	stream.linear.gather [hbm4b:s7+s2], $0x50, $0x38;
	[tilespmem:$0x2BF8] =	vst v63  }
0x6d: {  	_ =	swait.ge [sflag:s17], $0x50  }
0x6e: {  	[sflag:s17] =	ssyncset.done $0x0  }
0x6f: {  	[sflag:s17] =	ssyncadd.s32 $0xFFFFFFB0  }
0x70: {  	[spmem:s1] =	stream.indirect.scatter.add.f32 [tilespmem:s2], [sflag:$0x4], $0x1, s15, s18, $0xb8;
	[tilespmem:$0x2BF8] =	vst v63  }
0x71: {  	_ =	swait.ge [sflag:s24], $0x50  }
0x72: {  	[sflag:s24] =	ssyncset.done $0x0  }
0x73: {  	[sflag:s24] =	ssyncadd.s32 $0xFFFFFFB0  }
0x74: {  	[tilespmem:s19], [sflag:$0x3] =	stream.linear.gather [hbm4b:s7+s2], $0x50, $0x38;
	[tilespmem:$0x2BF8] =	vst v63  }
0x75: {  	_ =	swait.ge [sflag:s20], $0x50  }
0x76: {  	[sflag:s20] =	ssyncset.done $0x0  }
0x77: {  	[sflag:s20] =	ssyncadd.s32 $0xFFFFFFB0  }
0x78: {  	[spmem:s1] =	stream.indirect.scatter.add.f32 [tilespmem:s2], [sflag:$0x5], $0x1, s16, s18, $0xb8;
	[tilespmem:$0x2BF8] =	vst v63  }
0x79: {  	_ =	swait.ge [sflag:s21], $0x50  }
0x7a: {  	[sflag:s21] =	ssyncset.done $0x0  }
0x7b: {  	[sflag:s21] =	ssyncadd.s32 $0xFFFFFFB0  }
0x7c: {  	_ =	swait.ge [sflag:s23], $0x50  }
0x7d: {  	[sflag:s23] =	ssyncset.done $0x0  }
0x7e: {  	[sflag:s23] =	ssyncadd.s32 $0xFFFFFFB0  }
0x7f: {  	_ =	swait.ge [sflag:s22], $0x50  }
0x80: {  	[sflag:s22] =	ssyncset.done $0x0  }
0x81: {  	[sflag:s22] =	ssyncadd.s32 $0xFFFFFFB0  }
0x82: {  	s26 =	simm.s32 @!p0 $0x80;
	s28 =	simm.s32 @!p0 $0x7;
	[bflag:$0x0] =	sbarrier.arrive $0xFFFF  }
0x83: {  	[tilespmem:s26], [sflag:$0x7] =	stream.linear.gather @!p0 [spmem:s1], $0x2780, $0x38;
	[tilespmem:$0x2BF8] =	vst v63  }
0x84: {  	s25 =	sadd.s32 $0x1, s25;
	_ =	swait.ge @!p0 [sflag:s28], $0x2780  }
0x85: {  	p1 =	sne.s32 s25, s9;
	[sflag:s28] =	ssyncset.done @!p0 $0x0  }
.Ltmp3:
0x86: {  	s29 =	simm.s32 @!p0 $0x0;
	[sflag:s28] =	ssyncadd.s32 @!p0 $0xFFFFD880;
	(pc) =	sbr.rel @p1 .LBB2_1-.Ltmp3, $4  }
0x87: {  	[hbm4b:s8+s29] =	stream.linear.scatter @!p0 [tilespmem:s26], [sflag:$0x7], $0x2710, $0x38;
	[tilespmem:$0x2BF8] =	vst v63  }
0x88: {  	_ =	swait.ge @!p0 [sflag:s28], $0x2710  }
0x89: {  	[sflag:s28] =	ssyncset.done @!p0 $0x0  }
0x8a: {  	[sflag:s28] =	ssyncadd.s32 @!p0 $0xFFFFD8F0  }
0x8b: {  	_ =	sfence.sel $0x180000  }
0x8c: {  	[bflag:$0x0] =	sbarrier.arrive $0xFFFF  }
0x8d: {  	_ =	strace $0x90000047  }
0x8e: {  	s0 =	sadd.s32 @!p0 $0x100000, s0;
	[bflag:$0x2] =	sbarrier.arrive $0xFFFF  }
0x8f: {  	[sflag:s0] =	ssyncadd.tile.s32 @!p0 $0x1;
	_ =	shalt  }
.Lfunc_end2:
_tile_overlayer_lowered:
.L_overlay_start_2:
0x90: {  	(tag) =	ssettag $0x2  }
0x91: {  	s0 =	rddreg [dreg:$0x0];
	s2 =	stileid.u32  }
0x92: {  	s1 =	rddreg [dreg:$0x1];
	p0 =	sne.s32 s2, $0x0  }
0x93: {  	s3 =	rddreg [dreg:$0x2];
	[bflag:$0x3] =	sbarrier.arrive $0xFFFF;
	s2 =	simm.s32 @!p0 $0x1C07  }
0x94: {  	[timem:s3], [sflag:s2] =	dma.local @!p0 [hbm:s0], s1  }
0x95: {  	s0 =	simm.s32 @!p0 $0x7  }
0x96: {  	_ =	swait.ge @!p0 [sflag:s0], s1  }
0x97: {  	s1 =	ssub.s32 @!p0 $0x0, s1;
	[sflag:s0] =	ssyncset.done @!p0 $0x0  }
0x98: {  	[sflag:s0] =	ssyncadd.s32 @!p0 s1  }
0x99: {  	[bflag:$0x3] =	sbarrier.arrive $0xFFFF  }
0x9a: {  	_ =	shalt  }

</sc_bundles>
